<compile_context>
chip_gen: v7x
topology: tpu7x:2x2x1
jax: 0.10.2.dev20260603
libtpu: 0.0.44.dev20260713+nightly
codegen_flags: <defaults>
</compile_context>

<pallas_src>
import functools

import jax
import jax.numpy as jnp
from jax import lax
from jax.experimental import pallas as pl
from jax.experimental.pallas import tpu as pltpu
from jax.experimental.pallas import tpu_sc as plsc

N = 10000
E = 160000
D = 256
HD = 128
NP = 10240
DISCARD = 10016
NT = 16
CH = 16
NCH = 632
NB = 6
EPT = NCH * CH
EP = NT * EPT
RPT = NP // NT

_mesh = plsc.VectorSubcoreMesh(core_axis_name="c", subcore_axis_name="s")


def _zero_1d(ref, n):
    z = jnp.zeros((16,), jnp.float32)

    def body(k, _):
        ref[pl.ds(k * 16, 16)] = z
        return 0

    lax.fori_loop(0, n // 16, body, 0)


def _zero_2d(ref, rows):
    z = jnp.zeros((16,), jnp.float32)

    def body(q, _):
        i = q // 8
        k = q - i * 8
        ref[i, pl.ds(k * 16, 16)] = z
        return 0

    lax.fori_loop(0, rows * 8, body, 0)


@functools.partial(
    pl.kernel,
    out_type=[
        jax.ShapeDtypeStruct((NP, HD), jnp.float32),
        jax.ShapeDtypeStruct((NP, HD), jnp.float32),
        jax.ShapeDtypeStruct((NP,), jnp.float32),
    ],
    mesh=_mesh,
    scratch_types=[
        pltpu.VMEM((EPT,), jnp.int32),
        pltpu.VMEM((EPT,), jnp.int32),
    ] + [pltpu.VMEM((CH, HD), jnp.float32)] * NB + [
        pltpu.VMEM((512,), jnp.float32),
        pltpu.VMEM((RPT,), jnp.float32),
        pltpu.VMEM_SHARED((NP, HD), jnp.float32),
        pltpu.VMEM_SHARED((NP,), jnp.float32),
    ] + [pltpu.SemaphoreType.DMA] * NB,
    compiler_params=pltpu.CompilerParams(needs_layout_passes=False),
)
def _sc_pass1(x0_hbm, x1_hbm, src_hbm, dst_hbm, agg0_hbm, agg1_hbm, cnt_hbm,
              sidx, didx, *rest):
    rbufs = rest[:NB]
    onesb, zbuf, agg_sh, cnt_sh = rest[NB:NB + 4]
    sems = rest[NB + 4:]
    c = lax.axis_index("c")
    s = lax.axis_index("s")
    ones = jnp.ones((16,), jnp.float32)
    rows0 = rbufs[0]

    _zero_2d(rows0, CH)
    for b in range(RPT // CH):
        pltpu.sync_copy(rows0, agg_sh.at[pl.ds(s * RPT + b * CH, CH)])
    _zero_1d(zbuf, RPT)
    pltpu.sync_copy(zbuf, cnt_sh.at[pl.ds(s * RPT, RPT)])

    def fill_ones(k, _):
        onesb[pl.ds(k * 16, 16)] = ones
        return 0

    lax.fori_loop(0, 512 // 16, fill_ones, 0)
    pltpu.sync_copy(src_hbm.at[pl.ds(s * EPT, EPT)], sidx)
    pltpu.sync_copy(dst_hbm.at[pl.ds(s * EPT, EPT)], didx)
    plsc.subcore_barrier()

    def edge_loop(x_hbm):
        for b in range(NB):
            pltpu.async_copy(
                x_hbm.at[sidx.at[pl.ds(b * CH, CH)]], rbufs[b], sems[b])

        def step(j, b):
            pltpu.make_async_copy(
                x_hbm.at[sidx.at[pl.ds(j * CH, CH)]], rbufs[b],
                sems[b]).wait()
            pltpu.sync_copy(rbufs[b], agg_sh.at[didx.at[pl.ds(j * CH, CH)]],
                            add=True)

            @pl.when(j + NB < NCH)
            def _():
                pltpu.async_copy(
                    x_hbm.at[sidx.at[pl.ds((j + NB) * CH, CH)]], rbufs[b],
                    sems[b])

        def body(i, _):
            j = NB * i
            for b in range(NB):
                step(j + b, b)
            return 0

        lax.fori_loop(0, NCH // NB, body, 0)
        for b in range(NCH - (NCH // NB) * NB):
            step((NCH // NB) * NB + b, b)

    @pl.when(c == 0)
    def _():
        edge_loop(x0_hbm)
        for b in range(EPT // 512):
            pltpu.sync_copy(
                onesb, cnt_sh.at[didx.at[pl.ds(b * 512, 512)]], add=True)
        rem = EPT - (EPT // 512) * 512
        if rem:
            pltpu.sync_copy(
                onesb.at[pl.ds(0, rem)],
                cnt_sh.at[didx.at[pl.ds(EPT - rem, rem)]], add=True)

    @pl.when(c == 1)
    def _():
        edge_loop(x1_hbm)

    plsc.subcore_barrier()

    @pl.when(c == 0)
    def _():
        pltpu.sync_copy(agg_sh.at[pl.ds(s * RPT, RPT)],
                        agg0_hbm.at[pl.ds(s * RPT, RPT)])
        pltpu.sync_copy(cnt_sh.at[pl.ds(s * RPT, RPT)],
                        cnt_hbm.at[pl.ds(s * RPT, RPT)])

    @pl.when(c == 1)
    def _():
        pltpu.sync_copy(agg_sh.at[pl.ds(s * RPT, RPT)],
                        agg1_hbm.at[pl.ds(s * RPT, RPT)])


_BLK = 512


def _tc_body(cnt_ref, x_ref, a0_ref, a1_ref, w1l_ref, b1_ref, w1r_ref,
             w2_ref, tu_ref):
    dn = (((1,), (1,)), ((), ()))
    r = 1.0 / jnp.maximum(cnt_ref[...], 1.0)
    m0 = a0_ref[...] * r
    m1 = a1_ref[...] * r
    w1l = w1l_ref[...]
    acc = lax.dot_general(m0, w1l[:, :HD], dn,
                          preferred_element_type=jnp.float32)
    acc = acc + lax.dot_general(m1, w1l[:, HD:], dn,
                                preferred_element_type=jnp.float32)
    acc = acc + lax.dot_general(x_ref[...], w1r_ref[...], dn,
                                preferred_element_type=jnp.float32)
    h = jnp.maximum(acc + b1_ref[...], 0.0)
    tu_ref[...] = lax.dot_general(h, w2_ref[...], dn,
                                  preferred_element_type=jnp.float32)


def _tc_dense(cnt, x, agg0, agg1, W1_l, b1_l, W1_r, W2):
    grid = (NP // _BLK,)
    return pl.pallas_call(
        _tc_body,
        grid=grid,
        in_specs=[
            pl.BlockSpec((_BLK, 1), lambda i: (i, 0)),
            pl.BlockSpec((_BLK, D), lambda i: (i, 0)),
            pl.BlockSpec((_BLK, HD), lambda i: (i, 0)),
            pl.BlockSpec((_BLK, HD), lambda i: (i, 0)),
            pl.BlockSpec((D, D), lambda i: (0, 0)),
            pl.BlockSpec((1, D), lambda i: (0, 0)),
            pl.BlockSpec((D, D), lambda i: (0, 0)),
            pl.BlockSpec((2, D), lambda i: (0, 0)),
        ],
        out_specs=pl.BlockSpec((_BLK, 2), lambda i: (i, 0)),
        out_shape=jax.ShapeDtypeStruct((NP, 2), jnp.float32),
    )(cnt, x, agg0, agg1, W1_l, b1_l, W1_r, W2)


_V2 = EPT // 16


@functools.partial(
    pl.kernel,
    out_type=jax.ShapeDtypeStruct((NP,), jnp.float32),
    mesh=_mesh,
    scratch_types=[
        pltpu.VMEM((NP,), jnp.float32),
        pltpu.VMEM((NP,), jnp.float32),
        pltpu.VMEM((EPT,), jnp.int32),
        pltpu.VMEM((EPT,), jnp.int32),
        pltpu.VMEM((NT, RPT), jnp.float32),
        pltpu.VMEM((RPT,), jnp.float32),
        pltpu.VMEM((RPT,), jnp.float32),
        pltpu.VMEM((16,), jnp.float32),
        pltpu.VMEM((RPT,), jnp.float32),
        pltpu.VMEM_SHARED((NT, NP), jnp.float32),
    ],
    compiler_params=pltpu.CompilerParams(needs_layout_passes=False),
)
def _sc_pass2(t_hbm, u_hbm, cnt_hbm, src_hbm, dst_hbm, b2_hbm, out_hbm,
              tl, sl, sidxl, didxl, cslice, cntv, uv, b2v, cout, parts_sh):
    c = lax.axis_index("c")
    s = lax.axis_index("s")

    @pl.when(c == 0)
    def _():
        pltpu.sync_copy(t_hbm, tl)
        pltpu.sync_copy(src_hbm.at[pl.ds(s * EPT, EPT)], sidxl)
        pltpu.sync_copy(dst_hbm.at[pl.ds(s * EPT, EPT)], didxl)
        _zero_1d(sl, NP)

        def body(j, _):
            sv = sidxl[pl.ds(j * 16, 16)]
            dv = didxl[pl.ds(j * 16, 16)]
            vals = plsc.load_gather(tl, [sv])
            plsc.addupdate_scatter(sl, [dv], vals)
            return 0

        lax.fori_loop(0, _V2, body, 0)
        pltpu.sync_copy(sl, parts_sh.at[s])
        plsc.subcore_barrier()

        for r in range(NT):
            pltpu.sync_copy(parts_sh.at[r, pl.ds(s * RPT, RPT)], cslice.at[r])
        pltpu.sync_copy(cnt_hbm.at[pl.ds(s * RPT, RPT)], cntv)
        pltpu.sync_copy(u_hbm.at[pl.ds(s * RPT, RPT)], uv)
        pltpu.sync_copy(b2_hbm, b2v)
        b2 = b2v[...]

        def comb(k, _):
            v = cslice[0, pl.ds(k * 16, 16)]
            for r in range(1, NT):
                v = v + cslice[r, pl.ds(k * 16, 16)]
            v = v / jnp.maximum(cntv[pl.ds(k * 16, 16)], 1.0)
            cout[pl.ds(k * 16, 16)] = v + b2 + uv[pl.ds(k * 16, 16)]
            return 0

        lax.fori_loop(0, RPT // 16, comb, 0)
        pltpu.sync_copy(cout, out_hbm.at[pl.ds(s * RPT, RPT)])


def kernel(x, edge_index, W1_l, b1_l, W1_r, W2_l, b2_l, W2_r):
    src = jnp.concatenate(
        [edge_index[0], jnp.zeros((EP - E,), jnp.int32)])
    dst = jnp.concatenate(
        [edge_index[1], jnp.full((EP - E,), DISCARD, jnp.int32)])
    x0 = x[:, :HD]
    x1 = x[:, HD:]
    agg0, agg1, cnt = _sc_pass1(x0, x1, src, dst)

    W2 = jnp.concatenate([W2_l, W2_r], axis=0)
    tu = _tc_dense(cnt.reshape(NP, 1), x, agg0, agg1, W1_l,
                   b1_l.reshape(1, D), W1_r, W2)
    t = tu[:, 0]
    u = tu[:, 1]

    b2b = jnp.broadcast_to(b2_l, (16,))
    out = _sc_pass2(t, u, cnt, src, dst, b2b)
    return out[:N]

# --- scband reference (transcript-rebuilt; emitter-appended) ---
"""Pipeline reference for scband-graph-sage-14516989460623 (READ-ONLY COPY).

The authoritative reference and input builder live on the scoring server;
editing this copy changes nothing except your own understanding.
"""

import jax, jax.numpy as jnp
import numpy as np

N = 10000
E = 160000
D = 256
H = 256


def setup_inputs(seed: int = 0) -> dict:
    key = jax.random.key(seed)
    ks = jax.random.split(key, 8)
    x = jax.random.normal(ks[0], (N, D), dtype=jnp.float32)
    edge_index = jax.random.randint(ks[1], (2, E), 0, N, dtype=jnp.int32)
    # conv1: SAGEConv(D -> H): lin_l (neighbors, with bias), lin_r (root, no bias)
    W1_l = jax.random.normal(ks[2], (H, D), dtype=jnp.float32) * 0.05
    b1_l = jnp.zeros((H,), dtype=jnp.float32)
    W1_r = jax.random.normal(ks[3], (H, D), dtype=jnp.float32) * 0.05
    # conv2: SAGEConv(H -> 1)
    W2_l = jax.random.normal(ks[4], (1, H), dtype=jnp.float32) * 0.05
    b2_l = jnp.zeros((1,), dtype=jnp.float32)
    W2_r = jax.random.normal(ks[5], (1, H), dtype=jnp.float32) * 0.05
    return {"x": x, "edge_index": edge_index, "W1_l": W1_l, "b1_l": b1_l,
            "W1_r": W1_r, "W2_l": W2_l, "b2_l": b2_l, "W2_r": W2_r}


def sage_conv(x, edge_index, W_l, b_l, W_r):
    # PyG SAGEConv with mean aggregation:
    # out = lin_l(mean_{j in N(i)} x_j) + lin_r(x_i)
    src = edge_index[0]
    dst = edge_index[1]
    msgs = jnp.take(x, src, axis=0)
    agg = jax.ops.segment_sum(msgs, dst, num_segments=x.shape[0])
    cnt = jax.ops.segment_sum(jnp.ones((edge_index.shape[1],), dtype=x.dtype), dst,
                              num_segments=x.shape[0])
    mean = agg / jnp.clip(cnt, 1.0)[:, None]
    return mean @ W_l.T + b_l + x @ W_r.T


def reference(x, edge_index, W1_l, b1_l, W1_r, W2_l, b2_l, W2_r):
    h = jax.nn.relu(sage_conv(x, edge_index, W1_l, b1_l, W1_r))
    # dropout is identity in eval mode
    out = sage_conv(h, edge_index, W2_l, b2_l, W2_r).reshape(-1)
    return out

if __name__ == "__main__":
    import jax
    _d = setup_inputs()
    print(jax.jit(kernel)(*tuple(_d.values())))

</pallas_src>

<mosaic_0001>
#map = affine_map<(d0, d1) -> (0, 0)>
#map1 = affine_map<(d0, d1) -> (0)>
module attributes {stable_mosaic.version = 14 : i64} {
  func.func @_sc_pass1(%arg0: i32, %arg1: i32, %arg2: memref<10000x128xf32, #tpu.memory_space<hbm>>, %arg3: memref<10000x128xf32, #tpu.memory_space<hbm>>, %arg4: memref<161792xi32, #tpu.memory_space<hbm>>, %arg5: memref<161792xi32, #tpu.memory_space<hbm>>, %arg6: memref<10240x128xf32, #tpu.memory_space<hbm>>, %arg7: memref<10240x128xf32, #tpu.memory_space<hbm>>, %arg8: memref<10240xf32, #tpu.memory_space<hbm>>, %arg9: memref<10112xi32, #tpu.memory_space<vmem>>, %arg10: memref<10112xi32, #tpu.memory_space<vmem>>, %arg11: memref<16x128xf32, #tpu.memory_space<vmem>>, %arg12: memref<16x128xf32, #tpu.memory_space<vmem>>, %arg13: memref<16x128xf32, #tpu.memory_space<vmem>>, %arg14: memref<16x128xf32, #tpu.memory_space<vmem>>, %arg15: memref<16x128xf32, #tpu.memory_space<vmem>>, %arg16: memref<16x128xf32, #tpu.memory_space<vmem>>, %arg17: memref<512xf32, #tpu.memory_space<vmem>>, %arg18: memref<640xf32, #tpu.memory_space<vmem>>, %arg19: memref<10240x128xf32, #tpu.memory_space<vmem_shared>>, %arg20: memref<10240xf32, #tpu.memory_space<vmem_shared>>, %arg21: memref<!tpu.dma_semaphore, #tpu.memory_space<semaphore_mem>>, %arg22: memref<!tpu.dma_semaphore, #tpu.memory_space<semaphore_mem>>, %arg23: memref<!tpu.dma_semaphore, #tpu.memory_space<semaphore_mem>>, %arg24: memref<!tpu.dma_semaphore, #tpu.memory_space<semaphore_mem>>, %arg25: memref<!tpu.dma_semaphore, #tpu.memory_space<semaphore_mem>>, %arg26: memref<!tpu.dma_semaphore, #tpu.memory_space<semaphore_mem>>) attributes {dimension_semantics = [#tpu.dimension_semantics<core_parallel>, #tpu.dimension_semantics<subcore_parallel>], iteration_bounds = array<i64: 2, 16>, scalar_prefetch = 0 : i64, scratch_operands = 18 : i64, tpu.core_type = #tpu.core_type<sc_vector_subcore>, window_params = [{transform_indices = #map}, {transform_indices = #map}, {transform_indices = #map1}, {transform_indices = #map1}, {transform_indices = #map}, {transform_indices = #map}, {transform_indices = #map1}]} {
    %broadcast_in_dim3A = arith.constant 1.000000e+00 : f32
    %broadcast_in_dim3A_0 = vector.broadcast %broadcast_in_dim3A : f32 to vector<16xf32>
    %broadcast_in_dim3A_1 = arith.constant 0.000000e+00 : f32
    %broadcast_in_dim3A_2 = vector.broadcast %broadcast_in_dim3A_1 : f32 to vector<16xf32>
    %scan3A = arith.constant 0 : i32
    %scan3A_3 = arith.constant 0 : i32
    %scan3A_4 = arith.constant 128 : i32
    %scan3A_5 = arith.addi %scan3A_3, %scan3A_4 : i32
    %scan3A_6 = arith.constant 1 : i32
    %scan3A_7 = scf.for %scan3A_207 = %scan3A_3 to %scan3A_5 step %scan3A_6 iter_args(%scan3A_208 = %scan3A) -> (i32)  : i32 {
      %jit3A = arith.constant 8 : i32
      %div3A = arith.divsi %scan3A_207, %jit3A : i32
      %sign3A = arith.constant 0 : i32
      %sign3A_209 = arith.cmpi sgt, %scan3A_207, %sign3A : i32
      %sign3A_210 = arith.extui %sign3A_209 : i1 to i32
      %sign3A_211 = arith.constant 0 : i32
      %sign3A_212 = arith.cmpi slt, %scan3A_207, %sign3A_211 : i32
      %sign3A_213 = arith.extui %sign3A_212 : i1 to i32
      %sign3A_214 = arith.subi %sign3A_210, %sign3A_213 : i32
      %sign3A_215 = arith.constant 0 : i32
      %sign3A_216 = arith.cmpi sgt, %jit3A, %sign3A_215 : i32
      %sign3A_217 = arith.extui %sign3A_216 : i1 to i32
      %sign3A_218 = arith.constant 0 : i32
      %sign3A_219 = arith.cmpi slt, %jit3A, %sign3A_218 : i32
      %sign3A_220 = arith.extui %sign3A_219 : i1 to i32
      %sign3A_221 = arith.subi %sign3A_217, %sign3A_220 : i32
      %ne3A = arith.cmpi ne, %sign3A_214, %sign3A_221 : i32
      %rem3A = arith.remsi %scan3A_207, %jit3A : i32
      %ne3A_222 = arith.constant 0 : i32
      %ne3A_223 = arith.cmpi ne, %rem3A, %ne3A_222 : i32
      %and3A = arith.andi %ne3A, %ne3A_223 : i1
      %sub3A = arith.constant 1 : i32
      %sub3A_224 = arith.subi %div3A, %sub3A : i32
      %select_n3A = arith.select %and3A, %sub3A_224, %div3A : i32
      %mul3A_225 = arith.constant 8 : i32
      %mul3A_226 = arith.muli %select_n3A, %mul3A_225 : i32
      %sub3A_227 = arith.subi %scan3A_207, %mul3A_226 : i32
      %mul3A_228 = arith.constant 16 : i32
      %mul3A_229 = arith.muli %sub3A_227, %mul3A_228 : i32
      %swap3A = arith.index_cast %select_n3A : i32 to index
      %swap3A_230 = arith.index_cast %mul3A_229 : i32 to index
      %swap3A_231 = tpu.vector_load %arg11[%swap3A, %swap3A_230] {strides = array<i32>} : memref<16x128xf32, #tpu.memory_space<vmem>>, vector<16xf32>,
      tpu.vector_store %arg11[%swap3A, %swap3A_230], %broadcast_in_dim3A_2 {strides = array<i32>} : memref<16x128xf32, #tpu.memory_space<vmem>>, vector<16xf32>,
      %scan3A_232 = arith.constant 0 : i32
      scf.yield %scan3A_232 : i32
    }
    %scan3A_8 = arith.constant 128 : i32
    %mul3A = arith.constant 640 : i32
    %mul3A_9 = arith.muli %arg1, %mul3A : i32
    %add3A = arith.constant 0 : i32
    %add3A_10 = arith.addi %mul3A_9, %add3A : i32
    "tpu.region"() ({
      %run_scoped3A = tpu.sem_alloc : memref<!tpu.dma_semaphore, #tpu.memory_space<semaphore_mem>>
      %dma_start3A = arith.constant 0 : i32
      %dma_start3A_207 = tpu.memref_slice %arg19[%add3A_10, %dma_start3A] : memref<10240x128xf32, #tpu.memory_space<vmem_shared>> -> memref<16x128xf32, #tpu.memory_space<vmem_shared>>
      %dma_start3A_208 = arith.constant 0 : i32
      %dma_start3A_209 = tpu.memref_slice %arg19[%add3A_10, %dma_start3A_208] : memref<10240x128xf32, #tpu.memory_space<vmem_shared>> -> memref<16x128xf32, #tpu.memory_space<vmem_shared>>
      tpu.enqueue_dma source(%arg11 : memref<16x128xf32, #tpu.memory_space<vmem>>) target(%dma_start3A_209 : memref<16x128xf32, #tpu.memory_space<vmem_shared>>) target_semaphore(%run_scoped3A : memref<!tpu.dma_semaphore, #tpu.memory_space<semaphore_mem>>)
      %dma_wait3A = arith.constant 0 : i32
      %dma_wait3A_210 = tpu.memref_slice %arg19[%add3A_10, %dma_wait3A] : memref<10240x128xf32, #tpu.memory_space<vmem_shared>> -> memref<16x128xf32, #tpu.memory_space<vmem_shared>>
      %dma_wait3A_211 = arith.constant 0 : i32
      %dma_wait3A_212 = tpu.memref_slice %arg19[%add3A_10, %dma_wait3A_211] : memref<10240x128xf32, #tpu.memory_space<vmem_shared>> -> memref<16x128xf32, #tpu.memory_space<vmem_shared>>
      tpu.wait_dma2 semaphore(%run_scoped3A : memref<!tpu.dma_semaphore, #tpu.memory_space<semaphore_mem>>) src(%arg11 : memref<16x128xf32, #tpu.memory_space<vmem>>) dst(%dma_wait3A_212 : memref<16x128xf32, #tpu.memory_space<vmem_shared>>)
      tpu.yield
    }) : () -> ()
    %mul3A_11 = arith.constant 640 : i32
    %mul3A_12 = arith.muli %arg1, %mul3A_11 : i32
    %add3A_13 = arith.constant 16 : i32
    %add3A_14 = arith.addi %mul3A_12, %add3A_13 : i32
    "tpu.region"() ({
      %run_scoped3A = tpu.sem_alloc : memref<!tpu.dma_semaphore, #tpu.memory_space<semaphore_mem>>
      %dma_start3A = arith.constant 0 : i32
      %dma_start3A_207 = tpu.memref_slice %arg19[%add3A_14, %dma_start3A] : memref<10240x128xf32, #tpu.memory_space<vmem_shared>> -> memref<16x128xf32, #tpu.memory_space<vmem_shared>>
      %dma_start3A_208 = arith.constant 0 : i32
      %dma_start3A_209 = tpu.memref_slice %arg19[%add3A_14, %dma_start3A_208] : memref<10240x128xf32, #tpu.memory_space<vmem_shared>> -> memref<16x128xf32, #tpu.memory_space<vmem_shared>>
      tpu.enqueue_dma source(%arg11 : memref<16x128xf32, #tpu.memory_space<vmem>>) target(%dma_start3A_209 : memref<16x128xf32, #tpu.memory_space<vmem_shared>>) target_semaphore(%run_scoped3A : memref<!tpu.dma_semaphore, #tpu.memory_space<semaphore_mem>>)
      %dma_wait3A = arith.constant 0 : i32
      %dma_wait3A_210 = tpu.memref_slice %arg19[%add3A_14, %dma_wait3A] : memref<10240x128xf32, #tpu.memory_space<vmem_shared>> -> memref<16x128xf32, #tpu.memory_space<vmem_shared>>
      %dma_wait3A_211 = arith.constant 0 : i32
      %dma_wait3A_212 = tpu.memref_slice %arg19[%add3A_14, %dma_wait3A_211] : memref<10240x128xf32, #tpu.memory_space<vmem_shared>> -> memref<16x128xf32, #tpu.memory_space<vmem_shared>>
      tpu.wait_dma2 semaphore(%run_scoped3A : memref<!tpu.dma_semaphore, #tpu.memory_space<semaphore_mem>>) src(%arg11 : memref<16x128xf32, #tpu.memory_space<vmem>>) dst(%dma_wait3A_212 : memref<16x128xf32, #tpu.memory_space<vmem_shared>>)
      tpu.yield
    }) : () -> ()
    %mul3A_15 = arith.constant 640 : i32
    %mul3A_16 = arith.muli %arg1, %mul3A_15 : i32
    %add3A_17 = arith.constant 32 : i32
    %add3A_18 = arith.addi %mul3A_16, %add3A_17 : i32
    "tpu.region"() ({
      %run_scoped3A = tpu.sem_alloc : memref<!tpu.dma_semaphore, #tpu.memory_space<semaphore_mem>>
      %dma_start3A = arith.constant 0 : i32
      %dma_start3A_207 = tpu.memref_slice %arg19[%add3A_18, %dma_start3A] : memref<10240x128xf32, #tpu.memory_space<vmem_shared>> -> memref<16x128xf32, #tpu.memory_space<vmem_shared>>
      %dma_start3A_208 = arith.constant 0 : i32
      %dma_start3A_209 = tpu.memref_slice %arg19[%add3A_18, %dma_start3A_208] : memref<10240x128xf32, #tpu.memory_space<vmem_shared>> -> memref<16x128xf32, #tpu.memory_space<vmem_shared>>
      tpu.enqueue_dma source(%arg11 : memref<16x128xf32, #tpu.memory_space<vmem>>) target(%dma_start3A_209 : memref<16x128xf32, #tpu.memory_space<vmem_shared>>) target_semaphore(%run_scoped3A : memref<!tpu.dma_semaphore, #tpu.memory_space<semaphore_mem>>)
      %dma_wait3A = arith.constant 0 : i32
      %dma_wait3A_210 = tpu.memref_slice %arg19[%add3A_18, %dma_wait3A] : memref<10240x128xf32, #tpu.memory_space<vmem_shared>> -> memref<16x128xf32, #tpu.memory_space<vmem_shared>>
      %dma_wait3A_211 = arith.constant 0 : i32
      %dma_wait3A_212 = tpu.memref_slice %arg19[%add3A_18, %dma_wait3A_211] : memref<10240x128xf32, #tpu.memory_space<vmem_shared>> -> memref<16x128xf32, #tpu.memory_space<vmem_shared>>
      tpu.wait_dma2 semaphore(%run_scoped3A : memref<!tpu.dma_semaphore, #tpu.memory_space<semaphore_mem>>) src(%arg11 : memref<16x128xf32, #tpu.memory_space<vmem>>) dst(%dma_wait3A_212 : memref<16x128xf32, #tpu.memory_space<vmem_shared>>)
      tpu.yield
    }) : () -> ()
    %mul3A_19 = arith.constant 640 : i32
    %mul3A_20 = arith.muli %arg1, %mul3A_19 : i32
    %add3A_21 = arith.constant 48 : i32
    %add3A_22 = arith.addi %mul3A_20, %add3A_21 : i32
    "tpu.region"() ({
      %run_scoped3A = tpu.sem_alloc : memref<!tpu.dma_semaphore, #tpu.memory_space<semaphore_mem>>
      %dma_start3A = arith.constant 0 : i32
      %dma_start3A_207 = tpu.memref_slice %arg19[%add3A_22, %dma_start3A] : memref<10240x128xf32, #tpu.memory_space<vmem_shared>> -> memref<16x128xf32, #tpu.memory_space<vmem_shared>>
      %dma_start3A_208 = arith.constant 0 : i32
      %dma_start3A_209 = tpu.memref_slice %arg19[%add3A_22, %dma_start3A_208] : memref<10240x128xf32, #tpu.memory_space<vmem_shared>> -> memref<16x128xf32, #tpu.memory_space<vmem_shared>>
      tpu.enqueue_dma source(%arg11 : memref<16x128xf32, #tpu.memory_space<vmem>>) target(%dma_start3A_209 : memref<16x128xf32, #tpu.memory_space<vmem_shared>>) target_semaphore(%run_scoped3A : memref<!tpu.dma_semaphore, #tpu.memory_space<semaphore_mem>>)
      %dma_wait3A = arith.constant 0 : i32
      %dma_wait3A_210 = tpu.memref_slice %arg19[%add3A_22, %dma_wait3A] : memref<10240x128xf32, #tpu.memory_space<vmem_shared>> -> memref<16x128xf32, #tpu.memory_space<vmem_shared>>
      %dma_wait3A_211 = arith.constant 0 : i32
      %dma_wait3A_212 = tpu.memref_slice %arg19[%add3A_22, %dma_wait3A_211] : memref<10240x128xf32, #tpu.memory_space<vmem_shared>> -> memref<16x128xf32, #tpu.memory_space<vmem_shared>>
      tpu.wait_dma2 semaphore(%run_scoped3A : memref<!tpu.dma_semaphore, #tpu.memory_space<semaphore_mem>>) src(%arg11 : memref<16x128xf32, #tpu.memory_space<vmem>>) dst(%dma_wait3A_212 : memref<16x128xf32, #tpu.memory_space<vmem_shared>>)
      tpu.yield
    }) : () -> ()
    %mul3A_23 = arith.constant 640 : i32
    %mul3A_24 = arith.muli %arg1, %mul3A_23 : i32
    %add3A_25 = arith.constant 64 : i32
    %add3A_26 = arith.addi %mul3A_24, %add3A_25 : i32
    "tpu.region"() ({
      %run_scoped3A = tpu.sem_alloc : memref<!tpu.dma_semaphore, #tpu.memory_space<semaphore_mem>>
      %dma_start3A = arith.constant 0 : i32
      %dma_start3A_207 = tpu.memref_slice %arg19[%add3A_26, %dma_start3A] : memref<10240x128xf32, #tpu.memory_space<vmem_shared>> -> memref<16x128xf32, #tpu.memory_space<vmem_shared>>
      %dma_start3A_208 = arith.constant 0 : i32
      %dma_start3A_209 = tpu.memref_slice %arg19[%add3A_26, %dma_start3A_208] : memref<10240x128xf32, #tpu.memory_space<vmem_shared>> -> memref<16x128xf32, #tpu.memory_space<vmem_shared>>
      tpu.enqueue_dma source(%arg11 : memref<16x128xf32, #tpu.memory_space<vmem>>) target(%dma_start3A_209 : memref<16x128xf32, #tpu.memory_space<vmem_shared>>) target_semaphore(%run_scoped3A : memref<!tpu.dma_semaphore, #tpu.memory_space<semaphore_mem>>)
      %dma_wait3A = arith.constant 0 : i32
      %dma_wait3A_210 = tpu.memref_slice %arg19[%add3A_26, %dma_wait3A] : memref<10240x128xf32, #tpu.memory_space<vmem_shared>> -> memref<16x128xf32, #tpu.memory_space<vmem_shared>>
      %dma_wait3A_211 = arith.constant 0 : i32
      %dma_wait3A_212 = tpu.memref_slice %arg19[%add3A_26, %dma_wait3A_211] : memref<10240x128xf32, #tpu.memory_space<vmem_shared>> -> memref<16x128xf32, #tpu.memory_space<vmem_shared>>
      tpu.wait_dma2 semaphore(%run_scoped3A : memref<!tpu.dma_semaphore, #tpu.memory_space<semaphore_mem>>) src(%arg11 : memref<16x128xf32, #tpu.memory_space<vmem>>) dst(%dma_wait3A_212 : memref<16x128xf32, #tpu.memory_space<vmem_shared>>)
      tpu.yield
    }) : () -> ()
    %mul3A_27 = arith.constant 640 : i32
    %mul3A_28 = arith.muli %arg1, %mul3A_27 : i32
    %add3A_29 = arith.constant 80 : i32
    %add3A_30 = arith.addi %mul3A_28, %add3A_29 : i32
    "tpu.region"() ({
      %run_scoped3A = tpu.sem_alloc : memref<!tpu.dma_semaphore, #tpu.memory_space<semaphore_mem>>
      %dma_start3A = arith.constant 0 : i32
      %dma_start3A_207 = tpu.memref_slice %arg19[%add3A_30, %dma_start3A] : memref<10240x128xf32, #tpu.memory_space<vmem_shared>> -> memref<16x128xf32, #tpu.memory_space<vmem_shared>>
      %dma_start3A_208 = arith.constant 0 : i32
      %dma_start3A_209 = tpu.memref_slice %arg19[%add3A_30, %dma_start3A_208] : memref<10240x128xf32, #tpu.memory_space<vmem_shared>> -> memref<16x128xf32, #tpu.memory_space<vmem_shared>>
      tpu.enqueue_dma source(%arg11 : memref<16x128xf32, #tpu.memory_space<vmem>>) target(%dma_start3A_209 : memref<16x128xf32, #tpu.memory_space<vmem_shared>>) target_semaphore(%run_scoped3A : memref<!tpu.dma_semaphore, #tpu.memory_space<semaphore_mem>>)
      %dma_wait3A = arith.constant 0 : i32
      %dma_wait3A_210 = tpu.memref_slice %arg19[%add3A_30, %dma_wait3A] : memref<10240x128xf32, #tpu.memory_space<vmem_shared>> -> memref<16x128xf32, #tpu.memory_space<vmem_shared>>
      %dma_wait3A_211 = arith.constant 0 : i32
      %dma_wait3A_212 = tpu.memref_slice %arg19[%add3A_30, %dma_wait3A_211] : memref<10240x128xf32, #tpu.memory_space<vmem_shared>> -> memref<16x128xf32, #tpu.memory_space<vmem_shared>>
      tpu.wait_dma2 semaphore(%run_scoped3A : memref<!tpu.dma_semaphore, #tpu.memory_space<semaphore_mem>>) src(%arg11 : memref<16x128xf32, #tpu.memory_space<vmem>>) dst(%dma_wait3A_212 : memref<16x128xf32, #tpu.memory_space<vmem_shared>>)
      tpu.yield
    }) : () -> ()
    %mul3A_31 = arith.constant 640 : i32
    %mul3A_32 = arith.muli %arg1, %mul3A_31 : i32
    %add3A_33 = arith.constant 96 : i32
    %add3A_34 = arith.addi %mul3A_32, %add3A_33 : i32
    "tpu.region"() ({
      %run_scoped3A = tpu.sem_alloc : memref<!tpu.dma_semaphore, #tpu.memory_space<semaphore_mem>>
      %dma_start3A = arith.constant 0 : i32
      %dma_start3A_207 = tpu.memref_slice %arg19[%add3A_34, %dma_start3A] : memref<10240x128xf32, #tpu.memory_space<vmem_shared>> -> memref<16x128xf32, #tpu.memory_space<vmem_shared>>
      %dma_start3A_208 = arith.constant 0 : i32
      %dma_start3A_209 = tpu.memref_slice %arg19[%add3A_34, %dma_start3A_208] : memref<10240x128xf32, #tpu.memory_space<vmem_shared>> -> memref<16x128xf32, #tpu.memory_space<vmem_shared>>
      tpu.enqueue_dma source(%arg11 : memref<16x128xf32, #tpu.memory_space<vmem>>) target(%dma_start3A_209 : memref<16x128xf32, #tpu.memory_space<vmem_shared>>) target_semaphore(%run_scoped3A : memref<!tpu.dma_semaphore, #tpu.memory_space<semaphore_mem>>)
      %dma_wait3A = arith.constant 0 : i32
      %dma_wait3A_210 = tpu.memref_slice %arg19[%add3A_34, %dma_wait3A] : memref<10240x128xf32, #tpu.memory_space<vmem_shared>> -> memref<16x128xf32, #tpu.memory_space<vmem_shared>>
      %dma_wait3A_211 = arith.constant 0 : i32
      %dma_wait3A_212 = tpu.memref_slice %arg19[%add3A_34, %dma_wait3A_211] : memref<10240x128xf32, #tpu.memory_space<vmem_shared>> -> memref<16x128xf32, #tpu.memory_space<vmem_shared>>
      tpu.wait_dma2 semaphore(%run_scoped3A : memref<!tpu.dma_semaphore, #tpu.memory_space<semaphore_mem>>) src(%arg11 : memref<16x128xf32, #tpu.memory_space<vmem>>) dst(%dma_wait3A_212 : memref<16x128xf32, #tpu.memory_space<vmem_shared>>)
      tpu.yield
    }) : () -> ()
    %mul3A_35 = arith.constant 640 : i32
    %mul3A_36 = arith.muli %arg1, %mul3A_35 : i32
    %add3A_37 = arith.constant 112 : i32
    %add3A_38 = arith.addi %mul3A_36, %add3A_37 : i32
    "tpu.region"() ({
      %run_scoped3A = tpu.sem_alloc : memref<!tpu.dma_semaphore, #tpu.memory_space<semaphore_mem>>
      %dma_start3A = arith.constant 0 : i32
      %dma_start3A_207 = tpu.memref_slice %arg19[%add3A_38, %dma_start3A] : memref<10240x128xf32, #tpu.memory_space<vmem_shared>> -> memref<16x128xf32, #tpu.memory_space<vmem_shared>>
      %dma_start3A_208 = arith.constant 0 : i32
      %dma_start3A_209 = tpu.memref_slice %arg19[%add3A_38, %dma_start3A_208] : memref<10240x128xf32, #tpu.memory_space<vmem_shared>> -> memref<16x128xf32, #tpu.memory_space<vmem_shared>>
      tpu.enqueue_dma source(%arg11 : memref<16x128xf32, #tpu.memory_space<vmem>>) target(%dma_start3A_209 : memref<16x128xf32, #tpu.memory_space<vmem_shared>>) target_semaphore(%run_scoped3A : memref<!tpu.dma_semaphore, #tpu.memory_space<semaphore_mem>>)
      %dma_wait3A = arith.constant 0 : i32
      %dma_wait3A_210 = tpu.memref_slice %arg19[%add3A_38, %dma_wait3A] : memref<10240x128xf32, #tpu.memory_space<vmem_shared>> -> memref<16x128xf32, #tpu.memory_space<vmem_shared>>
      %dma_wait3A_211 = arith.constant 0 : i32
      %dma_wait3A_212 = tpu.memref_slice %arg19[%add3A_38, %dma_wait3A_211] : memref<10240x128xf32, #tpu.memory_space<vmem_shared>> -> memref<16x128xf32, #tpu.memory_space<vmem_shared>>
      tpu.wait_dma2 semaphore(%run_scoped3A : memref<!tpu.dma_semaphore, #tpu.memory_space<semaphore_mem>>) src(%arg11 : memref<16x128xf32, #tpu.memory_space<vmem>>) dst(%dma_wait3A_212 : memref<16x128xf32, #tpu.memory_space<vmem_shared>>)
      tpu.yield
    }) : () -> ()
    %mul3A_39 = arith.constant 640 : i32
    %mul3A_40 = arith.muli %arg1, %mul3A_39 : i32
    %add3A_41 = arith.constant 128 : i32
    %add3A_42 = arith.addi %mul3A_40, %add3A_41 : i32
    "tpu.region"() ({
      %run_scoped3A = tpu.sem_alloc : memref<!tpu.dma_semaphore, #tpu.memory_space<semaphore_mem>>
      %dma_start3A = arith.constant 0 : i32
      %dma_start3A_207 = tpu.memref_slice %arg19[%add3A_42, %dma_start3A] : memref<10240x128xf32, #tpu.memory_space<vmem_shared>> -> memref<16x128xf32, #tpu.memory_space<vmem_shared>>
      %dma_start3A_208 = arith.constant 0 : i32
      %dma_start3A_209 = tpu.memref_slice %arg19[%add3A_42, %dma_start3A_208] : memref<10240x128xf32, #tpu.memory_space<vmem_shared>> -> memref<16x128xf32, #tpu.memory_space<vmem_shared>>
      tpu.enqueue_dma source(%arg11 : memref<16x128xf32, #tpu.memory_space<vmem>>) target(%dma_start3A_209 : memref<16x128xf32, #tpu.memory_space<vmem_shared>>) target_semaphore(%run_scoped3A : memref<!tpu.dma_semaphore, #tpu.memory_space<semaphore_mem>>)
      %dma_wait3A = arith.constant 0 : i32
      %dma_wait3A_210 = tpu.memref_slice %arg19[%add3A_42, %dma_wait3A] : memref<10240x128xf32, #tpu.memory_space<vmem_shared>> -> memref<16x128xf32, #tpu.memory_space<vmem_shared>>
      %dma_wait3A_211 = arith.constant 0 : i32
      %dma_wait3A_212 = tpu.memref_slice %arg19[%add3A_42, %dma_wait3A_211] : memref<10240x128xf32, #tpu.memory_space<vmem_shared>> -> memref<16x128xf32, #tpu.memory_space<vmem_shared>>
      tpu.wait_dma2 semaphore(%run_scoped3A : memref<!tpu.dma_semaphore, #tpu.memory_space<semaphore_mem>>) src(%arg11 : memref<16x128xf32, #tpu.memory_space<vmem>>) dst(%dma_wait3A_212 : memref<16x128xf32, #tpu.memory_space<vmem_shared>>)
      tpu.yield
    }) : () -> ()
    %mul3A_43 = arith.constant 640 : i32
    %mul3A_44 = arith.muli %arg1, %mul3A_43 : i32
    %add3A_45 = arith.constant 144 : i32
    %add3A_46 = arith.addi %mul3A_44, %add3A_45 : i32
    "tpu.region"() ({
      %run_scoped3A = tpu.sem_alloc : memref<!tpu.dma_semaphore, #tpu.memory_space<semaphore_mem>>
      %dma_start3A = arith.constant 0 : i32
      %dma_start3A_207 = tpu.memref_slice %arg19[%add3A_46, %dma_start3A] : memref<10240x128xf32, #tpu.memory_space<vmem_shared>> -> memref<16x128xf32, #tpu.memory_space<vmem_shared>>
      %dma_start3A_208 = arith.constant 0 : i32
      %dma_start3A_209 = tpu.memref_slice %arg19[%add3A_46, %dma_start3A_208] : memref<10240x128xf32, #tpu.memory_space<vmem_shared>> -> memref<16x128xf32, #tpu.memory_space<vmem_shared>>
      tpu.enqueue_dma source(%arg11 : memref<16x128xf32, #tpu.memory_space<vmem>>) target(%dma_start3A_209 : memref<16x128xf32, #tpu.memory_space<vmem_shared>>) target_semaphore(%run_scoped3A : memref<!tpu.dma_semaphore, #tpu.memory_space<semaphore_mem>>)
      %dma_wait3A = arith.constant 0 : i32
      %dma_wait3A_210 = tpu.memref_slice %arg19[%add3A_46, %dma_wait3A] : memref<10240x128xf32, #tpu.memory_space<vmem_shared>> -> memref<16x128xf32, #tpu.memory_space<vmem_shared>>
      %dma_wait3A_211 = arith.constant 0 : i32
      %dma_wait3A_212 = tpu.memref_slice %arg19[%add3A_46, %dma_wait3A_211] : memref<10240x128xf32, #tpu.memory_space<vmem_shared>> -> memref<16x128xf32, #tpu.memory_space<vmem_shared>>
      tpu.wait_dma2 semaphore(%run_scoped3A : memref<!tpu.dma_semaphore, #tpu.memory_space<semaphore_mem>>) src(%arg11 : memref<16x128xf32, #tpu.memory_space<vmem>>) dst(%dma_wait3A_212 : memref<16x128xf32, #tpu.memory_space<vmem_shared>>)
      tpu.yield
    }) : () -> ()
    %mul3A_47 = arith.constant 640 : i32
    %mul3A_48 = arith.muli %arg1, %mul3A_47 : i32
    %add3A_49 = arith.constant 160 : i32
    %add3A_50 = arith.addi %mul3A_48, %add3A_49 : i32
    "tpu.region"() ({
      %run_scoped3A = tpu.sem_alloc : memref<!tpu.dma_semaphore, #tpu.memory_space<semaphore_mem>>
      %dma_start3A = arith.constant 0 : i32
      %dma_start3A_207 = tpu.memref_slice %arg19[%add3A_50, %dma_start3A] : memref<10240x128xf32, #tpu.memory_space<vmem_shared>> -> memref<16x128xf32, #tpu.memory_space<vmem_shared>>
      %dma_start3A_208 = arith.constant 0 : i32
      %dma_start3A_209 = tpu.memref_slice %arg19[%add3A_50, %dma_start3A_208] : memref<10240x128xf32, #tpu.memory_space<vmem_shared>> -> memref<16x128xf32, #tpu.memory_space<vmem_shared>>
      tpu.enqueue_dma source(%arg11 : memref<16x128xf32, #tpu.memory_space<vmem>>) target(%dma_start3A_209 : memref<16x128xf32, #tpu.memory_space<vmem_shared>>) target_semaphore(%run_scoped3A : memref<!tpu.dma_semaphore, #tpu.memory_space<semaphore_mem>>)
      %dma_wait3A = arith.constant 0 : i32
      %dma_wait3A_210 = tpu.memref_slice %arg19[%add3A_50, %dma_wait3A] : memref<10240x128xf32, #tpu.memory_space<vmem_shared>> -> memref<16x128xf32, #tpu.memory_space<vmem_shared>>
      %dma_wait3A_211 = arith.constant 0 : i32
      %dma_wait3A_212 = tpu.memref_slice %arg19[%add3A_50, %dma_wait3A_211] : memref<10240x128xf32, #tpu.memory_space<vmem_shared>> -> memref<16x128xf32, #tpu.memory_space<vmem_shared>>
      tpu.wait_dma2 semaphore(%run_scoped3A : memref<!tpu.dma_semaphore, #tpu.memory_space<semaphore_mem>>) src(%arg11 : memref<16x128xf32, #tpu.memory_space<vmem>>) dst(%dma_wait3A_212 : memref<16x128xf32, #tpu.memory_space<vmem_shared>>)
      tpu.yield
    }) : () -> ()
    %mul3A_51 = arith.constant 640 : i32
    %mul3A_52 = arith.muli %arg1, %mul3A_51 : i32
    %add3A_53 = arith.constant 176 : i32
    %add3A_54 = arith.addi %mul3A_52, %add3A_53 : i32
    "tpu.region"() ({
      %run_scoped3A = tpu.sem_alloc : memref<!tpu.dma_semaphore, #tpu.memory_space<semaphore_mem>>
      %dma_start3A = arith.constant 0 : i32
      %dma_start3A_207 = tpu.memref_slice %arg19[%add3A_54, %dma_start3A] : memref<10240x128xf32, #tpu.memory_space<vmem_shared>> -> memref<16x128xf32, #tpu.memory_space<vmem_shared>>
      %dma_start3A_208 = arith.constant 0 : i32
      %dma_start3A_209 = tpu.memref_slice %arg19[%add3A_54, %dma_start3A_208] : memref<10240x128xf32, #tpu.memory_space<vmem_shared>> -> memref<16x128xf32, #tpu.memory_space<vmem_shared>>
      tpu.enqueue_dma source(%arg11 : memref<16x128xf32, #tpu.memory_space<vmem>>) target(%dma_start3A_209 : memref<16x128xf32, #tpu.memory_space<vmem_shared>>) target_semaphore(%run_scoped3A : memref<!tpu.dma_semaphore, #tpu.memory_space<semaphore_mem>>)
      %dma_wait3A = arith.constant 0 : i32
      %dma_wait3A_210 = tpu.memref_slice %arg19[%add3A_54, %dma_wait3A] : memref<10240x128xf32, #tpu.memory_space<vmem_shared>> -> memref<16x128xf32, #tpu.memory_space<vmem_shared>>
      %dma_wait3A_211 = arith.constant 0 : i32
      %dma_wait3A_212 = tpu.memref_slice %arg19[%add3A_54, %dma_wait3A_211] : memref<10240x128xf32, #tpu.memory_space<vmem_shared>> -> memref<16x128xf32, #tpu.memory_space<vmem_shared>>
      tpu.wait_dma2 semaphore(%run_scoped3A : memref<!tpu.dma_semaphore, #tpu.memory_space<semaphore_mem>>) src(%arg11 : memref<16x128xf32, #tpu.memory_space<vmem>>) dst(%dma_wait3A_212 : memref<16x128xf32, #tpu.memory_space<vmem_shared>>)
      tpu.yield
    }) : () -> ()
    %mul3A_55 = arith.constant 640 : i32
    %mul3A_56 = arith.muli %arg1, %mul3A_55 : i32
    %add3A_57 = arith.constant 192 : i32
    %add3A_58 = arith.addi %mul3A_56, %add3A_57 : i32
    "tpu.region"() ({
      %run_scoped3A = tpu.sem_alloc : memref<!tpu.dma_semaphore, #tpu.memory_space<semaphore_mem>>
      %dma_start3A = arith.constant 0 : i32
      %dma_start3A_207 = tpu.memref_slice %arg19[%add3A_58, %dma_start3A] : memref<10240x128xf32, #tpu.memory_space<vmem_shared>> -> memref<16x128xf32, #tpu.memory_space<vmem_shared>>
      %dma_start3A_208 = arith.constant 0 : i32
      %dma_start3A_209 = tpu.memref_slice %arg19[%add3A_58, %dma_start3A_208] : memref<10240x128xf32, #tpu.memory_space<vmem_shared>> -> memref<16x128xf32, #tpu.memory_space<vmem_shared>>
      tpu.enqueue_dma source(%arg11 : memref<16x128xf32, #tpu.memory_space<vmem>>) target(%dma_start3A_209 : memref<16x128xf32, #tpu.memory_space<vmem_shared>>) target_semaphore(%run_scoped3A : memref<!tpu.dma_semaphore, #tpu.memory_space<semaphore_mem>>)
      %dma_wait3A = arith.constant 0 : i32
      %dma_wait3A_210 = tpu.memref_slice %arg19[%add3A_58, %dma_wait3A] : memref<10240x128xf32, #tpu.memory_space<vmem_shared>> -> memref<16x128xf32, #tpu.memory_space<vmem_shared>>
      %dma_wait3A_211 = arith.constant 0 : i32
      %dma_wait3A_212 = tpu.memref_slice %arg19[%add3A_58, %dma_wait3A_211] : memref<10240x128xf32, #tpu.memory_space<vmem_shared>> -> memref<16x128xf32, #tpu.memory_space<vmem_shared>>
      tpu.wait_dma2 semaphore(%run_scoped3A : memref<!tpu.dma_semaphore, #tpu.memory_space<semaphore_mem>>) src(%arg11 : memref<16x128xf32, #tpu.memory_space<vmem>>) dst(%dma_wait3A_212 : memref<16x128xf32, #tpu.memory_space<vmem_shared>>)
      tpu.yield
    }) : () -> ()
    %mul3A_59 = arith.constant 640 : i32
    %mul3A_60 = arith.muli %arg1, %mul3A_59 : i32
    %add3A_61 = arith.constant 208 : i32
    %add3A_62 = arith.addi %mul3A_60, %add3A_61 : i32
    "tpu.region"() ({
      %run_scoped3A = tpu.sem_alloc : memref<!tpu.dma_semaphore, #tpu.memory_space<semaphore_mem>>
      %dma_start3A = arith.constant 0 : i32
      %dma_start3A_207 = tpu.memref_slice %arg19[%add3A_62, %dma_start3A] : memref<10240x128xf32, #tpu.memory_space<vmem_shared>> -> memref<16x128xf32, #tpu.memory_space<vmem_shared>>
      %dma_start3A_208 = arith.constant 0 : i32
      %dma_start3A_209 = tpu.memref_slice %arg19[%add3A_62, %dma_start3A_208] : memref<10240x128xf32, #tpu.memory_space<vmem_shared>> -> memref<16x128xf32, #tpu.memory_space<vmem_shared>>
      tpu.enqueue_dma source(%arg11 : memref<16x128xf32, #tpu.memory_space<vmem>>) target(%dma_start3A_209 : memref<16x128xf32, #tpu.memory_space<vmem_shared>>) target_semaphore(%run_scoped3A : memref<!tpu.dma_semaphore, #tpu.memory_space<semaphore_mem>>)
      %dma_wait3A = arith.constant 0 : i32
      %dma_wait3A_210 = tpu.memref_slice %arg19[%add3A_62, %dma_wait3A] : memref<10240x128xf32, #tpu.memory_space<vmem_shared>> -> memref<16x128xf32, #tpu.memory_space<vmem_shared>>
      %dma_wait3A_211 = arith.constant 0 : i32
      %dma_wait3A_212 = tpu.memref_slice %arg19[%add3A_62, %dma_wait3A_211] : memref<10240x128xf32, #tpu.memory_space<vmem_shared>> -> memref<16x128xf32, #tpu.memory_space<vmem_shared>>
      tpu.wait_dma2 semaphore(%run_scoped3A : memref<!tpu.dma_semaphore, #tpu.memory_space<semaphore_mem>>) src(%arg11 : memref<16x128xf32, #tpu.memory_space<vmem>>) dst(%dma_wait3A_212 : memref<16x128xf32, #tpu.memory_space<vmem_shared>>)
      tpu.yield
    }) : () -> ()
    %mul3A_63 = arith.constant 640 : i32
    %mul3A_64 = arith.muli %arg1, %mul3A_63 : i32
    %add3A_65 = arith.constant 224 : i32
    %add3A_66 = arith.addi %mul3A_64, %add3A_65 : i32
    "tpu.region"() ({
      %run_scoped3A = tpu.sem_alloc : memref<!tpu.dma_semaphore, #tpu.memory_space<semaphore_mem>>
      %dma_start3A = arith.constant 0 : i32
      %dma_start3A_207 = tpu.memref_slice %arg19[%add3A_66, %dma_start3A] : memref<10240x128xf32, #tpu.memory_space<vmem_shared>> -> memref<16x128xf32, #tpu.memory_space<vmem_shared>>
      %dma_start3A_208 = arith.constant 0 : i32
      %dma_start3A_209 = tpu.memref_slice %arg19[%add3A_66, %dma_start3A_208] : memref<10240x128xf32, #tpu.memory_space<vmem_shared>> -> memref<16x128xf32, #tpu.memory_space<vmem_shared>>
      tpu.enqueue_dma source(%arg11 : memref<16x128xf32, #tpu.memory_space<vmem>>) target(%dma_start3A_209 : memref<16x128xf32, #tpu.memory_space<vmem_shared>>) target_semaphore(%run_scoped3A : memref<!tpu.dma_semaphore, #tpu.memory_space<semaphore_mem>>)
      %dma_wait3A = arith.constant 0 : i32
      %dma_wait3A_210 = tpu.memref_slice %arg19[%add3A_66, %dma_wait3A] : memref<10240x128xf32, #tpu.memory_space<vmem_shared>> -> memref<16x128xf32, #tpu.memory_space<vmem_shared>>
      %dma_wait3A_211 = arith.constant 0 : i32
      %dma_wait3A_212 = tpu.memref_slice %arg19[%add3A_66, %dma_wait3A_211] : memref<10240x128xf32, #tpu.memory_space<vmem_shared>> -> memref<16x128xf32, #tpu.memory_space<vmem_shared>>
      tpu.wait_dma2 semaphore(%run_scoped3A : memref<!tpu.dma_semaphore, #tpu.memory_space<semaphore_mem>>) src(%arg11 : memref<16x128xf32, #tpu.memory_space<vmem>>) dst(%dma_wait3A_212 : memref<16x128xf32, #tpu.memory_space<vmem_shared>>)
      tpu.yield
    }) : () -> ()
    %mul3A_67 = arith.constant 640 : i32
    %mul3A_68 = arith.muli %arg1, %mul3A_67 : i32
    %add3A_69 = arith.constant 240 : i32
    %add3A_70 = arith.addi %mul3A_68, %add3A_69 : i32
    "tpu.region"() ({
      %run_scoped3A = tpu.sem_alloc : memref<!tpu.dma_semaphore, #tpu.memory_space<semaphore_mem>>
      %dma_start3A = arith.constant 0 : i32
      %dma_start3A_207 = tpu.memref_slice %arg19[%add3A_70, %dma_start3A] : memref<10240x128xf32, #tpu.memory_space<vmem_shared>> -> memref<16x128xf32, #tpu.memory_space<vmem_shared>>
      %dma_start3A_208 = arith.constant 0 : i32
      %dma_start3A_209 = tpu.memref_slice %arg19[%add3A_70, %dma_start3A_208] : memref<10240x128xf32, #tpu.memory_space<vmem_shared>> -> memref<16x128xf32, #tpu.memory_space<vmem_shared>>
      tpu.enqueue_dma source(%arg11 : memref<16x128xf32, #tpu.memory_space<vmem>>) target(%dma_start3A_209 : memref<16x128xf32, #tpu.memory_space<vmem_shared>>) target_semaphore(%run_scoped3A : memref<!tpu.dma_semaphore, #tpu.memory_space<semaphore_mem>>)
      %dma_wait3A = arith.constant 0 : i32
      %dma_wait3A_210 = tpu.memref_slice %arg19[%add3A_70, %dma_wait3A] : memref<10240x128xf32, #tpu.memory_space<vmem_shared>> -> memref<16x128xf32, #tpu.memory_space<vmem_shared>>
      %dma_wait3A_211 = arith.constant 0 : i32
      %dma_wait3A_212 = tpu.memref_slice %arg19[%add3A_70, %dma_wait3A_211] : memref<10240x128xf32, #tpu.memory_space<vmem_shared>> -> memref<16x128xf32, #tpu.memory_space<vmem_shared>>
      tpu.wait_dma2 semaphore(%run_scoped3A : memref<!tpu.dma_semaphore, #tpu.memory_space<semaphore_mem>>) src(%arg11 : memref<16x128xf32, #tpu.memory_space<vmem>>) dst(%dma_wait3A_212 : memref<16x128xf32, #tpu.memory_space<vmem_shared>>)
      tpu.yield
    }) : () -> ()
    %mul3A_71 = arith.constant 640 : i32
    %mul3A_72 = arith.muli %arg1, %mul3A_71 : i32
    %add3A_73 = arith.constant 256 : i32
    %add3A_74 = arith.addi %mul3A_72, %add3A_73 : i32
    "tpu.region"() ({
      %run_scoped3A = tpu.sem_alloc : memref<!tpu.dma_semaphore, #tpu.memory_space<semaphore_mem>>
      %dma_start3A = arith.constant 0 : i32
      %dma_start3A_207 = tpu.memref_slice %arg19[%add3A_74, %dma_start3A] : memref<10240x128xf32, #tpu.memory_space<vmem_shared>> -> memref<16x128xf32, #tpu.memory_space<vmem_shared>>
      %dma_start3A_208 = arith.constant 0 : i32
      %dma_start3A_209 = tpu.memref_slice %arg19[%add3A_74, %dma_start3A_208] : memref<10240x128xf32, #tpu.memory_space<vmem_shared>> -> memref<16x128xf32, #tpu.memory_space<vmem_shared>>
      tpu.enqueue_dma source(%arg11 : memref<16x128xf32, #tpu.memory_space<vmem>>) target(%dma_start3A_209 : memref<16x128xf32, #tpu.memory_space<vmem_shared>>) target_semaphore(%run_scoped3A : memref<!tpu.dma_semaphore, #tpu.memory_space<semaphore_mem>>)
      %dma_wait3A = arith.constant 0 : i32
      %dma_wait3A_210 = tpu.memref_slice %arg19[%add3A_74, %dma_wait3A] : memref<10240x128xf32, #tpu.memory_space<vmem_shared>> -> memref<16x128xf32, #tpu.memory_space<vmem_shared>>
      %dma_wait3A_211 = arith.constant 0 : i32
      %dma_wait3A_212 = tpu.memref_slice %arg19[%add3A_74, %dma_wait3A_211] : memref<10240x128xf32, #tpu.memory_space<vmem_shared>> -> memref<16x128xf32, #tpu.memory_space<vmem_shared>>
      tpu.wait_dma2 semaphore(%run_scoped3A : memref<!tpu.dma_semaphore, #tpu.memory_space<semaphore_mem>>) src(%arg11 : memref<16x128xf32, #tpu.memory_space<vmem>>) dst(%dma_wait3A_212 : memref<16x128xf32, #tpu.memory_space<vmem_shared>>)
      tpu.yield
    }) : () -> ()
    %mul3A_75 = arith.constant 640 : i32
    %mul3A_76 = arith.muli %arg1, %mul3A_75 : i32
    %add3A_77 = arith.constant 272 : i32
    %add3A_78 = arith.addi %mul3A_76, %add3A_77 : i32
    "tpu.region"() ({
      %run_scoped3A = tpu.sem_alloc : memref<!tpu.dma_semaphore, #tpu.memory_space<semaphore_mem>>
      %dma_start3A = arith.constant 0 : i32
      %dma_start3A_207 = tpu.memref_slice %arg19[%add3A_78, %dma_start3A] : memref<10240x128xf32, #tpu.memory_space<vmem_shared>> -> memref<16x128xf32, #tpu.memory_space<vmem_shared>>
      %dma_start3A_208 = arith.constant 0 : i32
      %dma_start3A_209 = tpu.memref_slice %arg19[%add3A_78, %dma_start3A_208] : memref<10240x128xf32, #tpu.memory_space<vmem_shared>> -> memref<16x128xf32, #tpu.memory_space<vmem_shared>>
      tpu.enqueue_dma source(%arg11 : memref<16x128xf32, #tpu.memory_space<vmem>>) target(%dma_start3A_209 : memref<16x128xf32, #tpu.memory_space<vmem_shared>>) target_semaphore(%run_scoped3A : memref<!tpu.dma_semaphore, #tpu.memory_space<semaphore_mem>>)
      %dma_wait3A = arith.constant 0 : i32
      %dma_wait3A_210 = tpu.memref_slice %arg19[%add3A_78, %dma_wait3A] : memref<10240x128xf32, #tpu.memory_space<vmem_shared>> -> memref<16x128xf32, #tpu.memory_space<vmem_shared>>
      %dma_wait3A_211 = arith.constant 0 : i32
      %dma_wait3A_212 = tpu.memref_slice %arg19[%add3A_78, %dma_wait3A_211] : memref<10240x128xf32, #tpu.memory_space<vmem_shared>> -> memref<16x128xf32, #tpu.memory_space<vmem_shared>>
      tpu.wait_dma2 semaphore(%run_scoped3A : memref<!tpu.dma_semaphore, #tpu.memory_space<semaphore_mem>>) src(%arg11 : memref<16x128xf32, #tpu.memory_space<vmem>>) dst(%dma_wait3A_212 : memref<16x128xf32, #tpu.memory_space<vmem_shared>>)
      tpu.yield
    }) : () -> ()
    %mul3A_79 = arith.constant 640 : i32
    %mul3A_80 = arith.muli %arg1, %mul3A_79 : i32
    %add3A_81 = arith.constant 288 : i32
    %add3A_82 = arith.addi %mul3A_80, %add3A_81 : i32
    "tpu.region"() ({
      %run_scoped3A = tpu.sem_alloc : memref<!tpu.dma_semaphore, #tpu.memory_space<semaphore_mem>>
      %dma_start3A = arith.constant 0 : i32
      %dma_start3A_207 = tpu.memref_slice %arg19[%add3A_82, %dma_start3A] : memref<10240x128xf32, #tpu.memory_space<vmem_shared>> -> memref<16x128xf32, #tpu.memory_space<vmem_shared>>
      %dma_start3A_208 = arith.constant 0 : i32
      %dma_start3A_209 = tpu.memref_slice %arg19[%add3A_82, %dma_start3A_208] : memref<10240x128xf32, #tpu.memory_space<vmem_shared>> -> memref<16x128xf32, #tpu.memory_space<vmem_shared>>
      tpu.enqueue_dma source(%arg11 : memref<16x128xf32, #tpu.memory_space<vmem>>) target(%dma_start3A_209 : memref<16x128xf32, #tpu.memory_space<vmem_shared>>) target_semaphore(%run_scoped3A : memref<!tpu.dma_semaphore, #tpu.memory_space<semaphore_mem>>)
      %dma_wait3A = arith.constant 0 : i32
      %dma_wait3A_210 = tpu.memref_slice %arg19[%add3A_82, %dma_wait3A] : memref<10240x128xf32, #tpu.memory_space<vmem_shared>> -> memref<16x128xf32, #tpu.memory_space<vmem_shared>>
      %dma_wait3A_211 = arith.constant 0 : i32
      %dma_wait3A_212 = tpu.memref_slice %arg19[%add3A_82, %dma_wait3A_211] : memref<10240x128xf32, #tpu.memory_space<vmem_shared>> -> memref<16x128xf32, #tpu.memory_space<vmem_shared>>
      tpu.wait_dma2 semaphore(%run_scoped3A : memref<!tpu.dma_semaphore, #tpu.memory_space<semaphore_mem>>) src(%arg11 : memref<16x128xf32, #tpu.memory_space<vmem>>) dst(%dma_wait3A_212 : memref<16x128xf32, #tpu.memory_space<vmem_shared>>)
      tpu.yield
    }) : () -> ()
    %mul3A_83 = arith.constant 640 : i32
    %mul3A_84 = arith.muli %arg1, %mul3A_83 : i32
    %add3A_85 = arith.constant 304 : i32
    %add3A_86 = arith.addi %mul3A_84, %add3A_85 : i32
    "tpu.region"() ({
      %run_scoped3A = tpu.sem_alloc : memref<!tpu.dma_semaphore, #tpu.memory_space<semaphore_mem>>
      %dma_start3A = arith.constant 0 : i32
      %dma_start3A_207 = tpu.memref_slice %arg19[%add3A_86, %dma_start3A] : memref<10240x128xf32, #tpu.memory_space<vmem_shared>> -> memref<16x128xf32, #tpu.memory_space<vmem_shared>>
      %dma_start3A_208 = arith.constant 0 : i32
      %dma_start3A_209 = tpu.memref_slice %arg19[%add3A_86, %dma_start3A_208] : memref<10240x128xf32, #tpu.memory_space<vmem_shared>> -> memref<16x128xf32, #tpu.memory_space<vmem_shared>>
      tpu.enqueue_dma source(%arg11 : memref<16x128xf32, #tpu.memory_space<vmem>>) target(%dma_start3A_209 : memref<16x128xf32, #tpu.memory_space<vmem_shared>>) target_semaphore(%run_scoped3A : memref<!tpu.dma_semaphore, #tpu.memory_space<semaphore_mem>>)
      %dma_wait3A = arith.constant 0 : i32
      %dma_wait3A_210 = tpu.memref_slice %arg19[%add3A_86, %dma_wait3A] : memref<10240x128xf32, #tpu.memory_space<vmem_shared>> -> memref<16x128xf32, #tpu.memory_space<vmem_shared>>
      %dma_wait3A_211 = arith.constant 0 : i32
      %dma_wait3A_212 = tpu.memref_slice %arg19[%add3A_86, %dma_wait3A_211] : memref<10240x128xf32, #tpu.memory_space<vmem_shared>> -> memref<16x128xf32, #tpu.memory_space<vmem_shared>>
      tpu.wait_dma2 semaphore(%run_scoped3A : memref<!tpu.dma_semaphore, #tpu.memory_space<semaphore_mem>>) src(%arg11 : memref<16x128xf32, #tpu.memory_space<vmem>>) dst(%dma_wait3A_212 : memref<16x128xf32, #tpu.memory_space<vmem_shared>>)
      tpu.yield
    }) : () -> ()
    %mul3A_87 = arith.constant 640 : i32
    %mul3A_88 = arith.muli %arg1, %mul3A_87 : i32
    %add3A_89 = arith.constant 320 : i32
    %add3A_90 = arith.addi %mul3A_88, %add3A_89 : i32
    "tpu.region"() ({
      %run_scoped3A = tpu.sem_alloc : memref<!tpu.dma_semaphore, #tpu.memory_space<semaphore_mem>>
      %dma_start3A = arith.constant 0 : i32
      %dma_start3A_207 = tpu.memref_slice %arg19[%add3A_90, %dma_start3A] : memref<10240x128xf32, #tpu.memory_space<vmem_shared>> -> memref<16x128xf32, #tpu.memory_space<vmem_shared>>
      %dma_start3A_208 = arith.constant 0 : i32
      %dma_start3A_209 = tpu.memref_slice %arg19[%add3A_90, %dma_start3A_208] : memref<10240x128xf32, #tpu.memory_space<vmem_shared>> -> memref<16x128xf32, #tpu.memory_space<vmem_shared>>
      tpu.enqueue_dma source(%arg11 : memref<16x128xf32, #tpu.memory_space<vmem>>) target(%dma_start3A_209 : memref<16x128xf32, #tpu.memory_space<vmem_shared>>) target_semaphore(%run_scoped3A : memref<!tpu.dma_semaphore, #tpu.memory_space<semaphore_mem>>)
      %dma_wait3A = arith.constant 0 : i32
      %dma_wait3A_210 = tpu.memref_slice %arg19[%add3A_90, %dma_wait3A] : memref<10240x128xf32, #tpu.memory_space<vmem_shared>> -> memref<16x128xf32, #tpu.memory_space<vmem_shared>>
      %dma_wait3A_211 = arith.constant 0 : i32
      %dma_wait3A_212 = tpu.memref_slice %arg19[%add3A_90, %dma_wait3A_211] : memref<10240x128xf32, #tpu.memory_space<vmem_shared>> -> memref<16x128xf32, #tpu.memory_space<vmem_shared>>
      tpu.wait_dma2 semaphore(%run_scoped3A : memref<!tpu.dma_semaphore, #tpu.memory_space<semaphore_mem>>) src(%arg11 : memref<16x128xf32, #tpu.memory_space<vmem>>) dst(%dma_wait3A_212 : memref<16x128xf32, #tpu.memory_space<vmem_shared>>)
      tpu.yield
    }) : () -> ()
    %mul3A_91 = arith.constant 640 : i32
    %mul3A_92 = arith.muli %arg1, %mul3A_91 : i32
    %add3A_93 = arith.constant 336 : i32
    %add3A_94 = arith.addi %mul3A_92, %add3A_93 : i32
    "tpu.region"() ({
      %run_scoped3A = tpu.sem_alloc : memref<!tpu.dma_semaphore, #tpu.memory_space<semaphore_mem>>
      %dma_start3A = arith.constant 0 : i32
      %dma_start3A_207 = tpu.memref_slice %arg19[%add3A_94, %dma_start3A] : memref<10240x128xf32, #tpu.memory_space<vmem_shared>> -> memref<16x128xf32, #tpu.memory_space<vmem_shared>>
      %dma_start3A_208 = arith.constant 0 : i32
      %dma_start3A_209 = tpu.memref_slice %arg19[%add3A_94, %dma_start3A_208] : memref<10240x128xf32, #tpu.memory_space<vmem_shared>> -> memref<16x128xf32, #tpu.memory_space<vmem_shared>>
      tpu.enqueue_dma source(%arg11 : memref<16x128xf32, #tpu.memory_space<vmem>>) target(%dma_start3A_209 : memref<16x128xf32, #tpu.memory_space<vmem_shared>>) target_semaphore(%run_scoped3A : memref<!tpu.dma_semaphore, #tpu.memory_space<semaphore_mem>>)
      %dma_wait3A = arith.constant 0 : i32
      %dma_wait3A_210 = tpu.memref_slice %arg19[%add3A_94, %dma_wait3A] : memref<10240x128xf32, #tpu.memory_space<vmem_shared>> -> memref<16x128xf32, #tpu.memory_space<vmem_shared>>
      %dma_wait3A_211 = arith.constant 0 : i32
      %dma_wait3A_212 = tpu.memref_slice %arg19[%add3A_94, %dma_wait3A_211] : memref<10240x128xf32, #tpu.memory_space<vmem_shared>> -> memref<16x128xf32, #tpu.memory_space<vmem_shared>>
      tpu.wait_dma2 semaphore(%run_scoped3A : memref<!tpu.dma_semaphore, #tpu.memory_space<semaphore_mem>>) src(%arg11 : memref<16x128xf32, #tpu.memory_space<vmem>>) dst(%dma_wait3A_212 : memref<16x128xf32, #tpu.memory_space<vmem_shared>>)
      tpu.yield
    }) : () -> ()
    %mul3A_95 = arith.constant 640 : i32
    %mul3A_96 = arith.muli %arg1, %mul3A_95 : i32
    %add3A_97 = arith.constant 352 : i32
    %add3A_98 = arith.addi %mul3A_96, %add3A_97 : i32
    "tpu.region"() ({
      %run_scoped3A = tpu.sem_alloc : memref<!tpu.dma_semaphore, #tpu.memory_space<semaphore_mem>>
      %dma_start3A = arith.constant 0 : i32
      %dma_start3A_207 = tpu.memref_slice %arg19[%add3A_98, %dma_start3A] : memref<10240x128xf32, #tpu.memory_space<vmem_shared>> -> memref<16x128xf32, #tpu.memory_space<vmem_shared>>
      %dma_start3A_208 = arith.constant 0 : i32
      %dma_start3A_209 = tpu.memref_slice %arg19[%add3A_98, %dma_start3A_208] : memref<10240x128xf32, #tpu.memory_space<vmem_shared>> -> memref<16x128xf32, #tpu.memory_space<vmem_shared>>
      tpu.enqueue_dma source(%arg11 : memref<16x128xf32, #tpu.memory_space<vmem>>) target(%dma_start3A_209 : memref<16x128xf32, #tpu.memory_space<vmem_shared>>) target_semaphore(%run_scoped3A : memref<!tpu.dma_semaphore, #tpu.memory_space<semaphore_mem>>)
      %dma_wait3A = arith.constant 0 : i32
      %dma_wait3A_210 = tpu.memref_slice %arg19[%add3A_98, %dma_wait3A] : memref<10240x128xf32, #tpu.memory_space<vmem_shared>> -> memref<16x128xf32, #tpu.memory_space<vmem_shared>>
      %dma_wait3A_211 = arith.constant 0 : i32
      %dma_wait3A_212 = tpu.memref_slice %arg19[%add3A_98, %dma_wait3A_211] : memref<10240x128xf32, #tpu.memory_space<vmem_shared>> -> memref<16x128xf32, #tpu.memory_space<vmem_shared>>
      tpu.wait_dma2 semaphore(%run_scoped3A : memref<!tpu.dma_semaphore, #tpu.memory_space<semaphore_mem>>) src(%arg11 : memref<16x128xf32, #tpu.memory_space<vmem>>) dst(%dma_wait3A_212 : memref<16x128xf32, #tpu.memory_space<vmem_shared>>)
      tpu.yield
    }) : () -> ()
    %mul3A_99 = arith.constant 640 : i32
    %mul3A_100 = arith.muli %arg1, %mul3A_99 : i32
    %add3A_101 = arith.constant 368 : i32
    %add3A_102 = arith.addi %mul3A_100, %add3A_101 : i32
    "tpu.region"() ({
      %run_scoped3A = tpu.sem_alloc : memref<!tpu.dma_semaphore, #tpu.memory_space<semaphore_mem>>
      %dma_start3A = arith.constant 0 : i32
      %dma_start3A_207 = tpu.memref_slice %arg19[%add3A_102, %dma_start3A] : memref<10240x128xf32, #tpu.memory_space<vmem_shared>> -> memref<16x128xf32, #tpu.memory_space<vmem_shared>>
      %dma_start3A_208 = arith.constant 0 : i32
      %dma_start3A_209 = tpu.memref_slice %arg19[%add3A_102, %dma_start3A_208] : memref<10240x128xf32, #tpu.memory_space<vmem_shared>> -> memref<16x128xf32, #tpu.memory_space<vmem_shared>>
      tpu.enqueue_dma source(%arg11 : memref<16x128xf32, #tpu.memory_space<vmem>>) target(%dma_start3A_209 : memref<16x128xf32, #tpu.memory_space<vmem_shared>>) target_semaphore(%run_scoped3A : memref<!tpu.dma_semaphore, #tpu.memory_space<semaphore_mem>>)
      %dma_wait3A = arith.constant 0 : i32
      %dma_wait3A_210 = tpu.memref_slice %arg19[%add3A_102, %dma_wait3A] : memref<10240x128xf32, #tpu.memory_space<vmem_shared>> -> memref<16x128xf32, #tpu.memory_space<vmem_shared>>
      %dma_wait3A_211 = arith.constant 0 : i32
      %dma_wait3A_212 = tpu.memref_slice %arg19[%add3A_102, %dma_wait3A_211] : memref<10240x128xf32, #tpu.memory_space<vmem_shared>> -> memref<16x128xf32, #tpu.memory_space<vmem_shared>>
      tpu.wait_dma2 semaphore(%run_scoped3A : memref<!tpu.dma_semaphore, #tpu.memory_space<semaphore_mem>>) src(%arg11 : memref<16x128xf32, #tpu.memory_space<vmem>>) dst(%dma_wait3A_212 : memref<16x128xf32, #tpu.memory_space<vmem_shared>>)
      tpu.yield
    }) : () -> ()
    %mul3A_103 = arith.constant 640 : i32
    %mul3A_104 = arith.muli %arg1, %mul3A_103 : i32
    %add3A_105 = arith.constant 384 : i32
    %add3A_106 = arith.addi %mul3A_104, %add3A_105 : i32
    "tpu.region"() ({
      %run_scoped3A = tpu.sem_alloc : memref<!tpu.dma_semaphore, #tpu.memory_space<semaphore_mem>>
      %dma_start3A = arith.constant 0 : i32
      %dma_start3A_207 = tpu.memref_slice %arg19[%add3A_106, %dma_start3A] : memref<10240x128xf32, #tpu.memory_space<vmem_shared>> -> memref<16x128xf32, #tpu.memory_space<vmem_shared>>
      %dma_start3A_208 = arith.constant 0 : i32
      %dma_start3A_209 = tpu.memref_slice %arg19[%add3A_106, %dma_start3A_208] : memref<10240x128xf32, #tpu.memory_space<vmem_shared>> -> memref<16x128xf32, #tpu.memory_space<vmem_shared>>
      tpu.enqueue_dma source(%arg11 : memref<16x128xf32, #tpu.memory_space<vmem>>) target(%dma_start3A_209 : memref<16x128xf32, #tpu.memory_space<vmem_shared>>) target_semaphore(%run_scoped3A : memref<!tpu.dma_semaphore, #tpu.memory_space<semaphore_mem>>)
      %dma_wait3A = arith.constant 0 : i32
      %dma_wait3A_210 = tpu.memref_slice %arg19[%add3A_106, %dma_wait3A] : memref<10240x128xf32, #tpu.memory_space<vmem_shared>> -> memref<16x128xf32, #tpu.memory_space<vmem_shared>>
      %dma_wait3A_211 = arith.constant 0 : i32
      %dma_wait3A_212 = tpu.memref_slice %arg19[%add3A_106, %dma_wait3A_211] : memref<10240x128xf32, #tpu.memory_space<vmem_shared>> -> memref<16x128xf32, #tpu.memory_space<vmem_shared>>
      tpu.wait_dma2 semaphore(%run_scoped3A : memref<!tpu.dma_semaphore, #tpu.memory_space<semaphore_mem>>) src(%arg11 : memref<16x128xf32, #tpu.memory_space<vmem>>) dst(%dma_wait3A_212 : memref<16x128xf32, #tpu.memory_space<vmem_shared>>)
      tpu.yield
    }) : () -> ()
    %mul3A_107 = arith.constant 640 : i32
    %mul3A_108 = arith.muli %arg1, %mul3A_107 : i32
    %add3A_109 = arith.constant 400 : i32
    %add3A_110 = arith.addi %mul3A_108, %add3A_109 : i32
    "tpu.region"() ({
      %run_scoped3A = tpu.sem_alloc : memref<!tpu.dma_semaphore, #tpu.memory_space<semaphore_mem>>
      %dma_start3A = arith.constant 0 : i32
      %dma_start3A_207 = tpu.memref_slice %arg19[%add3A_110, %dma_start3A] : memref<10240x128xf32, #tpu.memory_space<vmem_shared>> -> memref<16x128xf32, #tpu.memory_space<vmem_shared>>
      %dma_start3A_208 = arith.constant 0 : i32
      %dma_start3A_209 = tpu.memref_slice %arg19[%add3A_110, %dma_start3A_208] : memref<10240x128xf32, #tpu.memory_space<vmem_shared>> -> memref<16x128xf32, #tpu.memory_space<vmem_shared>>
      tpu.enqueue_dma source(%arg11 : memref<16x128xf32, #tpu.memory_space<vmem>>) target(%dma_start3A_209 : memref<16x128xf32, #tpu.memory_space<vmem_shared>>) target_semaphore(%run_scoped3A : memref<!tpu.dma_semaphore, #tpu.memory_space<semaphore_mem>>)
      %dma_wait3A = arith.constant 0 : i32
      %dma_wait3A_210 = tpu.memref_slice %arg19[%add3A_110, %dma_wait3A] : memref<10240x128xf32, #tpu.memory_space<vmem_shared>> -> memref<16x128xf32, #tpu.memory_space<vmem_shared>>
      %dma_wait3A_211 = arith.constant 0 : i32
      %dma_wait3A_212 = tpu.memref_slice %arg19[%add3A_110, %dma_wait3A_211] : memref<10240x128xf32, #tpu.memory_space<vmem_shared>> -> memref<16x128xf32, #tpu.memory_space<vmem_shared>>
      tpu.wait_dma2 semaphore(%run_scoped3A : memref<!tpu.dma_semaphore, #tpu.memory_space<semaphore_mem>>) src(%arg11 : memref<16x128xf32, #tpu.memory_space<vmem>>) dst(%dma_wait3A_212 : memref<16x128xf32, #tpu.memory_space<vmem_shared>>)
      tpu.yield
    }) : () -> ()
    %mul3A_111 = arith.constant 640 : i32
    %mul3A_112 = arith.muli %arg1, %mul3A_111 : i32
    %add3A_113 = arith.constant 416 : i32
    %add3A_114 = arith.addi %mul3A_112, %add3A_113 : i32
    "tpu.region"() ({
      %run_scoped3A = tpu.sem_alloc : memref<!tpu.dma_semaphore, #tpu.memory_space<semaphore_mem>>
      %dma_start3A = arith.constant 0 : i32
      %dma_start3A_207 = tpu.memref_slice %arg19[%add3A_114, %dma_start3A] : memref<10240x128xf32, #tpu.memory_space<vmem_shared>> -> memref<16x128xf32, #tpu.memory_space<vmem_shared>>
      %dma_start3A_208 = arith.constant 0 : i32
      %dma_start3A_209 = tpu.memref_slice %arg19[%add3A_114, %dma_start3A_208] : memref<10240x128xf32, #tpu.memory_space<vmem_shared>> -> memref<16x128xf32, #tpu.memory_space<vmem_shared>>
      tpu.enqueue_dma source(%arg11 : memref<16x128xf32, #tpu.memory_space<vmem>>) target(%dma_start3A_209 : memref<16x128xf32, #tpu.memory_space<vmem_shared>>) target_semaphore(%run_scoped3A : memref<!tpu.dma_semaphore, #tpu.memory_space<semaphore_mem>>)
      %dma_wait3A = arith.constant 0 : i32
      %dma_wait3A_210 = tpu.memref_slice %arg19[%add3A_114, %dma_wait3A] : memref<10240x128xf32, #tpu.memory_space<vmem_shared>> -> memref<16x128xf32, #tpu.memory_space<vmem_shared>>
      %dma_wait3A_211 = arith.constant 0 : i32
      %dma_wait3A_212 = tpu.memref_slice %arg19[%add3A_114, %dma_wait3A_211] : memref<10240x128xf32, #tpu.memory_space<vmem_shared>> -> memref<16x128xf32, #tpu.memory_space<vmem_shared>>
      tpu.wait_dma2 semaphore(%run_scoped3A : memref<!tpu.dma_semaphore, #tpu.memory_space<semaphore_mem>>) src(%arg11 : memref<16x128xf32, #tpu.memory_space<vmem>>) dst(%dma_wait3A_212 : memref<16x128xf32, #tpu.memory_space<vmem_shared>>)
      tpu.yield
    }) : () -> ()
    %mul3A_115 = arith.constant 640 : i32
    %mul3A_116 = arith.muli %arg1, %mul3A_115 : i32
    %add3A_117 = arith.constant 432 : i32
    %add3A_118 = arith.addi %mul3A_116, %add3A_117 : i32
    "tpu.region"() ({
      %run_scoped3A = tpu.sem_alloc : memref<!tpu.dma_semaphore, #tpu.memory_space<semaphore_mem>>
      %dma_start3A = arith.constant 0 : i32
      %dma_start3A_207 = tpu.memref_slice %arg19[%add3A_118, %dma_start3A] : memref<10240x128xf32, #tpu.memory_space<vmem_shared>> -> memref<16x128xf32, #tpu.memory_space<vmem_shared>>
      %dma_start3A_208 = arith.constant 0 : i32
      %dma_start3A_209 = tpu.memref_slice %arg19[%add3A_118, %dma_start3A_208] : memref<10240x128xf32, #tpu.memory_space<vmem_shared>> -> memref<16x128xf32, #tpu.memory_space<vmem_shared>>
      tpu.enqueue_dma source(%arg11 : memref<16x128xf32, #tpu.memory_space<vmem>>) target(%dma_start3A_209 : memref<16x128xf32, #tpu.memory_space<vmem_shared>>) target_semaphore(%run_scoped3A : memref<!tpu.dma_semaphore, #tpu.memory_space<semaphore_mem>>)
      %dma_wait3A = arith.constant 0 : i32
      %dma_wait3A_210 = tpu.memref_slice %arg19[%add3A_118, %dma_wait3A] : memref<10240x128xf32, #tpu.memory_space<vmem_shared>> -> memref<16x128xf32, #tpu.memory_space<vmem_shared>>
      %dma_wait3A_211 = arith.constant 0 : i32
      %dma_wait3A_212 = tpu.memref_slice %arg19[%add3A_118, %dma_wait3A_211] : memref<10240x128xf32, #tpu.memory_space<vmem_shared>> -> memref<16x128xf32, #tpu.memory_space<vmem_shared>>
      tpu.wait_dma2 semaphore(%run_scoped3A : memref<!tpu.dma_semaphore, #tpu.memory_space<semaphore_mem>>) src(%arg11 : memref<16x128xf32, #tpu.memory_space<vmem>>) dst(%dma_wait3A_212 : memref<16x128xf32, #tpu.memory_space<vmem_shared>>)
      tpu.yield
    }) : () -> ()
    %mul3A_119 = arith.constant 640 : i32
    %mul3A_120 = arith.muli %arg1, %mul3A_119 : i32
    %add3A_121 = arith.constant 448 : i32
    %add3A_122 = arith.addi %mul3A_120, %add3A_121 : i32
    "tpu.region"() ({
      %run_scoped3A = tpu.sem_alloc : memref<!tpu.dma_semaphore, #tpu.memory_space<semaphore_mem>>
      %dma_start3A = arith.constant 0 : i32
      %dma_start3A_207 = tpu.memref_slice %arg19[%add3A_122, %dma_start3A] : memref<10240x128xf32, #tpu.memory_space<vmem_shared>> -> memref<16x128xf32, #tpu.memory_space<vmem_shared>>
      %dma_start3A_208 = arith.constant 0 : i32
      %dma_start3A_209 = tpu.memref_slice %arg19[%add3A_122, %dma_start3A_208] : memref<10240x128xf32, #tpu.memory_space<vmem_shared>> -> memref<16x128xf32, #tpu.memory_space<vmem_shared>>
      tpu.enqueue_dma source(%arg11 : memref<16x128xf32, #tpu.memory_space<vmem>>) target(%dma_start3A_209 : memref<16x128xf32, #tpu.memory_space<vmem_shared>>) target_semaphore(%run_scoped3A : memref<!tpu.dma_semaphore, #tpu.memory_space<semaphore_mem>>)
      %dma_wait3A = arith.constant 0 : i32
      %dma_wait3A_210 = tpu.memref_slice %arg19[%add3A_122, %dma_wait3A] : memref<10240x128xf32, #tpu.memory_space<vmem_shared>> -> memref<16x128xf32, #tpu.memory_space<vmem_shared>>
      %dma_wait3A_211 = arith.constant 0 : i32
      %dma_wait3A_212 = tpu.memref_slice %arg19[%add3A_122, %dma_wait3A_211] : memref<10240x128xf32, #tpu.memory_space<vmem_shared>> -> memref<16x128xf32, #tpu.memory_space<vmem_shared>>
      tpu.wait_dma2 semaphore(%run_scoped3A : memref<!tpu.dma_semaphore, #tpu.memory_space<semaphore_mem>>) src(%arg11 : memref<16x128xf32, #tpu.memory_space<vmem>>) dst(%dma_wait3A_212 : memref<16x128xf32, #tpu.memory_space<vmem_shared>>)
      tpu.yield
    }) : () -> ()
    %mul3A_123 = arith.constant 640 : i32
    %mul3A_124 = arith.muli %arg1, %mul3A_123 : i32
    %add3A_125 = arith.constant 464 : i32
    %add3A_126 = arith.addi %mul3A_124, %add3A_125 : i32
    "tpu.region"() ({
      %run_scoped3A = tpu.sem_alloc : memref<!tpu.dma_semaphore, #tpu.memory_space<semaphore_mem>>
      %dma_start3A = arith.constant 0 : i32
      %dma_start3A_207 = tpu.memref_slice %arg19[%add3A_126, %dma_start3A] : memref<10240x128xf32, #tpu.memory_space<vmem_shared>> -> memref<16x128xf32, #tpu.memory_space<vmem_shared>>
      %dma_start3A_208 = arith.constant 0 : i32
      %dma_start3A_209 = tpu.memref_slice %arg19[%add3A_126, %dma_start3A_208] : memref<10240x128xf32, #tpu.memory_space<vmem_shared>> -> memref<16x128xf32, #tpu.memory_space<vmem_shared>>
      tpu.enqueue_dma source(%arg11 : memref<16x128xf32, #tpu.memory_space<vmem>>) target(%dma_start3A_209 : memref<16x128xf32, #tpu.memory_space<vmem_shared>>) target_semaphore(%run_scoped3A : memref<!tpu.dma_semaphore, #tpu.memory_space<semaphore_mem>>)
      %dma_wait3A = arith.constant 0 : i32
      %dma_wait3A_210 = tpu.memref_slice %arg19[%add3A_126, %dma_wait3A] : memref<10240x128xf32, #tpu.memory_space<vmem_shared>> -> memref<16x128xf32, #tpu.memory_space<vmem_shared>>
      %dma_wait3A_211 = arith.constant 0 : i32
      %dma_wait3A_212 = tpu.memref_slice %arg19[%add3A_126, %dma_wait3A_211] : memref<10240x128xf32, #tpu.memory_space<vmem_shared>> -> memref<16x128xf32, #tpu.memory_space<vmem_shared>>
      tpu.wait_dma2 semaphore(%run_scoped3A : memref<!tpu.dma_semaphore, #tpu.memory_space<semaphore_mem>>) src(%arg11 : memref<16x128xf32, #tpu.memory_space<vmem>>) dst(%dma_wait3A_212 : memref<16x128xf32, #tpu.memory_space<vmem_shared>>)
      tpu.yield
    }) : () -> ()
    %mul3A_127 = arith.constant 640 : i32
    %mul3A_128 = arith.muli %arg1, %mul3A_127 : i32
    %add3A_129 = arith.constant 480 : i32
    %add3A_130 = arith.addi %mul3A_128, %add3A_129 : i32
    "tpu.region"() ({
      %run_scoped3A = tpu.sem_alloc : memref<!tpu.dma_semaphore, #tpu.memory_space<semaphore_mem>>
      %dma_start3A = arith.constant 0 : i32
      %dma_start3A_207 = tpu.memref_slice %arg19[%add3A_130, %dma_start3A] : memref<10240x128xf32, #tpu.memory_space<vmem_shared>> -> memref<16x128xf32, #tpu.memory_space<vmem_shared>>
      %dma_start3A_208 = arith.constant 0 : i32
      %dma_start3A_209 = tpu.memref_slice %arg19[%add3A_130, %dma_start3A_208] : memref<10240x128xf32, #tpu.memory_space<vmem_shared>> -> memref<16x128xf32, #tpu.memory_space<vmem_shared>>
      tpu.enqueue_dma source(%arg11 : memref<16x128xf32, #tpu.memory_space<vmem>>) target(%dma_start3A_209 : memref<16x128xf32, #tpu.memory_space<vmem_shared>>) target_semaphore(%run_scoped3A : memref<!tpu.dma_semaphore, #tpu.memory_space<semaphore_mem>>)
      %dma_wait3A = arith.constant 0 : i32
      %dma_wait3A_210 = tpu.memref_slice %arg19[%add3A_130, %dma_wait3A] : memref<10240x128xf32, #tpu.memory_space<vmem_shared>> -> memref<16x128xf32, #tpu.memory_space<vmem_shared>>
      %dma_wait3A_211 = arith.constant 0 : i32
      %dma_wait3A_212 = tpu.memref_slice %arg19[%add3A_130, %dma_wait3A_211] : memref<10240x128xf32, #tpu.memory_space<vmem_shared>> -> memref<16x128xf32, #tpu.memory_space<vmem_shared>>
      tpu.wait_dma2 semaphore(%run_scoped3A : memref<!tpu.dma_semaphore, #tpu.memory_space<semaphore_mem>>) src(%arg11 : memref<16x128xf32, #tpu.memory_space<vmem>>) dst(%dma_wait3A_212 : memref<16x128xf32, #tpu.memory_space<vmem_shared>>)
      tpu.yield
    }) : () -> ()
    %mul3A_131 = arith.constant 640 : i32
    %mul3A_132 = arith.muli %arg1, %mul3A_131 : i32
    %add3A_133 = arith.constant 496 : i32
    %add3A_134 = arith.addi %mul3A_132, %add3A_133 : i32
    "tpu.region"() ({
      %run_scoped3A = tpu.sem_alloc : memref<!tpu.dma_semaphore, #tpu.memory_space<semaphore_mem>>
      %dma_start3A = arith.constant 0 : i32
      %dma_start3A_207 = tpu.memref_slice %arg19[%add3A_134, %dma_start3A] : memref<10240x128xf32, #tpu.memory_space<vmem_shared>> -> memref<16x128xf32, #tpu.memory_space<vmem_shared>>
      %dma_start3A_208 = arith.constant 0 : i32
      %dma_start3A_209 = tpu.memref_slice %arg19[%add3A_134, %dma_start3A_208] : memref<10240x128xf32, #tpu.memory_space<vmem_shared>> -> memref<16x128xf32, #tpu.memory_space<vmem_shared>>
      tpu.enqueue_dma source(%arg11 : memref<16x128xf32, #tpu.memory_space<vmem>>) target(%dma_start3A_209 : memref<16x128xf32, #tpu.memory_space<vmem_shared>>) target_semaphore(%run_scoped3A : memref<!tpu.dma_semaphore, #tpu.memory_space<semaphore_mem>>)
      %dma_wait3A = arith.constant 0 : i32
      %dma_wait3A_210 = tpu.memref_slice %arg19[%add3A_134, %dma_wait3A] : memref<10240x128xf32, #tpu.memory_space<vmem_shared>> -> memref<16x128xf32, #tpu.memory_space<vmem_shared>>
      %dma_wait3A_211 = arith.constant 0 : i32
      %dma_wait3A_212 = tpu.memref_slice %arg19[%add3A_134, %dma_wait3A_211] : memref<10240x128xf32, #tpu.memory_space<vmem_shared>> -> memref<16x128xf32, #tpu.memory_space<vmem_shared>>
      tpu.wait_dma2 semaphore(%run_scoped3A : memref<!tpu.dma_semaphore, #tpu.memory_space<semaphore_mem>>) src(%arg11 : memref<16x128xf32, #tpu.memory_space<vmem>>) dst(%dma_wait3A_212 : memref<16x128xf32, #tpu.memory_space<vmem_shared>>)
      tpu.yield
    }) : () -> ()
    %mul3A_135 = arith.constant 640 : i32
    %mul3A_136 = arith.muli %arg1, %mul3A_135 : i32
    %add3A_137 = arith.constant 512 : i32
    %add3A_138 = arith.addi %mul3A_136, %add3A_137 : i32
    "tpu.region"() ({
      %run_scoped3A = tpu.sem_alloc : memref<!tpu.dma_semaphore, #tpu.memory_space<semaphore_mem>>
      %dma_start3A = arith.constant 0 : i32
      %dma_start3A_207 = tpu.memref_slice %arg19[%add3A_138, %dma_start3A] : memref<10240x128xf32, #tpu.memory_space<vmem_shared>> -> memref<16x128xf32, #tpu.memory_space<vmem_shared>>
      %dma_start3A_208 = arith.constant 0 : i32
      %dma_start3A_209 = tpu.memref_slice %arg19[%add3A_138, %dma_start3A_208] : memref<10240x128xf32, #tpu.memory_space<vmem_shared>> -> memref<16x128xf32, #tpu.memory_space<vmem_shared>>
      tpu.enqueue_dma source(%arg11 : memref<16x128xf32, #tpu.memory_space<vmem>>) target(%dma_start3A_209 : memref<16x128xf32, #tpu.memory_space<vmem_shared>>) target_semaphore(%run_scoped3A : memref<!tpu.dma_semaphore, #tpu.memory_space<semaphore_mem>>)
      %dma_wait3A = arith.constant 0 : i32
      %dma_wait3A_210 = tpu.memref_slice %arg19[%add3A_138, %dma_wait3A] : memref<10240x128xf32, #tpu.memory_space<vmem_shared>> -> memref<16x128xf32, #tpu.memory_space<vmem_shared>>
      %dma_wait3A_211 = arith.constant 0 : i32
      %dma_wait3A_212 = tpu.memref_slice %arg19[%add3A_138, %dma_wait3A_211] : memref<10240x128xf32, #tpu.memory_space<vmem_shared>> -> memref<16x128xf32, #tpu.memory_space<vmem_shared>>
      tpu.wait_dma2 semaphore(%run_scoped3A : memref<!tpu.dma_semaphore, #tpu.memory_space<semaphore_mem>>) src(%arg11 : memref<16x128xf32, #tpu.memory_space<vmem>>) dst(%dma_wait3A_212 : memref<16x128xf32, #tpu.memory_space<vmem_shared>>)
      tpu.yield
    }) : () -> ()
    %mul3A_139 = arith.constant 640 : i32
    %mul3A_140 = arith.muli %arg1, %mul3A_139 : i32
    %add3A_141 = arith.constant 528 : i32
    %add3A_142 = arith.addi %mul3A_140, %add3A_141 : i32
    "tpu.region"() ({
      %run_scoped3A = tpu.sem_alloc : memref<!tpu.dma_semaphore, #tpu.memory_space<semaphore_mem>>
      %dma_start3A = arith.constant 0 : i32
      %dma_start3A_207 = tpu.memref_slice %arg19[%add3A_142, %dma_start3A] : memref<10240x128xf32, #tpu.memory_space<vmem_shared>> -> memref<16x128xf32, #tpu.memory_space<vmem_shared>>
      %dma_start3A_208 = arith.constant 0 : i32
      %dma_start3A_209 = tpu.memref_slice %arg19[%add3A_142, %dma_start3A_208] : memref<10240x128xf32, #tpu.memory_space<vmem_shared>> -> memref<16x128xf32, #tpu.memory_space<vmem_shared>>
      tpu.enqueue_dma source(%arg11 : memref<16x128xf32, #tpu.memory_space<vmem>>) target(%dma_start3A_209 : memref<16x128xf32, #tpu.memory_space<vmem_shared>>) target_semaphore(%run_scoped3A : memref<!tpu.dma_semaphore, #tpu.memory_space<semaphore_mem>>)
      %dma_wait3A = arith.constant 0 : i32
      %dma_wait3A_210 = tpu.memref_slice %arg19[%add3A_142, %dma_wait3A] : memref<10240x128xf32, #tpu.memory_space<vmem_shared>> -> memref<16x128xf32, #tpu.memory_space<vmem_shared>>
      %dma_wait3A_211 = arith.constant 0 : i32
      %dma_wait3A_212 = tpu.memref_slice %arg19[%add3A_142, %dma_wait3A_211] : memref<10240x128xf32, #tpu.memory_space<vmem_shared>> -> memref<16x128xf32, #tpu.memory_space<vmem_shared>>
      tpu.wait_dma2 semaphore(%run_scoped3A : memref<!tpu.dma_semaphore, #tpu.memory_space<semaphore_mem>>) src(%arg11 : memref<16x128xf32, #tpu.memory_space<vmem>>) dst(%dma_wait3A_212 : memref<16x128xf32, #tpu.memory_space<vmem_shared>>)
      tpu.yield
    }) : () -> ()
    %mul3A_143 = arith.constant 640 : i32
    %mul3A_144 = arith.muli %arg1, %mul3A_143 : i32
    %add3A_145 = arith.constant 544 : i32
    %add3A_146 = arith.addi %mul3A_144, %add3A_145 : i32
    "tpu.region"() ({
      %run_scoped3A = tpu.sem_alloc : memref<!tpu.dma_semaphore, #tpu.memory_space<semaphore_mem>>
      %dma_start3A = arith.constant 0 : i32
      %dma_start3A_207 = tpu.memref_slice %arg19[%add3A_146, %dma_start3A] : memref<10240x128xf32, #tpu.memory_space<vmem_shared>> -> memref<16x128xf32, #tpu.memory_space<vmem_shared>>
      %dma_start3A_208 = arith.constant 0 : i32
      %dma_start3A_209 = tpu.memref_slice %arg19[%add3A_146, %dma_start3A_208] : memref<10240x128xf32, #tpu.memory_space<vmem_shared>> -> memref<16x128xf32, #tpu.memory_space<vmem_shared>>
      tpu.enqueue_dma source(%arg11 : memref<16x128xf32, #tpu.memory_space<vmem>>) target(%dma_start3A_209 : memref<16x128xf32, #tpu.memory_space<vmem_shared>>) target_semaphore(%run_scoped3A : memref<!tpu.dma_semaphore, #tpu.memory_space<semaphore_mem>>)
      %dma_wait3A = arith.constant 0 : i32
      %dma_wait3A_210 = tpu.memref_slice %arg19[%add3A_146, %dma_wait3A] : memref<10240x128xf32, #tpu.memory_space<vmem_shared>> -> memref<16x128xf32, #tpu.memory_space<vmem_shared>>
      %dma_wait3A_211 = arith.constant 0 : i32
      %dma_wait3A_212 = tpu.memref_slice %arg19[%add3A_146, %dma_wait3A_211] : memref<10240x128xf32, #tpu.memory_space<vmem_shared>> -> memref<16x128xf32, #tpu.memory_space<vmem_shared>>
      tpu.wait_dma2 semaphore(%run_scoped3A : memref<!tpu.dma_semaphore, #tpu.memory_space<semaphore_mem>>) src(%arg11 : memref<16x128xf32, #tpu.memory_space<vmem>>) dst(%dma_wait3A_212 : memref<16x128xf32, #tpu.memory_space<vmem_shared>>)
      tpu.yield
    }) : () -> ()
    %mul3A_147 = arith.constant 640 : i32
    %mul3A_148 = arith.muli %arg1, %mul3A_147 : i32
    %add3A_149 = arith.constant 560 : i32
    %add3A_150 = arith.addi %mul3A_148, %add3A_149 : i32
    "tpu.region"() ({
      %run_scoped3A = tpu.sem_alloc : memref<!tpu.dma_semaphore, #tpu.memory_space<semaphore_mem>>
      %dma_start3A = arith.constant 0 : i32
      %dma_start3A_207 = tpu.memref_slice %arg19[%add3A_150, %dma_start3A] : memref<10240x128xf32, #tpu.memory_space<vmem_shared>> -> memref<16x128xf32, #tpu.memory_space<vmem_shared>>
      %dma_start3A_208 = arith.constant 0 : i32
      %dma_start3A_209 = tpu.memref_slice %arg19[%add3A_150, %dma_start3A_208] : memref<10240x128xf32, #tpu.memory_space<vmem_shared>> -> memref<16x128xf32, #tpu.memory_space<vmem_shared>>
      tpu.enqueue_dma source(%arg11 : memref<16x128xf32, #tpu.memory_space<vmem>>) target(%dma_start3A_209 : memref<16x128xf32, #tpu.memory_space<vmem_shared>>) target_semaphore(%run_scoped3A : memref<!tpu.dma_semaphore, #tpu.memory_space<semaphore_mem>>)
      %dma_wait3A = arith.constant 0 : i32
      %dma_wait3A_210 = tpu.memref_slice %arg19[%add3A_150, %dma_wait3A] : memref<10240x128xf32, #tpu.memory_space<vmem_shared>> -> memref<16x128xf32, #tpu.memory_space<vmem_shared>>
      %dma_wait3A_211 = arith.constant 0 : i32
      %dma_wait3A_212 = tpu.memref_slice %arg19[%add3A_150, %dma_wait3A_211] : memref<10240x128xf32, #tpu.memory_space<vmem_shared>> -> memref<16x128xf32, #tpu.memory_space<vmem_shared>>
      tpu.wait_dma2 semaphore(%run_scoped3A : memref<!tpu.dma_semaphore, #tpu.memory_space<semaphore_mem>>) src(%arg11 : memref<16x128xf32, #tpu.memory_space<vmem>>) dst(%dma_wait3A_212 : memref<16x128xf32, #tpu.memory_space<vmem_shared>>)
      tpu.yield
    }) : () -> ()
    %mul3A_151 = arith.constant 640 : i32
    %mul3A_152 = arith.muli %arg1, %mul3A_151 : i32
    %add3A_153 = arith.constant 576 : i32
    %add3A_154 = arith.addi %mul3A_152, %add3A_153 : i32
    "tpu.region"() ({
      %run_scoped3A = tpu.sem_alloc : memref<!tpu.dma_semaphore, #tpu.memory_space<semaphore_mem>>
      %dma_start3A = arith.constant 0 : i32
      %dma_start3A_207 = tpu.memref_slice %arg19[%add3A_154, %dma_start3A] : memref<10240x128xf32, #tpu.memory_space<vmem_shared>> -> memref<16x128xf32, #tpu.memory_space<vmem_shared>>
      %dma_start3A_208 = arith.constant 0 : i32
      %dma_start3A_209 = tpu.memref_slice %arg19[%add3A_154, %dma_start3A_208] : memref<10240x128xf32, #tpu.memory_space<vmem_shared>> -> memref<16x128xf32, #tpu.memory_space<vmem_shared>>
      tpu.enqueue_dma source(%arg11 : memref<16x128xf32, #tpu.memory_space<vmem>>) target(%dma_start3A_209 : memref<16x128xf32, #tpu.memory_space<vmem_shared>>) target_semaphore(%run_scoped3A : memref<!tpu.dma_semaphore, #tpu.memory_space<semaphore_mem>>)
      %dma_wait3A = arith.constant 0 : i32
      %dma_wait3A_210 = tpu.memref_slice %arg19[%add3A_154, %dma_wait3A] : memref<10240x128xf32, #tpu.memory_space<vmem_shared>> -> memref<16x128xf32, #tpu.memory_space<vmem_shared>>
      %dma_wait3A_211 = arith.constant 0 : i32
      %dma_wait3A_212 = tpu.memref_slice %arg19[%add3A_154, %dma_wait3A_211] : memref<10240x128xf32, #tpu.memory_space<vmem_shared>> -> memref<16x128xf32, #tpu.memory_space<vmem_shared>>
      tpu.wait_dma2 semaphore(%run_scoped3A : memref<!tpu.dma_semaphore, #tpu.memory_space<semaphore_mem>>) src(%arg11 : memref<16x128xf32, #tpu.memory_space<vmem>>) dst(%dma_wait3A_212 : memref<16x128xf32, #tpu.memory_space<vmem_shared>>)
      tpu.yield
    }) : () -> ()
    %mul3A_155 = arith.constant 640 : i32
    %mul3A_156 = arith.muli %arg1, %mul3A_155 : i32
    %add3A_157 = arith.constant 592 : i32
    %add3A_158 = arith.addi %mul3A_156, %add3A_157 : i32
    "tpu.region"() ({
      %run_scoped3A = tpu.sem_alloc : memref<!tpu.dma_semaphore, #tpu.memory_space<semaphore_mem>>
      %dma_start3A = arith.constant 0 : i32
      %dma_start3A_207 = tpu.memref_slice %arg19[%add3A_158, %dma_start3A] : memref<10240x128xf32, #tpu.memory_space<vmem_shared>> -> memref<16x128xf32, #tpu.memory_space<vmem_shared>>
      %dma_start3A_208 = arith.constant 0 : i32
      %dma_start3A_209 = tpu.memref_slice %arg19[%add3A_158, %dma_start3A_208] : memref<10240x128xf32, #tpu.memory_space<vmem_shared>> -> memref<16x128xf32, #tpu.memory_space<vmem_shared>>
      tpu.enqueue_dma source(%arg11 : memref<16x128xf32, #tpu.memory_space<vmem>>) target(%dma_start3A_209 : memref<16x128xf32, #tpu.memory_space<vmem_shared>>) target_semaphore(%run_scoped3A : memref<!tpu.dma_semaphore, #tpu.memory_space<semaphore_mem>>)
      %dma_wait3A = arith.constant 0 : i32
      %dma_wait3A_210 = tpu.memref_slice %arg19[%add3A_158, %dma_wait3A] : memref<10240x128xf32, #tpu.memory_space<vmem_shared>> -> memref<16x128xf32, #tpu.memory_space<vmem_shared>>
      %dma_wait3A_211 = arith.constant 0 : i32
      %dma_wait3A_212 = tpu.memref_slice %arg19[%add3A_158, %dma_wait3A_211] : memref<10240x128xf32, #tpu.memory_space<vmem_shared>> -> memref<16x128xf32, #tpu.memory_space<vmem_shared>>
      tpu.wait_dma2 semaphore(%run_scoped3A : memref<!tpu.dma_semaphore, #tpu.memory_space<semaphore_mem>>) src(%arg11 : memref<16x128xf32, #tpu.memory_space<vmem>>) dst(%dma_wait3A_212 : memref<16x128xf32, #tpu.memory_space<vmem_shared>>)
      tpu.yield
    }) : () -> ()
    %mul3A_159 = arith.constant 640 : i32
    %mul3A_160 = arith.muli %arg1, %mul3A_159 : i32
    %add3A_161 = arith.constant 608 : i32
    %add3A_162 = arith.addi %mul3A_160, %add3A_161 : i32
    "tpu.region"() ({
      %run_scoped3A = tpu.sem_alloc : memref<!tpu.dma_semaphore, #tpu.memory_space<semaphore_mem>>
      %dma_start3A = arith.constant 0 : i32
      %dma_start3A_207 = tpu.memref_slice %arg19[%add3A_162, %dma_start3A] : memref<10240x128xf32, #tpu.memory_space<vmem_shared>> -> memref<16x128xf32, #tpu.memory_space<vmem_shared>>
      %dma_start3A_208 = arith.constant 0 : i32
      %dma_start3A_209 = tpu.memref_slice %arg19[%add3A_162, %dma_start3A_208] : memref<10240x128xf32, #tpu.memory_space<vmem_shared>> -> memref<16x128xf32, #tpu.memory_space<vmem_shared>>
      tpu.enqueue_dma source(%arg11 : memref<16x128xf32, #tpu.memory_space<vmem>>) target(%dma_start3A_209 : memref<16x128xf32, #tpu.memory_space<vmem_shared>>) target_semaphore(%run_scoped3A : memref<!tpu.dma_semaphore, #tpu.memory_space<semaphore_mem>>)
      %dma_wait3A = arith.constant 0 : i32
      %dma_wait3A_210 = tpu.memref_slice %arg19[%add3A_162, %dma_wait3A] : memref<10240x128xf32, #tpu.memory_space<vmem_shared>> -> memref<16x128xf32, #tpu.memory_space<vmem_shared>>
      %dma_wait3A_211 = arith.constant 0 : i32
      %dma_wait3A_212 = tpu.memref_slice %arg19[%add3A_162, %dma_wait3A_211] : memref<10240x128xf32, #tpu.memory_space<vmem_shared>> -> memref<16x128xf32, #tpu.memory_space<vmem_shared>>
      tpu.wait_dma2 semaphore(%run_scoped3A : memref<!tpu.dma_semaphore, #tpu.memory_space<semaphore_mem>>) src(%arg11 : memref<16x128xf32, #tpu.memory_space<vmem>>) dst(%dma_wait3A_212 : memref<16x128xf32, #tpu.memory_space<vmem_shared>>)
      tpu.yield
    }) : () -> ()
    %mul3A_163 = arith.constant 640 : i32
    %mul3A_164 = arith.muli %arg1, %mul3A_163 : i32
    %add3A_165 = arith.constant 624 : i32
    %add3A_166 = arith.addi %mul3A_164, %add3A_165 : i32
    "tpu.region"() ({
      %run_scoped3A = tpu.sem_alloc : memref<!tpu.dma_semaphore, #tpu.memory_space<semaphore_mem>>
      %dma_start3A = arith.constant 0 : i32
      %dma_start3A_207 = tpu.memref_slice %arg19[%add3A_166, %dma_start3A] : memref<10240x128xf32, #tpu.memory_space<vmem_shared>> -> memref<16x128xf32, #tpu.memory_space<vmem_shared>>
      %dma_start3A_208 = arith.constant 0 : i32
      %dma_start3A_209 = tpu.memref_slice %arg19[%add3A_166, %dma_start3A_208] : memref<10240x128xf32, #tpu.memory_space<vmem_shared>> -> memref<16x128xf32, #tpu.memory_space<vmem_shared>>
      tpu.enqueue_dma source(%arg11 : memref<16x128xf32, #tpu.memory_space<vmem>>) target(%dma_start3A_209 : memref<16x128xf32, #tpu.memory_space<vmem_shared>>) target_semaphore(%run_scoped3A : memref<!tpu.dma_semaphore, #tpu.memory_space<semaphore_mem>>)
      %dma_wait3A = arith.constant 0 : i32
      %dma_wait3A_210 = tpu.memref_slice %arg19[%add3A_166, %dma_wait3A] : memref<10240x128xf32, #tpu.memory_space<vmem_shared>> -> memref<16x128xf32, #tpu.memory_space<vmem_shared>>
      %dma_wait3A_211 = arith.constant 0 : i32
      %dma_wait3A_212 = tpu.memref_slice %arg19[%add3A_166, %dma_wait3A_211] : memref<10240x128xf32, #tpu.memory_space<vmem_shared>> -> memref<16x128xf32, #tpu.memory_space<vmem_shared>>
      tpu.wait_dma2 semaphore(%run_scoped3A : memref<!tpu.dma_semaphore, #tpu.memory_space<semaphore_mem>>) src(%arg11 : memref<16x128xf32, #tpu.memory_space<vmem>>) dst(%dma_wait3A_212 : memref<16x128xf32, #tpu.memory_space<vmem_shared>>)
      tpu.yield
    }) : () -> ()
    %broadcast_in_dim3A_167 = arith.constant 0.000000e+00 : f32
    %broadcast_in_dim3A_168 = vector.broadcast %broadcast_in_dim3A_167 : f32 to vector<16xf32>
    %scan3A_169 = arith.constant 0 : i32
    %scan3A_170 = arith.constant 0 : i32
    %scan3A_171 = arith.constant 40 : i32
    %scan3A_172 = arith.addi %scan3A_170, %scan3A_171 : i32
    %scan3A_173 = arith.constant 1 : i32
    %scan3A_174 = scf.for %scan3A_207 = %scan3A_170 to %scan3A_172 step %scan3A_173 iter_args(%scan3A_208 = %scan3A_169) -> (i32)  : i32 {
      %mul3A_209 = arith.constant 16 : i32
      %mul3A_210 = arith.muli %scan3A_207, %mul3A_209 : i32
      %swap3A = arith.index_cast %mul3A_210 : i32 to index
      %swap3A_211 = tpu.vector_load %arg18[%swap3A] {strides = array<i32>} : memref<640xf32, #tpu.memory_space<vmem>>, vector<16xf32>,
      tpu.vector_store %arg18[%swap3A], %broadcast_in_dim3A_168 {strides = array<i32>} : memref<640xf32, #tpu.memory_space<vmem>>, vector<16xf32>,
      %scan3A_212 = arith.constant 0 : i32
      scf.yield %scan3A_212 : i32
    }
    %scan3A_175 = arith.constant 40 : i32
    %mul3A_176 = arith.constant 640 : i32
    %mul3A_177 = arith.muli %arg1, %mul3A_176 : i32
    "tpu.region"() ({
      %run_scoped3A = tpu.sem_alloc : memref<!tpu.dma_semaphore, #tpu.memory_space<semaphore_mem>>
      %dma_start3A = tpu.memref_slice %arg20[%mul3A_177] : memref<10240xf32, #tpu.memory_space<vmem_shared>> -> memref<640xf32, #tpu.memory_space<vmem_shared>>
      %dma_start3A_207 = tpu.memref_slice %arg20[%mul3A_177] : memref<10240xf32, #tpu.memory_space<vmem_shared>> -> memref<640xf32, #tpu.memory_space<vmem_shared>>
      tpu.enqueue_dma source(%arg18 : memref<640xf32, #tpu.memory_space<vmem>>) target(%dma_start3A_207 : memref<640xf32, #tpu.memory_space<vmem_shared>>) target_semaphore(%run_scoped3A : memref<!tpu.dma_semaphore, #tpu.memory_space<semaphore_mem>>)
      %dma_wait3A = tpu.memref_slice %arg20[%mul3A_177] : memref<10240xf32, #tpu.memory_space<vmem_shared>> -> memref<640xf32, #tpu.memory_space<vmem_shared>>
      %dma_wait3A_208 = tpu.memref_slice %arg20[%mul3A_177] : memref<10240xf32, #tpu.memory_space<vmem_shared>> -> memref<640xf32, #tpu.memory_space<vmem_shared>>
      tpu.wait_dma2 semaphore(%run_scoped3A : memref<!tpu.dma_semaphore, #tpu.memory_space<semaphore_mem>>) src(%arg18 : memref<640xf32, #tpu.memory_space<vmem>>) dst(%dma_wait3A_208 : memref<640xf32, #tpu.memory_space<vmem_shared>>)
      tpu.yield
    }) : () -> ()
    %scan3A_178 = arith.constant 0 : i32
    %scan3A_179 = arith.constant 0 : i32
    %scan3A_180 = arith.constant 32 : i32
    %scan3A_181 = arith.addi %scan3A_179, %scan3A_180 : i32
    %scan3A_182 = arith.constant 1 : i32
    %scan3A_183 = scf.for %scan3A_207 = %scan3A_179 to %scan3A_181 step %scan3A_182 iter_args(%scan3A_208 = %scan3A_178) -> (i32)  : i32 {
      %mul3A_209 = arith.constant 16 : i32
      %mul3A_210 = arith.muli %scan3A_207, %mul3A_209 : i32
      %swap3A = arith.index_cast %mul3A_210 : i32 to index
      %swap3A_211 = tpu.vector_load %arg17[%swap3A] {strides = array<i32>} : memref<512xf32, #tpu.memory_space<vmem>>, vector<16xf32>,
      tpu.vector_store %arg17[%swap3A], %broadcast_in_dim3A_0 {strides = array<i32>} : memref<512xf32, #tpu.memory_space<vmem>>, vector<16xf32>,
      %scan3A_212 = arith.constant 0 : i32
      scf.yield %scan3A_212 : i32
    }
    %scan3A_184 = arith.constant 32 : i32
    %mul3A_185 = arith.constant 10112 : i32
    %mul3A_186 = arith.muli %arg1, %mul3A_185 : i32
    "tpu.region"() ({
      %run_scoped3A = tpu.sem_alloc : memref<!tpu.dma_semaphore, #tpu.memory_space<semaphore_mem>>
      %dma_start3A = tpu.memref_slice %arg4[%mul3A_186] : memref<161792xi32, #tpu.memory_space<hbm>> -> memref<10112xi32, #tpu.memory_space<hbm>>
      %dma_start3A_207 = tpu.memref_slice %arg4[%mul3A_186] : memref<161792xi32, #tpu.memory_space<hbm>> -> memref<10112xi32, #tpu.memory_space<hbm>>
      tpu.enqueue_dma source(%dma_start3A_207 : memref<10112xi32, #tpu.memory_space<hbm>>) target(%arg9 : memref<10112xi32, #tpu.memory_space<vmem>>) target_semaphore(%run_scoped3A : memref<!tpu.dma_semaphore, #tpu.memory_space<semaphore_mem>>)
      %dma_wait3A = tpu.memref_slice %arg4[%mul3A_186] : memref<161792xi32, #tpu.memory_space<hbm>> -> memref<10112xi32, #tpu.memory_space<hbm>>
      %dma_wait3A_208 = tpu.memref_slice %arg4[%mul3A_186] : memref<161792xi32, #tpu.memory_space<hbm>> -> memref<10112xi32, #tpu.memory_space<hbm>>
      tpu.wait_dma2 semaphore(%run_scoped3A : memref<!tpu.dma_semaphore, #tpu.memory_space<semaphore_mem>>) src(%dma_wait3A_208 : memref<10112xi32, #tpu.memory_space<hbm>>) dst(%arg9 : memref<10112xi32, #tpu.memory_space<vmem>>)
      tpu.yield
    }) : () -> ()
    %mul3A_187 = arith.constant 10112 : i32
    %mul3A_188 = arith.muli %arg1, %mul3A_187 : i32
    "tpu.region"() ({
      %run_scoped3A = tpu.sem_alloc : memref<!tpu.dma_semaphore, #tpu.memory_space<semaphore_mem>>
      %dma_start3A = tpu.memref_slice %arg5[%mul3A_188] : memref<161792xi32, #tpu.memory_space<hbm>> -> memref<10112xi32, #tpu.memory_space<hbm>>
      %dma_start3A_207 = tpu.memref_slice %arg5[%mul3A_188] : memref<161792xi32, #tpu.memory_space<hbm>> -> memref<10112xi32, #tpu.memory_space<hbm>>
      tpu.enqueue_dma source(%dma_start3A_207 : memref<10112xi32, #tpu.memory_space<hbm>>) target(%arg10 : memref<10112xi32, #tpu.memory_space<vmem>>) target_semaphore(%run_scoped3A : memref<!tpu.dma_semaphore, #tpu.memory_space<semaphore_mem>>)
      %dma_wait3A = tpu.memref_slice %arg5[%mul3A_188] : memref<161792xi32, #tpu.memory_space<hbm>> -> memref<10112xi32, #tpu.memory_space<hbm>>
      %dma_wait3A_208 = tpu.memref_slice %arg5[%mul3A_188] : memref<161792xi32, #tpu.memory_space<hbm>> -> memref<10112xi32, #tpu.memory_space<hbm>>
      tpu.wait_dma2 semaphore(%run_scoped3A : memref<!tpu.dma_semaphore, #tpu.memory_space<semaphore_mem>>) src(%dma_wait3A_208 : memref<10112xi32, #tpu.memory_space<hbm>>) dst(%arg10 : memref<10112xi32, #tpu.memory_space<vmem>>)
      tpu.yield
    }) : () -> ()
    %barrier3A = arith.constant 0 : index
    tpu.barrier barrier_id(%barrier3A)
    %eq3A = arith.constant 0 : i32
    %eq3A_189 = arith.cmpi eq, %arg0, %eq3A : i32
    %convert_element_type3A = arith.extui %eq3A_189 : i1 to i32
    %cond3A = arith.constant 0 : i32
    %cond3A_190 = arith.cmpi ne, %convert_element_type3A, %cond3A : i32
    scf.if %cond3A_190 {
      %dma_start3A = arith.constant 0 : i32
      %dma_start3A_207 = tpu.memref_slice %arg9[%dma_start3A] : memref<10112xi32, #tpu.memory_space<vmem>> -> memref<16xi32, #tpu.memory_space<vmem>>
      %dma_start3A_208 = arith.constant 0 : i32
      %dma_start3A_209 = arith.constant 0 : i32
      %dma_start3A_210 = tpu.memref_slice %arg2[%dma_start3A_208, %dma_start3A_209] : memref<10000x128xf32, #tpu.memory_space<hbm>> -> memref<10000x128xf32, #tpu.memory_space<hbm>>
      tpu.enqueue_indirect_dma source(%dma_start3A_210 : memref<10000x128xf32, #tpu.memory_space<hbm>>) target(%arg11 : memref<16x128xf32, #tpu.memory_space<vmem>>) offsets(%dma_start3A_207 : memref<16xi32, #tpu.memory_space<vmem>>) semaphore(%arg21 : memref<!tpu.dma_semaphore, #tpu.memory_space<semaphore_mem>>)
      %dma_start3A_211 = arith.constant 16 : i32
      %dma_start3A_212 = tpu.memref_slice %arg9[%dma_start3A_211] : memref<10112xi32, #tpu.memory_space<vmem>> -> memref<16xi32, #tpu.memory_space<vmem>>
      %dma_start3A_213 = arith.constant 0 : i32
      %dma_start3A_214 = arith.constant 0 : i32
      %dma_start3A_215 = tpu.memref_slice %arg2[%dma_start3A_213, %dma_start3A_214] : memref<10000x128xf32, #tpu.memory_space<hbm>> -> memref<10000x128xf32, #tpu.memory_space<hbm>>
      tpu.enqueue_indirect_dma source(%dma_start3A_215 : memref<10000x128xf32, #tpu.memory_space<hbm>>) target(%arg12 : memref<16x128xf32, #tpu.memory_space<vmem>>) offsets(%dma_start3A_212 : memref<16xi32, #tpu.memory_space<vmem>>) semaphore(%arg22 : memref<!tpu.dma_semaphore, #tpu.memory_space<semaphore_mem>>)
      %dma_start3A_216 = arith.constant 32 : i32
      %dma_start3A_217 = tpu.memref_slice %arg9[%dma_start3A_216] : memref<10112xi32, #tpu.memory_space<vmem>> -> memref<16xi32, #tpu.memory_space<vmem>>
      %dma_start3A_218 = arith.constant 0 : i32
      %dma_start3A_219 = arith.constant 0 : i32
      %dma_start3A_220 = tpu.memref_slice %arg2[%dma_start3A_218, %dma_start3A_219] : memref<10000x128xf32, #tpu.memory_space<hbm>> -> memref<10000x128xf32, #tpu.memory_space<hbm>>
      tpu.enqueue_indirect_dma source(%dma_start3A_220 : memref<10000x128xf32, #tpu.memory_space<hbm>>) target(%arg13 : memref<16x128xf32, #tpu.memory_space<vmem>>) offsets(%dma_start3A_217 : memref<16xi32, #tpu.memory_space<vmem>>) semaphore(%arg23 : memref<!tpu.dma_semaphore, #tpu.memory_space<semaphore_mem>>)
      %dma_start3A_221 = arith.constant 48 : i32
      %dma_start3A_222 = tpu.memref_slice %arg9[%dma_start3A_221] : memref<10112xi32, #tpu.memory_space<vmem>> -> memref<16xi32, #tpu.memory_space<vmem>>
      %dma_start3A_223 = arith.constant 0 : i32
      %dma_start3A_224 = arith.constant 0 : i32
      %dma_start3A_225 = tpu.memref_slice %arg2[%dma_start3A_223, %dma_start3A_224] : memref<10000x128xf32, #tpu.memory_space<hbm>> -> memref<10000x128xf32, #tpu.memory_space<hbm>>
      tpu.enqueue_indirect_dma source(%dma_start3A_225 : memref<10000x128xf32, #tpu.memory_space<hbm>>) target(%arg14 : memref<16x128xf32, #tpu.memory_space<vmem>>) offsets(%dma_start3A_222 : memref<16xi32, #tpu.memory_space<vmem>>) semaphore(%arg24 : memref<!tpu.dma_semaphore, #tpu.memory_space<semaphore_mem>>)
      %dma_start3A_226 = arith.constant 64 : i32
      %dma_start3A_227 = tpu.memref_slice %arg9[%dma_start3A_226] : memref<10112xi32, #tpu.memory_space<vmem>> -> memref<16xi32, #tpu.memory_space<vmem>>
      %dma_start3A_228 = arith.constant 0 : i32
      %dma_start3A_229 = arith.constant 0 : i32
      %dma_start3A_230 = tpu.memref_slice %arg2[%dma_start3A_228, %dma_start3A_229] : memref<10000x128xf32, #tpu.memory_space<hbm>> -> memref<10000x128xf32, #tpu.memory_space<hbm>>
      tpu.enqueue_indirect_dma source(%dma_start3A_230 : memref<10000x128xf32, #tpu.memory_space<hbm>>) target(%arg15 : memref<16x128xf32, #tpu.memory_space<vmem>>) offsets(%dma_start3A_227 : memref<16xi32, #tpu.memory_space<vmem>>) semaphore(%arg25 : memref<!tpu.dma_semaphore, #tpu.memory_space<semaphore_mem>>)
      %dma_start3A_231 = arith.constant 80 : i32
      %dma_start3A_232 = tpu.memref_slice %arg9[%dma_start3A_231] : memref<10112xi32, #tpu.memory_space<vmem>> -> memref<16xi32, #tpu.memory_space<vmem>>
      %dma_start3A_233 = arith.constant 0 : i32
      %dma_start3A_234 = arith.constant 0 : i32
      %dma_start3A_235 = tpu.memref_slice %arg2[%dma_start3A_233, %dma_start3A_234] : memref<10000x128xf32, #tpu.memory_space<hbm>> -> memref<10000x128xf32, #tpu.memory_space<hbm>>
      tpu.enqueue_indirect_dma source(%dma_start3A_235 : memref<10000x128xf32, #tpu.memory_space<hbm>>) target(%arg16 : memref<16x128xf32, #tpu.memory_space<vmem>>) offsets(%dma_start3A_232 : memref<16xi32, #tpu.memory_space<vmem>>) semaphore(%arg26 : memref<!tpu.dma_semaphore, #tpu.memory_space<semaphore_mem>>)
      %scan3A_236 = arith.constant 0 : i32
      %scan3A_237 = arith.constant 0 : i32
      %scan3A_238 = arith.constant 105 : i32
      %scan3A_239 = arith.addi %scan3A_237, %scan3A_238 : i32
      %scan3A_240 = arith.constant 1 : i32
      %scan3A_241 = scf.for %scan3A_252 = %scan3A_237 to %scan3A_239 step %scan3A_240 iter_args(%scan3A_253 = %scan3A_236) -> (i32)  : i32 {
        %mul3A_254 = arith.constant 6 : i32
        %mul3A_255 = arith.muli %mul3A_254, %scan3A_252 : i32
        %add3A_256 = arith.constant 0 : i32
        %add3A_257 = arith.addi %mul3A_255, %add3A_256 : i32
        %mul3A_258 = arith.constant 16 : i32
        %mul3A_259 = arith.muli %add3A_257, %mul3A_258 : i32
        %dma_wait3A_260 = tpu.memref_slice %arg9[%mul3A_259] : memref<10112xi32, #tpu.memory_space<vmem>> -> memref<16xi32, #tpu.memory_space<vmem>>
        %dma_wait3A_261 = arith.constant 0 : i32
        %dma_wait3A_262 = arith.constant 0 : i32
        %dma_wait3A_263 = tpu.memref_slice %arg2[%dma_wait3A_261, %dma_wait3A_262] : memref<10000x128xf32, #tpu.memory_space<hbm>> -> memref<10000x128xf32, #tpu.memory_space<hbm>>
        tpu.wait_indirect_dma semaphore(%arg21 : memref<!tpu.dma_semaphore, #tpu.memory_space<semaphore_mem>>) src(%dma_wait3A_263 : memref<10000x128xf32, #tpu.memory_space<hbm>>) dst(%arg11 : memref<16x128xf32, #tpu.memory_space<vmem>>)
        %mul3A_264 = arith.constant 16 : i32
        %mul3A_265 = arith.muli %add3A_257, %mul3A_264 : i32
        "tpu.region"() ({
          %run_scoped3A = tpu.sem_alloc : memref<!tpu.dma_semaphore, #tpu.memory_space<semaphore_mem>>
          %dma_start3A_358 = tpu.memref_slice %arg10[%mul3A_265] : memref<10112xi32, #tpu.memory_space<vmem>> -> memref<16xi32, #tpu.memory_space<vmem>>
          %dma_start3A_359 = arith.constant 0 : i32
          %dma_start3A_360 = arith.constant 0 : i32
          %dma_start3A_361 = tpu.memref_slice %arg19[%dma_start3A_359, %dma_start3A_360] : memref<10240x128xf32, #tpu.memory_space<vmem_shared>> -> memref<10240x128xf32, #tpu.memory_space<vmem_shared>>
          tpu.enqueue_indirect_dma source(%arg11 : memref<16x128xf32, #tpu.memory_space<vmem>>) target(%dma_start3A_361 : memref<10240x128xf32, #tpu.memory_space<vmem_shared>>) offsets(%dma_start3A_358 : memref<16xi32, #tpu.memory_space<vmem>>) semaphore(%run_scoped3A : memref<!tpu.dma_semaphore, #tpu.memory_space<semaphore_mem>>) {add = true}
          %dma_wait3A_362 = tpu.memref_slice %arg10[%mul3A_265] : memref<10112xi32, #tpu.memory_space<vmem>> -> memref<16xi32, #tpu.memory_space<vmem>>
          %dma_wait3A_363 = arith.constant 0 : i32
          %dma_wait3A_364 = arith.constant 0 : i32
          %dma_wait3A_365 = tpu.memref_slice %arg19[%dma_wait3A_363, %dma_wait3A_364] : memref<10240x128xf32, #tpu.memory_space<vmem_shared>> -> memref<10240x128xf32, #tpu.memory_space<vmem_shared>>
          tpu.wait_indirect_dma semaphore(%run_scoped3A : memref<!tpu.dma_semaphore, #tpu.memory_space<semaphore_mem>>) src(%arg11 : memref<16x128xf32, #tpu.memory_space<vmem>>) dst(%dma_wait3A_365 : memref<10240x128xf32, #tpu.memory_space<vmem_shared>>)
          tpu.yield
        }) : () -> ()
        %add3A_266 = arith.constant 6 : i32
        %add3A_267 = arith.addi %add3A_257, %add3A_266 : i32
        %lt3A = arith.constant 632 : i32
        %lt3A_268 = arith.cmpi slt, %add3A_267, %lt3A : i32
        %convert_element_type3A_269 = arith.extui %lt3A_268 : i1 to i32
        %cond3A_270 = arith.constant 0 : i32
        %cond3A_271 = arith.cmpi ne, %convert_element_type3A_269, %cond3A_270 : i32
        scf.if %cond3A_271 {
          %add3A_358 = arith.constant 6 : i32
          %add3A_359 = arith.addi %add3A_257, %add3A_358 : i32
          %mul3A_360 = arith.constant 16 : i32
          %mul3A_361 = arith.muli %add3A_359, %mul3A_360 : i32
          %dma_start3A_362 = tpu.memref_slice %arg9[%mul3A_361] : memref<10112xi32, #tpu.memory_space<vmem>> -> memref<16xi32, #tpu.memory_space<vmem>>
          %dma_start3A_363 = arith.constant 0 : i32
          %dma_start3A_364 = arith.constant 0 : i32
          %dma_start3A_365 = tpu.memref_slice %arg2[%dma_start3A_363, %dma_start3A_364] : memref<10000x128xf32, #tpu.memory_space<hbm>> -> memref<10000x128xf32, #tpu.memory_space<hbm>>
          tpu.enqueue_indirect_dma source(%dma_start3A_365 : memref<10000x128xf32, #tpu.memory_space<hbm>>) target(%arg11 : memref<16x128xf32, #tpu.memory_space<vmem>>) offsets(%dma_start3A_362 : memref<16xi32, #tpu.memory_space<vmem>>) semaphore(%arg21 : memref<!tpu.dma_semaphore, #tpu.memory_space<semaphore_mem>>)
        } else {
        }
        %add3A_272 = arith.constant 1 : i32
        %add3A_273 = arith.addi %mul3A_255, %add3A_272 : i32
        %mul3A_274 = arith.constant 16 : i32
        %mul3A_275 = arith.muli %add3A_273, %mul3A_274 : i32
        %dma_wait3A_276 = tpu.memref_slice %arg9[%mul3A_275] : memref<10112xi32, #tpu.memory_space<vmem>> -> memref<16xi32, #tpu.memory_space<vmem>>
        %dma_wait3A_277 = arith.constant 0 : i32
        %dma_wait3A_278 = arith.constant 0 : i32
        %dma_wait3A_279 = tpu.memref_slice %arg2[%dma_wait3A_277, %dma_wait3A_278] : memref<10000x128xf32, #tpu.memory_space<hbm>> -> memref<10000x128xf32, #tpu.memory_space<hbm>>
        tpu.wait_indirect_dma semaphore(%arg22 : memref<!tpu.dma_semaphore, #tpu.memory_space<semaphore_mem>>) src(%dma_wait3A_279 : memref<10000x128xf32, #tpu.memory_space<hbm>>) dst(%arg12 : memref<16x128xf32, #tpu.memory_space<vmem>>)
        %mul3A_280 = arith.constant 16 : i32
        %mul3A_281 = arith.muli %add3A_273, %mul3A_280 : i32
        "tpu.region"() ({
          %run_scoped3A = tpu.sem_alloc : memref<!tpu.dma_semaphore, #tpu.memory_space<semaphore_mem>>
          %dma_start3A_358 = tpu.memref_slice %arg10[%mul3A_281] : memref<10112xi32, #tpu.memory_space<vmem>> -> memref<16xi32, #tpu.memory_space<vmem>>
          %dma_start3A_359 = arith.constant 0 : i32
          %dma_start3A_360 = arith.constant 0 : i32
          %dma_start3A_361 = tpu.memref_slice %arg19[%dma_start3A_359, %dma_start3A_360] : memref<10240x128xf32, #tpu.memory_space<vmem_shared>> -> memref<10240x128xf32, #tpu.memory_space<vmem_shared>>
          tpu.enqueue_indirect_dma source(%arg12 : memref<16x128xf32, #tpu.memory_space<vmem>>) target(%dma_start3A_361 : memref<10240x128xf32, #tpu.memory_space<vmem_shared>>) offsets(%dma_start3A_358 : memref<16xi32, #tpu.memory_space<vmem>>) semaphore(%run_scoped3A : memref<!tpu.dma_semaphore, #tpu.memory_space<semaphore_mem>>) {add = true}
          %dma_wait3A_362 = tpu.memref_slice %arg10[%mul3A_281] : memref<10112xi32, #tpu.memory_space<vmem>> -> memref<16xi32, #tpu.memory_space<vmem>>
          %dma_wait3A_363 = arith.constant 0 : i32
          %dma_wait3A_364 = arith.constant 0 : i32
          %dma_wait3A_365 = tpu.memref_slice %arg19[%dma_wait3A_363, %dma_wait3A_364] : memref<10240x128xf32, #tpu.memory_space<vmem_shared>> -> memref<10240x128xf32, #tpu.memory_space<vmem_shared>>
          tpu.wait_indirect_dma semaphore(%run_scoped3A : memref<!tpu.dma_semaphore, #tpu.memory_space<semaphore_mem>>) src(%arg12 : memref<16x128xf32, #tpu.memory_space<vmem>>) dst(%dma_wait3A_365 : memref<10240x128xf32, #tpu.memory_space<vmem_shared>>)
          tpu.yield
        }) : () -> ()
        %add3A_282 = arith.constant 6 : i32
        %add3A_283 = arith.addi %add3A_273, %add3A_282 : i32
        %lt3A_284 = arith.constant 632 : i32
        %lt3A_285 = arith.cmpi slt, %add3A_283, %lt3A_284 : i32
        %convert_element_type3A_286 = arith.extui %lt3A_285 : i1 to i32
        %cond3A_287 = arith.constant 0 : i32
        %cond3A_288 = arith.cmpi ne, %convert_element_type3A_286, %cond3A_287 : i32
        scf.if %cond3A_288 {
          %add3A_358 = arith.constant 6 : i32
          %add3A_359 = arith.addi %add3A_273, %add3A_358 : i32
          %mul3A_360 = arith.constant 16 : i32
          %mul3A_361 = arith.muli %add3A_359, %mul3A_360 : i32
          %dma_start3A_362 = tpu.memref_slice %arg9[%mul3A_361] : memref<10112xi32, #tpu.memory_space<vmem>> -> memref<16xi32, #tpu.memory_space<vmem>>
          %dma_start3A_363 = arith.constant 0 : i32
          %dma_start3A_364 = arith.constant 0 : i32
          %dma_start3A_365 = tpu.memref_slice %arg2[%dma_start3A_363, %dma_start3A_364] : memref<10000x128xf32, #tpu.memory_space<hbm>> -> memref<10000x128xf32, #tpu.memory_space<hbm>>
          tpu.enqueue_indirect_dma source(%dma_start3A_365 : memref<10000x128xf32, #tpu.memory_space<hbm>>) target(%arg12 : memref<16x128xf32, #tpu.memory_space<vmem>>) offsets(%dma_start3A_362 : memref<16xi32, #tpu.memory_space<vmem>>) semaphore(%arg22 : memref<!tpu.dma_semaphore, #tpu.memory_space<semaphore_mem>>)
        } else {
        }
        %add3A_289 = arith.constant 2 : i32
        %add3A_290 = arith.addi %mul3A_255, %add3A_289 : i32
        %mul3A_291 = arith.constant 16 : i32
        %mul3A_292 = arith.muli %add3A_290, %mul3A_291 : i32
        %dma_wait3A_293 = tpu.memref_slice %arg9[%mul3A_292] : memref<10112xi32, #tpu.memory_space<vmem>> -> memref<16xi32, #tpu.memory_space<vmem>>
        %dma_wait3A_294 = arith.constant 0 : i32
        %dma_wait3A_295 = arith.constant 0 : i32
        %dma_wait3A_296 = tpu.memref_slice %arg2[%dma_wait3A_294, %dma_wait3A_295] : memref<10000x128xf32, #tpu.memory_space<hbm>> -> memref<10000x128xf32, #tpu.memory_space<hbm>>
        tpu.wait_indirect_dma semaphore(%arg23 : memref<!tpu.dma_semaphore, #tpu.memory_space<semaphore_mem>>) src(%dma_wait3A_296 : memref<10000x128xf32, #tpu.memory_space<hbm>>) dst(%arg13 : memref<16x128xf32, #tpu.memory_space<vmem>>)
        %mul3A_297 = arith.constant 16 : i32
        %mul3A_298 = arith.muli %add3A_290, %mul3A_297 : i32
        "tpu.region"() ({
          %run_scoped3A = tpu.sem_alloc : memref<!tpu.dma_semaphore, #tpu.memory_space<semaphore_mem>>
          %dma_start3A_358 = tpu.memref_slice %arg10[%mul3A_298] : memref<10112xi32, #tpu.memory_space<vmem>> -> memref<16xi32, #tpu.memory_space<vmem>>
          %dma_start3A_359 = arith.constant 0 : i32
          %dma_start3A_360 = arith.constant 0 : i32
          %dma_start3A_361 = tpu.memref_slice %arg19[%dma_start3A_359, %dma_start3A_360] : memref<10240x128xf32, #tpu.memory_space<vmem_shared>> -> memref<10240x128xf32, #tpu.memory_space<vmem_shared>>
          tpu.enqueue_indirect_dma source(%arg13 : memref<16x128xf32, #tpu.memory_space<vmem>>) target(%dma_start3A_361 : memref<10240x128xf32, #tpu.memory_space<vmem_shared>>) offsets(%dma_start3A_358 : memref<16xi32, #tpu.memory_space<vmem>>) semaphore(%run_scoped3A : memref<!tpu.dma_semaphore, #tpu.memory_space<semaphore_mem>>) {add = true}
          %dma_wait3A_362 = tpu.memref_slice %arg10[%mul3A_298] : memref<10112xi32, #tpu.memory_space<vmem>> -> memref<16xi32, #tpu.memory_space<vmem>>
          %dma_wait3A_363 = arith.constant 0 : i32
          %dma_wait3A_364 = arith.constant 0 : i32
          %dma_wait3A_365 = tpu.memref_slice %arg19[%dma_wait3A_363, %dma_wait3A_364] : memref<10240x128xf32, #tpu.memory_space<vmem_shared>> -> memref<10240x128xf32, #tpu.memory_space<vmem_shared>>
          tpu.wait_indirect_dma semaphore(%run_scoped3A : memref<!tpu.dma_semaphore, #tpu.memory_space<semaphore_mem>>) src(%arg13 : memref<16x128xf32, #tpu.memory_space<vmem>>) dst(%dma_wait3A_365 : memref<10240x128xf32, #tpu.memory_space<vmem_shared>>)
          tpu.yield
        }) : () -> ()
        %add3A_299 = arith.constant 6 : i32
        %add3A_300 = arith.addi %add3A_290, %add3A_299 : i32
        %lt3A_301 = arith.constant 632 : i32
        %lt3A_302 = arith.cmpi slt, %add3A_300, %lt3A_301 : i32
        %convert_element_type3A_303 = arith.extui %lt3A_302 : i1 to i32
        %cond3A_304 = arith.constant 0 : i32
        %cond3A_305 = arith.cmpi ne, %convert_element_type3A_303, %cond3A_304 : i32
        scf.if %cond3A_305 {
          %add3A_358 = arith.constant 6 : i32
          %add3A_359 = arith.addi %add3A_290, %add3A_358 : i32
          %mul3A_360 = arith.constant 16 : i32
          %mul3A_361 = arith.muli %add3A_359, %mul3A_360 : i32
          %dma_start3A_362 = tpu.memref_slice %arg9[%mul3A_361] : memref<10112xi32, #tpu.memory_space<vmem>> -> memref<16xi32, #tpu.memory_space<vmem>>
          %dma_start3A_363 = arith.constant 0 : i32
          %dma_start3A_364 = arith.constant 0 : i32
          %dma_start3A_365 = tpu.memref_slice %arg2[%dma_start3A_363, %dma_start3A_364] : memref<10000x128xf32, #tpu.memory_space<hbm>> -> memref<10000x128xf32, #tpu.memory_space<hbm>>
          tpu.enqueue_indirect_dma source(%dma_start3A_365 : memref<10000x128xf32, #tpu.memory_space<hbm>>) target(%arg13 : memref<16x128xf32, #tpu.memory_space<vmem>>) offsets(%dma_start3A_362 : memref<16xi32, #tpu.memory_space<vmem>>) semaphore(%arg23 : memref<!tpu.dma_semaphore, #tpu.memory_space<semaphore_mem>>)
        } else {
        }
        %add3A_306 = arith.constant 3 : i32
        %add3A_307 = arith.addi %mul3A_255, %add3A_306 : i32
        %mul3A_308 = arith.constant 16 : i32
        %mul3A_309 = arith.muli %add3A_307, %mul3A_308 : i32
        %dma_wait3A_310 = tpu.memref_slice %arg9[%mul3A_309] : memref<10112xi32, #tpu.memory_space<vmem>> -> memref<16xi32, #tpu.memory_space<vmem>>
        %dma_wait3A_311 = arith.constant 0 : i32
        %dma_wait3A_312 = arith.constant 0 : i32
        %dma_wait3A_313 = tpu.memref_slice %arg2[%dma_wait3A_311, %dma_wait3A_312] : memref<10000x128xf32, #tpu.memory_space<hbm>> -> memref<10000x128xf32, #tpu.memory_space<hbm>>
        tpu.wait_indirect_dma semaphore(%arg24 : memref<!tpu.dma_semaphore, #tpu.memory_space<semaphore_mem>>) src(%dma_wait3A_313 : memref<10000x128xf32, #tpu.memory_space<hbm>>) dst(%arg14 : memref<16x128xf32, #tpu.memory_space<vmem>>)
        %mul3A_314 = arith.constant 16 : i32
        %mul3A_315 = arith.muli %add3A_307, %mul3A_314 : i32
        "tpu.region"() ({
          %run_scoped3A = tpu.sem_alloc : memref<!tpu.dma_semaphore, #tpu.memory_space<semaphore_mem>>
          %dma_start3A_358 = tpu.memref_slice %arg10[%mul3A_315] : memref<10112xi32, #tpu.memory_space<vmem>> -> memref<16xi32, #tpu.memory_space<vmem>>
          %dma_start3A_359 = arith.constant 0 : i32
          %dma_start3A_360 = arith.constant 0 : i32
          %dma_start3A_361 = tpu.memref_slice %arg19[%dma_start3A_359, %dma_start3A_360] : memref<10240x128xf32, #tpu.memory_space<vmem_shared>> -> memref<10240x128xf32, #tpu.memory_space<vmem_shared>>
          tpu.enqueue_indirect_dma source(%arg14 : memref<16x128xf32, #tpu.memory_space<vmem>>) target(%dma_start3A_361 : memref<10240x128xf32, #tpu.memory_space<vmem_shared>>) offsets(%dma_start3A_358 : memref<16xi32, #tpu.memory_space<vmem>>) semaphore(%run_scoped3A : memref<!tpu.dma_semaphore, #tpu.memory_space<semaphore_mem>>) {add = true}
          %dma_wait3A_362 = tpu.memref_slice %arg10[%mul3A_315] : memref<10112xi32, #tpu.memory_space<vmem>> -> memref<16xi32, #tpu.memory_space<vmem>>
          %dma_wait3A_363 = arith.constant 0 : i32
          %dma_wait3A_364 = arith.constant 0 : i32
          %dma_wait3A_365 = tpu.memref_slice %arg19[%dma_wait3A_363, %dma_wait3A_364] : memref<10240x128xf32, #tpu.memory_space<vmem_shared>> -> memref<10240x128xf32, #tpu.memory_space<vmem_shared>>
          tpu.wait_indirect_dma semaphore(%run_scoped3A : memref<!tpu.dma_semaphore, #tpu.memory_space<semaphore_mem>>) src(%arg14 : memref<16x128xf32, #tpu.memory_space<vmem>>) dst(%dma_wait3A_365 : memref<10240x128xf32, #tpu.memory_space<vmem_shared>>)
          tpu.yield
        }) : () -> ()
        %add3A_316 = arith.constant 6 : i32
        %add3A_317 = arith.addi %add3A_307, %add3A_316 : i32
        %lt3A_318 = arith.constant 632 : i32
        %lt3A_319 = arith.cmpi slt, %add3A_317, %lt3A_318 : i32
        %convert_element_type3A_320 = arith.extui %lt3A_319 : i1 to i32
        %cond3A_321 = arith.constant 0 : i32
        %cond3A_322 = arith.cmpi ne, %convert_element_type3A_320, %cond3A_321 : i32
        scf.if %cond3A_322 {
          %add3A_358 = arith.constant 6 : i32
          %add3A_359 = arith.addi %add3A_307, %add3A_358 : i32
          %mul3A_360 = arith.constant 16 : i32
          %mul3A_361 = arith.muli %add3A_359, %mul3A_360 : i32
          %dma_start3A_362 = tpu.memref_slice %arg9[%mul3A_361] : memref<10112xi32, #tpu.memory_space<vmem>> -> memref<16xi32, #tpu.memory_space<vmem>>
          %dma_start3A_363 = arith.constant 0 : i32
          %dma_start3A_364 = arith.constant 0 : i32
          %dma_start3A_365 = tpu.memref_slice %arg2[%dma_start3A_363, %dma_start3A_364] : memref<10000x128xf32, #tpu.memory_space<hbm>> -> memref<10000x128xf32, #tpu.memory_space<hbm>>
          tpu.enqueue_indirect_dma source(%dma_start3A_365 : memref<10000x128xf32, #tpu.memory_space<hbm>>) target(%arg14 : memref<16x128xf32, #tpu.memory_space<vmem>>) offsets(%dma_start3A_362 : memref<16xi32, #tpu.memory_space<vmem>>) semaphore(%arg24 : memref<!tpu.dma_semaphore, #tpu.memory_space<semaphore_mem>>)
        } else {
        }
        %add3A_323 = arith.constant 4 : i32
        %add3A_324 = arith.addi %mul3A_255, %add3A_323 : i32
        %mul3A_325 = arith.constant 16 : i32
        %mul3A_326 = arith.muli %add3A_324, %mul3A_325 : i32
        %dma_wait3A_327 = tpu.memref_slice %arg9[%mul3A_326] : memref<10112xi32, #tpu.memory_space<vmem>> -> memref<16xi32, #tpu.memory_space<vmem>>
        %dma_wait3A_328 = arith.constant 0 : i32
        %dma_wait3A_329 = arith.constant 0 : i32
        %dma_wait3A_330 = tpu.memref_slice %arg2[%dma_wait3A_328, %dma_wait3A_329] : memref<10000x128xf32, #tpu.memory_space<hbm>> -> memref<10000x128xf32, #tpu.memory_space<hbm>>
        tpu.wait_indirect_dma semaphore(%arg25 : memref<!tpu.dma_semaphore, #tpu.memory_space<semaphore_mem>>) src(%dma_wait3A_330 : memref<10000x128xf32, #tpu.memory_space<hbm>>) dst(%arg15 : memref<16x128xf32, #tpu.memory_space<vmem>>)
        %mul3A_331 = arith.constant 16 : i32
        %mul3A_332 = arith.muli %add3A_324, %mul3A_331 : i32
        "tpu.region"() ({
          %run_scoped3A = tpu.sem_alloc : memref<!tpu.dma_semaphore, #tpu.memory_space<semaphore_mem>>
          %dma_start3A_358 = tpu.memref_slice %arg10[%mul3A_332] : memref<10112xi32, #tpu.memory_space<vmem>> -> memref<16xi32, #tpu.memory_space<vmem>>
          %dma_start3A_359 = arith.constant 0 : i32
          %dma_start3A_360 = arith.constant 0 : i32
          %dma_start3A_361 = tpu.memref_slice %arg19[%dma_start3A_359, %dma_start3A_360] : memref<10240x128xf32, #tpu.memory_space<vmem_shared>> -> memref<10240x128xf32, #tpu.memory_space<vmem_shared>>
          tpu.enqueue_indirect_dma source(%arg15 : memref<16x128xf32, #tpu.memory_space<vmem>>) target(%dma_start3A_361 : memref<10240x128xf32, #tpu.memory_space<vmem_shared>>) offsets(%dma_start3A_358 : memref<16xi32, #tpu.memory_space<vmem>>) semaphore(%run_scoped3A : memref<!tpu.dma_semaphore, #tpu.memory_space<semaphore_mem>>) {add = true}
          %dma_wait3A_362 = tpu.memref_slice %arg10[%mul3A_332] : memref<10112xi32, #tpu.memory_space<vmem>> -> memref<16xi32, #tpu.memory_space<vmem>>
          %dma_wait3A_363 = arith.constant 0 : i32
          %dma_wait3A_364 = arith.constant 0 : i32
          %dma_wait3A_365 = tpu.memref_slice %arg19[%dma_wait3A_363, %dma_wait3A_364] : memref<10240x128xf32, #tpu.memory_space<vmem_shared>> -> memref<10240x128xf32, #tpu.memory_space<vmem_shared>>
          tpu.wait_indirect_dma semaphore(%run_scoped3A : memref<!tpu.dma_semaphore, #tpu.memory_space<semaphore_mem>>) src(%arg15 : memref<16x128xf32, #tpu.memory_space<vmem>>) dst(%dma_wait3A_365 : memref<10240x128xf32, #tpu.memory_space<vmem_shared>>)
          tpu.yield
        }) : () -> ()
        %add3A_333 = arith.constant 6 : i32
        %add3A_334 = arith.addi %add3A_324, %add3A_333 : i32
        %lt3A_335 = arith.constant 632 : i32
        %lt3A_336 = arith.cmpi slt, %add3A_334, %lt3A_335 : i32
        %convert_element_type3A_337 = arith.extui %lt3A_336 : i1 to i32
        %cond3A_338 = arith.constant 0 : i32
        %cond3A_339 = arith.cmpi ne, %convert_element_type3A_337, %cond3A_338 : i32
        scf.if %cond3A_339 {
          %add3A_358 = arith.constant 6 : i32
          %add3A_359 = arith.addi %add3A_324, %add3A_358 : i32
          %mul3A_360 = arith.constant 16 : i32
          %mul3A_361 = arith.muli %add3A_359, %mul3A_360 : i32
          %dma_start3A_362 = tpu.memref_slice %arg9[%mul3A_361] : memref<10112xi32, #tpu.memory_space<vmem>> -> memref<16xi32, #tpu.memory_space<vmem>>
          %dma_start3A_363 = arith.constant 0 : i32
          %dma_start3A_364 = arith.constant 0 : i32
          %dma_start3A_365 = tpu.memref_slice %arg2[%dma_start3A_363, %dma_start3A_364] : memref<10000x128xf32, #tpu.memory_space<hbm>> -> memref<10000x128xf32, #tpu.memory_space<hbm>>
          tpu.enqueue_indirect_dma source(%dma_start3A_365 : memref<10000x128xf32, #tpu.memory_space<hbm>>) target(%arg15 : memref<16x128xf32, #tpu.memory_space<vmem>>) offsets(%dma_start3A_362 : memref<16xi32, #tpu.memory_space<vmem>>) semaphore(%arg25 : memref<!tpu.dma_semaphore, #tpu.memory_space<semaphore_mem>>)
        } else {
        }
        %add3A_340 = arith.constant 5 : i32
        %add3A_341 = arith.addi %mul3A_255, %add3A_340 : i32
        %mul3A_342 = arith.constant 16 : i32
        %mul3A_343 = arith.muli %add3A_341, %mul3A_342 : i32
        %dma_wait3A_344 = tpu.memref_slice %arg9[%mul3A_343] : memref<10112xi32, #tpu.memory_space<vmem>> -> memref<16xi32, #tpu.memory_space<vmem>>
        %dma_wait3A_345 = arith.constant 0 : i32
        %dma_wait3A_346 = arith.constant 0 : i32
        %dma_wait3A_347 = tpu.memref_slice %arg2[%dma_wait3A_345, %dma_wait3A_346] : memref<10000x128xf32, #tpu.memory_space<hbm>> -> memref<10000x128xf32, #tpu.memory_space<hbm>>
        tpu.wait_indirect_dma semaphore(%arg26 : memref<!tpu.dma_semaphore, #tpu.memory_space<semaphore_mem>>) src(%dma_wait3A_347 : memref<10000x128xf32, #tpu.memory_space<hbm>>) dst(%arg16 : memref<16x128xf32, #tpu.memory_space<vmem>>)
        %mul3A_348 = arith.constant 16 : i32
        %mul3A_349 = arith.muli %add3A_341, %mul3A_348 : i32
        "tpu.region"() ({
          %run_scoped3A = tpu.sem_alloc : memref<!tpu.dma_semaphore, #tpu.memory_space<semaphore_mem>>
          %dma_start3A_358 = tpu.memref_slice %arg10[%mul3A_349] : memref<10112xi32, #tpu.memory_space<vmem>> -> memref<16xi32, #tpu.memory_space<vmem>>
          %dma_start3A_359 = arith.constant 0 : i32
          %dma_start3A_360 = arith.constant 0 : i32
          %dma_start3A_361 = tpu.memref_slice %arg19[%dma_start3A_359, %dma_start3A_360] : memref<10240x128xf32, #tpu.memory_space<vmem_shared>> -> memref<10240x128xf32, #tpu.memory_space<vmem_shared>>
          tpu.enqueue_indirect_dma source(%arg16 : memref<16x128xf32, #tpu.memory_space<vmem>>) target(%dma_start3A_361 : memref<10240x128xf32, #tpu.memory_space<vmem_shared>>) offsets(%dma_start3A_358 : memref<16xi32, #tpu.memory_space<vmem>>) semaphore(%run_scoped3A : memref<!tpu.dma_semaphore, #tpu.memory_space<semaphore_mem>>) {add = true}
          %dma_wait3A_362 = tpu.memref_slice %arg10[%mul3A_349] : memref<10112xi32, #tpu.memory_space<vmem>> -> memref<16xi32, #tpu.memory_space<vmem>>
          %dma_wait3A_363 = arith.constant 0 : i32
          %dma_wait3A_364 = arith.constant 0 : i32
          %dma_wait3A_365 = tpu.memref_slice %arg19[%dma_wait3A_363, %dma_wait3A_364] : memref<10240x128xf32, #tpu.memory_space<vmem_shared>> -> memref<10240x128xf32, #tpu.memory_space<vmem_shared>>
          tpu.wait_indirect_dma semaphore(%run_scoped3A : memref<!tpu.dma_semaphore, #tpu.memory_space<semaphore_mem>>) src(%arg16 : memref<16x128xf32, #tpu.memory_space<vmem>>) dst(%dma_wait3A_365 : memref<10240x128xf32, #tpu.memory_space<vmem_shared>>)
          tpu.yield
        }) : () -> ()
        %add3A_350 = arith.constant 6 : i32
        %add3A_351 = arith.addi %add3A_341, %add3A_350 : i32
        %lt3A_352 = arith.constant 632 : i32
        %lt3A_353 = arith.cmpi slt, %add3A_351, %lt3A_352 : i32
        %convert_element_type3A_354 = arith.extui %lt3A_353 : i1 to i32
        %cond3A_355 = arith.constant 0 : i32
        %cond3A_356 = arith.cmpi ne, %convert_element_type3A_354, %cond3A_355 : i32
        scf.if %cond3A_356 {
          %add3A_358 = arith.constant 6 : i32
          %add3A_359 = arith.addi %add3A_341, %add3A_358 : i32
          %mul3A_360 = arith.constant 16 : i32
          %mul3A_361 = arith.muli %add3A_359, %mul3A_360 : i32
          %dma_start3A_362 = tpu.memref_slice %arg9[%mul3A_361] : memref<10112xi32, #tpu.memory_space<vmem>> -> memref<16xi32, #tpu.memory_space<vmem>>
          %dma_start3A_363 = arith.constant 0 : i32
          %dma_start3A_364 = arith.constant 0 : i32
          %dma_start3A_365 = tpu.memref_slice %arg2[%dma_start3A_363, %dma_start3A_364] : memref<10000x128xf32, #tpu.memory_space<hbm>> -> memref<10000x128xf32, #tpu.memory_space<hbm>>
          tpu.enqueue_indirect_dma source(%dma_start3A_365 : memref<10000x128xf32, #tpu.memory_space<hbm>>) target(%arg16 : memref<16x128xf32, #tpu.memory_space<vmem>>) offsets(%dma_start3A_362 : memref<16xi32, #tpu.memory_space<vmem>>) semaphore(%arg26 : memref<!tpu.dma_semaphore, #tpu.memory_space<semaphore_mem>>)
        } else {
        }
        %scan3A_357 = arith.constant 0 : i32
        scf.yield %scan3A_357 : i32
      }
      %scan3A_242 = arith.constant 105 : i32
      %dma_wait3A = arith.constant 10080 : i32
      %dma_wait3A_243 = tpu.memref_slice %arg9[%dma_wait3A] : memref<10112xi32, #tpu.memory_space<vmem>> -> memref<16xi32, #tpu.memory_space<vmem>>
      %dma_wait3A_244 = arith.constant 0 : i32
      %dma_wait3A_245 = arith.constant 0 : i32
      %dma_wait3A_246 = tpu.memref_slice %arg2[%dma_wait3A_244, %dma_wait3A_245] : memref<10000x128xf32, #tpu.memory_space<hbm>> -> memref<10000x128xf32, #tpu.memory_space<hbm>>
      tpu.wait_indirect_dma semaphore(%arg21 : memref<!tpu.dma_semaphore, #tpu.memory_space<semaphore_mem>>) src(%dma_wait3A_246 : memref<10000x128xf32, #tpu.memory_space<hbm>>) dst(%arg11 : memref<16x128xf32, #tpu.memory_space<vmem>>)
      "tpu.region"() ({
        %run_scoped3A = tpu.sem_alloc : memref<!tpu.dma_semaphore, #tpu.memory_space<semaphore_mem>>
        %dma_start3A_252 = arith.constant 10080 : i32
        %dma_start3A_253 = tpu.memref_slice %arg10[%dma_start3A_252] : memref<10112xi32, #tpu.memory_space<vmem>> -> memref<16xi32, #tpu.memory_space<vmem>>
        %dma_start3A_254 = arith.constant 0 : i32
        %dma_start3A_255 = arith.constant 0 : i32
        %dma_start3A_256 = tpu.memref_slice %arg19[%dma_start3A_254, %dma_start3A_255] : memref<10240x128xf32, #tpu.memory_space<vmem_shared>> -> memref<10240x128xf32, #tpu.memory_space<vmem_shared>>
        tpu.enqueue_indirect_dma source(%arg11 : memref<16x128xf32, #tpu.memory_space<vmem>>) target(%dma_start3A_256 : memref<10240x128xf32, #tpu.memory_space<vmem_shared>>) offsets(%dma_start3A_253 : memref<16xi32, #tpu.memory_space<vmem>>) semaphore(%run_scoped3A : memref<!tpu.dma_semaphore, #tpu.memory_space<semaphore_mem>>) {add = true}
        %dma_wait3A_257 = arith.constant 10080 : i32
        %dma_wait3A_258 = tpu.memref_slice %arg10[%dma_wait3A_257] : memref<10112xi32, #tpu.memory_space<vmem>> -> memref<16xi32, #tpu.memory_space<vmem>>
        %dma_wait3A_259 = arith.constant 0 : i32
        %dma_wait3A_260 = arith.constant 0 : i32
        %dma_wait3A_261 = tpu.memref_slice %arg19[%dma_wait3A_259, %dma_wait3A_260] : memref<10240x128xf32, #tpu.memory_space<vmem_shared>> -> memref<10240x128xf32, #tpu.memory_space<vmem_shared>>
        tpu.wait_indirect_dma semaphore(%run_scoped3A : memref<!tpu.dma_semaphore, #tpu.memory_space<semaphore_mem>>) src(%arg11 : memref<16x128xf32, #tpu.memory_space<vmem>>) dst(%dma_wait3A_261 : memref<10240x128xf32, #tpu.memory_space<vmem_shared>>)
        tpu.yield
      }) : () -> ()
      %dma_wait3A_247 = arith.constant 10096 : i32
      %dma_wait3A_248 = tpu.memref_slice %arg9[%dma_wait3A_247] : memref<10112xi32, #tpu.memory_space<vmem>> -> memref<16xi32, #tpu.memory_space<vmem>>
      %dma_wait3A_249 = arith.constant 0 : i32
      %dma_wait3A_250 = arith.constant 0 : i32
      %dma_wait3A_251 = tpu.memref_slice %arg2[%dma_wait3A_249, %dma_wait3A_250] : memref<10000x128xf32, #tpu.memory_space<hbm>> -> memref<10000x128xf32, #tpu.memory_space<hbm>>
      tpu.wait_indirect_dma semaphore(%arg22 : memref<!tpu.dma_semaphore, #tpu.memory_space<semaphore_mem>>) src(%dma_wait3A_251 : memref<10000x128xf32, #tpu.memory_space<hbm>>) dst(%arg12 : memref<16x128xf32, #tpu.memory_space<vmem>>)
      "tpu.region"() ({
        %run_scoped3A = tpu.sem_alloc : memref<!tpu.dma_semaphore, #tpu.memory_space<semaphore_mem>>
        %dma_start3A_252 = arith.constant 10096 : i32
        %dma_start3A_253 = tpu.memref_slice %arg10[%dma_start3A_252] : memref<10112xi32, #tpu.memory_space<vmem>> -> memref<16xi32, #tpu.memory_space<vmem>>
        %dma_start3A_254 = arith.constant 0 : i32
        %dma_start3A_255 = arith.constant 0 : i32
        %dma_start3A_256 = tpu.memref_slice %arg19[%dma_start3A_254, %dma_start3A_255] : memref<10240x128xf32, #tpu.memory_space<vmem_shared>> -> memref<10240x128xf32, #tpu.memory_space<vmem_shared>>
        tpu.enqueue_indirect_dma source(%arg12 : memref<16x128xf32, #tpu.memory_space<vmem>>) target(%dma_start3A_256 : memref<10240x128xf32, #tpu.memory_space<vmem_shared>>) offsets(%dma_start3A_253 : memref<16xi32, #tpu.memory_space<vmem>>) semaphore(%run_scoped3A : memref<!tpu.dma_semaphore, #tpu.memory_space<semaphore_mem>>) {add = true}
        %dma_wait3A_257 = arith.constant 10096 : i32
        %dma_wait3A_258 = tpu.memref_slice %arg10[%dma_wait3A_257] : memref<10112xi32, #tpu.memory_space<vmem>> -> memref<16xi32, #tpu.memory_space<vmem>>
        %dma_wait3A_259 = arith.constant 0 : i32
        %dma_wait3A_260 = arith.constant 0 : i32
        %dma_wait3A_261 = tpu.memref_slice %arg19[%dma_wait3A_259, %dma_wait3A_260] : memref<10240x128xf32, #tpu.memory_space<vmem_shared>> -> memref<10240x128xf32, #tpu.memory_space<vmem_shared>>
        tpu.wait_indirect_dma semaphore(%run_scoped3A : memref<!tpu.dma_semaphore, #tpu.memory_space<semaphore_mem>>) src(%arg12 : memref<16x128xf32, #tpu.memory_space<vmem>>) dst(%dma_wait3A_261 : memref<10240x128xf32, #tpu.memory_space<vmem_shared>>)
        tpu.yield
      }) : () -> ()
      "tpu.region"() ({
        %run_scoped3A = tpu.sem_alloc : memref<!tpu.dma_semaphore, #tpu.memory_space<semaphore_mem>>
        %dma_start3A_252 = arith.constant 0 : i32
        %dma_start3A_253 = tpu.memref_slice %arg10[%dma_start3A_252] : memref<10112xi32, #tpu.memory_space<vmem>> -> memref<512xi32, #tpu.memory_space<vmem>>
        %dma_start3A_254 = arith.constant 0 : i32
        %dma_start3A_255 = tpu.memref_slice %arg20[%dma_start3A_254] : memref<10240xf32, #tpu.memory_space<vmem_shared>> -> memref<10240xf32, #tpu.memory_space<vmem_shared>>
        tpu.enqueue_indirect_dma source(%arg17 : memref<512xf32, #tpu.memory_space<vmem>>) target(%dma_start3A_255 : memref<10240xf32, #tpu.memory_space<vmem_shared>>) offsets(%dma_start3A_253 : memref<512xi32, #tpu.memory_space<vmem>>) semaphore(%run_scoped3A : memref<!tpu.dma_semaphore, #tpu.memory_space<semaphore_mem>>) {add = true}
        %dma_wait3A_256 = arith.constant 0 : i32
        %dma_wait3A_257 = tpu.memref_slice %arg10[%dma_wait3A_256] : memref<10112xi32, #tpu.memory_space<vmem>> -> memref<512xi32, #tpu.memory_space<vmem>>
        %dma_wait3A_258 = arith.constant 0 : i32
        %dma_wait3A_259 = tpu.memref_slice %arg20[%dma_wait3A_258] : memref<10240xf32, #tpu.memory_space<vmem_shared>> -> memref<10240xf32, #tpu.memory_space<vmem_shared>>
        tpu.wait_indirect_dma semaphore(%run_scoped3A : memref<!tpu.dma_semaphore, #tpu.memory_space<semaphore_mem>>) src(%arg17 : memref<512xf32, #tpu.memory_space<vmem>>) dst(%dma_wait3A_259 : memref<10240xf32, #tpu.memory_space<vmem_shared>>)
        tpu.yield
      }) : () -> ()
      "tpu.region"() ({
        %run_scoped3A = tpu.sem_alloc : memref<!tpu.dma_semaphore, #tpu.memory_space<semaphore_mem>>
        %dma_start3A_252 = arith.constant 512 : i32
        %dma_start3A_253 = tpu.memref_slice %arg10[%dma_start3A_252] : memref<10112xi32, #tpu.memory_space<vmem>> -> memref<512xi32, #tpu.memory_space<vmem>>
        %dma_start3A_254 = arith.constant 0 : i32
        %dma_start3A_255 = tpu.memref_slice %arg20[%dma_start3A_254] : memref<10240xf32, #tpu.memory_space<vmem_shared>> -> memref<10240xf32, #tpu.memory_space<vmem_shared>>
        tpu.enqueue_indirect_dma source(%arg17 : memref<512xf32, #tpu.memory_space<vmem>>) target(%dma_start3A_255 : memref<10240xf32, #tpu.memory_space<vmem_shared>>) offsets(%dma_start3A_253 : memref<512xi32, #tpu.memory_space<vmem>>) semaphore(%run_scoped3A : memref<!tpu.dma_semaphore, #tpu.memory_space<semaphore_mem>>) {add = true}
        %dma_wait3A_256 = arith.constant 512 : i32
        %dma_wait3A_257 = tpu.memref_slice %arg10[%dma_wait3A_256] : memref<10112xi32, #tpu.memory_space<vmem>> -> memref<512xi32, #tpu.memory_space<vmem>>
        %dma_wait3A_258 = arith.constant 0 : i32
        %dma_wait3A_259 = tpu.memref_slice %arg20[%dma_wait3A_258] : memref<10240xf32, #tpu.memory_space<vmem_shared>> -> memref<10240xf32, #tpu.memory_space<vmem_shared>>
        tpu.wait_indirect_dma semaphore(%run_scoped3A : memref<!tpu.dma_semaphore, #tpu.memory_space<semaphore_mem>>) src(%arg17 : memref<512xf32, #tpu.memory_space<vmem>>) dst(%dma_wait3A_259 : memref<10240xf32, #tpu.memory_space<vmem_shared>>)
        tpu.yield
      }) : () -> ()
      "tpu.region"() ({
        %run_scoped3A = tpu.sem_alloc : memref<!tpu.dma_semaphore, #tpu.memory_space<semaphore_mem>>
        %dma_start3A_252 = arith.constant 1024 : i32
        %dma_start3A_253 = tpu.memref_slice %arg10[%dma_start3A_252] : memref<10112xi32, #tpu.memory_space<vmem>> -> memref<512xi32, #tpu.memory_space<vmem>>
        %dma_start3A_254 = arith.constant 0 : i32
        %dma_start3A_255 = tpu.memref_slice %arg20[%dma_start3A_254] : memref<10240xf32, #tpu.memory_space<vmem_shared>> -> memref<10240xf32, #tpu.memory_space<vmem_shared>>
        tpu.enqueue_indirect_dma source(%arg17 : memref<512xf32, #tpu.memory_space<vmem>>) target(%dma_start3A_255 : memref<10240xf32, #tpu.memory_space<vmem_shared>>) offsets(%dma_start3A_253 : memref<512xi32, #tpu.memory_space<vmem>>) semaphore(%run_scoped3A : memref<!tpu.dma_semaphore, #tpu.memory_space<semaphore_mem>>) {add = true}
        %dma_wait3A_256 = arith.constant 1024 : i32
        %dma_wait3A_257 = tpu.memref_slice %arg10[%dma_wait3A_256] : memref<10112xi32, #tpu.memory_space<vmem>> -> memref<512xi32, #tpu.memory_space<vmem>>
        %dma_wait3A_258 = arith.constant 0 : i32
        %dma_wait3A_259 = tpu.memref_slice %arg20[%dma_wait3A_258] : memref<10240xf32, #tpu.memory_space<vmem_shared>> -> memref<10240xf32, #tpu.memory_space<vmem_shared>>
        tpu.wait_indirect_dma semaphore(%run_scoped3A : memref<!tpu.dma_semaphore, #tpu.memory_space<semaphore_mem>>) src(%arg17 : memref<512xf32, #tpu.memory_space<vmem>>) dst(%dma_wait3A_259 : memref<10240xf32, #tpu.memory_space<vmem_shared>>)
        tpu.yield
      }) : () -> ()
      "tpu.region"() ({
        %run_scoped3A = tpu.sem_alloc : memref<!tpu.dma_semaphore, #tpu.memory_space<semaphore_mem>>
        %dma_start3A_252 = arith.constant 1536 : i32
        %dma_start3A_253 = tpu.memref_slice %arg10[%dma_start3A_252] : memref<10112xi32, #tpu.memory_space<vmem>> -> memref<512xi32, #tpu.memory_space<vmem>>
        %dma_start3A_254 = arith.constant 0 : i32
        %dma_start3A_255 = tpu.memref_slice %arg20[%dma_start3A_254] : memref<10240xf32, #tpu.memory_space<vmem_shared>> -> memref<10240xf32, #tpu.memory_space<vmem_shared>>
        tpu.enqueue_indirect_dma source(%arg17 : memref<512xf32, #tpu.memory_space<vmem>>) target(%dma_start3A_255 : memref<10240xf32, #tpu.memory_space<vmem_shared>>) offsets(%dma_start3A_253 : memref<512xi32, #tpu.memory_space<vmem>>) semaphore(%run_scoped3A : memref<!tpu.dma_semaphore, #tpu.memory_space<semaphore_mem>>) {add = true}
        %dma_wait3A_256 = arith.constant 1536 : i32
        %dma_wait3A_257 = tpu.memref_slice %arg10[%dma_wait3A_256] : memref<10112xi32, #tpu.memory_space<vmem>> -> memref<512xi32, #tpu.memory_space<vmem>>
        %dma_wait3A_258 = arith.constant 0 : i32
        %dma_wait3A_259 = tpu.memref_slice %arg20[%dma_wait3A_258] : memref<10240xf32, #tpu.memory_space<vmem_shared>> -> memref<10240xf32, #tpu.memory_space<vmem_shared>>
        tpu.wait_indirect_dma semaphore(%run_scoped3A : memref<!tpu.dma_semaphore, #tpu.memory_space<semaphore_mem>>) src(%arg17 : memref<512xf32, #tpu.memory_space<vmem>>) dst(%dma_wait3A_259 : memref<10240xf32, #tpu.memory_space<vmem_shared>>)
        tpu.yield
      }) : () -> ()
      "tpu.region"() ({
        %run_scoped3A = tpu.sem_alloc : memref<!tpu.dma_semaphore, #tpu.memory_space<semaphore_mem>>
        %dma_start3A_252 = arith.constant 2048 : i32
        %dma_start3A_253 = tpu.memref_slice %arg10[%dma_start3A_252] : memref<10112xi32, #tpu.memory_space<vmem>> -> memref<512xi32, #tpu.memory_space<vmem>>
        %dma_start3A_254 = arith.constant 0 : i32
        %dma_start3A_255 = tpu.memref_slice %arg20[%dma_start3A_254] : memref<10240xf32, #tpu.memory_space<vmem_shared>> -> memref<10240xf32, #tpu.memory_space<vmem_shared>>
        tpu.enqueue_indirect_dma source(%arg17 : memref<512xf32, #tpu.memory_space<vmem>>) target(%dma_start3A_255 : memref<10240xf32, #tpu.memory_space<vmem_shared>>) offsets(%dma_start3A_253 : memref<512xi32, #tpu.memory_space<vmem>>) semaphore(%run_scoped3A : memref<!tpu.dma_semaphore, #tpu.memory_space<semaphore_mem>>) {add = true}
        %dma_wait3A_256 = arith.constant 2048 : i32
        %dma_wait3A_257 = tpu.memref_slice %arg10[%dma_wait3A_256] : memref<10112xi32, #tpu.memory_space<vmem>> -> memref<512xi32, #tpu.memory_space<vmem>>
        %dma_wait3A_258 = arith.constant 0 : i32
        %dma_wait3A_259 = tpu.memref_slice %arg20[%dma_wait3A_258] : memref<10240xf32, #tpu.memory_space<vmem_shared>> -> memref<10240xf32, #tpu.memory_space<vmem_shared>>
        tpu.wait_indirect_dma semaphore(%run_scoped3A : memref<!tpu.dma_semaphore, #tpu.memory_space<semaphore_mem>>) src(%arg17 : memref<512xf32, #tpu.memory_space<vmem>>) dst(%dma_wait3A_259 : memref<10240xf32, #tpu.memory_space<vmem_shared>>)
        tpu.yield
      }) : () -> ()
      "tpu.region"() ({
        %run_scoped3A = tpu.sem_alloc : memref<!tpu.dma_semaphore, #tpu.memory_space<semaphore_mem>>
        %dma_start3A_252 = arith.constant 2560 : i32
        %dma_start3A_253 = tpu.memref_slice %arg10[%dma_start3A_252] : memref<10112xi32, #tpu.memory_space<vmem>> -> memref<512xi32, #tpu.memory_space<vmem>>
        %dma_start3A_254 = arith.constant 0 : i32
        %dma_start3A_255 = tpu.memref_slice %arg20[%dma_start3A_254] : memref<10240xf32, #tpu.memory_space<vmem_shared>> -> memref<10240xf32, #tpu.memory_space<vmem_shared>>
        tpu.enqueue_indirect_dma source(%arg17 : memref<512xf32, #tpu.memory_space<vmem>>) target(%dma_start3A_255 : memref<10240xf32, #tpu.memory_space<vmem_shared>>) offsets(%dma_start3A_253 : memref<512xi32, #tpu.memory_space<vmem>>) semaphore(%run_scoped3A : memref<!tpu.dma_semaphore, #tpu.memory_space<semaphore_mem>>) {add = true}
        %dma_wait3A_256 = arith.constant 2560 : i32
        %dma_wait3A_257 = tpu.memref_slice %arg10[%dma_wait3A_256] : memref<10112xi32, #tpu.memory_space<vmem>> -> memref<512xi32, #tpu.memory_space<vmem>>
        %dma_wait3A_258 = arith.constant 0 : i32
        %dma_wait3A_259 = tpu.memref_slice %arg20[%dma_wait3A_258] : memref<10240xf32, #tpu.memory_space<vmem_shared>> -> memref<10240xf32, #tpu.memory_space<vmem_shared>>
        tpu.wait_indirect_dma semaphore(%run_scoped3A : memref<!tpu.dma_semaphore, #tpu.memory_space<semaphore_mem>>) src(%arg17 : memref<512xf32, #tpu.memory_space<vmem>>) dst(%dma_wait3A_259 : memref<10240xf32, #tpu.memory_space<vmem_shared>>)
        tpu.yield
      }) : () -> ()
      "tpu.region"() ({
        %run_scoped3A = tpu.sem_alloc : memref<!tpu.dma_semaphore, #tpu.memory_space<semaphore_mem>>
        %dma_start3A_252 = arith.constant 3072 : i32
        %dma_start3A_253 = tpu.memref_slice %arg10[%dma_start3A_252] : memref<10112xi32, #tpu.memory_space<vmem>> -> memref<512xi32, #tpu.memory_space<vmem>>
        %dma_start3A_254 = arith.constant 0 : i32
        %dma_start3A_255 = tpu.memref_slice %arg20[%dma_start3A_254] : memref<10240xf32, #tpu.memory_space<vmem_shared>> -> memref<10240xf32, #tpu.memory_space<vmem_shared>>
        tpu.enqueue_indirect_dma source(%arg17 : memref<512xf32, #tpu.memory_space<vmem>>) target(%dma_start3A_255 : memref<10240xf32, #tpu.memory_space<vmem_shared>>) offsets(%dma_start3A_253 : memref<512xi32, #tpu.memory_space<vmem>>) semaphore(%run_scoped3A : memref<!tpu.dma_semaphore, #tpu.memory_space<semaphore_mem>>) {add = true}
        %dma_wait3A_256 = arith.constant 3072 : i32
        %dma_wait3A_257 = tpu.memref_slice %arg10[%dma_wait3A_256] : memref<10112xi32, #tpu.memory_space<vmem>> -> memref<512xi32, #tpu.memory_space<vmem>>
        %dma_wait3A_258 = arith.constant 0 : i32
        %dma_wait3A_259 = tpu.memref_slice %arg20[%dma_wait3A_258] : memref<10240xf32, #tpu.memory_space<vmem_shared>> -> memref<10240xf32, #tpu.memory_space<vmem_shared>>
        tpu.wait_indirect_dma semaphore(%run_scoped3A : memref<!tpu.dma_semaphore, #tpu.memory_space<semaphore_mem>>) src(%arg17 : memref<512xf32, #tpu.memory_space<vmem>>) dst(%dma_wait3A_259 : memref<10240xf32, #tpu.memory_space<vmem_shared>>)
        tpu.yield
      }) : () -> ()
      "tpu.region"() ({
        %run_scoped3A = tpu.sem_alloc : memref<!tpu.dma_semaphore, #tpu.memory_space<semaphore_mem>>
        %dma_start3A_252 = arith.constant 3584 : i32
        %dma_start3A_253 = tpu.memref_slice %arg10[%dma_start3A_252] : memref<10112xi32, #tpu.memory_space<vmem>> -> memref<512xi32, #tpu.memory_space<vmem>>
        %dma_start3A_254 = arith.constant 0 : i32
        %dma_start3A_255 = tpu.memref_slice %arg20[%dma_start3A_254] : memref<10240xf32, #tpu.memory_space<vmem_shared>> -> memref<10240xf32, #tpu.memory_space<vmem_shared>>
        tpu.enqueue_indirect_dma source(%arg17 : memref<512xf32, #tpu.memory_space<vmem>>) target(%dma_start3A_255 : memref<10240xf32, #tpu.memory_space<vmem_shared>>) offsets(%dma_start3A_253 : memref<512xi32, #tpu.memory_space<vmem>>) semaphore(%run_scoped3A : memref<!tpu.dma_semaphore, #tpu.memory_space<semaphore_mem>>) {add = true}
        %dma_wait3A_256 = arith.constant 3584 : i32
        %dma_wait3A_257 = tpu.memref_slice %arg10[%dma_wait3A_256] : memref<10112xi32, #tpu.memory_space<vmem>> -> memref<512xi32, #tpu.memory_space<vmem>>
        %dma_wait3A_258 = arith.constant 0 : i32
        %dma_wait3A_259 = tpu.memref_slice %arg20[%dma_wait3A_258] : memref<10240xf32, #tpu.memory_space<vmem_shared>> -> memref<10240xf32, #tpu.memory_space<vmem_shared>>
        tpu.wait_indirect_dma semaphore(%run_scoped3A : memref<!tpu.dma_semaphore, #tpu.memory_space<semaphore_mem>>) src(%arg17 : memref<512xf32, #tpu.memory_space<vmem>>) dst(%dma_wait3A_259 : memref<10240xf32, #tpu.memory_space<vmem_shared>>)
        tpu.yield
      }) : () -> ()
      "tpu.region"() ({
        %run_scoped3A = tpu.sem_alloc : memref<!tpu.dma_semaphore, #tpu.memory_space<semaphore_mem>>
        %dma_start3A_252 = arith.constant 4096 : i32
        %dma_start3A_253 = tpu.memref_slice %arg10[%dma_start3A_252] : memref<10112xi32, #tpu.memory_space<vmem>> -> memref<512xi32, #tpu.memory_space<vmem>>
        %dma_start3A_254 = arith.constant 0 : i32
        %dma_start3A_255 = tpu.memref_slice %arg20[%dma_start3A_254] : memref<10240xf32, #tpu.memory_space<vmem_shared>> -> memref<10240xf32, #tpu.memory_space<vmem_shared>>
        tpu.enqueue_indirect_dma source(%arg17 : memref<512xf32, #tpu.memory_space<vmem>>) target(%dma_start3A_255 : memref<10240xf32, #tpu.memory_space<vmem_shared>>) offsets(%dma_start3A_253 : memref<512xi32, #tpu.memory_space<vmem>>) semaphore(%run_scoped3A : memref<!tpu.dma_semaphore, #tpu.memory_space<semaphore_mem>>) {add = true}
        %dma_wait3A_256 = arith.constant 4096 : i32
        %dma_wait3A_257 = tpu.memref_slice %arg10[%dma_wait3A_256] : memref<10112xi32, #tpu.memory_space<vmem>> -> memref<512xi32, #tpu.memory_space<vmem>>
        %dma_wait3A_258 = arith.constant 0 : i32
        %dma_wait3A_259 = tpu.memref_slice %arg20[%dma_wait3A_258] : memref<10240xf32, #tpu.memory_space<vmem_shared>> -> memref<10240xf32, #tpu.memory_space<vmem_shared>>
        tpu.wait_indirect_dma semaphore(%run_scoped3A : memref<!tpu.dma_semaphore, #tpu.memory_space<semaphore_mem>>) src(%arg17 : memref<512xf32, #tpu.memory_space<vmem>>) dst(%dma_wait3A_259 : memref<10240xf32, #tpu.memory_space<vmem_shared>>)
        tpu.yield
      }) : () -> ()
      "tpu.region"() ({
        %run_scoped3A = tpu.sem_alloc : memref<!tpu.dma_semaphore, #tpu.memory_space<semaphore_mem>>
        %dma_start3A_252 = arith.constant 4608 : i32
        %dma_start3A_253 = tpu.memref_slice %arg10[%dma_start3A_252] : memref<10112xi32, #tpu.memory_space<vmem>> -> memref<512xi32, #tpu.memory_space<vmem>>
        %dma_start3A_254 = arith.constant 0 : i32
        %dma_start3A_255 = tpu.memref_slice %arg20[%dma_start3A_254] : memref<10240xf32, #tpu.memory_space<vmem_shared>> -> memref<10240xf32, #tpu.memory_space<vmem_shared>>
        tpu.enqueue_indirect_dma source(%arg17 : memref<512xf32, #tpu.memory_space<vmem>>) target(%dma_start3A_255 : memref<10240xf32, #tpu.memory_space<vmem_shared>>) offsets(%dma_start3A_253 : memref<512xi32, #tpu.memory_space<vmem>>) semaphore(%run_scoped3A : memref<!tpu.dma_semaphore, #tpu.memory_space<semaphore_mem>>) {add = true}
        %dma_wait3A_256 = arith.constant 4608 : i32
        %dma_wait3A_257 = tpu.memref_slice %arg10[%dma_wait3A_256] : memref<10112xi32, #tpu.memory_space<vmem>> -> memref<512xi32, #tpu.memory_space<vmem>>
        %dma_wait3A_258 = arith.constant 0 : i32
        %dma_wait3A_259 = tpu.memref_slice %arg20[%dma_wait3A_258] : memref<10240xf32, #tpu.memory_space<vmem_shared>> -> memref<10240xf32, #tpu.memory_space<vmem_shared>>
        tpu.wait_indirect_dma semaphore(%run_scoped3A : memref<!tpu.dma_semaphore, #tpu.memory_space<semaphore_mem>>) src(%arg17 : memref<512xf32, #tpu.memory_space<vmem>>) dst(%dma_wait3A_259 : memref<10240xf32, #tpu.memory_space<vmem_shared>>)
        tpu.yield
      }) : () -> ()
      "tpu.region"() ({
        %run_scoped3A = tpu.sem_alloc : memref<!tpu.dma_semaphore, #tpu.memory_space<semaphore_mem>>
        %dma_start3A_252 = arith.constant 5120 : i32
        %dma_start3A_253 = tpu.memref_slice %arg10[%dma_start3A_252] : memref<10112xi32, #tpu.memory_space<vmem>> -> memref<512xi32, #tpu.memory_space<vmem>>
        %dma_start3A_254 = arith.constant 0 : i32
        %dma_start3A_255 = tpu.memref_slice %arg20[%dma_start3A_254] : memref<10240xf32, #tpu.memory_space<vmem_shared>> -> memref<10240xf32, #tpu.memory_space<vmem_shared>>
        tpu.enqueue_indirect_dma source(%arg17 : memref<512xf32, #tpu.memory_space<vmem>>) target(%dma_start3A_255 : memref<10240xf32, #tpu.memory_space<vmem_shared>>) offsets(%dma_start3A_253 : memref<512xi32, #tpu.memory_space<vmem>>) semaphore(%run_scoped3A : memref<!tpu.dma_semaphore, #tpu.memory_space<semaphore_mem>>) {add = true}
        %dma_wait3A_256 = arith.constant 5120 : i32
        %dma_wait3A_257 = tpu.memref_slice %arg10[%dma_wait3A_256] : memref<10112xi32, #tpu.memory_space<vmem>> -> memref<512xi32, #tpu.memory_space<vmem>>
        %dma_wait3A_258 = arith.constant 0 : i32
        %dma_wait3A_259 = tpu.memref_slice %arg20[%dma_wait3A_258] : memref<10240xf32, #tpu.memory_space<vmem_shared>> -> memref<10240xf32, #tpu.memory_space<vmem_shared>>
        tpu.wait_indirect_dma semaphore(%run_scoped3A : memref<!tpu.dma_semaphore, #tpu.memory_space<semaphore_mem>>) src(%arg17 : memref<512xf32, #tpu.memory_space<vmem>>) dst(%dma_wait3A_259 : memref<10240xf32, #tpu.memory_space<vmem_shared>>)
        tpu.yield
      }) : () -> ()
      "tpu.region"() ({
        %run_scoped3A = tpu.sem_alloc : memref<!tpu.dma_semaphore, #tpu.memory_space<semaphore_mem>>
        %dma_start3A_252 = arith.constant 5632 : i32
        %dma_start3A_253 = tpu.memref_slice %arg10[%dma_start3A_252] : memref<10112xi32, #tpu.memory_space<vmem>> -> memref<512xi32, #tpu.memory_space<vmem>>
        %dma_start3A_254 = arith.constant 0 : i32
        %dma_start3A_255 = tpu.memref_slice %arg20[%dma_start3A_254] : memref<10240xf32, #tpu.memory_space<vmem_shared>> -> memref<10240xf32, #tpu.memory_space<vmem_shared>>
        tpu.enqueue_indirect_dma source(%arg17 : memref<512xf32, #tpu.memory_space<vmem>>) target(%dma_start3A_255 : memref<10240xf32, #tpu.memory_space<vmem_shared>>) offsets(%dma_start3A_253 : memref<512xi32, #tpu.memory_space<vmem>>) semaphore(%run_scoped3A : memref<!tpu.dma_semaphore, #tpu.memory_space<semaphore_mem>>) {add = true}
        %dma_wait3A_256 = arith.constant 5632 : i32
        %dma_wait3A_257 = tpu.memref_slice %arg10[%dma_wait3A_256] : memref<10112xi32, #tpu.memory_space<vmem>> -> memref<512xi32, #tpu.memory_space<vmem>>
        %dma_wait3A_258 = arith.constant 0 : i32
        %dma_wait3A_259 = tpu.memref_slice %arg20[%dma_wait3A_258] : memref<10240xf32, #tpu.memory_space<vmem_shared>> -> memref<10240xf32, #tpu.memory_space<vmem_shared>>
        tpu.wait_indirect_dma semaphore(%run_scoped3A : memref<!tpu.dma_semaphore, #tpu.memory_space<semaphore_mem>>) src(%arg17 : memref<512xf32, #tpu.memory_space<vmem>>) dst(%dma_wait3A_259 : memref<10240xf32, #tpu.memory_space<vmem_shared>>)
        tpu.yield
      }) : () -> ()
      "tpu.region"() ({
        %run_scoped3A = tpu.sem_alloc : memref<!tpu.dma_semaphore, #tpu.memory_space<semaphore_mem>>
        %dma_start3A_252 = arith.constant 6144 : i32
        %dma_start3A_253 = tpu.memref_slice %arg10[%dma_start3A_252] : memref<10112xi32, #tpu.memory_space<vmem>> -> memref<512xi32, #tpu.memory_space<vmem>>
        %dma_start3A_254 = arith.constant 0 : i32
        %dma_start3A_255 = tpu.memref_slice %arg20[%dma_start3A_254] : memref<10240xf32, #tpu.memory_space<vmem_shared>> -> memref<10240xf32, #tpu.memory_space<vmem_shared>>
        tpu.enqueue_indirect_dma source(%arg17 : memref<512xf32, #tpu.memory_space<vmem>>) target(%dma_start3A_255 : memref<10240xf32, #tpu.memory_space<vmem_shared>>) offsets(%dma_start3A_253 : memref<512xi32, #tpu.memory_space<vmem>>) semaphore(%run_scoped3A : memref<!tpu.dma_semaphore, #tpu.memory_space<semaphore_mem>>) {add = true}
        %dma_wait3A_256 = arith.constant 6144 : i32
        %dma_wait3A_257 = tpu.memref_slice %arg10[%dma_wait3A_256] : memref<10112xi32, #tpu.memory_space<vmem>> -> memref<512xi32, #tpu.memory_space<vmem>>
        %dma_wait3A_258 = arith.constant 0 : i32
        %dma_wait3A_259 = tpu.memref_slice %arg20[%dma_wait3A_258] : memref<10240xf32, #tpu.memory_space<vmem_shared>> -> memref<10240xf32, #tpu.memory_space<vmem_shared>>
        tpu.wait_indirect_dma semaphore(%run_scoped3A : memref<!tpu.dma_semaphore, #tpu.memory_space<semaphore_mem>>) src(%arg17 : memref<512xf32, #tpu.memory_space<vmem>>) dst(%dma_wait3A_259 : memref<10240xf32, #tpu.memory_space<vmem_shared>>)
        tpu.yield
      }) : () -> ()
      "tpu.region"() ({
        %run_scoped3A = tpu.sem_alloc : memref<!tpu.dma_semaphore, #tpu.memory_space<semaphore_mem>>
        %dma_start3A_252 = arith.constant 6656 : i32
        %dma_start3A_253 = tpu.memref_slice %arg10[%dma_start3A_252] : memref<10112xi32, #tpu.memory_space<vmem>> -> memref<512xi32, #tpu.memory_space<vmem>>
        %dma_start3A_254 = arith.constant 0 : i32
        %dma_start3A_255 = tpu.memref_slice %arg20[%dma_start3A_254] : memref<10240xf32, #tpu.memory_space<vmem_shared>> -> memref<10240xf32, #tpu.memory_space<vmem_shared>>
        tpu.enqueue_indirect_dma source(%arg17 : memref<512xf32, #tpu.memory_space<vmem>>) target(%dma_start3A_255 : memref<10240xf32, #tpu.memory_space<vmem_shared>>) offsets(%dma_start3A_253 : memref<512xi32, #tpu.memory_space<vmem>>) semaphore(%run_scoped3A : memref<!tpu.dma_semaphore, #tpu.memory_space<semaphore_mem>>) {add = true}
        %dma_wait3A_256 = arith.constant 6656 : i32
        %dma_wait3A_257 = tpu.memref_slice %arg10[%dma_wait3A_256] : memref<10112xi32, #tpu.memory_space<vmem>> -> memref<512xi32, #tpu.memory_space<vmem>>
        %dma_wait3A_258 = arith.constant 0 : i32
        %dma_wait3A_259 = tpu.memref_slice %arg20[%dma_wait3A_258] : memref<10240xf32, #tpu.memory_space<vmem_shared>> -> memref<10240xf32, #tpu.memory_space<vmem_shared>>
        tpu.wait_indirect_dma semaphore(%run_scoped3A : memref<!tpu.dma_semaphore, #tpu.memory_space<semaphore_mem>>) src(%arg17 : memref<512xf32, #tpu.memory_space<vmem>>) dst(%dma_wait3A_259 : memref<10240xf32, #tpu.memory_space<vmem_shared>>)
        tpu.yield
      }) : () -> ()
      "tpu.region"() ({
        %run_scoped3A = tpu.sem_alloc : memref<!tpu.dma_semaphore, #tpu.memory_space<semaphore_mem>>
        %dma_start3A_252 = arith.constant 7168 : i32
        %dma_start3A_253 = tpu.memref_slice %arg10[%dma_start3A_252] : memref<10112xi32, #tpu.memory_space<vmem>> -> memref<512xi32, #tpu.memory_space<vmem>>
        %dma_start3A_254 = arith.constant 0 : i32
        %dma_start3A_255 = tpu.memref_slice %arg20[%dma_start3A_254] : memref<10240xf32, #tpu.memory_space<vmem_shared>> -> memref<10240xf32, #tpu.memory_space<vmem_shared>>
        tpu.enqueue_indirect_dma source(%arg17 : memref<512xf32, #tpu.memory_space<vmem>>) target(%dma_start3A_255 : memref<10240xf32, #tpu.memory_space<vmem_shared>>) offsets(%dma_start3A_253 : memref<512xi32, #tpu.memory_space<vmem>>) semaphore(%run_scoped3A : memref<!tpu.dma_semaphore, #tpu.memory_space<semaphore_mem>>) {add = true}
        %dma_wait3A_256 = arith.constant 7168 : i32
        %dma_wait3A_257 = tpu.memref_slice %arg10[%dma_wait3A_256] : memref<10112xi32, #tpu.memory_space<vmem>> -> memref<512xi32, #tpu.memory_space<vmem>>
        %dma_wait3A_258 = arith.constant 0 : i32
        %dma_wait3A_259 = tpu.memref_slice %arg20[%dma_wait3A_258] : memref<10240xf32, #tpu.memory_space<vmem_shared>> -> memref<10240xf32, #tpu.memory_space<vmem_shared>>
        tpu.wait_indirect_dma semaphore(%run_scoped3A : memref<!tpu.dma_semaphore, #tpu.memory_space<semaphore_mem>>) src(%arg17 : memref<512xf32, #tpu.memory_space<vmem>>) dst(%dma_wait3A_259 : memref<10240xf32, #tpu.memory_space<vmem_shared>>)
        tpu.yield
      }) : () -> ()
      "tpu.region"() ({
        %run_scoped3A = tpu.sem_alloc : memref<!tpu.dma_semaphore, #tpu.memory_space<semaphore_mem>>
        %dma_start3A_252 = arith.constant 7680 : i32
        %dma_start3A_253 = tpu.memref_slice %arg10[%dma_start3A_252] : memref<10112xi32, #tpu.memory_space<vmem>> -> memref<512xi32, #tpu.memory_space<vmem>>
        %dma_start3A_254 = arith.constant 0 : i32
        %dma_start3A_255 = tpu.memref_slice %arg20[%dma_start3A_254] : memref<10240xf32, #tpu.memory_space<vmem_shared>> -> memref<10240xf32, #tpu.memory_space<vmem_shared>>
        tpu.enqueue_indirect_dma source(%arg17 : memref<512xf32, #tpu.memory_space<vmem>>) target(%dma_start3A_255 : memref<10240xf32, #tpu.memory_space<vmem_shared>>) offsets(%dma_start3A_253 : memref<512xi32, #tpu.memory_space<vmem>>) semaphore(%run_scoped3A : memref<!tpu.dma_semaphore, #tpu.memory_space<semaphore_mem>>) {add = true}
        %dma_wait3A_256 = arith.constant 7680 : i32
        %dma_wait3A_257 = tpu.memref_slice %arg10[%dma_wait3A_256] : memref<10112xi32, #tpu.memory_space<vmem>> -> memref<512xi32, #tpu.memory_space<vmem>>
        %dma_wait3A_258 = arith.constant 0 : i32
        %dma_wait3A_259 = tpu.memref_slice %arg20[%dma_wait3A_258] : memref<10240xf32, #tpu.memory_space<vmem_shared>> -> memref<10240xf32, #tpu.memory_space<vmem_shared>>
        tpu.wait_indirect_dma semaphore(%run_scoped3A : memref<!tpu.dma_semaphore, #tpu.memory_space<semaphore_mem>>) src(%arg17 : memref<512xf32, #tpu.memory_space<vmem>>) dst(%dma_wait3A_259 : memref<10240xf32, #tpu.memory_space<vmem_shared>>)
        tpu.yield
      }) : () -> ()
      "tpu.region"() ({
        %run_scoped3A = tpu.sem_alloc : memref<!tpu.dma_semaphore, #tpu.memory_space<semaphore_mem>>
        %dma_start3A_252 = arith.constant 8192 : i32
        %dma_start3A_253 = tpu.memref_slice %arg10[%dma_start3A_252] : memref<10112xi32, #tpu.memory_space<vmem>> -> memref<512xi32, #tpu.memory_space<vmem>>
        %dma_start3A_254 = arith.constant 0 : i32
        %dma_start3A_255 = tpu.memref_slice %arg20[%dma_start3A_254] : memref<10240xf32, #tpu.memory_space<vmem_shared>> -> memref<10240xf32, #tpu.memory_space<vmem_shared>>
        tpu.enqueue_indirect_dma source(%arg17 : memref<512xf32, #tpu.memory_space<vmem>>) target(%dma_start3A_255 : memref<10240xf32, #tpu.memory_space<vmem_shared>>) offsets(%dma_start3A_253 : memref<512xi32, #tpu.memory_space<vmem>>) semaphore(%run_scoped3A : memref<!tpu.dma_semaphore, #tpu.memory_space<semaphore_mem>>) {add = true}
        %dma_wait3A_256 = arith.constant 8192 : i32
        %dma_wait3A_257 = tpu.memref_slice %arg10[%dma_wait3A_256] : memref<10112xi32, #tpu.memory_space<vmem>> -> memref<512xi32, #tpu.memory_space<vmem>>
        %dma_wait3A_258 = arith.constant 0 : i32
        %dma_wait3A_259 = tpu.memref_slice %arg20[%dma_wait3A_258] : memref<10240xf32, #tpu.memory_space<vmem_shared>> -> memref<10240xf32, #tpu.memory_space<vmem_shared>>
        tpu.wait_indirect_dma semaphore(%run_scoped3A : memref<!tpu.dma_semaphore, #tpu.memory_space<semaphore_mem>>) src(%arg17 : memref<512xf32, #tpu.memory_space<vmem>>) dst(%dma_wait3A_259 : memref<10240xf32, #tpu.memory_space<vmem_shared>>)
        tpu.yield
      }) : () -> ()
      "tpu.region"() ({
        %run_scoped3A = tpu.sem_alloc : memref<!tpu.dma_semaphore, #tpu.memory_space<semaphore_mem>>
        %dma_start3A_252 = arith.constant 8704 : i32
        %dma_start3A_253 = tpu.memref_slice %arg10[%dma_start3A_252] : memref<10112xi32, #tpu.memory_space<vmem>> -> memref<512xi32, #tpu.memory_space<vmem>>
        %dma_start3A_254 = arith.constant 0 : i32
        %dma_start3A_255 = tpu.memref_slice %arg20[%dma_start3A_254] : memref<10240xf32, #tpu.memory_space<vmem_shared>> -> memref<10240xf32, #tpu.memory_space<vmem_shared>>
        tpu.enqueue_indirect_dma source(%arg17 : memref<512xf32, #tpu.memory_space<vmem>>) target(%dma_start3A_255 : memref<10240xf32, #tpu.memory_space<vmem_shared>>) offsets(%dma_start3A_253 : memref<512xi32, #tpu.memory_space<vmem>>) semaphore(%run_scoped3A : memref<!tpu.dma_semaphore, #tpu.memory_space<semaphore_mem>>) {add = true}
        %dma_wait3A_256 = arith.constant 8704 : i32
        %dma_wait3A_257 = tpu.memref_slice %arg10[%dma_wait3A_256] : memref<10112xi32, #tpu.memory_space<vmem>> -> memref<512xi32, #tpu.memory_space<vmem>>
        %dma_wait3A_258 = arith.constant 0 : i32
        %dma_wait3A_259 = tpu.memref_slice %arg20[%dma_wait3A_258] : memref<10240xf32, #tpu.memory_space<vmem_shared>> -> memref<10240xf32, #tpu.memory_space<vmem_shared>>
        tpu.wait_indirect_dma semaphore(%run_scoped3A : memref<!tpu.dma_semaphore, #tpu.memory_space<semaphore_mem>>) src(%arg17 : memref<512xf32, #tpu.memory_space<vmem>>) dst(%dma_wait3A_259 : memref<10240xf32, #tpu.memory_space<vmem_shared>>)
        tpu.yield
      }) : () -> ()
      "tpu.region"() ({
        %run_scoped3A = tpu.sem_alloc : memref<!tpu.dma_semaphore, #tpu.memory_space<semaphore_mem>>
        %dma_start3A_252 = arith.constant 9216 : i32
        %dma_start3A_253 = tpu.memref_slice %arg10[%dma_start3A_252] : memref<10112xi32, #tpu.memory_space<vmem>> -> memref<512xi32, #tpu.memory_space<vmem>>
        %dma_start3A_254 = arith.constant 0 : i32
        %dma_start3A_255 = tpu.memref_slice %arg20[%dma_start3A_254] : memref<10240xf32, #tpu.memory_space<vmem_shared>> -> memref<10240xf32, #tpu.memory_space<vmem_shared>>
        tpu.enqueue_indirect_dma source(%arg17 : memref<512xf32, #tpu.memory_space<vmem>>) target(%dma_start3A_255 : memref<10240xf32, #tpu.memory_space<vmem_shared>>) offsets(%dma_start3A_253 : memref<512xi32, #tpu.memory_space<vmem>>) semaphore(%run_scoped3A : memref<!tpu.dma_semaphore, #tpu.memory_space<semaphore_mem>>) {add = true}
        %dma_wait3A_256 = arith.constant 9216 : i32
        %dma_wait3A_257 = tpu.memref_slice %arg10[%dma_wait3A_256] : memref<10112xi32, #tpu.memory_space<vmem>> -> memref<512xi32, #tpu.memory_space<vmem>>
        %dma_wait3A_258 = arith.constant 0 : i32
        %dma_wait3A_259 = tpu.memref_slice %arg20[%dma_wait3A_258] : memref<10240xf32, #tpu.memory_space<vmem_shared>> -> memref<10240xf32, #tpu.memory_space<vmem_shared>>
        tpu.wait_indirect_dma semaphore(%run_scoped3A : memref<!tpu.dma_semaphore, #tpu.memory_space<semaphore_mem>>) src(%arg17 : memref<512xf32, #tpu.memory_space<vmem>>) dst(%dma_wait3A_259 : memref<10240xf32, #tpu.memory_space<vmem_shared>>)
        tpu.yield
      }) : () -> ()
      "tpu.region"() ({
        %run_scoped3A = tpu.sem_alloc : memref<!tpu.dma_semaphore, #tpu.memory_space<semaphore_mem>>
        %dma_start3A_252 = arith.constant 0 : i32
        %dma_start3A_253 = tpu.memref_slice %arg17[%dma_start3A_252] : memref<512xf32, #tpu.memory_space<vmem>> -> memref<384xf32, #tpu.memory_space<vmem>>
        %dma_start3A_254 = arith.constant 9728 : i32
        %dma_start3A_255 = tpu.memref_slice %arg10[%dma_start3A_254] : memref<10112xi32, #tpu.memory_space<vmem>> -> memref<384xi32, #tpu.memory_space<vmem>>
        %dma_start3A_256 = arith.constant 0 : i32
        %dma_start3A_257 = tpu.memref_slice %arg20[%dma_start3A_256] : memref<10240xf32, #tpu.memory_space<vmem_shared>> -> memref<10240xf32, #tpu.memory_space<vmem_shared>>
        tpu.enqueue_indirect_dma source(%dma_start3A_253 : memref<384xf32, #tpu.memory_space<vmem>>) target(%dma_start3A_257 : memref<10240xf32, #tpu.memory_space<vmem_shared>>) offsets(%dma_start3A_255 : memref<384xi32, #tpu.memory_space<vmem>>) semaphore(%run_scoped3A : memref<!tpu.dma_semaphore, #tpu.memory_space<semaphore_mem>>) {add = true}
        %dma_wait3A_258 = arith.constant 0 : i32
        %dma_wait3A_259 = tpu.memref_slice %arg17[%dma_wait3A_258] : memref<512xf32, #tpu.memory_space<vmem>> -> memref<384xf32, #tpu.memory_space<vmem>>
        %dma_wait3A_260 = arith.constant 9728 : i32
        %dma_wait3A_261 = tpu.memref_slice %arg10[%dma_wait3A_260] : memref<10112xi32, #tpu.memory_space<vmem>> -> memref<384xi32, #tpu.memory_space<vmem>>
        %dma_wait3A_262 = arith.constant 0 : i32
        %dma_wait3A_263 = tpu.memref_slice %arg20[%dma_wait3A_262] : memref<10240xf32, #tpu.memory_space<vmem_shared>> -> memref<10240xf32, #tpu.memory_space<vmem_shared>>
        tpu.wait_indirect_dma semaphore(%run_scoped3A : memref<!tpu.dma_semaphore, #tpu.memory_space<semaphore_mem>>) src(%dma_wait3A_259 : memref<384xf32, #tpu.memory_space<vmem>>) dst(%dma_wait3A_263 : memref<10240xf32, #tpu.memory_space<vmem_shared>>)
        tpu.yield
      }) : () -> ()
    } else {
    }
    %eq3A_191 = arith.constant 1 : i32
    %eq3A_192 = arith.cmpi eq, %arg0, %eq3A_191 : i32
    %convert_element_type3A_193 = arith.extui %eq3A_192 : i1 to i32
    %cond3A_194 = arith.constant 0 : i32
    %cond3A_195 = arith.cmpi ne, %convert_element_type3A_193, %cond3A_194 : i32
    scf.if %cond3A_195 {
      %dma_start3A = arith.constant 0 : i32
      %dma_start3A_207 = tpu.memref_slice %arg9[%dma_start3A] : memref<10112xi32, #tpu.memory_space<vmem>> -> memref<16xi32, #tpu.memory_space<vmem>>
      %dma_start3A_208 = arith.constant 0 : i32
      %dma_start3A_209 = arith.constant 0 : i32
      %dma_start3A_210 = tpu.memref_slice %arg3[%dma_start3A_208, %dma_start3A_209] : memref<10000x128xf32, #tpu.memory_space<hbm>> -> memref<10000x128xf32, #tpu.memory_space<hbm>>
      tpu.enqueue_indirect_dma source(%dma_start3A_210 : memref<10000x128xf32, #tpu.memory_space<hbm>>) target(%arg11 : memref<16x128xf32, #tpu.memory_space<vmem>>) offsets(%dma_start3A_207 : memref<16xi32, #tpu.memory_space<vmem>>) semaphore(%arg21 : memref<!tpu.dma_semaphore, #tpu.memory_space<semaphore_mem>>)
      %dma_start3A_211 = arith.constant 16 : i32
      %dma_start3A_212 = tpu.memref_slice %arg9[%dma_start3A_211] : memref<10112xi32, #tpu.memory_space<vmem>> -> memref<16xi32, #tpu.memory_space<vmem>>
      %dma_start3A_213 = arith.constant 0 : i32
      %dma_start3A_214 = arith.constant 0 : i32
      %dma_start3A_215 = tpu.memref_slice %arg3[%dma_start3A_213, %dma_start3A_214] : memref<10000x128xf32, #tpu.memory_space<hbm>> -> memref<10000x128xf32, #tpu.memory_space<hbm>>
      tpu.enqueue_indirect_dma source(%dma_start3A_215 : memref<10000x128xf32, #tpu.memory_space<hbm>>) target(%arg12 : memref<16x128xf32, #tpu.memory_space<vmem>>) offsets(%dma_start3A_212 : memref<16xi32, #tpu.memory_space<vmem>>) semaphore(%arg22 : memref<!tpu.dma_semaphore, #tpu.memory_space<semaphore_mem>>)
      %dma_start3A_216 = arith.constant 32 : i32
      %dma_start3A_217 = tpu.memref_slice %arg9[%dma_start3A_216] : memref<10112xi32, #tpu.memory_space<vmem>> -> memref<16xi32, #tpu.memory_space<vmem>>
      %dma_start3A_218 = arith.constant 0 : i32
      %dma_start3A_219 = arith.constant 0 : i32
      %dma_start3A_220 = tpu.memref_slice %arg3[%dma_start3A_218, %dma_start3A_219] : memref<10000x128xf32, #tpu.memory_space<hbm>> -> memref<10000x128xf32, #tpu.memory_space<hbm>>
      tpu.enqueue_indirect_dma source(%dma_start3A_220 : memref<10000x128xf32, #tpu.memory_space<hbm>>) target(%arg13 : memref<16x128xf32, #tpu.memory_space<vmem>>) offsets(%dma_start3A_217 : memref<16xi32, #tpu.memory_space<vmem>>) semaphore(%arg23 : memref<!tpu.dma_semaphore, #tpu.memory_space<semaphore_mem>>)
      %dma_start3A_221 = arith.constant 48 : i32
      %dma_start3A_222 = tpu.memref_slice %arg9[%dma_start3A_221] : memref<10112xi32, #tpu.memory_space<vmem>> -> memref<16xi32, #tpu.memory_space<vmem>>
      %dma_start3A_223 = arith.constant 0 : i32
      %dma_start3A_224 = arith.constant 0 : i32
      %dma_start3A_225 = tpu.memref_slice %arg3[%dma_start3A_223, %dma_start3A_224] : memref<10000x128xf32, #tpu.memory_space<hbm>> -> memref<10000x128xf32, #tpu.memory_space<hbm>>
      tpu.enqueue_indirect_dma source(%dma_start3A_225 : memref<10000x128xf32, #tpu.memory_space<hbm>>) target(%arg14 : memref<16x128xf32, #tpu.memory_space<vmem>>) offsets(%dma_start3A_222 : memref<16xi32, #tpu.memory_space<vmem>>) semaphore(%arg24 : memref<!tpu.dma_semaphore, #tpu.memory_space<semaphore_mem>>)
      %dma_start3A_226 = arith.constant 64 : i32
      %dma_start3A_227 = tpu.memref_slice %arg9[%dma_start3A_226] : memref<10112xi32, #tpu.memory_space<vmem>> -> memref<16xi32, #tpu.memory_space<vmem>>
      %dma_start3A_228 = arith.constant 0 : i32
      %dma_start3A_229 = arith.constant 0 : i32
      %dma_start3A_230 = tpu.memref_slice %arg3[%dma_start3A_228, %dma_start3A_229] : memref<10000x128xf32, #tpu.memory_space<hbm>> -> memref<10000x128xf32, #tpu.memory_space<hbm>>
      tpu.enqueue_indirect_dma source(%dma_start3A_230 : memref<10000x128xf32, #tpu.memory_space<hbm>>) target(%arg15 : memref<16x128xf32, #tpu.memory_space<vmem>>) offsets(%dma_start3A_227 : memref<16xi32, #tpu.memory_space<vmem>>) semaphore(%arg25 : memref<!tpu.dma_semaphore, #tpu.memory_space<semaphore_mem>>)
      %dma_start3A_231 = arith.constant 80 : i32
      %dma_start3A_232 = tpu.memref_slice %arg9[%dma_start3A_231] : memref<10112xi32, #tpu.memory_space<vmem>> -> memref<16xi32, #tpu.memory_space<vmem>>
      %dma_start3A_233 = arith.constant 0 : i32
      %dma_start3A_234 = arith.constant 0 : i32
      %dma_start3A_235 = tpu.memref_slice %arg3[%dma_start3A_233, %dma_start3A_234] : memref<10000x128xf32, #tpu.memory_space<hbm>> -> memref<10000x128xf32, #tpu.memory_space<hbm>>
      tpu.enqueue_indirect_dma source(%dma_start3A_235 : memref<10000x128xf32, #tpu.memory_space<hbm>>) target(%arg16 : memref<16x128xf32, #tpu.memory_space<vmem>>) offsets(%dma_start3A_232 : memref<16xi32, #tpu.memory_space<vmem>>) semaphore(%arg26 : memref<!tpu.dma_semaphore, #tpu.memory_space<semaphore_mem>>)
      %scan3A_236 = arith.constant 0 : i32
      %scan3A_237 = arith.constant 0 : i32
      %scan3A_238 = arith.constant 105 : i32
      %scan3A_239 = arith.addi %scan3A_237, %scan3A_238 : i32
      %scan3A_240 = arith.constant 1 : i32
      %scan3A_241 = scf.for %scan3A_252 = %scan3A_237 to %scan3A_239 step %scan3A_240 iter_args(%scan3A_253 = %scan3A_236) -> (i32)  : i32 {
        %mul3A_254 = arith.constant 6 : i32
        %mul3A_255 = arith.muli %mul3A_254, %scan3A_252 : i32
        %add3A_256 = arith.constant 0 : i32
        %add3A_257 = arith.addi %mul3A_255, %add3A_256 : i32
        %mul3A_258 = arith.constant 16 : i32
        %mul3A_259 = arith.muli %add3A_257, %mul3A_258 : i32
        %dma_wait3A_260 = tpu.memref_slice %arg9[%mul3A_259] : memref<10112xi32, #tpu.memory_space<vmem>> -> memref<16xi32, #tpu.memory_space<vmem>>
        %dma_wait3A_261 = arith.constant 0 : i32
        %dma_wait3A_262 = arith.constant 0 : i32
        %dma_wait3A_263 = tpu.memref_slice %arg3[%dma_wait3A_261, %dma_wait3A_262] : memref<10000x128xf32, #tpu.memory_space<hbm>> -> memref<10000x128xf32, #tpu.memory_space<hbm>>
        tpu.wait_indirect_dma semaphore(%arg21 : memref<!tpu.dma_semaphore, #tpu.memory_space<semaphore_mem>>) src(%dma_wait3A_263 : memref<10000x128xf32, #tpu.memory_space<hbm>>) dst(%arg11 : memref<16x128xf32, #tpu.memory_space<vmem>>)
        %mul3A_264 = arith.constant 16 : i32
        %mul3A_265 = arith.muli %add3A_257, %mul3A_264 : i32
        "tpu.region"() ({
          %run_scoped3A = tpu.sem_alloc : memref<!tpu.dma_semaphore, #tpu.memory_space<semaphore_mem>>
          %dma_start3A_358 = tpu.memref_slice %arg10[%mul3A_265] : memref<10112xi32, #tpu.memory_space<vmem>> -> memref<16xi32, #tpu.memory_space<vmem>>
          %dma_start3A_359 = arith.constant 0 : i32
          %dma_start3A_360 = arith.constant 0 : i32
          %dma_start3A_361 = tpu.memref_slice %arg19[%dma_start3A_359, %dma_start3A_360] : memref<10240x128xf32, #tpu.memory_space<vmem_shared>> -> memref<10240x128xf32, #tpu.memory_space<vmem_shared>>
          tpu.enqueue_indirect_dma source(%arg11 : memref<16x128xf32, #tpu.memory_space<vmem>>) target(%dma_start3A_361 : memref<10240x128xf32, #tpu.memory_space<vmem_shared>>) offsets(%dma_start3A_358 : memref<16xi32, #tpu.memory_space<vmem>>) semaphore(%run_scoped3A : memref<!tpu.dma_semaphore, #tpu.memory_space<semaphore_mem>>) {add = true}
          %dma_wait3A_362 = tpu.memref_slice %arg10[%mul3A_265] : memref<10112xi32, #tpu.memory_space<vmem>> -> memref<16xi32, #tpu.memory_space<vmem>>
          %dma_wait3A_363 = arith.constant 0 : i32
          %dma_wait3A_364 = arith.constant 0 : i32
          %dma_wait3A_365 = tpu.memref_slice %arg19[%dma_wait3A_363, %dma_wait3A_364] : memref<10240x128xf32, #tpu.memory_space<vmem_shared>> -> memref<10240x128xf32, #tpu.memory_space<vmem_shared>>
          tpu.wait_indirect_dma semaphore(%run_scoped3A : memref<!tpu.dma_semaphore, #tpu.memory_space<semaphore_mem>>) src(%arg11 : memref<16x128xf32, #tpu.memory_space<vmem>>) dst(%dma_wait3A_365 : memref<10240x128xf32, #tpu.memory_space<vmem_shared>>)
          tpu.yield
        }) : () -> ()
        %add3A_266 = arith.constant 6 : i32
        %add3A_267 = arith.addi %add3A_257, %add3A_266 : i32
        %lt3A = arith.constant 632 : i32
        %lt3A_268 = arith.cmpi slt, %add3A_267, %lt3A : i32
        %convert_element_type3A_269 = arith.extui %lt3A_268 : i1 to i32
        %cond3A_270 = arith.constant 0 : i32
        %cond3A_271 = arith.cmpi ne, %convert_element_type3A_269, %cond3A_270 : i32
        scf.if %cond3A_271 {
          %add3A_358 = arith.constant 6 : i32
          %add3A_359 = arith.addi %add3A_257, %add3A_358 : i32
          %mul3A_360 = arith.constant 16 : i32
          %mul3A_361 = arith.muli %add3A_359, %mul3A_360 : i32
          %dma_start3A_362 = tpu.memref_slice %arg9[%mul3A_361] : memref<10112xi32, #tpu.memory_space<vmem>> -> memref<16xi32, #tpu.memory_space<vmem>>
          %dma_start3A_363 = arith.constant 0 : i32
          %dma_start3A_364 = arith.constant 0 : i32
          %dma_start3A_365 = tpu.memref_slice %arg3[%dma_start3A_363, %dma_start3A_364] : memref<10000x128xf32, #tpu.memory_space<hbm>> -> memref<10000x128xf32, #tpu.memory_space<hbm>>
          tpu.enqueue_indirect_dma source(%dma_start3A_365 : memref<10000x128xf32, #tpu.memory_space<hbm>>) target(%arg11 : memref<16x128xf32, #tpu.memory_space<vmem>>) offsets(%dma_start3A_362 : memref<16xi32, #tpu.memory_space<vmem>>) semaphore(%arg21 : memref<!tpu.dma_semaphore, #tpu.memory_space<semaphore_mem>>)
        } else {
        }
        %add3A_272 = arith.constant 1 : i32
        %add3A_273 = arith.addi %mul3A_255, %add3A_272 : i32
        %mul3A_274 = arith.constant 16 : i32
        %mul3A_275 = arith.muli %add3A_273, %mul3A_274 : i32
        %dma_wait3A_276 = tpu.memref_slice %arg9[%mul3A_275] : memref<10112xi32, #tpu.memory_space<vmem>> -> memref<16xi32, #tpu.memory_space<vmem>>
        %dma_wait3A_277 = arith.constant 0 : i32
        %dma_wait3A_278 = arith.constant 0 : i32
        %dma_wait3A_279 = tpu.memref_slice %arg3[%dma_wait3A_277, %dma_wait3A_278] : memref<10000x128xf32, #tpu.memory_space<hbm>> -> memref<10000x128xf32, #tpu.memory_space<hbm>>
        tpu.wait_indirect_dma semaphore(%arg22 : memref<!tpu.dma_semaphore, #tpu.memory_space<semaphore_mem>>) src(%dma_wait3A_279 : memref<10000x128xf32, #tpu.memory_space<hbm>>) dst(%arg12 : memref<16x128xf32, #tpu.memory_space<vmem>>)
        %mul3A_280 = arith.constant 16 : i32
        %mul3A_281 = arith.muli %add3A_273, %mul3A_280 : i32
        "tpu.region"() ({
          %run_scoped3A = tpu.sem_alloc : memref<!tpu.dma_semaphore, #tpu.memory_space<semaphore_mem>>
          %dma_start3A_358 = tpu.memref_slice %arg10[%mul3A_281] : memref<10112xi32, #tpu.memory_space<vmem>> -> memref<16xi32, #tpu.memory_space<vmem>>
          %dma_start3A_359 = arith.constant 0 : i32
          %dma_start3A_360 = arith.constant 0 : i32
          %dma_start3A_361 = tpu.memref_slice %arg19[%dma_start3A_359, %dma_start3A_360] : memref<10240x128xf32, #tpu.memory_space<vmem_shared>> -> memref<10240x128xf32, #tpu.memory_space<vmem_shared>>
          tpu.enqueue_indirect_dma source(%arg12 : memref<16x128xf32, #tpu.memory_space<vmem>>) target(%dma_start3A_361 : memref<10240x128xf32, #tpu.memory_space<vmem_shared>>) offsets(%dma_start3A_358 : memref<16xi32, #tpu.memory_space<vmem>>) semaphore(%run_scoped3A : memref<!tpu.dma_semaphore, #tpu.memory_space<semaphore_mem>>) {add = true}
          %dma_wait3A_362 = tpu.memref_slice %arg10[%mul3A_281] : memref<10112xi32, #tpu.memory_space<vmem>> -> memref<16xi32, #tpu.memory_space<vmem>>
          %dma_wait3A_363 = arith.constant 0 : i32
          %dma_wait3A_364 = arith.constant 0 : i32
          %dma_wait3A_365 = tpu.memref_slice %arg19[%dma_wait3A_363, %dma_wait3A_364] : memref<10240x128xf32, #tpu.memory_space<vmem_shared>> -> memref<10240x128xf32, #tpu.memory_space<vmem_shared>>
          tpu.wait_indirect_dma semaphore(%run_scoped3A : memref<!tpu.dma_semaphore, #tpu.memory_space<semaphore_mem>>) src(%arg12 : memref<16x128xf32, #tpu.memory_space<vmem>>) dst(%dma_wait3A_365 : memref<10240x128xf32, #tpu.memory_space<vmem_shared>>)
          tpu.yield
        }) : () -> ()
        %add3A_282 = arith.constant 6 : i32
        %add3A_283 = arith.addi %add3A_273, %add3A_282 : i32
        %lt3A_284 = arith.constant 632 : i32
        %lt3A_285 = arith.cmpi slt, %add3A_283, %lt3A_284 : i32
        %convert_element_type3A_286 = arith.extui %lt3A_285 : i1 to i32
        %cond3A_287 = arith.constant 0 : i32
        %cond3A_288 = arith.cmpi ne, %convert_element_type3A_286, %cond3A_287 : i32
        scf.if %cond3A_288 {
          %add3A_358 = arith.constant 6 : i32
          %add3A_359 = arith.addi %add3A_273, %add3A_358 : i32
          %mul3A_360 = arith.constant 16 : i32
          %mul3A_361 = arith.muli %add3A_359, %mul3A_360 : i32
          %dma_start3A_362 = tpu.memref_slice %arg9[%mul3A_361] : memref<10112xi32, #tpu.memory_space<vmem>> -> memref<16xi32, #tpu.memory_space<vmem>>
          %dma_start3A_363 = arith.constant 0 : i32
          %dma_start3A_364 = arith.constant 0 : i32
          %dma_start3A_365 = tpu.memref_slice %arg3[%dma_start3A_363, %dma_start3A_364] : memref<10000x128xf32, #tpu.memory_space<hbm>> -> memref<10000x128xf32, #tpu.memory_space<hbm>>
          tpu.enqueue_indirect_dma source(%dma_start3A_365 : memref<10000x128xf32, #tpu.memory_space<hbm>>) target(%arg12 : memref<16x128xf32, #tpu.memory_space<vmem>>) offsets(%dma_start3A_362 : memref<16xi32, #tpu.memory_space<vmem>>) semaphore(%arg22 : memref<!tpu.dma_semaphore, #tpu.memory_space<semaphore_mem>>)
        } else {
        }
        %add3A_289 = arith.constant 2 : i32
        %add3A_290 = arith.addi %mul3A_255, %add3A_289 : i32
        %mul3A_291 = arith.constant 16 : i32
        %mul3A_292 = arith.muli %add3A_290, %mul3A_291 : i32
        %dma_wait3A_293 = tpu.memref_slice %arg9[%mul3A_292] : memref<10112xi32, #tpu.memory_space<vmem>> -> memref<16xi32, #tpu.memory_space<vmem>>
        %dma_wait3A_294 = arith.constant 0 : i32
        %dma_wait3A_295 = arith.constant 0 : i32
        %dma_wait3A_296 = tpu.memref_slice %arg3[%dma_wait3A_294, %dma_wait3A_295] : memref<10000x128xf32, #tpu.memory_space<hbm>> -> memref<10000x128xf32, #tpu.memory_space<hbm>>
        tpu.wait_indirect_dma semaphore(%arg23 : memref<!tpu.dma_semaphore, #tpu.memory_space<semaphore_mem>>) src(%dma_wait3A_296 : memref<10000x128xf32, #tpu.memory_space<hbm>>) dst(%arg13 : memref<16x128xf32, #tpu.memory_space<vmem>>)
        %mul3A_297 = arith.constant 16 : i32
        %mul3A_298 = arith.muli %add3A_290, %mul3A_297 : i32
        "tpu.region"() ({
          %run_scoped3A = tpu.sem_alloc : memref<!tpu.dma_semaphore, #tpu.memory_space<semaphore_mem>>
          %dma_start3A_358 = tpu.memref_slice %arg10[%mul3A_298] : memref<10112xi32, #tpu.memory_space<vmem>> -> memref<16xi32, #tpu.memory_space<vmem>>
          %dma_start3A_359 = arith.constant 0 : i32
          %dma_start3A_360 = arith.constant 0 : i32
          %dma_start3A_361 = tpu.memref_slice %arg19[%dma_start3A_359, %dma_start3A_360] : memref<10240x128xf32, #tpu.memory_space<vmem_shared>> -> memref<10240x128xf32, #tpu.memory_space<vmem_shared>>
          tpu.enqueue_indirect_dma source(%arg13 : memref<16x128xf32, #tpu.memory_space<vmem>>) target(%dma_start3A_361 : memref<10240x128xf32, #tpu.memory_space<vmem_shared>>) offsets(%dma_start3A_358 : memref<16xi32, #tpu.memory_space<vmem>>) semaphore(%run_scoped3A : memref<!tpu.dma_semaphore, #tpu.memory_space<semaphore_mem>>) {add = true}
          %dma_wait3A_362 = tpu.memref_slice %arg10[%mul3A_298] : memref<10112xi32, #tpu.memory_space<vmem>> -> memref<16xi32, #tpu.memory_space<vmem>>
          %dma_wait3A_363 = arith.constant 0 : i32
          %dma_wait3A_364 = arith.constant 0 : i32
          %dma_wait3A_365 = tpu.memref_slice %arg19[%dma_wait3A_363, %dma_wait3A_364] : memref<10240x128xf32, #tpu.memory_space<vmem_shared>> -> memref<10240x128xf32, #tpu.memory_space<vmem_shared>>
          tpu.wait_indirect_dma semaphore(%run_scoped3A : memref<!tpu.dma_semaphore, #tpu.memory_space<semaphore_mem>>) src(%arg13 : memref<16x128xf32, #tpu.memory_space<vmem>>) dst(%dma_wait3A_365 : memref<10240x128xf32, #tpu.memory_space<vmem_shared>>)
          tpu.yield
        }) : () -> ()
        %add3A_299 = arith.constant 6 : i32
        %add3A_300 = arith.addi %add3A_290, %add3A_299 : i32
        %lt3A_301 = arith.constant 632 : i32
        %lt3A_302 = arith.cmpi slt, %add3A_300, %lt3A_301 : i32
        %convert_element_type3A_303 = arith.extui %lt3A_302 : i1 to i32
        %cond3A_304 = arith.constant 0 : i32
        %cond3A_305 = arith.cmpi ne, %convert_element_type3A_303, %cond3A_304 : i32
        scf.if %cond3A_305 {
          %add3A_358 = arith.constant 6 : i32
          %add3A_359 = arith.addi %add3A_290, %add3A_358 : i32
          %mul3A_360 = arith.constant 16 : i32
          %mul3A_361 = arith.muli %add3A_359, %mul3A_360 : i32
          %dma_start3A_362 = tpu.memref_slice %arg9[%mul3A_361] : memref<10112xi32, #tpu.memory_space<vmem>> -> memref<16xi32, #tpu.memory_space<vmem>>
          %dma_start3A_363 = arith.constant 0 : i32
          %dma_start3A_364 = arith.constant 0 : i32
          %dma_start3A_365 = tpu.memref_slice %arg3[%dma_start3A_363, %dma_start3A_364] : memref<10000x128xf32, #tpu.memory_space<hbm>> -> memref<10000x128xf32, #tpu.memory_space<hbm>>
          tpu.enqueue_indirect_dma source(%dma_start3A_365 : memref<10000x128xf32, #tpu.memory_space<hbm>>) target(%arg13 : memref<16x128xf32, #tpu.memory_space<vmem>>) offsets(%dma_start3A_362 : memref<16xi32, #tpu.memory_space<vmem>>) semaphore(%arg23 : memref<!tpu.dma_semaphore, #tpu.memory_space<semaphore_mem>>)
        } else {
        }
        %add3A_306 = arith.constant 3 : i32
        %add3A_307 = arith.addi %mul3A_255, %add3A_306 : i32
        %mul3A_308 = arith.constant 16 : i32
        %mul3A_309 = arith.muli %add3A_307, %mul3A_308 : i32
        %dma_wait3A_310 = tpu.memref_slice %arg9[%mul3A_309] : memref<10112xi32, #tpu.memory_space<vmem>> -> memref<16xi32, #tpu.memory_space<vmem>>
        %dma_wait3A_311 = arith.constant 0 : i32
        %dma_wait3A_312 = arith.constant 0 : i32
        %dma_wait3A_313 = tpu.memref_slice %arg3[%dma_wait3A_311, %dma_wait3A_312] : memref<10000x128xf32, #tpu.memory_space<hbm>> -> memref<10000x128xf32, #tpu.memory_space<hbm>>
        tpu.wait_indirect_dma semaphore(%arg24 : memref<!tpu.dma_semaphore, #tpu.memory_space<semaphore_mem>>) src(%dma_wait3A_313 : memref<10000x128xf32, #tpu.memory_space<hbm>>) dst(%arg14 : memref<16x128xf32, #tpu.memory_space<vmem>>)
        %mul3A_314 = arith.constant 16 : i32
        %mul3A_315 = arith.muli %add3A_307, %mul3A_314 : i32
        "tpu.region"() ({
          %run_scoped3A = tpu.sem_alloc : memref<!tpu.dma_semaphore, #tpu.memory_space<semaphore_mem>>
          %dma_start3A_358 = tpu.memref_slice %arg10[%mul3A_315] : memref<10112xi32, #tpu.memory_space<vmem>> -> memref<16xi32, #tpu.memory_space<vmem>>
          %dma_start3A_359 = arith.constant 0 : i32
          %dma_start3A_360 = arith.constant 0 : i32
          %dma_start3A_361 = tpu.memref_slice %arg19[%dma_start3A_359, %dma_start3A_360] : memref<10240x128xf32, #tpu.memory_space<vmem_shared>> -> memref<10240x128xf32, #tpu.memory_space<vmem_shared>>
          tpu.enqueue_indirect_dma source(%arg14 : memref<16x128xf32, #tpu.memory_space<vmem>>) target(%dma_start3A_361 : memref<10240x128xf32, #tpu.memory_space<vmem_shared>>) offsets(%dma_start3A_358 : memref<16xi32, #tpu.memory_space<vmem>>) semaphore(%run_scoped3A : memref<!tpu.dma_semaphore, #tpu.memory_space<semaphore_mem>>) {add = true}
          %dma_wait3A_362 = tpu.memref_slice %arg10[%mul3A_315] : memref<10112xi32, #tpu.memory_space<vmem>> -> memref<16xi32, #tpu.memory_space<vmem>>
          %dma_wait3A_363 = arith.constant 0 : i32
          %dma_wait3A_364 = arith.constant 0 : i32
          %dma_wait3A_365 = tpu.memref_slice %arg19[%dma_wait3A_363, %dma_wait3A_364] : memref<10240x128xf32, #tpu.memory_space<vmem_shared>> -> memref<10240x128xf32, #tpu.memory_space<vmem_shared>>
          tpu.wait_indirect_dma semaphore(%run_scoped3A : memref<!tpu.dma_semaphore, #tpu.memory_space<semaphore_mem>>) src(%arg14 : memref<16x128xf32, #tpu.memory_space<vmem>>) dst(%dma_wait3A_365 : memref<10240x128xf32, #tpu.memory_space<vmem_shared>>)
          tpu.yield
        }) : () -> ()
        %add3A_316 = arith.constant 6 : i32
        %add3A_317 = arith.addi %add3A_307, %add3A_316 : i32
        %lt3A_318 = arith.constant 632 : i32
        %lt3A_319 = arith.cmpi slt, %add3A_317, %lt3A_318 : i32
        %convert_element_type3A_320 = arith.extui %lt3A_319 : i1 to i32
        %cond3A_321 = arith.constant 0 : i32
        %cond3A_322 = arith.cmpi ne, %convert_element_type3A_320, %cond3A_321 : i32
        scf.if %cond3A_322 {
          %add3A_358 = arith.constant 6 : i32
          %add3A_359 = arith.addi %add3A_307, %add3A_358 : i32
          %mul3A_360 = arith.constant 16 : i32
          %mul3A_361 = arith.muli %add3A_359, %mul3A_360 : i32
          %dma_start3A_362 = tpu.memref_slice %arg9[%mul3A_361] : memref<10112xi32, #tpu.memory_space<vmem>> -> memref<16xi32, #tpu.memory_space<vmem>>
          %dma_start3A_363 = arith.constant 0 : i32
          %dma_start3A_364 = arith.constant 0 : i32
          %dma_start3A_365 = tpu.memref_slice %arg3[%dma_start3A_363, %dma_start3A_364] : memref<10000x128xf32, #tpu.memory_space<hbm>> -> memref<10000x128xf32, #tpu.memory_space<hbm>>
          tpu.enqueue_indirect_dma source(%dma_start3A_365 : memref<10000x128xf32, #tpu.memory_space<hbm>>) target(%arg14 : memref<16x128xf32, #tpu.memory_space<vmem>>) offsets(%dma_start3A_362 : memref<16xi32, #tpu.memory_space<vmem>>) semaphore(%arg24 : memref<!tpu.dma_semaphore, #tpu.memory_space<semaphore_mem>>)
        } else {
        }
        %add3A_323 = arith.constant 4 : i32
        %add3A_324 = arith.addi %mul3A_255, %add3A_323 : i32
        %mul3A_325 = arith.constant 16 : i32
        %mul3A_326 = arith.muli %add3A_324, %mul3A_325 : i32
        %dma_wait3A_327 = tpu.memref_slice %arg9[%mul3A_326] : memref<10112xi32, #tpu.memory_space<vmem>> -> memref<16xi32, #tpu.memory_space<vmem>>
        %dma_wait3A_328 = arith.constant 0 : i32
        %dma_wait3A_329 = arith.constant 0 : i32
        %dma_wait3A_330 = tpu.memref_slice %arg3[%dma_wait3A_328, %dma_wait3A_329] : memref<10000x128xf32, #tpu.memory_space<hbm>> -> memref<10000x128xf32, #tpu.memory_space<hbm>>
        tpu.wait_indirect_dma semaphore(%arg25 : memref<!tpu.dma_semaphore, #tpu.memory_space<semaphore_mem>>) src(%dma_wait3A_330 : memref<10000x128xf32, #tpu.memory_space<hbm>>) dst(%arg15 : memref<16x128xf32, #tpu.memory_space<vmem>>)
        %mul3A_331 = arith.constant 16 : i32
        %mul3A_332 = arith.muli %add3A_324, %mul3A_331 : i32
        "tpu.region"() ({
          %run_scoped3A = tpu.sem_alloc : memref<!tpu.dma_semaphore, #tpu.memory_space<semaphore_mem>>
          %dma_start3A_358 = tpu.memref_slice %arg10[%mul3A_332] : memref<10112xi32, #tpu.memory_space<vmem>> -> memref<16xi32, #tpu.memory_space<vmem>>
          %dma_start3A_359 = arith.constant 0 : i32
          %dma_start3A_360 = arith.constant 0 : i32
          %dma_start3A_361 = tpu.memref_slice %arg19[%dma_start3A_359, %dma_start3A_360] : memref<10240x128xf32, #tpu.memory_space<vmem_shared>> -> memref<10240x128xf32, #tpu.memory_space<vmem_shared>>
          tpu.enqueue_indirect_dma source(%arg15 : memref<16x128xf32, #tpu.memory_space<vmem>>) target(%dma_start3A_361 : memref<10240x128xf32, #tpu.memory_space<vmem_shared>>) offsets(%dma_start3A_358 : memref<16xi32, #tpu.memory_space<vmem>>) semaphore(%run_scoped3A : memref<!tpu.dma_semaphore, #tpu.memory_space<semaphore_mem>>) {add = true}
          %dma_wait3A_362 = tpu.memref_slice %arg10[%mul3A_332] : memref<10112xi32, #tpu.memory_space<vmem>> -> memref<16xi32, #tpu.memory_space<vmem>>
          %dma_wait3A_363 = arith.constant 0 : i32
          %dma_wait3A_364 = arith.constant 0 : i32
          %dma_wait3A_365 = tpu.memref_slice %arg19[%dma_wait3A_363, %dma_wait3A_364] : memref<10240x128xf32, #tpu.memory_space<vmem_shared>> -> memref<10240x128xf32, #tpu.memory_space<vmem_shared>>
          tpu.wait_indirect_dma semaphore(%run_scoped3A : memref<!tpu.dma_semaphore, #tpu.memory_space<semaphore_mem>>) src(%arg15 : memref<16x128xf32, #tpu.memory_space<vmem>>) dst(%dma_wait3A_365 : memref<10240x128xf32, #tpu.memory_space<vmem_shared>>)
          tpu.yield
        }) : () -> ()
        %add3A_333 = arith.constant 6 : i32
        %add3A_334 = arith.addi %add3A_324, %add3A_333 : i32
        %lt3A_335 = arith.constant 632 : i32
        %lt3A_336 = arith.cmpi slt, %add3A_334, %lt3A_335 : i32
        %convert_element_type3A_337 = arith.extui %lt3A_336 : i1 to i32
        %cond3A_338 = arith.constant 0 : i32
        %cond3A_339 = arith.cmpi ne, %convert_element_type3A_337, %cond3A_338 : i32
        scf.if %cond3A_339 {
          %add3A_358 = arith.constant 6 : i32
          %add3A_359 = arith.addi %add3A_324, %add3A_358 : i32
          %mul3A_360 = arith.constant 16 : i32
          %mul3A_361 = arith.muli %add3A_359, %mul3A_360 : i32
          %dma_start3A_362 = tpu.memref_slice %arg9[%mul3A_361] : memref<10112xi32, #tpu.memory_space<vmem>> -> memref<16xi32, #tpu.memory_space<vmem>>
          %dma_start3A_363 = arith.constant 0 : i32
          %dma_start3A_364 = arith.constant 0 : i32
          %dma_start3A_365 = tpu.memref_slice %arg3[%dma_start3A_363, %dma_start3A_364] : memref<10000x128xf32, #tpu.memory_space<hbm>> -> memref<10000x128xf32, #tpu.memory_space<hbm>>
          tpu.enqueue_indirect_dma source(%dma_start3A_365 : memref<10000x128xf32, #tpu.memory_space<hbm>>) target(%arg15 : memref<16x128xf32, #tpu.memory_space<vmem>>) offsets(%dma_start3A_362 : memref<16xi32, #tpu.memory_space<vmem>>) semaphore(%arg25 : memref<!tpu.dma_semaphore, #tpu.memory_space<semaphore_mem>>)
        } else {
        }
        %add3A_340 = arith.constant 5 : i32
        %add3A_341 = arith.addi %mul3A_255, %add3A_340 : i32
        %mul3A_342 = arith.constant 16 : i32
        %mul3A_343 = arith.muli %add3A_341, %mul3A_342 : i32
        %dma_wait3A_344 = tpu.memref_slice %arg9[%mul3A_343] : memref<10112xi32, #tpu.memory_space<vmem>> -> memref<16xi32, #tpu.memory_space<vmem>>
        %dma_wait3A_345 = arith.constant 0 : i32
        %dma_wait3A_346 = arith.constant 0 : i32
        %dma_wait3A_347 = tpu.memref_slice %arg3[%dma_wait3A_345, %dma_wait3A_346] : memref<10000x128xf32, #tpu.memory_space<hbm>> -> memref<10000x128xf32, #tpu.memory_space<hbm>>
        tpu.wait_indirect_dma semaphore(%arg26 : memref<!tpu.dma_semaphore, #tpu.memory_space<semaphore_mem>>) src(%dma_wait3A_347 : memref<10000x128xf32, #tpu.memory_space<hbm>>) dst(%arg16 : memref<16x128xf32, #tpu.memory_space<vmem>>)
        %mul3A_348 = arith.constant 16 : i32
        %mul3A_349 = arith.muli %add3A_341, %mul3A_348 : i32
        "tpu.region"() ({
          %run_scoped3A = tpu.sem_alloc : memref<!tpu.dma_semaphore, #tpu.memory_space<semaphore_mem>>
          %dma_start3A_358 = tpu.memref_slice %arg10[%mul3A_349] : memref<10112xi32, #tpu.memory_space<vmem>> -> memref<16xi32, #tpu.memory_space<vmem>>
          %dma_start3A_359 = arith.constant 0 : i32
          %dma_start3A_360 = arith.constant 0 : i32
          %dma_start3A_361 = tpu.memref_slice %arg19[%dma_start3A_359, %dma_start3A_360] : memref<10240x128xf32, #tpu.memory_space<vmem_shared>> -> memref<10240x128xf32, #tpu.memory_space<vmem_shared>>
          tpu.enqueue_indirect_dma source(%arg16 : memref<16x128xf32, #tpu.memory_space<vmem>>) target(%dma_start3A_361 : memref<10240x128xf32, #tpu.memory_space<vmem_shared>>) offsets(%dma_start3A_358 : memref<16xi32, #tpu.memory_space<vmem>>) semaphore(%run_scoped3A : memref<!tpu.dma_semaphore, #tpu.memory_space<semaphore_mem>>) {add = true}
          %dma_wait3A_362 = tpu.memref_slice %arg10[%mul3A_349] : memref<10112xi32, #tpu.memory_space<vmem>> -> memref<16xi32, #tpu.memory_space<vmem>>
          %dma_wait3A_363 = arith.constant 0 : i32
          %dma_wait3A_364 = arith.constant 0 : i32
          %dma_wait3A_365 = tpu.memref_slice %arg19[%dma_wait3A_363, %dma_wait3A_364] : memref<10240x128xf32, #tpu.memory_space<vmem_shared>> -> memref<10240x128xf32, #tpu.memory_space<vmem_shared>>
          tpu.wait_indirect_dma semaphore(%run_scoped3A : memref<!tpu.dma_semaphore, #tpu.memory_space<semaphore_mem>>) src(%arg16 : memref<16x128xf32, #tpu.memory_space<vmem>>) dst(%dma_wait3A_365 : memref<10240x128xf32, #tpu.memory_space<vmem_shared>>)
          tpu.yield
        }) : () -> ()
        %add3A_350 = arith.constant 6 : i32
        %add3A_351 = arith.addi %add3A_341, %add3A_350 : i32
        %lt3A_352 = arith.constant 632 : i32
        %lt3A_353 = arith.cmpi slt, %add3A_351, %lt3A_352 : i32
        %convert_element_type3A_354 = arith.extui %lt3A_353 : i1 to i32
        %cond3A_355 = arith.constant 0 : i32
        %cond3A_356 = arith.cmpi ne, %convert_element_type3A_354, %cond3A_355 : i32
        scf.if %cond3A_356 {
          %add3A_358 = arith.constant 6 : i32
          %add3A_359 = arith.addi %add3A_341, %add3A_358 : i32
          %mul3A_360 = arith.constant 16 : i32
          %mul3A_361 = arith.muli %add3A_359, %mul3A_360 : i32
          %dma_start3A_362 = tpu.memref_slice %arg9[%mul3A_361] : memref<10112xi32, #tpu.memory_space<vmem>> -> memref<16xi32, #tpu.memory_space<vmem>>
          %dma_start3A_363 = arith.constant 0 : i32
          %dma_start3A_364 = arith.constant 0 : i32
          %dma_start3A_365 = tpu.memref_slice %arg3[%dma_start3A_363, %dma_start3A_364] : memref<10000x128xf32, #tpu.memory_space<hbm>> -> memref<10000x128xf32, #tpu.memory_space<hbm>>
          tpu.enqueue_indirect_dma source(%dma_start3A_365 : memref<10000x128xf32, #tpu.memory_space<hbm>>) target(%arg16 : memref<16x128xf32, #tpu.memory_space<vmem>>) offsets(%dma_start3A_362 : memref<16xi32, #tpu.memory_space<vmem>>) semaphore(%arg26 : memref<!tpu.dma_semaphore, #tpu.memory_space<semaphore_mem>>)
        } else {
        }
        %scan3A_357 = arith.constant 0 : i32
        scf.yield %scan3A_357 : i32
      }
      %scan3A_242 = arith.constant 105 : i32
      %dma_wait3A = arith.constant 10080 : i32
      %dma_wait3A_243 = tpu.memref_slice %arg9[%dma_wait3A] : memref<10112xi32, #tpu.memory_space<vmem>> -> memref<16xi32, #tpu.memory_space<vmem>>
      %dma_wait3A_244 = arith.constant 0 : i32
      %dma_wait3A_245 = arith.constant 0 : i32
      %dma_wait3A_246 = tpu.memref_slice %arg3[%dma_wait3A_244, %dma_wait3A_245] : memref<10000x128xf32, #tpu.memory_space<hbm>> -> memref<10000x128xf32, #tpu.memory_space<hbm>>
      tpu.wait_indirect_dma semaphore(%arg21 : memref<!tpu.dma_semaphore, #tpu.memory_space<semaphore_mem>>) src(%dma_wait3A_246 : memref<10000x128xf32, #tpu.memory_space<hbm>>) dst(%arg11 : memref<16x128xf32, #tpu.memory_space<vmem>>)
      "tpu.region"() ({
        %run_scoped3A = tpu.sem_alloc : memref<!tpu.dma_semaphore, #tpu.memory_space<semaphore_mem>>
        %dma_start3A_252 = arith.constant 10080 : i32
        %dma_start3A_253 = tpu.memref_slice %arg10[%dma_start3A_252] : memref<10112xi32, #tpu.memory_space<vmem>> -> memref<16xi32, #tpu.memory_space<vmem>>
        %dma_start3A_254 = arith.constant 0 : i32
        %dma_start3A_255 = arith.constant 0 : i32
        %dma_start3A_256 = tpu.memref_slice %arg19[%dma_start3A_254, %dma_start3A_255] : memref<10240x128xf32, #tpu.memory_space<vmem_shared>> -> memref<10240x128xf32, #tpu.memory_space<vmem_shared>>
        tpu.enqueue_indirect_dma source(%arg11 : memref<16x128xf32, #tpu.memory_space<vmem>>) target(%dma_start3A_256 : memref<10240x128xf32, #tpu.memory_space<vmem_shared>>) offsets(%dma_start3A_253 : memref<16xi32, #tpu.memory_space<vmem>>) semaphore(%run_scoped3A : memref<!tpu.dma_semaphore, #tpu.memory_space<semaphore_mem>>) {add = true}
        %dma_wait3A_257 = arith.constant 10080 : i32
        %dma_wait3A_258 = tpu.memref_slice %arg10[%dma_wait3A_257] : memref<10112xi32, #tpu.memory_space<vmem>> -> memref<16xi32, #tpu.memory_space<vmem>>
        %dma_wait3A_259 = arith.constant 0 : i32
        %dma_wait3A_260 = arith.constant 0 : i32
        %dma_wait3A_261 = tpu.memref_slice %arg19[%dma_wait3A_259, %dma_wait3A_260] : memref<10240x128xf32, #tpu.memory_space<vmem_shared>> -> memref<10240x128xf32, #tpu.memory_space<vmem_shared>>
        tpu.wait_indirect_dma semaphore(%run_scoped3A : memref<!tpu.dma_semaphore, #tpu.memory_space<semaphore_mem>>) src(%arg11 : memref<16x128xf32, #tpu.memory_space<vmem>>) dst(%dma_wait3A_261 : memref<10240x128xf32, #tpu.memory_space<vmem_shared>>)
        tpu.yield
      }) : () -> ()
      %dma_wait3A_247 = arith.constant 10096 : i32
      %dma_wait3A_248 = tpu.memref_slice %arg9[%dma_wait3A_247] : memref<10112xi32, #tpu.memory_space<vmem>> -> memref<16xi32, #tpu.memory_space<vmem>>
      %dma_wait3A_249 = arith.constant 0 : i32
      %dma_wait3A_250 = arith.constant 0 : i32
      %dma_wait3A_251 = tpu.memref_slice %arg3[%dma_wait3A_249, %dma_wait3A_250] : memref<10000x128xf32, #tpu.memory_space<hbm>> -> memref<10000x128xf32, #tpu.memory_space<hbm>>
      tpu.wait_indirect_dma semaphore(%arg22 : memref<!tpu.dma_semaphore, #tpu.memory_space<semaphore_mem>>) src(%dma_wait3A_251 : memref<10000x128xf32, #tpu.memory_space<hbm>>) dst(%arg12 : memref<16x128xf32, #tpu.memory_space<vmem>>)
      "tpu.region"() ({
        %run_scoped3A = tpu.sem_alloc : memref<!tpu.dma_semaphore, #tpu.memory_space<semaphore_mem>>
        %dma_start3A_252 = arith.constant 10096 : i32
        %dma_start3A_253 = tpu.memref_slice %arg10[%dma_start3A_252] : memref<10112xi32, #tpu.memory_space<vmem>> -> memref<16xi32, #tpu.memory_space<vmem>>
        %dma_start3A_254 = arith.constant 0 : i32
        %dma_start3A_255 = arith.constant 0 : i32
        %dma_start3A_256 = tpu.memref_slice %arg19[%dma_start3A_254, %dma_start3A_255] : memref<10240x128xf32, #tpu.memory_space<vmem_shared>> -> memref<10240x128xf32, #tpu.memory_space<vmem_shared>>
        tpu.enqueue_indirect_dma source(%arg12 : memref<16x128xf32, #tpu.memory_space<vmem>>) target(%dma_start3A_256 : memref<10240x128xf32, #tpu.memory_space<vmem_shared>>) offsets(%dma_start3A_253 : memref<16xi32, #tpu.memory_space<vmem>>) semaphore(%run_scoped3A : memref<!tpu.dma_semaphore, #tpu.memory_space<semaphore_mem>>) {add = true}
        %dma_wait3A_257 = arith.constant 10096 : i32
        %dma_wait3A_258 = tpu.memref_slice %arg10[%dma_wait3A_257] : memref<10112xi32, #tpu.memory_space<vmem>> -> memref<16xi32, #tpu.memory_space<vmem>>
        %dma_wait3A_259 = arith.constant 0 : i32
        %dma_wait3A_260 = arith.constant 0 : i32
        %dma_wait3A_261 = tpu.memref_slice %arg19[%dma_wait3A_259, %dma_wait3A_260] : memref<10240x128xf32, #tpu.memory_space<vmem_shared>> -> memref<10240x128xf32, #tpu.memory_space<vmem_shared>>
        tpu.wait_indirect_dma semaphore(%run_scoped3A : memref<!tpu.dma_semaphore, #tpu.memory_space<semaphore_mem>>) src(%arg12 : memref<16x128xf32, #tpu.memory_space<vmem>>) dst(%dma_wait3A_261 : memref<10240x128xf32, #tpu.memory_space<vmem_shared>>)
        tpu.yield
      }) : () -> ()
    } else {
    }
    %barrier3A_196 = arith.constant 0 : index
    tpu.barrier barrier_id(%barrier3A_196)
    %eq3A_197 = arith.constant 0 : i32
    %eq3A_198 = arith.cmpi eq, %arg0, %eq3A_197 : i32
    %convert_element_type3A_199 = arith.extui %eq3A_198 : i1 to i32
    %cond3A_200 = arith.constant 0 : i32
    %cond3A_201 = arith.cmpi ne, %convert_element_type3A_199, %cond3A_200 : i32
    scf.if %cond3A_201 {
      %mul3A_207 = arith.constant 640 : i32
      %mul3A_208 = arith.muli %arg1, %mul3A_207 : i32
      %mul3A_209 = arith.constant 640 : i32
      %mul3A_210 = arith.muli %arg1, %mul3A_209 : i32
      "tpu.region"() ({
        %run_scoped3A = tpu.sem_alloc : memref<!tpu.dma_semaphore, #tpu.memory_space<semaphore_mem>>
        %dma_start3A = arith.constant 0 : i32
        %dma_start3A_215 = tpu.memref_slice %arg6[%mul3A_210, %dma_start3A] : memref<10240x128xf32, #tpu.memory_space<hbm>> -> memref<640x128xf32, #tpu.memory_space<hbm>>
        %dma_start3A_216 = arith.constant 0 : i32
        %dma_start3A_217 = tpu.memref_slice %arg19[%mul3A_208, %dma_start3A_216] : memref<10240x128xf32, #tpu.memory_space<vmem_shared>> -> memref<640x128xf32, #tpu.memory_space<vmem_shared>>
        tpu.enqueue_dma source(%dma_start3A_217 : memref<640x128xf32, #tpu.memory_space<vmem_shared>>) target(%dma_start3A_215 : memref<640x128xf32, #tpu.memory_space<hbm>>) target_semaphore(%run_scoped3A : memref<!tpu.dma_semaphore, #tpu.memory_space<semaphore_mem>>)
        %dma_wait3A = arith.constant 0 : i32
        %dma_wait3A_218 = tpu.memref_slice %arg6[%mul3A_210, %dma_wait3A] : memref<10240x128xf32, #tpu.memory_space<hbm>> -> memref<640x128xf32, #tpu.memory_space<hbm>>
        %dma_wait3A_219 = arith.constant 0 : i32
        %dma_wait3A_220 = tpu.memref_slice %arg19[%mul3A_208, %dma_wait3A_219] : memref<10240x128xf32, #tpu.memory_space<vmem_shared>> -> memref<640x128xf32, #tpu.memory_space<vmem_shared>>
        tpu.wait_dma2 semaphore(%run_scoped3A : memref<!tpu.dma_semaphore, #tpu.memory_space<semaphore_mem>>) src(%dma_wait3A_220 : memref<640x128xf32, #tpu.memory_space<vmem_shared>>) dst(%dma_wait3A_218 : memref<640x128xf32, #tpu.memory_space<hbm>>)
        tpu.yield
      }) : () -> ()
      %mul3A_211 = arith.constant 640 : i32
      %mul3A_212 = arith.muli %arg1, %mul3A_211 : i32
      %mul3A_213 = arith.constant 640 : i32
      %mul3A_214 = arith.muli %arg1, %mul3A_213 : i32
      "tpu.region"() ({
        %run_scoped3A = tpu.sem_alloc : memref<!tpu.dma_semaphore, #tpu.memory_space<semaphore_mem>>
        %dma_start3A = tpu.memref_slice %arg8[%mul3A_214] : memref<10240xf32, #tpu.memory_space<hbm>> -> memref<640xf32, #tpu.memory_space<hbm>>
        %dma_start3A_215 = tpu.memref_slice %arg20[%mul3A_212] : memref<10240xf32, #tpu.memory_space<vmem_shared>> -> memref<640xf32, #tpu.memory_space<vmem_shared>>
        tpu.enqueue_dma source(%dma_start3A_215 : memref<640xf32, #tpu.memory_space<vmem_shared>>) target(%dma_start3A : memref<640xf32, #tpu.memory_space<hbm>>) target_semaphore(%run_scoped3A : memref<!tpu.dma_semaphore, #tpu.memory_space<semaphore_mem>>)
        %dma_wait3A = tpu.memref_slice %arg8[%mul3A_214] : memref<10240xf32, #tpu.memory_space<hbm>> -> memref<640xf32, #tpu.memory_space<hbm>>
        %dma_wait3A_216 = tpu.memref_slice %arg20[%mul3A_212] : memref<10240xf32, #tpu.memory_space<vmem_shared>> -> memref<640xf32, #tpu.memory_space<vmem_shared>>
        tpu.wait_dma2 semaphore(%run_scoped3A : memref<!tpu.dma_semaphore, #tpu.memory_space<semaphore_mem>>) src(%dma_wait3A_216 : memref<640xf32, #tpu.memory_space<vmem_shared>>) dst(%dma_wait3A : memref<640xf32, #tpu.memory_space<hbm>>)
        tpu.yield
      }) : () -> ()
    } else {
    }
    %eq3A_202 = arith.constant 1 : i32
    %eq3A_203 = arith.cmpi eq, %arg0, %eq3A_202 : i32
    %convert_element_type3A_204 = arith.extui %eq3A_203 : i1 to i32
    %cond3A_205 = arith.constant 0 : i32
    %cond3A_206 = arith.cmpi ne, %convert_element_type3A_204, %cond3A_205 : i32
    scf.if %cond3A_206 {
      %mul3A_207 = arith.constant 640 : i32
      %mul3A_208 = arith.muli %arg1, %mul3A_207 : i32
      %mul3A_209 = arith.constant 640 : i32
      %mul3A_210 = arith.muli %arg1, %mul3A_209 : i32
      "tpu.region"() ({
        %run_scoped3A = tpu.sem_alloc : memref<!tpu.dma_semaphore, #tpu.memory_space<semaphore_mem>>
        %dma_start3A = arith.constant 0 : i32
        %dma_start3A_211 = tpu.memref_slice %arg7[%mul3A_210, %dma_start3A] : memref<10240x128xf32, #tpu.memory_space<hbm>> -> memref<640x128xf32, #tpu.memory_space<hbm>>
        %dma_start3A_212 = arith.constant 0 : i32
        %dma_start3A_213 = tpu.memref_slice %arg19[%mul3A_208, %dma_start3A_212] : memref<10240x128xf32, #tpu.memory_space<vmem_shared>> -> memref<640x128xf32, #tpu.memory_space<vmem_shared>>
        tpu.enqueue_dma source(%dma_start3A_213 : memref<640x128xf32, #tpu.memory_space<vmem_shared>>) target(%dma_start3A_211 : memref<640x128xf32, #tpu.memory_space<hbm>>) target_semaphore(%run_scoped3A : memref<!tpu.dma_semaphore, #tpu.memory_space<semaphore_mem>>)
        %dma_wait3A = arith.constant 0 : i32
        %dma_wait3A_214 = tpu.memref_slice %arg7[%mul3A_210, %dma_wait3A] : memref<10240x128xf32, #tpu.memory_space<hbm>> -> memref<640x128xf32, #tpu.memory_space<hbm>>
        %dma_wait3A_215 = arith.constant 0 : i32
        %dma_wait3A_216 = tpu.memref_slice %arg19[%mul3A_208, %dma_wait3A_215] : memref<10240x128xf32, #tpu.memory_space<vmem_shared>> -> memref<640x128xf32, #tpu.memory_space<vmem_shared>>
        tpu.wait_dma2 semaphore(%run_scoped3A : memref<!tpu.dma_semaphore, #tpu.memory_space<semaphore_mem>>) src(%dma_wait3A_216 : memref<640x128xf32, #tpu.memory_space<vmem_shared>>) dst(%dma_wait3A_214 : memref<640x128xf32, #tpu.memory_space<hbm>>)
        tpu.yield
      }) : () -> ()
    } else {
    }
    return
  }
}

#map = affine_map<(d0, d1) -> (0)>
module attributes {stable_mosaic.version = 14 : i64} {
  func.func @_sc_pass2(%arg0: i32, %arg1: i32, %arg2: memref<10240xf32, #tpu.memory_space<hbm>>, %arg3: memref<10240xf32, #tpu.memory_space<hbm>>, %arg4: memref<10240xf32, #tpu.memory_space<hbm>>, %arg5: memref<161792xi32, #tpu.memory_space<hbm>>, %arg6: memref<161792xi32, #tpu.memory_space<hbm>>, %arg7: memref<16xf32, #tpu.memory_space<hbm>>, %arg8: memref<10240xf32, #tpu.memory_space<hbm>>, %arg9: memref<10240xf32, #tpu.memory_space<vmem>>, %arg10: memref<10240xf32, #tpu.memory_space<vmem>>, %arg11: memref<10112xi32, #tpu.memory_space<vmem>>, %arg12: memref<10112xi32, #tpu.memory_space<vmem>>, %arg13: memref<16x640xf32, #tpu.memory_space<vmem>>, %arg14: memref<640xf32, #tpu.memory_space<vmem>>, %arg15: memref<640xf32, #tpu.memory_space<vmem>>, %arg16: memref<16xf32, #tpu.memory_space<vmem>>, %arg17: memref<640xf32, #tpu.memory_space<vmem>>, %arg18: memref<16x10240xf32, #tpu.memory_space<vmem_shared>>) attributes {dimension_semantics = [#tpu.dimension_semantics<core_parallel>, #tpu.dimension_semantics<subcore_parallel>], iteration_bounds = array<i64: 2, 16>, scalar_prefetch = 0 : i64, scratch_operands = 10 : i64, tpu.core_type = #tpu.core_type<sc_vector_subcore>, window_params = [{transform_indices = #map}, {transform_indices = #map}, {transform_indices = #map}, {transform_indices = #map}, {transform_indices = #map}, {transform_indices = #map}, {transform_indices = #map}]} {
    %eq3A = arith.constant 0 : i32
    %eq3A_0 = arith.cmpi eq, %arg0, %eq3A : i32
    %convert_element_type3A = arith.extui %eq3A_0 : i1 to i32
    %cond3A = arith.constant 0 : i32
    %cond3A_1 = arith.cmpi ne, %convert_element_type3A, %cond3A : i32
    scf.if %cond3A_1 {
      "tpu.region"() ({
        %run_scoped3A_96 = tpu.sem_alloc : memref<!tpu.dma_semaphore, #tpu.memory_space<semaphore_mem>>
        tpu.enqueue_dma source(%arg2 : memref<10240xf32, #tpu.memory_space<hbm>>) target(%arg9 : memref<10240xf32, #tpu.memory_space<vmem>>) target_semaphore(%run_scoped3A_96 : memref<!tpu.dma_semaphore, #tpu.memory_space<semaphore_mem>>)
        tpu.wait_dma2 semaphore(%run_scoped3A_96 : memref<!tpu.dma_semaphore, #tpu.memory_space<semaphore_mem>>) src(%arg2 : memref<10240xf32, #tpu.memory_space<hbm>>) dst(%arg9 : memref<10240xf32, #tpu.memory_space<vmem>>)
        tpu.yield
      }) : () -> ()
      %mul3A = arith.constant 10112 : i32
      %mul3A_2 = arith.muli %arg1, %mul3A : i32
      "tpu.region"() ({
        %run_scoped3A_96 = tpu.sem_alloc : memref<!tpu.dma_semaphore, #tpu.memory_space<semaphore_mem>>
        %dma_start3A = tpu.memref_slice %arg5[%mul3A_2] : memref<161792xi32, #tpu.memory_space<hbm>> -> memref<10112xi32, #tpu.memory_space<hbm>>
        %dma_start3A_97 = tpu.memref_slice %arg5[%mul3A_2] : memref<161792xi32, #tpu.memory_space<hbm>> -> memref<10112xi32, #tpu.memory_space<hbm>>
        tpu.enqueue_dma source(%dma_start3A_97 : memref<10112xi32, #tpu.memory_space<hbm>>) target(%arg11 : memref<10112xi32, #tpu.memory_space<vmem>>) target_semaphore(%run_scoped3A_96 : memref<!tpu.dma_semaphore, #tpu.memory_space<semaphore_mem>>)
        %dma_wait3A = tpu.memref_slice %arg5[%mul3A_2] : memref<161792xi32, #tpu.memory_space<hbm>> -> memref<10112xi32, #tpu.memory_space<hbm>>
        %dma_wait3A_98 = tpu.memref_slice %arg5[%mul3A_2] : memref<161792xi32, #tpu.memory_space<hbm>> -> memref<10112xi32, #tpu.memory_space<hbm>>
        tpu.wait_dma2 semaphore(%run_scoped3A_96 : memref<!tpu.dma_semaphore, #tpu.memory_space<semaphore_mem>>) src(%dma_wait3A_98 : memref<10112xi32, #tpu.memory_space<hbm>>) dst(%arg11 : memref<10112xi32, #tpu.memory_space<vmem>>)
        tpu.yield
      }) : () -> ()
      %mul3A_3 = arith.constant 10112 : i32
      %mul3A_4 = arith.muli %arg1, %mul3A_3 : i32
      "tpu.region"() ({
        %run_scoped3A_96 = tpu.sem_alloc : memref<!tpu.dma_semaphore, #tpu.memory_space<semaphore_mem>>
        %dma_start3A = tpu.memref_slice %arg6[%mul3A_4] : memref<161792xi32, #tpu.memory_space<hbm>> -> memref<10112xi32, #tpu.memory_space<hbm>>
        %dma_start3A_97 = tpu.memref_slice %arg6[%mul3A_4] : memref<161792xi32, #tpu.memory_space<hbm>> -> memref<10112xi32, #tpu.memory_space<hbm>>
        tpu.enqueue_dma source(%dma_start3A_97 : memref<10112xi32, #tpu.memory_space<hbm>>) target(%arg12 : memref<10112xi32, #tpu.memory_space<vmem>>) target_semaphore(%run_scoped3A_96 : memref<!tpu.dma_semaphore, #tpu.memory_space<semaphore_mem>>)
        %dma_wait3A = tpu.memref_slice %arg6[%mul3A_4] : memref<161792xi32, #tpu.memory_space<hbm>> -> memref<10112xi32, #tpu.memory_space<hbm>>
        %dma_wait3A_98 = tpu.memref_slice %arg6[%mul3A_4] : memref<161792xi32, #tpu.memory_space<hbm>> -> memref<10112xi32, #tpu.memory_space<hbm>>
        tpu.wait_dma2 semaphore(%run_scoped3A_96 : memref<!tpu.dma_semaphore, #tpu.memory_space<semaphore_mem>>) src(%dma_wait3A_98 : memref<10112xi32, #tpu.memory_space<hbm>>) dst(%arg12 : memref<10112xi32, #tpu.memory_space<vmem>>)
        tpu.yield
      }) : () -> ()
      %broadcast_in_dim3A = arith.constant 0.000000e+00 : f32
      %broadcast_in_dim3A_5 = vector.broadcast %broadcast_in_dim3A : f32 to vector<16xf32>
      %scan3A = arith.constant 0 : i32
      %scan3A_6 = arith.constant 0 : i32
      %scan3A_7 = arith.constant 640 : i32
      %scan3A_8 = arith.addi %scan3A_6, %scan3A_7 : i32
      %scan3A_9 = arith.constant 1 : i32
      %scan3A_10 = scf.for %scan3A_96 = %scan3A_6 to %scan3A_8 step %scan3A_9 iter_args(%scan3A_97 = %scan3A) -> (i32)  : i32 {
        %mul3A_98 = arith.constant 16 : i32
        %mul3A_99 = arith.muli %scan3A_96, %mul3A_98 : i32
        %swap3A = arith.index_cast %mul3A_99 : i32 to index
        %swap3A_100 = tpu.vector_load %arg10[%swap3A] {strides = array<i32>} : memref<10240xf32, #tpu.memory_space<vmem>>, vector<16xf32>,
        tpu.vector_store %arg10[%swap3A], %broadcast_in_dim3A_5 {strides = array<i32>} : memref<10240xf32, #tpu.memory_space<vmem>>, vector<16xf32>,
        %scan3A_101 = arith.constant 0 : i32
        scf.yield %scan3A_101 : i32
      }
      %scan3A_11 = arith.constant 640 : i32
      %scan3A_12 = arith.constant 0 : i32
      %scan3A_13 = arith.constant 0 : i32
      %scan3A_14 = arith.constant 632 : i32
      %scan3A_15 = arith.addi %scan3A_13, %scan3A_14 : i32
      %scan3A_16 = arith.constant 1 : i32
      %scan3A_17 = scf.for %scan3A_96 = %scan3A_13 to %scan3A_15 step %scan3A_16 iter_args(%scan3A_97 = %scan3A_12) -> (i32)  : i32 {
        %mul3A_98 = arith.constant 16 : i32
        %mul3A_99 = arith.muli %scan3A_96, %mul3A_98 : i32
        %get3A_100 = arith.index_cast %mul3A_99 : i32 to index
        %get3A_101 = tpu.vector_load %arg11[%get3A_100] {strides = array<i32>} : memref<10112xi32, #tpu.memory_space<vmem>>, vector<16xi32>,
        %mul3A_102 = arith.constant 16 : i32
        %mul3A_103 = arith.muli %scan3A_96, %mul3A_102 : i32
        %get3A_104 = arith.index_cast %mul3A_103 : i32 to index
        %get3A_105 = tpu.vector_load %arg12[%get3A_104] {strides = array<i32>} : memref<10112xi32, #tpu.memory_space<vmem>>, vector<16xi32>,
        %gather3A = tpu.vector_load_idx %arg9[%get3A_101] : memref<10240xf32, #tpu.memory_space<vmem>>[vector<16xi32>], vector<16xf32>,
        tpu.vector_store_idx %arg10[%get3A_105], %gather3A {add = true} : memref<10240xf32, #tpu.memory_space<vmem>>[vector<16xi32>], vector<16xf32>,
        %scan3A_106 = arith.constant 0 : i32
        scf.yield %scan3A_106 : i32
      }
      %scan3A_18 = arith.constant 632 : i32
      "tpu.region"() ({
        %run_scoped3A_96 = tpu.sem_alloc : memref<!tpu.dma_semaphore, #tpu.memory_space<semaphore_mem>>
        %dma_start3A = arith.constant 0 : i32
        %dma_start3A_97 = tpu.memref_slice %arg18[%arg1, %dma_start3A] : memref<16x10240xf32, #tpu.memory_space<vmem_shared>> -> memref<1x10240xf32, #tpu.memory_space<vmem_shared>>
        %dma_start3A_98 = tpu.memref_squeeze %dma_start3A_97 : memref<1x10240xf32, #tpu.memory_space<vmem_shared>> -> memref<10240xf32, #tpu.memory_space<vmem_shared>>
        %dma_start3A_99 = arith.constant 0 : i32
        %dma_start3A_100 = tpu.memref_slice %arg18[%arg1, %dma_start3A_99] : memref<16x10240xf32, #tpu.memory_space<vmem_shared>> -> memref<1x10240xf32, #tpu.memory_space<vmem_shared>>
        %dma_start3A_101 = tpu.memref_squeeze %dma_start3A_100 : memref<1x10240xf32, #tpu.memory_space<vmem_shared>> -> memref<10240xf32, #tpu.memory_space<vmem_shared>>
        tpu.enqueue_dma source(%arg10 : memref<10240xf32, #tpu.memory_space<vmem>>) target(%dma_start3A_101 : memref<10240xf32, #tpu.memory_space<vmem_shared>>) target_semaphore(%run_scoped3A_96 : memref<!tpu.dma_semaphore, #tpu.memory_space<semaphore_mem>>)
        %dma_wait3A = arith.constant 0 : i32
        %dma_wait3A_102 = tpu.memref_slice %arg18[%arg1, %dma_wait3A] : memref<16x10240xf32, #tpu.memory_space<vmem_shared>> -> memref<1x10240xf32, #tpu.memory_space<vmem_shared>>
        %dma_wait3A_103 = tpu.memref_squeeze %dma_wait3A_102 : memref<1x10240xf32, #tpu.memory_space<vmem_shared>> -> memref<10240xf32, #tpu.memory_space<vmem_shared>>
        %dma_wait3A_104 = arith.constant 0 : i32
        %dma_wait3A_105 = tpu.memref_slice %arg18[%arg1, %dma_wait3A_104] : memref<16x10240xf32, #tpu.memory_space<vmem_shared>> -> memref<1x10240xf32, #tpu.memory_space<vmem_shared>>
        %dma_wait3A_106 = tpu.memref_squeeze %dma_wait3A_105 : memref<1x10240xf32, #tpu.memory_space<vmem_shared>> -> memref<10240xf32, #tpu.memory_space<vmem_shared>>
        tpu.wait_dma2 semaphore(%run_scoped3A_96 : memref<!tpu.dma_semaphore, #tpu.memory_space<semaphore_mem>>) src(%arg10 : memref<10240xf32, #tpu.memory_space<vmem>>) dst(%dma_wait3A_106 : memref<10240xf32, #tpu.memory_space<vmem_shared>>)
        tpu.yield
      }) : () -> ()
      %barrier3A = arith.constant 0 : index
      tpu.barrier barrier_id(%barrier3A)
      %mul3A_19 = arith.constant 640 : i32
      %mul3A_20 = arith.muli %arg1, %mul3A_19 : i32
      %run_scoped3A = arith.constant 0 : i32
      %run_scoped3A_21 = arith.constant 0 : i32
      "tpu.region"() ({
        %run_scoped3A_96 = tpu.sem_alloc : memref<!tpu.dma_semaphore, #tpu.memory_space<semaphore_mem>>
        %dma_start3A = arith.constant 0 : i32
        %dma_start3A_97 = tpu.memref_slice %arg13[%run_scoped3A_21, %dma_start3A] : memref<16x640xf32, #tpu.memory_space<vmem>> -> memref<1x640xf32, #tpu.memory_space<vmem>>
        %dma_start3A_98 = tpu.memref_squeeze %dma_start3A_97 : memref<1x640xf32, #tpu.memory_space<vmem>> -> memref<640xf32, #tpu.memory_space<vmem>>
        %dma_start3A_99 = tpu.memref_slice %arg18[%run_scoped3A, %mul3A_20] : memref<16x10240xf32, #tpu.memory_space<vmem_shared>> -> memref<1x640xf32, #tpu.memory_space<vmem_shared>>
        %dma_start3A_100 = tpu.memref_squeeze %dma_start3A_99 : memref<1x640xf32, #tpu.memory_space<vmem_shared>> -> memref<640xf32, #tpu.memory_space<vmem_shared>>
        %dma_start3A_101 = arith.constant 0 : i32
        %dma_start3A_102 = tpu.memref_slice %arg13[%run_scoped3A_21, %dma_start3A_101] : memref<16x640xf32, #tpu.memory_space<vmem>> -> memref<1x640xf32, #tpu.memory_space<vmem>>
        %dma_start3A_103 = tpu.memref_squeeze %dma_start3A_102 : memref<1x640xf32, #tpu.memory_space<vmem>> -> memref<640xf32, #tpu.memory_space<vmem>>
        %dma_start3A_104 = tpu.memref_slice %arg18[%run_scoped3A, %mul3A_20] : memref<16x10240xf32, #tpu.memory_space<vmem_shared>> -> memref<1x640xf32, #tpu.memory_space<vmem_shared>>
        %dma_start3A_105 = tpu.memref_squeeze %dma_start3A_104 : memref<1x640xf32, #tpu.memory_space<vmem_shared>> -> memref<640xf32, #tpu.memory_space<vmem_shared>>
        tpu.enqueue_dma source(%dma_start3A_105 : memref<640xf32, #tpu.memory_space<vmem_shared>>) target(%dma_start3A_103 : memref<640xf32, #tpu.memory_space<vmem>>) target_semaphore(%run_scoped3A_96 : memref<!tpu.dma_semaphore, #tpu.memory_space<semaphore_mem>>)
        %dma_wait3A = arith.constant 0 : i32
        %dma_wait3A_106 = tpu.memref_slice %arg13[%run_scoped3A_21, %dma_wait3A] : memref<16x640xf32, #tpu.memory_space<vmem>> -> memref<1x640xf32, #tpu.memory_space<vmem>>
        %dma_wait3A_107 = tpu.memref_squeeze %dma_wait3A_106 : memref<1x640xf32, #tpu.memory_space<vmem>> -> memref<640xf32, #tpu.memory_space<vmem>>
        %dma_wait3A_108 = tpu.memref_slice %arg18[%run_scoped3A, %mul3A_20] : memref<16x10240xf32, #tpu.memory_space<vmem_shared>> -> memref<1x640xf32, #tpu.memory_space<vmem_shared>>
        %dma_wait3A_109 = tpu.memref_squeeze %dma_wait3A_108 : memref<1x640xf32, #tpu.memory_space<vmem_shared>> -> memref<640xf32, #tpu.memory_space<vmem_shared>>
        %dma_wait3A_110 = arith.constant 0 : i32
        %dma_wait3A_111 = tpu.memref_slice %arg13[%run_scoped3A_21, %dma_wait3A_110] : memref<16x640xf32, #tpu.memory_space<vmem>> -> memref<1x640xf32, #tpu.memory_space<vmem>>
        %dma_wait3A_112 = tpu.memref_squeeze %dma_wait3A_111 : memref<1x640xf32, #tpu.memory_space<vmem>> -> memref<640xf32, #tpu.memory_space<vmem>>
        %dma_wait3A_113 = tpu.memref_slice %arg18[%run_scoped3A, %mul3A_20] : memref<16x10240xf32, #tpu.memory_space<vmem_shared>> -> memref<1x640xf32, #tpu.memory_space<vmem_shared>>
        %dma_wait3A_114 = tpu.memref_squeeze %dma_wait3A_113 : memref<1x640xf32, #tpu.memory_space<vmem_shared>> -> memref<640xf32, #tpu.memory_space<vmem_shared>>
        tpu.wait_dma2 semaphore(%run_scoped3A_96 : memref<!tpu.dma_semaphore, #tpu.memory_space<semaphore_mem>>) src(%dma_wait3A_114 : memref<640xf32, #tpu.memory_space<vmem_shared>>) dst(%dma_wait3A_112 : memref<640xf32, #tpu.memory_space<vmem>>)
        tpu.yield
      }) : () -> ()
      %mul3A_22 = arith.constant 640 : i32
      %mul3A_23 = arith.muli %arg1, %mul3A_22 : i32
      %run_scoped3A_24 = arith.constant 1 : i32
      %run_scoped3A_25 = arith.constant 1 : i32
      "tpu.region"() ({
        %run_scoped3A_96 = tpu.sem_alloc : memref<!tpu.dma_semaphore, #tpu.memory_space<semaphore_mem>>
        %dma_start3A = arith.constant 0 : i32
        %dma_start3A_97 = tpu.memref_slice %arg13[%run_scoped3A_25, %dma_start3A] : memref<16x640xf32, #tpu.memory_space<vmem>> -> memref<1x640xf32, #tpu.memory_space<vmem>>
        %dma_start3A_98 = tpu.memref_squeeze %dma_start3A_97 : memref<1x640xf32, #tpu.memory_space<vmem>> -> memref<640xf32, #tpu.memory_space<vmem>>
        %dma_start3A_99 = tpu.memref_slice %arg18[%run_scoped3A_24, %mul3A_23] : memref<16x10240xf32, #tpu.memory_space<vmem_shared>> -> memref<1x640xf32, #tpu.memory_space<vmem_shared>>
        %dma_start3A_100 = tpu.memref_squeeze %dma_start3A_99 : memref<1x640xf32, #tpu.memory_space<vmem_shared>> -> memref<640xf32, #tpu.memory_space<vmem_shared>>
        %dma_start3A_101 = arith.constant 0 : i32
        %dma_start3A_102 = tpu.memref_slice %arg13[%run_scoped3A_25, %dma_start3A_101] : memref<16x640xf32, #tpu.memory_space<vmem>> -> memref<1x640xf32, #tpu.memory_space<vmem>>
        %dma_start3A_103 = tpu.memref_squeeze %dma_start3A_102 : memref<1x640xf32, #tpu.memory_space<vmem>> -> memref<640xf32, #tpu.memory_space<vmem>>
        %dma_start3A_104 = tpu.memref_slice %arg18[%run_scoped3A_24, %mul3A_23] : memref<16x10240xf32, #tpu.memory_space<vmem_shared>> -> memref<1x640xf32, #tpu.memory_space<vmem_shared>>
        %dma_start3A_105 = tpu.memref_squeeze %dma_start3A_104 : memref<1x640xf32, #tpu.memory_space<vmem_shared>> -> memref<640xf32, #tpu.memory_space<vmem_shared>>
        tpu.enqueue_dma source(%dma_start3A_105 : memref<640xf32, #tpu.memory_space<vmem_shared>>) target(%dma_start3A_103 : memref<640xf32, #tpu.memory_space<vmem>>) target_semaphore(%run_scoped3A_96 : memref<!tpu.dma_semaphore, #tpu.memory_space<semaphore_mem>>)
        %dma_wait3A = arith.constant 0 : i32
        %dma_wait3A_106 = tpu.memref_slice %arg13[%run_scoped3A_25, %dma_wait3A] : memref<16x640xf32, #tpu.memory_space<vmem>> -> memref<1x640xf32, #tpu.memory_space<vmem>>
        %dma_wait3A_107 = tpu.memref_squeeze %dma_wait3A_106 : memref<1x640xf32, #tpu.memory_space<vmem>> -> memref<640xf32, #tpu.memory_space<vmem>>
        %dma_wait3A_108 = tpu.memref_slice %arg18[%run_scoped3A_24, %mul3A_23] : memref<16x10240xf32, #tpu.memory_space<vmem_shared>> -> memref<1x640xf32, #tpu.memory_space<vmem_shared>>
        %dma_wait3A_109 = tpu.memref_squeeze %dma_wait3A_108 : memref<1x640xf32, #tpu.memory_space<vmem_shared>> -> memref<640xf32, #tpu.memory_space<vmem_shared>>
        %dma_wait3A_110 = arith.constant 0 : i32
        %dma_wait3A_111 = tpu.memref_slice %arg13[%run_scoped3A_25, %dma_wait3A_110] : memref<16x640xf32, #tpu.memory_space<vmem>> -> memref<1x640xf32, #tpu.memory_space<vmem>>
        %dma_wait3A_112 = tpu.memref_squeeze %dma_wait3A_111 : memref<1x640xf32, #tpu.memory_space<vmem>> -> memref<640xf32, #tpu.memory_space<vmem>>
        %dma_wait3A_113 = tpu.memref_slice %arg18[%run_scoped3A_24, %mul3A_23] : memref<16x10240xf32, #tpu.memory_space<vmem_shared>> -> memref<1x640xf32, #tpu.memory_space<vmem_shared>>
        %dma_wait3A_114 = tpu.memref_squeeze %dma_wait3A_113 : memref<1x640xf32, #tpu.memory_space<vmem_shared>> -> memref<640xf32, #tpu.memory_space<vmem_shared>>
        tpu.wait_dma2 semaphore(%run_scoped3A_96 : memref<!tpu.dma_semaphore, #tpu.memory_space<semaphore_mem>>) src(%dma_wait3A_114 : memref<640xf32, #tpu.memory_space<vmem_shared>>) dst(%dma_wait3A_112 : memref<640xf32, #tpu.memory_space<vmem>>)
        tpu.yield
      }) : () -> ()
      %mul3A_26 = arith.constant 640 : i32
      %mul3A_27 = arith.muli %arg1, %mul3A_26 : i32
      %run_scoped3A_28 = arith.constant 2 : i32
      %run_scoped3A_29 = arith.constant 2 : i32
      "tpu.region"() ({
        %run_scoped3A_96 = tpu.sem_alloc : memref<!tpu.dma_semaphore, #tpu.memory_space<semaphore_mem>>
        %dma_start3A = arith.constant 0 : i32
        %dma_start3A_97 = tpu.memref_slice %arg13[%run_scoped3A_29, %dma_start3A] : memref<16x640xf32, #tpu.memory_space<vmem>> -> memref<1x640xf32, #tpu.memory_space<vmem>>
        %dma_start3A_98 = tpu.memref_squeeze %dma_start3A_97 : memref<1x640xf32, #tpu.memory_space<vmem>> -> memref<640xf32, #tpu.memory_space<vmem>>
        %dma_start3A_99 = tpu.memref_slice %arg18[%run_scoped3A_28, %mul3A_27] : memref<16x10240xf32, #tpu.memory_space<vmem_shared>> -> memref<1x640xf32, #tpu.memory_space<vmem_shared>>
        %dma_start3A_100 = tpu.memref_squeeze %dma_start3A_99 : memref<1x640xf32, #tpu.memory_space<vmem_shared>> -> memref<640xf32, #tpu.memory_space<vmem_shared>>
        %dma_start3A_101 = arith.constant 0 : i32
        %dma_start3A_102 = tpu.memref_slice %arg13[%run_scoped3A_29, %dma_start3A_101] : memref<16x640xf32, #tpu.memory_space<vmem>> -> memref<1x640xf32, #tpu.memory_space<vmem>>
        %dma_start3A_103 = tpu.memref_squeeze %dma_start3A_102 : memref<1x640xf32, #tpu.memory_space<vmem>> -> memref<640xf32, #tpu.memory_space<vmem>>
        %dma_start3A_104 = tpu.memref_slice %arg18[%run_scoped3A_28, %mul3A_27] : memref<16x10240xf32, #tpu.memory_space<vmem_shared>> -> memref<1x640xf32, #tpu.memory_space<vmem_shared>>
        %dma_start3A_105 = tpu.memref_squeeze %dma_start3A_104 : memref<1x640xf32, #tpu.memory_space<vmem_shared>> -> memref<640xf32, #tpu.memory_space<vmem_shared>>
        tpu.enqueue_dma source(%dma_start3A_105 : memref<640xf32, #tpu.memory_space<vmem_shared>>) target(%dma_start3A_103 : memref<640xf32, #tpu.memory_space<vmem>>) target_semaphore(%run_scoped3A_96 : memref<!tpu.dma_semaphore, #tpu.memory_space<semaphore_mem>>)
        %dma_wait3A = arith.constant 0 : i32
        %dma_wait3A_106 = tpu.memref_slice %arg13[%run_scoped3A_29, %dma_wait3A] : memref<16x640xf32, #tpu.memory_space<vmem>> -> memref<1x640xf32, #tpu.memory_space<vmem>>
        %dma_wait3A_107 = tpu.memref_squeeze %dma_wait3A_106 : memref<1x640xf32, #tpu.memory_space<vmem>> -> memref<640xf32, #tpu.memory_space<vmem>>
        %dma_wait3A_108 = tpu.memref_slice %arg18[%run_scoped3A_28, %mul3A_27] : memref<16x10240xf32, #tpu.memory_space<vmem_shared>> -> memref<1x640xf32, #tpu.memory_space<vmem_shared>>
        %dma_wait3A_109 = tpu.memref_squeeze %dma_wait3A_108 : memref<1x640xf32, #tpu.memory_space<vmem_shared>> -> memref<640xf32, #tpu.memory_space<vmem_shared>>
        %dma_wait3A_110 = arith.constant 0 : i32
        %dma_wait3A_111 = tpu.memref_slice %arg13[%run_scoped3A_29, %dma_wait3A_110] : memref<16x640xf32, #tpu.memory_space<vmem>> -> memref<1x640xf32, #tpu.memory_space<vmem>>
        %dma_wait3A_112 = tpu.memref_squeeze %dma_wait3A_111 : memref<1x640xf32, #tpu.memory_space<vmem>> -> memref<640xf32, #tpu.memory_space<vmem>>
        %dma_wait3A_113 = tpu.memref_slice %arg18[%run_scoped3A_28, %mul3A_27] : memref<16x10240xf32, #tpu.memory_space<vmem_shared>> -> memref<1x640xf32, #tpu.memory_space<vmem_shared>>
        %dma_wait3A_114 = tpu.memref_squeeze %dma_wait3A_113 : memref<1x640xf32, #tpu.memory_space<vmem_shared>> -> memref<640xf32, #tpu.memory_space<vmem_shared>>
        tpu.wait_dma2 semaphore(%run_scoped3A_96 : memref<!tpu.dma_semaphore, #tpu.memory_space<semaphore_mem>>) src(%dma_wait3A_114 : memref<640xf32, #tpu.memory_space<vmem_shared>>) dst(%dma_wait3A_112 : memref<640xf32, #tpu.memory_space<vmem>>)
        tpu.yield
      }) : () -> ()
      %mul3A_30 = arith.constant 640 : i32
      %mul3A_31 = arith.muli %arg1, %mul3A_30 : i32
      %run_scoped3A_32 = arith.constant 3 : i32
      %run_scoped3A_33 = arith.constant 3 : i32
      "tpu.region"() ({
        %run_scoped3A_96 = tpu.sem_alloc : memref<!tpu.dma_semaphore, #tpu.memory_space<semaphore_mem>>
        %dma_start3A = arith.constant 0 : i32
        %dma_start3A_97 = tpu.memref_slice %arg13[%run_scoped3A_33, %dma_start3A] : memref<16x640xf32, #tpu.memory_space<vmem>> -> memref<1x640xf32, #tpu.memory_space<vmem>>
        %dma_start3A_98 = tpu.memref_squeeze %dma_start3A_97 : memref<1x640xf32, #tpu.memory_space<vmem>> -> memref<640xf32, #tpu.memory_space<vmem>>
        %dma_start3A_99 = tpu.memref_slice %arg18[%run_scoped3A_32, %mul3A_31] : memref<16x10240xf32, #tpu.memory_space<vmem_shared>> -> memref<1x640xf32, #tpu.memory_space<vmem_shared>>
        %dma_start3A_100 = tpu.memref_squeeze %dma_start3A_99 : memref<1x640xf32, #tpu.memory_space<vmem_shared>> -> memref<640xf32, #tpu.memory_space<vmem_shared>>
        %dma_start3A_101 = arith.constant 0 : i32
        %dma_start3A_102 = tpu.memref_slice %arg13[%run_scoped3A_33, %dma_start3A_101] : memref<16x640xf32, #tpu.memory_space<vmem>> -> memref<1x640xf32, #tpu.memory_space<vmem>>
        %dma_start3A_103 = tpu.memref_squeeze %dma_start3A_102 : memref<1x640xf32, #tpu.memory_space<vmem>> -> memref<640xf32, #tpu.memory_space<vmem>>
        %dma_start3A_104 = tpu.memref_slice %arg18[%run_scoped3A_32, %mul3A_31] : memref<16x10240xf32, #tpu.memory_space<vmem_shared>> -> memref<1x640xf32, #tpu.memory_space<vmem_shared>>
        %dma_start3A_105 = tpu.memref_squeeze %dma_start3A_104 : memref<1x640xf32, #tpu.memory_space<vmem_shared>> -> memref<640xf32, #tpu.memory_space<vmem_shared>>
        tpu.enqueue_dma source(%dma_start3A_105 : memref<640xf32, #tpu.memory_space<vmem_shared>>) target(%dma_start3A_103 : memref<640xf32, #tpu.memory_space<vmem>>) target_semaphore(%run_scoped3A_96 : memref<!tpu.dma_semaphore, #tpu.memory_space<semaphore_mem>>)
        %dma_wait3A = arith.constant 0 : i32
        %dma_wait3A_106 = tpu.memref_slice %arg13[%run_scoped3A_33, %dma_wait3A] : memref<16x640xf32, #tpu.memory_space<vmem>> -> memref<1x640xf32, #tpu.memory_space<vmem>>
        %dma_wait3A_107 = tpu.memref_squeeze %dma_wait3A_106 : memref<1x640xf32, #tpu.memory_space<vmem>> -> memref<640xf32, #tpu.memory_space<vmem>>
        %dma_wait3A_108 = tpu.memref_slice %arg18[%run_scoped3A_32, %mul3A_31] : memref<16x10240xf32, #tpu.memory_space<vmem_shared>> -> memref<1x640xf32, #tpu.memory_space<vmem_shared>>
        %dma_wait3A_109 = tpu.memref_squeeze %dma_wait3A_108 : memref<1x640xf32, #tpu.memory_space<vmem_shared>> -> memref<640xf32, #tpu.memory_space<vmem_shared>>
        %dma_wait3A_110 = arith.constant 0 : i32
        %dma_wait3A_111 = tpu.memref_slice %arg13[%run_scoped3A_33, %dma_wait3A_110] : memref<16x640xf32, #tpu.memory_space<vmem>> -> memref<1x640xf32, #tpu.memory_space<vmem>>
        %dma_wait3A_112 = tpu.memref_squeeze %dma_wait3A_111 : memref<1x640xf32, #tpu.memory_space<vmem>> -> memref<640xf32, #tpu.memory_space<vmem>>
        %dma_wait3A_113 = tpu.memref_slice %arg18[%run_scoped3A_32, %mul3A_31] : memref<16x10240xf32, #tpu.memory_space<vmem_shared>> -> memref<1x640xf32, #tpu.memory_space<vmem_shared>>
        %dma_wait3A_114 = tpu.memref_squeeze %dma_wait3A_113 : memref<1x640xf32, #tpu.memory_space<vmem_shared>> -> memref<640xf32, #tpu.memory_space<vmem_shared>>
        tpu.wait_dma2 semaphore(%run_scoped3A_96 : memref<!tpu.dma_semaphore, #tpu.memory_space<semaphore_mem>>) src(%dma_wait3A_114 : memref<640xf32, #tpu.memory_space<vmem_shared>>) dst(%dma_wait3A_112 : memref<640xf32, #tpu.memory_space<vmem>>)
        tpu.yield
      }) : () -> ()
      %mul3A_34 = arith.constant 640 : i32
      %mul3A_35 = arith.muli %arg1, %mul3A_34 : i32
      %run_scoped3A_36 = arith.constant 4 : i32
      %run_scoped3A_37 = arith.constant 4 : i32
      "tpu.region"() ({
        %run_scoped3A_96 = tpu.sem_alloc : memref<!tpu.dma_semaphore, #tpu.memory_space<semaphore_mem>>
        %dma_start3A = arith.constant 0 : i32
        %dma_start3A_97 = tpu.memref_slice %arg13[%run_scoped3A_37, %dma_start3A] : memref<16x640xf32, #tpu.memory_space<vmem>> -> memref<1x640xf32, #tpu.memory_space<vmem>>
        %dma_start3A_98 = tpu.memref_squeeze %dma_start3A_97 : memref<1x640xf32, #tpu.memory_space<vmem>> -> memref<640xf32, #tpu.memory_space<vmem>>
        %dma_start3A_99 = tpu.memref_slice %arg18[%run_scoped3A_36, %mul3A_35] : memref<16x10240xf32, #tpu.memory_space<vmem_shared>> -> memref<1x640xf32, #tpu.memory_space<vmem_shared>>
        %dma_start3A_100 = tpu.memref_squeeze %dma_start3A_99 : memref<1x640xf32, #tpu.memory_space<vmem_shared>> -> memref<640xf32, #tpu.memory_space<vmem_shared>>
        %dma_start3A_101 = arith.constant 0 : i32
        %dma_start3A_102 = tpu.memref_slice %arg13[%run_scoped3A_37, %dma_start3A_101] : memref<16x640xf32, #tpu.memory_space<vmem>> -> memref<1x640xf32, #tpu.memory_space<vmem>>
        %dma_start3A_103 = tpu.memref_squeeze %dma_start3A_102 : memref<1x640xf32, #tpu.memory_space<vmem>> -> memref<640xf32, #tpu.memory_space<vmem>>
        %dma_start3A_104 = tpu.memref_slice %arg18[%run_scoped3A_36, %mul3A_35] : memref<16x10240xf32, #tpu.memory_space<vmem_shared>> -> memref<1x640xf32, #tpu.memory_space<vmem_shared>>
        %dma_start3A_105 = tpu.memref_squeeze %dma_start3A_104 : memref<1x640xf32, #tpu.memory_space<vmem_shared>> -> memref<640xf32, #tpu.memory_space<vmem_shared>>
        tpu.enqueue_dma source(%dma_start3A_105 : memref<640xf32, #tpu.memory_space<vmem_shared>>) target(%dma_start3A_103 : memref<640xf32, #tpu.memory_space<vmem>>) target_semaphore(%run_scoped3A_96 : memref<!tpu.dma_semaphore, #tpu.memory_space<semaphore_mem>>)
        %dma_wait3A = arith.constant 0 : i32
        %dma_wait3A_106 = tpu.memref_slice %arg13[%run_scoped3A_37, %dma_wait3A] : memref<16x640xf32, #tpu.memory_space<vmem>> -> memref<1x640xf32, #tpu.memory_space<vmem>>
        %dma_wait3A_107 = tpu.memref_squeeze %dma_wait3A_106 : memref<1x640xf32, #tpu.memory_space<vmem>> -> memref<640xf32, #tpu.memory_space<vmem>>
        %dma_wait3A_108 = tpu.memref_slice %arg18[%run_scoped3A_36, %mul3A_35] : memref<16x10240xf32, #tpu.memory_space<vmem_shared>> -> memref<1x640xf32, #tpu.memory_space<vmem_shared>>
        %dma_wait3A_109 = tpu.memref_squeeze %dma_wait3A_108 : memref<1x640xf32, #tpu.memory_space<vmem_shared>> -> memref<640xf32, #tpu.memory_space<vmem_shared>>
        %dma_wait3A_110 = arith.constant 0 : i32
        %dma_wait3A_111 = tpu.memref_slice %arg13[%run_scoped3A_37, %dma_wait3A_110] : memref<16x640xf32, #tpu.memory_space<vmem>> -> memref<1x640xf32, #tpu.memory_space<vmem>>
        %dma_wait3A_112 = tpu.memref_squeeze %dma_wait3A_111 : memref<1x640xf32, #tpu.memory_space<vmem>> -> memref<640xf32, #tpu.memory_space<vmem>>
        %dma_wait3A_113 = tpu.memref_slice %arg18[%run_scoped3A_36, %mul3A_35] : memref<16x10240xf32, #tpu.memory_space<vmem_shared>> -> memref<1x640xf32, #tpu.memory_space<vmem_shared>>
        %dma_wait3A_114 = tpu.memref_squeeze %dma_wait3A_113 : memref<1x640xf32, #tpu.memory_space<vmem_shared>> -> memref<640xf32, #tpu.memory_space<vmem_shared>>
        tpu.wait_dma2 semaphore(%run_scoped3A_96 : memref<!tpu.dma_semaphore, #tpu.memory_space<semaphore_mem>>) src(%dma_wait3A_114 : memref<640xf32, #tpu.memory_space<vmem_shared>>) dst(%dma_wait3A_112 : memref<640xf32, #tpu.memory_space<vmem>>)
        tpu.yield
      }) : () -> ()
      %mul3A_38 = arith.constant 640 : i32
      %mul3A_39 = arith.muli %arg1, %mul3A_38 : i32
      %run_scoped3A_40 = arith.constant 5 : i32
      %run_scoped3A_41 = arith.constant 5 : i32
      "tpu.region"() ({
        %run_scoped3A_96 = tpu.sem_alloc : memref<!tpu.dma_semaphore, #tpu.memory_space<semaphore_mem>>
        %dma_start3A = arith.constant 0 : i32
        %dma_start3A_97 = tpu.memref_slice %arg13[%run_scoped3A_41, %dma_start3A] : memref<16x640xf32, #tpu.memory_space<vmem>> -> memref<1x640xf32, #tpu.memory_space<vmem>>
        %dma_start3A_98 = tpu.memref_squeeze %dma_start3A_97 : memref<1x640xf32, #tpu.memory_space<vmem>> -> memref<640xf32, #tpu.memory_space<vmem>>
        %dma_start3A_99 = tpu.memref_slice %arg18[%run_scoped3A_40, %mul3A_39] : memref<16x10240xf32, #tpu.memory_space<vmem_shared>> -> memref<1x640xf32, #tpu.memory_space<vmem_shared>>
        %dma_start3A_100 = tpu.memref_squeeze %dma_start3A_99 : memref<1x640xf32, #tpu.memory_space<vmem_shared>> -> memref<640xf32, #tpu.memory_space<vmem_shared>>
        %dma_start3A_101 = arith.constant 0 : i32
        %dma_start3A_102 = tpu.memref_slice %arg13[%run_scoped3A_41, %dma_start3A_101] : memref<16x640xf32, #tpu.memory_space<vmem>> -> memref<1x640xf32, #tpu.memory_space<vmem>>
        %dma_start3A_103 = tpu.memref_squeeze %dma_start3A_102 : memref<1x640xf32, #tpu.memory_space<vmem>> -> memref<640xf32, #tpu.memory_space<vmem>>
        %dma_start3A_104 = tpu.memref_slice %arg18[%run_scoped3A_40, %mul3A_39] : memref<16x10240xf32, #tpu.memory_space<vmem_shared>> -> memref<1x640xf32, #tpu.memory_space<vmem_shared>>
        %dma_start3A_105 = tpu.memref_squeeze %dma_start3A_104 : memref<1x640xf32, #tpu.memory_space<vmem_shared>> -> memref<640xf32, #tpu.memory_space<vmem_shared>>
        tpu.enqueue_dma source(%dma_start3A_105 : memref<640xf32, #tpu.memory_space<vmem_shared>>) target(%dma_start3A_103 : memref<640xf32, #tpu.memory_space<vmem>>) target_semaphore(%run_scoped3A_96 : memref<!tpu.dma_semaphore, #tpu.memory_space<semaphore_mem>>)
        %dma_wait3A = arith.constant 0 : i32
        %dma_wait3A_106 = tpu.memref_slice %arg13[%run_scoped3A_41, %dma_wait3A] : memref<16x640xf32, #tpu.memory_space<vmem>> -> memref<1x640xf32, #tpu.memory_space<vmem>>
        %dma_wait3A_107 = tpu.memref_squeeze %dma_wait3A_106 : memref<1x640xf32, #tpu.memory_space<vmem>> -> memref<640xf32, #tpu.memory_space<vmem>>
        %dma_wait3A_108 = tpu.memref_slice %arg18[%run_scoped3A_40, %mul3A_39] : memref<16x10240xf32, #tpu.memory_space<vmem_shared>> -> memref<1x640xf32, #tpu.memory_space<vmem_shared>>
        %dma_wait3A_109 = tpu.memref_squeeze %dma_wait3A_108 : memref<1x640xf32, #tpu.memory_space<vmem_shared>> -> memref<640xf32, #tpu.memory_space<vmem_shared>>
        %dma_wait3A_110 = arith.constant 0 : i32
        %dma_wait3A_111 = tpu.memref_slice %arg13[%run_scoped3A_41, %dma_wait3A_110] : memref<16x640xf32, #tpu.memory_space<vmem>> -> memref<1x640xf32, #tpu.memory_space<vmem>>
        %dma_wait3A_112 = tpu.memref_squeeze %dma_wait3A_111 : memref<1x640xf32, #tpu.memory_space<vmem>> -> memref<640xf32, #tpu.memory_space<vmem>>
        %dma_wait3A_113 = tpu.memref_slice %arg18[%run_scoped3A_40, %mul3A_39] : memref<16x10240xf32, #tpu.memory_space<vmem_shared>> -> memref<1x640xf32, #tpu.memory_space<vmem_shared>>
        %dma_wait3A_114 = tpu.memref_squeeze %dma_wait3A_113 : memref<1x640xf32, #tpu.memory_space<vmem_shared>> -> memref<640xf32, #tpu.memory_space<vmem_shared>>
        tpu.wait_dma2 semaphore(%run_scoped3A_96 : memref<!tpu.dma_semaphore, #tpu.memory_space<semaphore_mem>>) src(%dma_wait3A_114 : memref<640xf32, #tpu.memory_space<vmem_shared>>) dst(%dma_wait3A_112 : memref<640xf32, #tpu.memory_space<vmem>>)
        tpu.yield
      }) : () -> ()
      %mul3A_42 = arith.constant 640 : i32
      %mul3A_43 = arith.muli %arg1, %mul3A_42 : i32
      %run_scoped3A_44 = arith.constant 6 : i32
      %run_scoped3A_45 = arith.constant 6 : i32
      "tpu.region"() ({
        %run_scoped3A_96 = tpu.sem_alloc : memref<!tpu.dma_semaphore, #tpu.memory_space<semaphore_mem>>
        %dma_start3A = arith.constant 0 : i32
        %dma_start3A_97 = tpu.memref_slice %arg13[%run_scoped3A_45, %dma_start3A] : memref<16x640xf32, #tpu.memory_space<vmem>> -> memref<1x640xf32, #tpu.memory_space<vmem>>
        %dma_start3A_98 = tpu.memref_squeeze %dma_start3A_97 : memref<1x640xf32, #tpu.memory_space<vmem>> -> memref<640xf32, #tpu.memory_space<vmem>>
        %dma_start3A_99 = tpu.memref_slice %arg18[%run_scoped3A_44, %mul3A_43] : memref<16x10240xf32, #tpu.memory_space<vmem_shared>> -> memref<1x640xf32, #tpu.memory_space<vmem_shared>>
        %dma_start3A_100 = tpu.memref_squeeze %dma_start3A_99 : memref<1x640xf32, #tpu.memory_space<vmem_shared>> -> memref<640xf32, #tpu.memory_space<vmem_shared>>
        %dma_start3A_101 = arith.constant 0 : i32
        %dma_start3A_102 = tpu.memref_slice %arg13[%run_scoped3A_45, %dma_start3A_101] : memref<16x640xf32, #tpu.memory_space<vmem>> -> memref<1x640xf32, #tpu.memory_space<vmem>>
        %dma_start3A_103 = tpu.memref_squeeze %dma_start3A_102 : memref<1x640xf32, #tpu.memory_space<vmem>> -> memref<640xf32, #tpu.memory_space<vmem>>
        %dma_start3A_104 = tpu.memref_slice %arg18[%run_scoped3A_44, %mul3A_43] : memref<16x10240xf32, #tpu.memory_space<vmem_shared>> -> memref<1x640xf32, #tpu.memory_space<vmem_shared>>
        %dma_start3A_105 = tpu.memref_squeeze %dma_start3A_104 : memref<1x640xf32, #tpu.memory_space<vmem_shared>> -> memref<640xf32, #tpu.memory_space<vmem_shared>>
        tpu.enqueue_dma source(%dma_start3A_105 : memref<640xf32, #tpu.memory_space<vmem_shared>>) target(%dma_start3A_103 : memref<640xf32, #tpu.memory_space<vmem>>) target_semaphore(%run_scoped3A_96 : memref<!tpu.dma_semaphore, #tpu.memory_space<semaphore_mem>>)
        %dma_wait3A = arith.constant 0 : i32
        %dma_wait3A_106 = tpu.memref_slice %arg13[%run_scoped3A_45, %dma_wait3A] : memref<16x640xf32, #tpu.memory_space<vmem>> -> memref<1x640xf32, #tpu.memory_space<vmem>>
        %dma_wait3A_107 = tpu.memref_squeeze %dma_wait3A_106 : memref<1x640xf32, #tpu.memory_space<vmem>> -> memref<640xf32, #tpu.memory_space<vmem>>
        %dma_wait3A_108 = tpu.memref_slice %arg18[%run_scoped3A_44, %mul3A_43] : memref<16x10240xf32, #tpu.memory_space<vmem_shared>> -> memref<1x640xf32, #tpu.memory_space<vmem_shared>>
        %dma_wait3A_109 = tpu.memref_squeeze %dma_wait3A_108 : memref<1x640xf32, #tpu.memory_space<vmem_shared>> -> memref<640xf32, #tpu.memory_space<vmem_shared>>
        %dma_wait3A_110 = arith.constant 0 : i32
        %dma_wait3A_111 = tpu.memref_slice %arg13[%run_scoped3A_45, %dma_wait3A_110] : memref<16x640xf32, #tpu.memory_space<vmem>> -> memref<1x640xf32, #tpu.memory_space<vmem>>
        %dma_wait3A_112 = tpu.memref_squeeze %dma_wait3A_111 : memref<1x640xf32, #tpu.memory_space<vmem>> -> memref<640xf32, #tpu.memory_space<vmem>>
        %dma_wait3A_113 = tpu.memref_slice %arg18[%run_scoped3A_44, %mul3A_43] : memref<16x10240xf32, #tpu.memory_space<vmem_shared>> -> memref<1x640xf32, #tpu.memory_space<vmem_shared>>
        %dma_wait3A_114 = tpu.memref_squeeze %dma_wait3A_113 : memref<1x640xf32, #tpu.memory_space<vmem_shared>> -> memref<640xf32, #tpu.memory_space<vmem_shared>>
        tpu.wait_dma2 semaphore(%run_scoped3A_96 : memref<!tpu.dma_semaphore, #tpu.memory_space<semaphore_mem>>) src(%dma_wait3A_114 : memref<640xf32, #tpu.memory_space<vmem_shared>>) dst(%dma_wait3A_112 : memref<640xf32, #tpu.memory_space<vmem>>)
        tpu.yield
      }) : () -> ()
      %mul3A_46 = arith.constant 640 : i32
      %mul3A_47 = arith.muli %arg1, %mul3A_46 : i32
      %run_scoped3A_48 = arith.constant 7 : i32
      %run_scoped3A_49 = arith.constant 7 : i32
      "tpu.region"() ({
        %run_scoped3A_96 = tpu.sem_alloc : memref<!tpu.dma_semaphore, #tpu.memory_space<semaphore_mem>>
        %dma_start3A = arith.constant 0 : i32
        %dma_start3A_97 = tpu.memref_slice %arg13[%run_scoped3A_49, %dma_start3A] : memref<16x640xf32, #tpu.memory_space<vmem>> -> memref<1x640xf32, #tpu.memory_space<vmem>>
        %dma_start3A_98 = tpu.memref_squeeze %dma_start3A_97 : memref<1x640xf32, #tpu.memory_space<vmem>> -> memref<640xf32, #tpu.memory_space<vmem>>
        %dma_start3A_99 = tpu.memref_slice %arg18[%run_scoped3A_48, %mul3A_47] : memref<16x10240xf32, #tpu.memory_space<vmem_shared>> -> memref<1x640xf32, #tpu.memory_space<vmem_shared>>
        %dma_start3A_100 = tpu.memref_squeeze %dma_start3A_99 : memref<1x640xf32, #tpu.memory_space<vmem_shared>> -> memref<640xf32, #tpu.memory_space<vmem_shared>>
        %dma_start3A_101 = arith.constant 0 : i32
        %dma_start3A_102 = tpu.memref_slice %arg13[%run_scoped3A_49, %dma_start3A_101] : memref<16x640xf32, #tpu.memory_space<vmem>> -> memref<1x640xf32, #tpu.memory_space<vmem>>
        %dma_start3A_103 = tpu.memref_squeeze %dma_start3A_102 : memref<1x640xf32, #tpu.memory_space<vmem>> -> memref<640xf32, #tpu.memory_space<vmem>>
        %dma_start3A_104 = tpu.memref_slice %arg18[%run_scoped3A_48, %mul3A_47] : memref<16x10240xf32, #tpu.memory_space<vmem_shared>> -> memref<1x640xf32, #tpu.memory_space<vmem_shared>>
        %dma_start3A_105 = tpu.memref_squeeze %dma_start3A_104 : memref<1x640xf32, #tpu.memory_space<vmem_shared>> -> memref<640xf32, #tpu.memory_space<vmem_shared>>
        tpu.enqueue_dma source(%dma_start3A_105 : memref<640xf32, #tpu.memory_space<vmem_shared>>) target(%dma_start3A_103 : memref<640xf32, #tpu.memory_space<vmem>>) target_semaphore(%run_scoped3A_96 : memref<!tpu.dma_semaphore, #tpu.memory_space<semaphore_mem>>)
        %dma_wait3A = arith.constant 0 : i32
        %dma_wait3A_106 = tpu.memref_slice %arg13[%run_scoped3A_49, %dma_wait3A] : memref<16x640xf32, #tpu.memory_space<vmem>> -> memref<1x640xf32, #tpu.memory_space<vmem>>
        %dma_wait3A_107 = tpu.memref_squeeze %dma_wait3A_106 : memref<1x640xf32, #tpu.memory_space<vmem>> -> memref<640xf32, #tpu.memory_space<vmem>>
        %dma_wait3A_108 = tpu.memref_slice %arg18[%run_scoped3A_48, %mul3A_47] : memref<16x10240xf32, #tpu.memory_space<vmem_shared>> -> memref<1x640xf32, #tpu.memory_space<vmem_shared>>
        %dma_wait3A_109 = tpu.memref_squeeze %dma_wait3A_108 : memref<1x640xf32, #tpu.memory_space<vmem_shared>> -> memref<640xf32, #tpu.memory_space<vmem_shared>>
        %dma_wait3A_110 = arith.constant 0 : i32
        %dma_wait3A_111 = tpu.memref_slice %arg13[%run_scoped3A_49, %dma_wait3A_110] : memref<16x640xf32, #tpu.memory_space<vmem>> -> memref<1x640xf32, #tpu.memory_space<vmem>>
        %dma_wait3A_112 = tpu.memref_squeeze %dma_wait3A_111 : memref<1x640xf32, #tpu.memory_space<vmem>> -> memref<640xf32, #tpu.memory_space<vmem>>
        %dma_wait3A_113 = tpu.memref_slice %arg18[%run_scoped3A_48, %mul3A_47] : memref<16x10240xf32, #tpu.memory_space<vmem_shared>> -> memref<1x640xf32, #tpu.memory_space<vmem_shared>>
        %dma_wait3A_114 = tpu.memref_squeeze %dma_wait3A_113 : memref<1x640xf32, #tpu.memory_space<vmem_shared>> -> memref<640xf32, #tpu.memory_space<vmem_shared>>
        tpu.wait_dma2 semaphore(%run_scoped3A_96 : memref<!tpu.dma_semaphore, #tpu.memory_space<semaphore_mem>>) src(%dma_wait3A_114 : memref<640xf32, #tpu.memory_space<vmem_shared>>) dst(%dma_wait3A_112 : memref<640xf32, #tpu.memory_space<vmem>>)
        tpu.yield
      }) : () -> ()
      %mul3A_50 = arith.constant 640 : i32
      %mul3A_51 = arith.muli %arg1, %mul3A_50 : i32
      %run_scoped3A_52 = arith.constant 8 : i32
      %run_scoped3A_53 = arith.constant 8 : i32
      "tpu.region"() ({
        %run_scoped3A_96 = tpu.sem_alloc : memref<!tpu.dma_semaphore, #tpu.memory_space<semaphore_mem>>
        %dma_start3A = arith.constant 0 : i32
        %dma_start3A_97 = tpu.memref_slice %arg13[%run_scoped3A_53, %dma_start3A] : memref<16x640xf32, #tpu.memory_space<vmem>> -> memref<1x640xf32, #tpu.memory_space<vmem>>
        %dma_start3A_98 = tpu.memref_squeeze %dma_start3A_97 : memref<1x640xf32, #tpu.memory_space<vmem>> -> memref<640xf32, #tpu.memory_space<vmem>>
        %dma_start3A_99 = tpu.memref_slice %arg18[%run_scoped3A_52, %mul3A_51] : memref<16x10240xf32, #tpu.memory_space<vmem_shared>> -> memref<1x640xf32, #tpu.memory_space<vmem_shared>>
        %dma_start3A_100 = tpu.memref_squeeze %dma_start3A_99 : memref<1x640xf32, #tpu.memory_space<vmem_shared>> -> memref<640xf32, #tpu.memory_space<vmem_shared>>
        %dma_start3A_101 = arith.constant 0 : i32
        %dma_start3A_102 = tpu.memref_slice %arg13[%run_scoped3A_53, %dma_start3A_101] : memref<16x640xf32, #tpu.memory_space<vmem>> -> memref<1x640xf32, #tpu.memory_space<vmem>>
        %dma_start3A_103 = tpu.memref_squeeze %dma_start3A_102 : memref<1x640xf32, #tpu.memory_space<vmem>> -> memref<640xf32, #tpu.memory_space<vmem>>
        %dma_start3A_104 = tpu.memref_slice %arg18[%run_scoped3A_52, %mul3A_51] : memref<16x10240xf32, #tpu.memory_space<vmem_shared>> -> memref<1x640xf32, #tpu.memory_space<vmem_shared>>
        %dma_start3A_105 = tpu.memref_squeeze %dma_start3A_104 : memref<1x640xf32, #tpu.memory_space<vmem_shared>> -> memref<640xf32, #tpu.memory_space<vmem_shared>>
        tpu.enqueue_dma source(%dma_start3A_105 : memref<640xf32, #tpu.memory_space<vmem_shared>>) target(%dma_start3A_103 : memref<640xf32, #tpu.memory_space<vmem>>) target_semaphore(%run_scoped3A_96 : memref<!tpu.dma_semaphore, #tpu.memory_space<semaphore_mem>>)
        %dma_wait3A = arith.constant 0 : i32
        %dma_wait3A_106 = tpu.memref_slice %arg13[%run_scoped3A_53, %dma_wait3A] : memref<16x640xf32, #tpu.memory_space<vmem>> -> memref<1x640xf32, #tpu.memory_space<vmem>>
        %dma_wait3A_107 = tpu.memref_squeeze %dma_wait3A_106 : memref<1x640xf32, #tpu.memory_space<vmem>> -> memref<640xf32, #tpu.memory_space<vmem>>
        %dma_wait3A_108 = tpu.memref_slice %arg18[%run_scoped3A_52, %mul3A_51] : memref<16x10240xf32, #tpu.memory_space<vmem_shared>> -> memref<1x640xf32, #tpu.memory_space<vmem_shared>>
        %dma_wait3A_109 = tpu.memref_squeeze %dma_wait3A_108 : memref<1x640xf32, #tpu.memory_space<vmem_shared>> -> memref<640xf32, #tpu.memory_space<vmem_shared>>
        %dma_wait3A_110 = arith.constant 0 : i32
        %dma_wait3A_111 = tpu.memref_slice %arg13[%run_scoped3A_53, %dma_wait3A_110] : memref<16x640xf32, #tpu.memory_space<vmem>> -> memref<1x640xf32, #tpu.memory_space<vmem>>
        %dma_wait3A_112 = tpu.memref_squeeze %dma_wait3A_111 : memref<1x640xf32, #tpu.memory_space<vmem>> -> memref<640xf32, #tpu.memory_space<vmem>>
        %dma_wait3A_113 = tpu.memref_slice %arg18[%run_scoped3A_52, %mul3A_51] : memref<16x10240xf32, #tpu.memory_space<vmem_shared>> -> memref<1x640xf32, #tpu.memory_space<vmem_shared>>
        %dma_wait3A_114 = tpu.memref_squeeze %dma_wait3A_113 : memref<1x640xf32, #tpu.memory_space<vmem_shared>> -> memref<640xf32, #tpu.memory_space<vmem_shared>>
        tpu.wait_dma2 semaphore(%run_scoped3A_96 : memref<!tpu.dma_semaphore, #tpu.memory_space<semaphore_mem>>) src(%dma_wait3A_114 : memref<640xf32, #tpu.memory_space<vmem_shared>>) dst(%dma_wait3A_112 : memref<640xf32, #tpu.memory_space<vmem>>)
        tpu.yield
      }) : () -> ()
      %mul3A_54 = arith.constant 640 : i32
      %mul3A_55 = arith.muli %arg1, %mul3A_54 : i32
      %run_scoped3A_56 = arith.constant 9 : i32
      %run_scoped3A_57 = arith.constant 9 : i32
      "tpu.region"() ({
        %run_scoped3A_96 = tpu.sem_alloc : memref<!tpu.dma_semaphore, #tpu.memory_space<semaphore_mem>>
        %dma_start3A = arith.constant 0 : i32
        %dma_start3A_97 = tpu.memref_slice %arg13[%run_scoped3A_57, %dma_start3A] : memref<16x640xf32, #tpu.memory_space<vmem>> -> memref<1x640xf32, #tpu.memory_space<vmem>>
        %dma_start3A_98 = tpu.memref_squeeze %dma_start3A_97 : memref<1x640xf32, #tpu.memory_space<vmem>> -> memref<640xf32, #tpu.memory_space<vmem>>
        %dma_start3A_99 = tpu.memref_slice %arg18[%run_scoped3A_56, %mul3A_55] : memref<16x10240xf32, #tpu.memory_space<vmem_shared>> -> memref<1x640xf32, #tpu.memory_space<vmem_shared>>
        %dma_start3A_100 = tpu.memref_squeeze %dma_start3A_99 : memref<1x640xf32, #tpu.memory_space<vmem_shared>> -> memref<640xf32, #tpu.memory_space<vmem_shared>>
        %dma_start3A_101 = arith.constant 0 : i32
        %dma_start3A_102 = tpu.memref_slice %arg13[%run_scoped3A_57, %dma_start3A_101] : memref<16x640xf32, #tpu.memory_space<vmem>> -> memref<1x640xf32, #tpu.memory_space<vmem>>
        %dma_start3A_103 = tpu.memref_squeeze %dma_start3A_102 : memref<1x640xf32, #tpu.memory_space<vmem>> -> memref<640xf32, #tpu.memory_space<vmem>>
        %dma_start3A_104 = tpu.memref_slice %arg18[%run_scoped3A_56, %mul3A_55] : memref<16x10240xf32, #tpu.memory_space<vmem_shared>> -> memref<1x640xf32, #tpu.memory_space<vmem_shared>>
        %dma_start3A_105 = tpu.memref_squeeze %dma_start3A_104 : memref<1x640xf32, #tpu.memory_space<vmem_shared>> -> memref<640xf32, #tpu.memory_space<vmem_shared>>
        tpu.enqueue_dma source(%dma_start3A_105 : memref<640xf32, #tpu.memory_space<vmem_shared>>) target(%dma_start3A_103 : memref<640xf32, #tpu.memory_space<vmem>>) target_semaphore(%run_scoped3A_96 : memref<!tpu.dma_semaphore, #tpu.memory_space<semaphore_mem>>)
        %dma_wait3A = arith.constant 0 : i32
        %dma_wait3A_106 = tpu.memref_slice %arg13[%run_scoped3A_57, %dma_wait3A] : memref<16x640xf32, #tpu.memory_space<vmem>> -> memref<1x640xf32, #tpu.memory_space<vmem>>
        %dma_wait3A_107 = tpu.memref_squeeze %dma_wait3A_106 : memref<1x640xf32, #tpu.memory_space<vmem>> -> memref<640xf32, #tpu.memory_space<vmem>>
        %dma_wait3A_108 = tpu.memref_slice %arg18[%run_scoped3A_56, %mul3A_55] : memref<16x10240xf32, #tpu.memory_space<vmem_shared>> -> memref<1x640xf32, #tpu.memory_space<vmem_shared>>
        %dma_wait3A_109 = tpu.memref_squeeze %dma_wait3A_108 : memref<1x640xf32, #tpu.memory_space<vmem_shared>> -> memref<640xf32, #tpu.memory_space<vmem_shared>>
        %dma_wait3A_110 = arith.constant 0 : i32
        %dma_wait3A_111 = tpu.memref_slice %arg13[%run_scoped3A_57, %dma_wait3A_110] : memref<16x640xf32, #tpu.memory_space<vmem>> -> memref<1x640xf32, #tpu.memory_space<vmem>>
        %dma_wait3A_112 = tpu.memref_squeeze %dma_wait3A_111 : memref<1x640xf32, #tpu.memory_space<vmem>> -> memref<640xf32, #tpu.memory_space<vmem>>
        %dma_wait3A_113 = tpu.memref_slice %arg18[%run_scoped3A_56, %mul3A_55] : memref<16x10240xf32, #tpu.memory_space<vmem_shared>> -> memref<1x640xf32, #tpu.memory_space<vmem_shared>>
        %dma_wait3A_114 = tpu.memref_squeeze %dma_wait3A_113 : memref<1x640xf32, #tpu.memory_space<vmem_shared>> -> memref<640xf32, #tpu.memory_space<vmem_shared>>
        tpu.wait_dma2 semaphore(%run_scoped3A_96 : memref<!tpu.dma_semaphore, #tpu.memory_space<semaphore_mem>>) src(%dma_wait3A_114 : memref<640xf32, #tpu.memory_space<vmem_shared>>) dst(%dma_wait3A_112 : memref<640xf32, #tpu.memory_space<vmem>>)
        tpu.yield
      }) : () -> ()
      %mul3A_58 = arith.constant 640 : i32
      %mul3A_59 = arith.muli %arg1, %mul3A_58 : i32
      %run_scoped3A_60 = arith.constant 10 : i32
      %run_scoped3A_61 = arith.constant 10 : i32
      "tpu.region"() ({
        %run_scoped3A_96 = tpu.sem_alloc : memref<!tpu.dma_semaphore, #tpu.memory_space<semaphore_mem>>
        %dma_start3A = arith.constant 0 : i32
        %dma_start3A_97 = tpu.memref_slice %arg13[%run_scoped3A_61, %dma_start3A] : memref<16x640xf32, #tpu.memory_space<vmem>> -> memref<1x640xf32, #tpu.memory_space<vmem>>
        %dma_start3A_98 = tpu.memref_squeeze %dma_start3A_97 : memref<1x640xf32, #tpu.memory_space<vmem>> -> memref<640xf32, #tpu.memory_space<vmem>>
        %dma_start3A_99 = tpu.memref_slice %arg18[%run_scoped3A_60, %mul3A_59] : memref<16x10240xf32, #tpu.memory_space<vmem_shared>> -> memref<1x640xf32, #tpu.memory_space<vmem_shared>>
        %dma_start3A_100 = tpu.memref_squeeze %dma_start3A_99 : memref<1x640xf32, #tpu.memory_space<vmem_shared>> -> memref<640xf32, #tpu.memory_space<vmem_shared>>
        %dma_start3A_101 = arith.constant 0 : i32
        %dma_start3A_102 = tpu.memref_slice %arg13[%run_scoped3A_61, %dma_start3A_101] : memref<16x640xf32, #tpu.memory_space<vmem>> -> memref<1x640xf32, #tpu.memory_space<vmem>>
        %dma_start3A_103 = tpu.memref_squeeze %dma_start3A_102 : memref<1x640xf32, #tpu.memory_space<vmem>> -> memref<640xf32, #tpu.memory_space<vmem>>
        %dma_start3A_104 = tpu.memref_slice %arg18[%run_scoped3A_60, %mul3A_59] : memref<16x10240xf32, #tpu.memory_space<vmem_shared>> -> memref<1x640xf32, #tpu.memory_space<vmem_shared>>
        %dma_start3A_105 = tpu.memref_squeeze %dma_start3A_104 : memref<1x640xf32, #tpu.memory_space<vmem_shared>> -> memref<640xf32, #tpu.memory_space<vmem_shared>>
        tpu.enqueue_dma source(%dma_start3A_105 : memref<640xf32, #tpu.memory_space<vmem_shared>>) target(%dma_start3A_103 : memref<640xf32, #tpu.memory_space<vmem>>) target_semaphore(%run_scoped3A_96 : memref<!tpu.dma_semaphore, #tpu.memory_space<semaphore_mem>>)
        %dma_wait3A = arith.constant 0 : i32
        %dma_wait3A_106 = tpu.memref_slice %arg13[%run_scoped3A_61, %dma_wait3A] : memref<16x640xf32, #tpu.memory_space<vmem>> -> memref<1x640xf32, #tpu.memory_space<vmem>>
        %dma_wait3A_107 = tpu.memref_squeeze %dma_wait3A_106 : memref<1x640xf32, #tpu.memory_space<vmem>> -> memref<640xf32, #tpu.memory_space<vmem>>
        %dma_wait3A_108 = tpu.memref_slice %arg18[%run_scoped3A_60, %mul3A_59] : memref<16x10240xf32, #tpu.memory_space<vmem_shared>> -> memref<1x640xf32, #tpu.memory_space<vmem_shared>>
        %dma_wait3A_109 = tpu.memref_squeeze %dma_wait3A_108 : memref<1x640xf32, #tpu.memory_space<vmem_shared>> -> memref<640xf32, #tpu.memory_space<vmem_shared>>
        %dma_wait3A_110 = arith.constant 0 : i32
        %dma_wait3A_111 = tpu.memref_slice %arg13[%run_scoped3A_61, %dma_wait3A_110] : memref<16x640xf32, #tpu.memory_space<vmem>> -> memref<1x640xf32, #tpu.memory_space<vmem>>
        %dma_wait3A_112 = tpu.memref_squeeze %dma_wait3A_111 : memref<1x640xf32, #tpu.memory_space<vmem>> -> memref<640xf32, #tpu.memory_space<vmem>>
        %dma_wait3A_113 = tpu.memref_slice %arg18[%run_scoped3A_60, %mul3A_59] : memref<16x10240xf32, #tpu.memory_space<vmem_shared>> -> memref<1x640xf32, #tpu.memory_space<vmem_shared>>
        %dma_wait3A_114 = tpu.memref_squeeze %dma_wait3A_113 : memref<1x640xf32, #tpu.memory_space<vmem_shared>> -> memref<640xf32, #tpu.memory_space<vmem_shared>>
        tpu.wait_dma2 semaphore(%run_scoped3A_96 : memref<!tpu.dma_semaphore, #tpu.memory_space<semaphore_mem>>) src(%dma_wait3A_114 : memref<640xf32, #tpu.memory_space<vmem_shared>>) dst(%dma_wait3A_112 : memref<640xf32, #tpu.memory_space<vmem>>)
        tpu.yield
      }) : () -> ()
      %mul3A_62 = arith.constant 640 : i32
      %mul3A_63 = arith.muli %arg1, %mul3A_62 : i32
      %run_scoped3A_64 = arith.constant 11 : i32
      %run_scoped3A_65 = arith.constant 11 : i32
      "tpu.region"() ({
        %run_scoped3A_96 = tpu.sem_alloc : memref<!tpu.dma_semaphore, #tpu.memory_space<semaphore_mem>>
        %dma_start3A = arith.constant 0 : i32
        %dma_start3A_97 = tpu.memref_slice %arg13[%run_scoped3A_65, %dma_start3A] : memref<16x640xf32, #tpu.memory_space<vmem>> -> memref<1x640xf32, #tpu.memory_space<vmem>>
        %dma_start3A_98 = tpu.memref_squeeze %dma_start3A_97 : memref<1x640xf32, #tpu.memory_space<vmem>> -> memref<640xf32, #tpu.memory_space<vmem>>
        %dma_start3A_99 = tpu.memref_slice %arg18[%run_scoped3A_64, %mul3A_63] : memref<16x10240xf32, #tpu.memory_space<vmem_shared>> -> memref<1x640xf32, #tpu.memory_space<vmem_shared>>
        %dma_start3A_100 = tpu.memref_squeeze %dma_start3A_99 : memref<1x640xf32, #tpu.memory_space<vmem_shared>> -> memref<640xf32, #tpu.memory_space<vmem_shared>>
        %dma_start3A_101 = arith.constant 0 : i32
        %dma_start3A_102 = tpu.memref_slice %arg13[%run_scoped3A_65, %dma_start3A_101] : memref<16x640xf32, #tpu.memory_space<vmem>> -> memref<1x640xf32, #tpu.memory_space<vmem>>
        %dma_start3A_103 = tpu.memref_squeeze %dma_start3A_102 : memref<1x640xf32, #tpu.memory_space<vmem>> -> memref<640xf32, #tpu.memory_space<vmem>>
        %dma_start3A_104 = tpu.memref_slice %arg18[%run_scoped3A_64, %mul3A_63] : memref<16x10240xf32, #tpu.memory_space<vmem_shared>> -> memref<1x640xf32, #tpu.memory_space<vmem_shared>>
        %dma_start3A_105 = tpu.memref_squeeze %dma_start3A_104 : memref<1x640xf32, #tpu.memory_space<vmem_shared>> -> memref<640xf32, #tpu.memory_space<vmem_shared>>
        tpu.enqueue_dma source(%dma_start3A_105 : memref<640xf32, #tpu.memory_space<vmem_shared>>) target(%dma_start3A_103 : memref<640xf32, #tpu.memory_space<vmem>>) target_semaphore(%run_scoped3A_96 : memref<!tpu.dma_semaphore, #tpu.memory_space<semaphore_mem>>)
        %dma_wait3A = arith.constant 0 : i32
        %dma_wait3A_106 = tpu.memref_slice %arg13[%run_scoped3A_65, %dma_wait3A] : memref<16x640xf32, #tpu.memory_space<vmem>> -> memref<1x640xf32, #tpu.memory_space<vmem>>
        %dma_wait3A_107 = tpu.memref_squeeze %dma_wait3A_106 : memref<1x640xf32, #tpu.memory_space<vmem>> -> memref<640xf32, #tpu.memory_space<vmem>>
        %dma_wait3A_108 = tpu.memref_slice %arg18[%run_scoped3A_64, %mul3A_63] : memref<16x10240xf32, #tpu.memory_space<vmem_shared>> -> memref<1x640xf32, #tpu.memory_space<vmem_shared>>
        %dma_wait3A_109 = tpu.memref_squeeze %dma_wait3A_108 : memref<1x640xf32, #tpu.memory_space<vmem_shared>> -> memref<640xf32, #tpu.memory_space<vmem_shared>>
        %dma_wait3A_110 = arith.constant 0 : i32
        %dma_wait3A_111 = tpu.memref_slice %arg13[%run_scoped3A_65, %dma_wait3A_110] : memref<16x640xf32, #tpu.memory_space<vmem>> -> memref<1x640xf32, #tpu.memory_space<vmem>>
        %dma_wait3A_112 = tpu.memref_squeeze %dma_wait3A_111 : memref<1x640xf32, #tpu.memory_space<vmem>> -> memref<640xf32, #tpu.memory_space<vmem>>
        %dma_wait3A_113 = tpu.memref_slice %arg18[%run_scoped3A_64, %mul3A_63] : memref<16x10240xf32, #tpu.memory_space<vmem_shared>> -> memref<1x640xf32, #tpu.memory_space<vmem_shared>>
        %dma_wait3A_114 = tpu.memref_squeeze %dma_wait3A_113 : memref<1x640xf32, #tpu.memory_space<vmem_shared>> -> memref<640xf32, #tpu.memory_space<vmem_shared>>
        tpu.wait_dma2 semaphore(%run_scoped3A_96 : memref<!tpu.dma_semaphore, #tpu.memory_space<semaphore_mem>>) src(%dma_wait3A_114 : memref<640xf32, #tpu.memory_space<vmem_shared>>) dst(%dma_wait3A_112 : memref<640xf32, #tpu.memory_space<vmem>>)
        tpu.yield
      }) : () -> ()
      %mul3A_66 = arith.constant 640 : i32
      %mul3A_67 = arith.muli %arg1, %mul3A_66 : i32
      %run_scoped3A_68 = arith.constant 12 : i32
      %run_scoped3A_69 = arith.constant 12 : i32
      "tpu.region"() ({
        %run_scoped3A_96 = tpu.sem_alloc : memref<!tpu.dma_semaphore, #tpu.memory_space<semaphore_mem>>
        %dma_start3A = arith.constant 0 : i32
        %dma_start3A_97 = tpu.memref_slice %arg13[%run_scoped3A_69, %dma_start3A] : memref<16x640xf32, #tpu.memory_space<vmem>> -> memref<1x640xf32, #tpu.memory_space<vmem>>
        %dma_start3A_98 = tpu.memref_squeeze %dma_start3A_97 : memref<1x640xf32, #tpu.memory_space<vmem>> -> memref<640xf32, #tpu.memory_space<vmem>>
        %dma_start3A_99 = tpu.memref_slice %arg18[%run_scoped3A_68, %mul3A_67] : memref<16x10240xf32, #tpu.memory_space<vmem_shared>> -> memref<1x640xf32, #tpu.memory_space<vmem_shared>>
        %dma_start3A_100 = tpu.memref_squeeze %dma_start3A_99 : memref<1x640xf32, #tpu.memory_space<vmem_shared>> -> memref<640xf32, #tpu.memory_space<vmem_shared>>
        %dma_start3A_101 = arith.constant 0 : i32
        %dma_start3A_102 = tpu.memref_slice %arg13[%run_scoped3A_69, %dma_start3A_101] : memref<16x640xf32, #tpu.memory_space<vmem>> -> memref<1x640xf32, #tpu.memory_space<vmem>>
        %dma_start3A_103 = tpu.memref_squeeze %dma_start3A_102 : memref<1x640xf32, #tpu.memory_space<vmem>> -> memref<640xf32, #tpu.memory_space<vmem>>
        %dma_start3A_104 = tpu.memref_slice %arg18[%run_scoped3A_68, %mul3A_67] : memref<16x10240xf32, #tpu.memory_space<vmem_shared>> -> memref<1x640xf32, #tpu.memory_space<vmem_shared>>
        %dma_start3A_105 = tpu.memref_squeeze %dma_start3A_104 : memref<1x640xf32, #tpu.memory_space<vmem_shared>> -> memref<640xf32, #tpu.memory_space<vmem_shared>>
        tpu.enqueue_dma source(%dma_start3A_105 : memref<640xf32, #tpu.memory_space<vmem_shared>>) target(%dma_start3A_103 : memref<640xf32, #tpu.memory_space<vmem>>) target_semaphore(%run_scoped3A_96 : memref<!tpu.dma_semaphore, #tpu.memory_space<semaphore_mem>>)
        %dma_wait3A = arith.constant 0 : i32
        %dma_wait3A_106 = tpu.memref_slice %arg13[%run_scoped3A_69, %dma_wait3A] : memref<16x640xf32, #tpu.memory_space<vmem>> -> memref<1x640xf32, #tpu.memory_space<vmem>>
        %dma_wait3A_107 = tpu.memref_squeeze %dma_wait3A_106 : memref<1x640xf32, #tpu.memory_space<vmem>> -> memref<640xf32, #tpu.memory_space<vmem>>
        %dma_wait3A_108 = tpu.memref_slice %arg18[%run_scoped3A_68, %mul3A_67] : memref<16x10240xf32, #tpu.memory_space<vmem_shared>> -> memref<1x640xf32, #tpu.memory_space<vmem_shared>>
        %dma_wait3A_109 = tpu.memref_squeeze %dma_wait3A_108 : memref<1x640xf32, #tpu.memory_space<vmem_shared>> -> memref<640xf32, #tpu.memory_space<vmem_shared>>
        %dma_wait3A_110 = arith.constant 0 : i32
        %dma_wait3A_111 = tpu.memref_slice %arg13[%run_scoped3A_69, %dma_wait3A_110] : memref<16x640xf32, #tpu.memory_space<vmem>> -> memref<1x640xf32, #tpu.memory_space<vmem>>
        %dma_wait3A_112 = tpu.memref_squeeze %dma_wait3A_111 : memref<1x640xf32, #tpu.memory_space<vmem>> -> memref<640xf32, #tpu.memory_space<vmem>>
        %dma_wait3A_113 = tpu.memref_slice %arg18[%run_scoped3A_68, %mul3A_67] : memref<16x10240xf32, #tpu.memory_space<vmem_shared>> -> memref<1x640xf32, #tpu.memory_space<vmem_shared>>
        %dma_wait3A_114 = tpu.memref_squeeze %dma_wait3A_113 : memref<1x640xf32, #tpu.memory_space<vmem_shared>> -> memref<640xf32, #tpu.memory_space<vmem_shared>>
        tpu.wait_dma2 semaphore(%run_scoped3A_96 : memref<!tpu.dma_semaphore, #tpu.memory_space<semaphore_mem>>) src(%dma_wait3A_114 : memref<640xf32, #tpu.memory_space<vmem_shared>>) dst(%dma_wait3A_112 : memref<640xf32, #tpu.memory_space<vmem>>)
        tpu.yield
      }) : () -> ()
      %mul3A_70 = arith.constant 640 : i32
      %mul3A_71 = arith.muli %arg1, %mul3A_70 : i32
      %run_scoped3A_72 = arith.constant 13 : i32
      %run_scoped3A_73 = arith.constant 13 : i32
      "tpu.region"() ({
        %run_scoped3A_96 = tpu.sem_alloc : memref<!tpu.dma_semaphore, #tpu.memory_space<semaphore_mem>>
        %dma_start3A = arith.constant 0 : i32
        %dma_start3A_97 = tpu.memref_slice %arg13[%run_scoped3A_73, %dma_start3A] : memref<16x640xf32, #tpu.memory_space<vmem>> -> memref<1x640xf32, #tpu.memory_space<vmem>>
        %dma_start3A_98 = tpu.memref_squeeze %dma_start3A_97 : memref<1x640xf32, #tpu.memory_space<vmem>> -> memref<640xf32, #tpu.memory_space<vmem>>
        %dma_start3A_99 = tpu.memref_slice %arg18[%run_scoped3A_72, %mul3A_71] : memref<16x10240xf32, #tpu.memory_space<vmem_shared>> -> memref<1x640xf32, #tpu.memory_space<vmem_shared>>
        %dma_start3A_100 = tpu.memref_squeeze %dma_start3A_99 : memref<1x640xf32, #tpu.memory_space<vmem_shared>> -> memref<640xf32, #tpu.memory_space<vmem_shared>>
        %dma_start3A_101 = arith.constant 0 : i32
        %dma_start3A_102 = tpu.memref_slice %arg13[%run_scoped3A_73, %dma_start3A_101] : memref<16x640xf32, #tpu.memory_space<vmem>> -> memref<1x640xf32, #tpu.memory_space<vmem>>
        %dma_start3A_103 = tpu.memref_squeeze %dma_start3A_102 : memref<1x640xf32, #tpu.memory_space<vmem>> -> memref<640xf32, #tpu.memory_space<vmem>>
        %dma_start3A_104 = tpu.memref_slice %arg18[%run_scoped3A_72, %mul3A_71] : memref<16x10240xf32, #tpu.memory_space<vmem_shared>> -> memref<1x640xf32, #tpu.memory_space<vmem_shared>>
        %dma_start3A_105 = tpu.memref_squeeze %dma_start3A_104 : memref<1x640xf32, #tpu.memory_space<vmem_shared>> -> memref<640xf32, #tpu.memory_space<vmem_shared>>
        tpu.enqueue_dma source(%dma_start3A_105 : memref<640xf32, #tpu.memory_space<vmem_shared>>) target(%dma_start3A_103 : memref<640xf32, #tpu.memory_space<vmem>>) target_semaphore(%run_scoped3A_96 : memref<!tpu.dma_semaphore, #tpu.memory_space<semaphore_mem>>)
        %dma_wait3A = arith.constant 0 : i32
        %dma_wait3A_106 = tpu.memref_slice %arg13[%run_scoped3A_73, %dma_wait3A] : memref<16x640xf32, #tpu.memory_space<vmem>> -> memref<1x640xf32, #tpu.memory_space<vmem>>
        %dma_wait3A_107 = tpu.memref_squeeze %dma_wait3A_106 : memref<1x640xf32, #tpu.memory_space<vmem>> -> memref<640xf32, #tpu.memory_space<vmem>>
        %dma_wait3A_108 = tpu.memref_slice %arg18[%run_scoped3A_72, %mul3A_71] : memref<16x10240xf32, #tpu.memory_space<vmem_shared>> -> memref<1x640xf32, #tpu.memory_space<vmem_shared>>
        %dma_wait3A_109 = tpu.memref_squeeze %dma_wait3A_108 : memref<1x640xf32, #tpu.memory_space<vmem_shared>> -> memref<640xf32, #tpu.memory_space<vmem_shared>>
        %dma_wait3A_110 = arith.constant 0 : i32
        %dma_wait3A_111 = tpu.memref_slice %arg13[%run_scoped3A_73, %dma_wait3A_110] : memref<16x640xf32, #tpu.memory_space<vmem>> -> memref<1x640xf32, #tpu.memory_space<vmem>>
        %dma_wait3A_112 = tpu.memref_squeeze %dma_wait3A_111 : memref<1x640xf32, #tpu.memory_space<vmem>> -> memref<640xf32, #tpu.memory_space<vmem>>
        %dma_wait3A_113 = tpu.memref_slice %arg18[%run_scoped3A_72, %mul3A_71] : memref<16x10240xf32, #tpu.memory_space<vmem_shared>> -> memref<1x640xf32, #tpu.memory_space<vmem_shared>>
        %dma_wait3A_114 = tpu.memref_squeeze %dma_wait3A_113 : memref<1x640xf32, #tpu.memory_space<vmem_shared>> -> memref<640xf32, #tpu.memory_space<vmem_shared>>
        tpu.wait_dma2 semaphore(%run_scoped3A_96 : memref<!tpu.dma_semaphore, #tpu.memory_space<semaphore_mem>>) src(%dma_wait3A_114 : memref<640xf32, #tpu.memory_space<vmem_shared>>) dst(%dma_wait3A_112 : memref<640xf32, #tpu.memory_space<vmem>>)
        tpu.yield
      }) : () -> ()
      %mul3A_74 = arith.constant 640 : i32
      %mul3A_75 = arith.muli %arg1, %mul3A_74 : i32
      %run_scoped3A_76 = arith.constant 14 : i32
      %run_scoped3A_77 = arith.constant 14 : i32
      "tpu.region"() ({
        %run_scoped3A_96 = tpu.sem_alloc : memref<!tpu.dma_semaphore, #tpu.memory_space<semaphore_mem>>
        %dma_start3A = arith.constant 0 : i32
        %dma_start3A_97 = tpu.memref_slice %arg13[%run_scoped3A_77, %dma_start3A] : memref<16x640xf32, #tpu.memory_space<vmem>> -> memref<1x640xf32, #tpu.memory_space<vmem>>
        %dma_start3A_98 = tpu.memref_squeeze %dma_start3A_97 : memref<1x640xf32, #tpu.memory_space<vmem>> -> memref<640xf32, #tpu.memory_space<vmem>>
        %dma_start3A_99 = tpu.memref_slice %arg18[%run_scoped3A_76, %mul3A_75] : memref<16x10240xf32, #tpu.memory_space<vmem_shared>> -> memref<1x640xf32, #tpu.memory_space<vmem_shared>>
        %dma_start3A_100 = tpu.memref_squeeze %dma_start3A_99 : memref<1x640xf32, #tpu.memory_space<vmem_shared>> -> memref<640xf32, #tpu.memory_space<vmem_shared>>
        %dma_start3A_101 = arith.constant 0 : i32
        %dma_start3A_102 = tpu.memref_slice %arg13[%run_scoped3A_77, %dma_start3A_101] : memref<16x640xf32, #tpu.memory_space<vmem>> -> memref<1x640xf32, #tpu.memory_space<vmem>>
        %dma_start3A_103 = tpu.memref_squeeze %dma_start3A_102 : memref<1x640xf32, #tpu.memory_space<vmem>> -> memref<640xf32, #tpu.memory_space<vmem>>
        %dma_start3A_104 = tpu.memref_slice %arg18[%run_scoped3A_76, %mul3A_75] : memref<16x10240xf32, #tpu.memory_space<vmem_shared>> -> memref<1x640xf32, #tpu.memory_space<vmem_shared>>
        %dma_start3A_105 = tpu.memref_squeeze %dma_start3A_104 : memref<1x640xf32, #tpu.memory_space<vmem_shared>> -> memref<640xf32, #tpu.memory_space<vmem_shared>>
        tpu.enqueue_dma source(%dma_start3A_105 : memref<640xf32, #tpu.memory_space<vmem_shared>>) target(%dma_start3A_103 : memref<640xf32, #tpu.memory_space<vmem>>) target_semaphore(%run_scoped3A_96 : memref<!tpu.dma_semaphore, #tpu.memory_space<semaphore_mem>>)
        %dma_wait3A = arith.constant 0 : i32
        %dma_wait3A_106 = tpu.memref_slice %arg13[%run_scoped3A_77, %dma_wait3A] : memref<16x640xf32, #tpu.memory_space<vmem>> -> memref<1x640xf32, #tpu.memory_space<vmem>>
        %dma_wait3A_107 = tpu.memref_squeeze %dma_wait3A_106 : memref<1x640xf32, #tpu.memory_space<vmem>> -> memref<640xf32, #tpu.memory_space<vmem>>
        %dma_wait3A_108 = tpu.memref_slice %arg18[%run_scoped3A_76, %mul3A_75] : memref<16x10240xf32, #tpu.memory_space<vmem_shared>> -> memref<1x640xf32, #tpu.memory_space<vmem_shared>>
        %dma_wait3A_109 = tpu.memref_squeeze %dma_wait3A_108 : memref<1x640xf32, #tpu.memory_space<vmem_shared>> -> memref<640xf32, #tpu.memory_space<vmem_shared>>
        %dma_wait3A_110 = arith.constant 0 : i32
        %dma_wait3A_111 = tpu.memref_slice %arg13[%run_scoped3A_77, %dma_wait3A_110] : memref<16x640xf32, #tpu.memory_space<vmem>> -> memref<1x640xf32, #tpu.memory_space<vmem>>
        %dma_wait3A_112 = tpu.memref_squeeze %dma_wait3A_111 : memref<1x640xf32, #tpu.memory_space<vmem>> -> memref<640xf32, #tpu.memory_space<vmem>>
        %dma_wait3A_113 = tpu.memref_slice %arg18[%run_scoped3A_76, %mul3A_75] : memref<16x10240xf32, #tpu.memory_space<vmem_shared>> -> memref<1x640xf32, #tpu.memory_space<vmem_shared>>
        %dma_wait3A_114 = tpu.memref_squeeze %dma_wait3A_113 : memref<1x640xf32, #tpu.memory_space<vmem_shared>> -> memref<640xf32, #tpu.memory_space<vmem_shared>>
        tpu.wait_dma2 semaphore(%run_scoped3A_96 : memref<!tpu.dma_semaphore, #tpu.memory_space<semaphore_mem>>) src(%dma_wait3A_114 : memref<640xf32, #tpu.memory_space<vmem_shared>>) dst(%dma_wait3A_112 : memref<640xf32, #tpu.memory_space<vmem>>)
        tpu.yield
      }) : () -> ()
      %mul3A_78 = arith.constant 640 : i32
      %mul3A_79 = arith.muli %arg1, %mul3A_78 : i32
      %run_scoped3A_80 = arith.constant 15 : i32
      %run_scoped3A_81 = arith.constant 15 : i32
      "tpu.region"() ({
        %run_scoped3A_96 = tpu.sem_alloc : memref<!tpu.dma_semaphore, #tpu.memory_space<semaphore_mem>>
        %dma_start3A = arith.constant 0 : i32
        %dma_start3A_97 = tpu.memref_slice %arg13[%run_scoped3A_81, %dma_start3A] : memref<16x640xf32, #tpu.memory_space<vmem>> -> memref<1x640xf32, #tpu.memory_space<vmem>>
        %dma_start3A_98 = tpu.memref_squeeze %dma_start3A_97 : memref<1x640xf32, #tpu.memory_space<vmem>> -> memref<640xf32, #tpu.memory_space<vmem>>
        %dma_start3A_99 = tpu.memref_slice %arg18[%run_scoped3A_80, %mul3A_79] : memref<16x10240xf32, #tpu.memory_space<vmem_shared>> -> memref<1x640xf32, #tpu.memory_space<vmem_shared>>
        %dma_start3A_100 = tpu.memref_squeeze %dma_start3A_99 : memref<1x640xf32, #tpu.memory_space<vmem_shared>> -> memref<640xf32, #tpu.memory_space<vmem_shared>>
        %dma_start3A_101 = arith.constant 0 : i32
        %dma_start3A_102 = tpu.memref_slice %arg13[%run_scoped3A_81, %dma_start3A_101] : memref<16x640xf32, #tpu.memory_space<vmem>> -> memref<1x640xf32, #tpu.memory_space<vmem>>
        %dma_start3A_103 = tpu.memref_squeeze %dma_start3A_102 : memref<1x640xf32, #tpu.memory_space<vmem>> -> memref<640xf32, #tpu.memory_space<vmem>>
        %dma_start3A_104 = tpu.memref_slice %arg18[%run_scoped3A_80, %mul3A_79] : memref<16x10240xf32, #tpu.memory_space<vmem_shared>> -> memref<1x640xf32, #tpu.memory_space<vmem_shared>>
        %dma_start3A_105 = tpu.memref_squeeze %dma_start3A_104 : memref<1x640xf32, #tpu.memory_space<vmem_shared>> -> memref<640xf32, #tpu.memory_space<vmem_shared>>
        tpu.enqueue_dma source(%dma_start3A_105 : memref<640xf32, #tpu.memory_space<vmem_shared>>) target(%dma_start3A_103 : memref<640xf32, #tpu.memory_space<vmem>>) target_semaphore(%run_scoped3A_96 : memref<!tpu.dma_semaphore, #tpu.memory_space<semaphore_mem>>)
        %dma_wait3A = arith.constant 0 : i32
        %dma_wait3A_106 = tpu.memref_slice %arg13[%run_scoped3A_81, %dma_wait3A] : memref<16x640xf32, #tpu.memory_space<vmem>> -> memref<1x640xf32, #tpu.memory_space<vmem>>
        %dma_wait3A_107 = tpu.memref_squeeze %dma_wait3A_106 : memref<1x640xf32, #tpu.memory_space<vmem>> -> memref<640xf32, #tpu.memory_space<vmem>>
        %dma_wait3A_108 = tpu.memref_slice %arg18[%run_scoped3A_80, %mul3A_79] : memref<16x10240xf32, #tpu.memory_space<vmem_shared>> -> memref<1x640xf32, #tpu.memory_space<vmem_shared>>
        %dma_wait3A_109 = tpu.memref_squeeze %dma_wait3A_108 : memref<1x640xf32, #tpu.memory_space<vmem_shared>> -> memref<640xf32, #tpu.memory_space<vmem_shared>>
        %dma_wait3A_110 = arith.constant 0 : i32
        %dma_wait3A_111 = tpu.memref_slice %arg13[%run_scoped3A_81, %dma_wait3A_110] : memref<16x640xf32, #tpu.memory_space<vmem>> -> memref<1x640xf32, #tpu.memory_space<vmem>>
        %dma_wait3A_112 = tpu.memref_squeeze %dma_wait3A_111 : memref<1x640xf32, #tpu.memory_space<vmem>> -> memref<640xf32, #tpu.memory_space<vmem>>
        %dma_wait3A_113 = tpu.memref_slice %arg18[%run_scoped3A_80, %mul3A_79] : memref<16x10240xf32, #tpu.memory_space<vmem_shared>> -> memref<1x640xf32, #tpu.memory_space<vmem_shared>>
        %dma_wait3A_114 = tpu.memref_squeeze %dma_wait3A_113 : memref<1x640xf32, #tpu.memory_space<vmem_shared>> -> memref<640xf32, #tpu.memory_space<vmem_shared>>
        tpu.wait_dma2 semaphore(%run_scoped3A_96 : memref<!tpu.dma_semaphore, #tpu.memory_space<semaphore_mem>>) src(%dma_wait3A_114 : memref<640xf32, #tpu.memory_space<vmem_shared>>) dst(%dma_wait3A_112 : memref<640xf32, #tpu.memory_space<vmem>>)
        tpu.yield
      }) : () -> ()
      %mul3A_82 = arith.constant 640 : i32
      %mul3A_83 = arith.muli %arg1, %mul3A_82 : i32
      "tpu.region"() ({
        %run_scoped3A_96 = tpu.sem_alloc : memref<!tpu.dma_semaphore, #tpu.memory_space<semaphore_mem>>
        %dma_start3A = tpu.memref_slice %arg4[%mul3A_83] : memref<10240xf32, #tpu.memory_space<hbm>> -> memref<640xf32, #tpu.memory_space<hbm>>
        %dma_start3A_97 = tpu.memref_slice %arg4[%mul3A_83] : memref<10240xf32, #tpu.memory_space<hbm>> -> memref<640xf32, #tpu.memory_space<hbm>>
        tpu.enqueue_dma source(%dma_start3A_97 : memref<640xf32, #tpu.memory_space<hbm>>) target(%arg14 : memref<640xf32, #tpu.memory_space<vmem>>) target_semaphore(%run_scoped3A_96 : memref<!tpu.dma_semaphore, #tpu.memory_space<semaphore_mem>>)
        %dma_wait3A = tpu.memref_slice %arg4[%mul3A_83] : memref<10240xf32, #tpu.memory_space<hbm>> -> memref<640xf32, #tpu.memory_space<hbm>>
        %dma_wait3A_98 = tpu.memref_slice %arg4[%mul3A_83] : memref<10240xf32, #tpu.memory_space<hbm>> -> memref<640xf32, #tpu.memory_space<hbm>>
        tpu.wait_dma2 semaphore(%run_scoped3A_96 : memref<!tpu.dma_semaphore, #tpu.memory_space<semaphore_mem>>) src(%dma_wait3A_98 : memref<640xf32, #tpu.memory_space<hbm>>) dst(%arg14 : memref<640xf32, #tpu.memory_space<vmem>>)
        tpu.yield
      }) : () -> ()
      %mul3A_84 = arith.constant 640 : i32
      %mul3A_85 = arith.muli %arg1, %mul3A_84 : i32
      "tpu.region"() ({
        %run_scoped3A_96 = tpu.sem_alloc : memref<!tpu.dma_semaphore, #tpu.memory_space<semaphore_mem>>
        %dma_start3A = tpu.memref_slice %arg3[%mul3A_85] : memref<10240xf32, #tpu.memory_space<hbm>> -> memref<640xf32, #tpu.memory_space<hbm>>
        %dma_start3A_97 = tpu.memref_slice %arg3[%mul3A_85] : memref<10240xf32, #tpu.memory_space<hbm>> -> memref<640xf32, #tpu.memory_space<hbm>>
        tpu.enqueue_dma source(%dma_start3A_97 : memref<640xf32, #tpu.memory_space<hbm>>) target(%arg15 : memref<640xf32, #tpu.memory_space<vmem>>) target_semaphore(%run_scoped3A_96 : memref<!tpu.dma_semaphore, #tpu.memory_space<semaphore_mem>>)
        %dma_wait3A = tpu.memref_slice %arg3[%mul3A_85] : memref<10240xf32, #tpu.memory_space<hbm>> -> memref<640xf32, #tpu.memory_space<hbm>>
        %dma_wait3A_98 = tpu.memref_slice %arg3[%mul3A_85] : memref<10240xf32, #tpu.memory_space<hbm>> -> memref<640xf32, #tpu.memory_space<hbm>>
        tpu.wait_dma2 semaphore(%run_scoped3A_96 : memref<!tpu.dma_semaphore, #tpu.memory_space<semaphore_mem>>) src(%dma_wait3A_98 : memref<640xf32, #tpu.memory_space<hbm>>) dst(%arg15 : memref<640xf32, #tpu.memory_space<vmem>>)
        tpu.yield
      }) : () -> ()
      "tpu.region"() ({
        %run_scoped3A_96 = tpu.sem_alloc : memref<!tpu.dma_semaphore, #tpu.memory_space<semaphore_mem>>
        tpu.enqueue_dma source(%arg7 : memref<16xf32, #tpu.memory_space<hbm>>) target(%arg16 : memref<16xf32, #tpu.memory_space<vmem>>) target_semaphore(%run_scoped3A_96 : memref<!tpu.dma_semaphore, #tpu.memory_space<semaphore_mem>>)
        tpu.wait_dma2 semaphore(%run_scoped3A_96 : memref<!tpu.dma_semaphore, #tpu.memory_space<semaphore_mem>>) src(%arg7 : memref<16xf32, #tpu.memory_space<hbm>>) dst(%arg16 : memref<16xf32, #tpu.memory_space<vmem>>)
        tpu.yield
      }) : () -> ()
      %get3A = arith.constant 0 : index
      %get3A_86 = tpu.vector_load %arg16[%get3A] {strides = array<i32>} : memref<16xf32, #tpu.memory_space<vmem>>, vector<16xf32>,
      %scan3A_87 = arith.constant 0 : i32
      %scan3A_88 = arith.constant 0 : i32
      %scan3A_89 = arith.constant 40 : i32
      %scan3A_90 = arith.addi %scan3A_88, %scan3A_89 : i32
      %scan3A_91 = arith.constant 1 : i32
      %scan3A_92 = scf.for %scan3A_96 = %scan3A_88 to %scan3A_90 step %scan3A_91 iter_args(%scan3A_97 = %scan3A_87) -> (i32)  : i32 {
        %mul3A_98 = arith.constant 16 : i32
        %mul3A_99 = arith.muli %scan3A_96, %mul3A_98 : i32
        %get3A_100 = arith.constant 0 : i32
        %get3A_101 = arith.index_cast %get3A_100 : i32 to index
        %get3A_102 = arith.index_cast %mul3A_99 : i32 to index
        %get3A_103 = tpu.vector_load %arg13[%get3A_101, %get3A_102] {strides = array<i32>} : memref<16x640xf32, #tpu.memory_space<vmem>>, vector<16xf32>,
        %mul3A_104 = arith.constant 16 : i32
        %mul3A_105 = arith.muli %scan3A_96, %mul3A_104 : i32
        %get3A_106 = arith.constant 1 : i32
        %get3A_107 = arith.index_cast %get3A_106 : i32 to index
        %get3A_108 = arith.index_cast %mul3A_105 : i32 to index
        %get3A_109 = tpu.vector_load %arg13[%get3A_107, %get3A_108] {strides = array<i32>} : memref<16x640xf32, #tpu.memory_space<vmem>>, vector<16xf32>,
        %add3A = arith.addf %get3A_103, %get3A_109 : vector<16xf32>
        %mul3A_110 = arith.constant 16 : i32
        %mul3A_111 = arith.muli %scan3A_96, %mul3A_110 : i32
        %get3A_112 = arith.constant 2 : i32
        %get3A_113 = arith.index_cast %get3A_112 : i32 to index
        %get3A_114 = arith.index_cast %mul3A_111 : i32 to index
        %get3A_115 = tpu.vector_load %arg13[%get3A_113, %get3A_114] {strides = array<i32>} : memref<16x640xf32, #tpu.memory_space<vmem>>, vector<16xf32>,
        %add3A_116 = arith.addf %add3A, %get3A_115 : vector<16xf32>
        %mul3A_117 = arith.constant 16 : i32
        %mul3A_118 = arith.muli %scan3A_96, %mul3A_117 : i32
        %get3A_119 = arith.constant 3 : i32
        %get3A_120 = arith.index_cast %get3A_119 : i32 to index
        %get3A_121 = arith.index_cast %mul3A_118 : i32 to index
        %get3A_122 = tpu.vector_load %arg13[%get3A_120, %get3A_121] {strides = array<i32>} : memref<16x640xf32, #tpu.memory_space<vmem>>, vector<16xf32>,
        %add3A_123 = arith.addf %add3A_116, %get3A_122 : vector<16xf32>
        %mul3A_124 = arith.constant 16 : i32
        %mul3A_125 = arith.muli %scan3A_96, %mul3A_124 : i32
        %get3A_126 = arith.constant 4 : i32
        %get3A_127 = arith.index_cast %get3A_126 : i32 to index
        %get3A_128 = arith.index_cast %mul3A_125 : i32 to index
        %get3A_129 = tpu.vector_load %arg13[%get3A_127, %get3A_128] {strides = array<i32>} : memref<16x640xf32, #tpu.memory_space<vmem>>, vector<16xf32>,
        %add3A_130 = arith.addf %add3A_123, %get3A_129 : vector<16xf32>
        %mul3A_131 = arith.constant 16 : i32
        %mul3A_132 = arith.muli %scan3A_96, %mul3A_131 : i32
        %get3A_133 = arith.constant 5 : i32
        %get3A_134 = arith.index_cast %get3A_133 : i32 to index
        %get3A_135 = arith.index_cast %mul3A_132 : i32 to index
        %get3A_136 = tpu.vector_load %arg13[%get3A_134, %get3A_135] {strides = array<i32>} : memref<16x640xf32, #tpu.memory_space<vmem>>, vector<16xf32>,
        %add3A_137 = arith.addf %add3A_130, %get3A_136 : vector<16xf32>
        %mul3A_138 = arith.constant 16 : i32
        %mul3A_139 = arith.muli %scan3A_96, %mul3A_138 : i32
        %get3A_140 = arith.constant 6 : i32
        %get3A_141 = arith.index_cast %get3A_140 : i32 to index
        %get3A_142 = arith.index_cast %mul3A_139 : i32 to index
        %get3A_143 = tpu.vector_load %arg13[%get3A_141, %get3A_142] {strides = array<i32>} : memref<16x640xf32, #tpu.memory_space<vmem>>, vector<16xf32>,
        %add3A_144 = arith.addf %add3A_137, %get3A_143 : vector<16xf32>
        %mul3A_145 = arith.constant 16 : i32
        %mul3A_146 = arith.muli %scan3A_96, %mul3A_145 : i32
        %get3A_147 = arith.constant 7 : i32
        %get3A_148 = arith.index_cast %get3A_147 : i32 to index
        %get3A_149 = arith.index_cast %mul3A_146 : i32 to index
        %get3A_150 = tpu.vector_load %arg13[%get3A_148, %get3A_149] {strides = array<i32>} : memref<16x640xf32, #tpu.memory_space<vmem>>, vector<16xf32>,
        %add3A_151 = arith.addf %add3A_144, %get3A_150 : vector<16xf32>
        %mul3A_152 = arith.constant 16 : i32
        %mul3A_153 = arith.muli %scan3A_96, %mul3A_152 : i32
        %get3A_154 = arith.constant 8 : i32
        %get3A_155 = arith.index_cast %get3A_154 : i32 to index
        %get3A_156 = arith.index_cast %mul3A_153 : i32 to index
        %get3A_157 = tpu.vector_load %arg13[%get3A_155, %get3A_156] {strides = array<i32>} : memref<16x640xf32, #tpu.memory_space<vmem>>, vector<16xf32>,
        %add3A_158 = arith.addf %add3A_151, %get3A_157 : vector<16xf32>
        %mul3A_159 = arith.constant 16 : i32
        %mul3A_160 = arith.muli %scan3A_96, %mul3A_159 : i32
        %get3A_161 = arith.constant 9 : i32
        %get3A_162 = arith.index_cast %get3A_161 : i32 to index
        %get3A_163 = arith.index_cast %mul3A_160 : i32 to index
        %get3A_164 = tpu.vector_load %arg13[%get3A_162, %get3A_163] {strides = array<i32>} : memref<16x640xf32, #tpu.memory_space<vmem>>, vector<16xf32>,
        %add3A_165 = arith.addf %add3A_158, %get3A_164 : vector<16xf32>
        %mul3A_166 = arith.constant 16 : i32
        %mul3A_167 = arith.muli %scan3A_96, %mul3A_166 : i32
        %get3A_168 = arith.constant 10 : i32
        %get3A_169 = arith.index_cast %get3A_168 : i32 to index
        %get3A_170 = arith.index_cast %mul3A_167 : i32 to index
        %get3A_171 = tpu.vector_load %arg13[%get3A_169, %get3A_170] {strides = array<i32>} : memref<16x640xf32, #tpu.memory_space<vmem>>, vector<16xf32>,
        %add3A_172 = arith.addf %add3A_165, %get3A_171 : vector<16xf32>
        %mul3A_173 = arith.constant 16 : i32
        %mul3A_174 = arith.muli %scan3A_96, %mul3A_173 : i32
        %get3A_175 = arith.constant 11 : i32
        %get3A_176 = arith.index_cast %get3A_175 : i32 to index
        %get3A_177 = arith.index_cast %mul3A_174 : i32 to index
        %get3A_178 = tpu.vector_load %arg13[%get3A_176, %get3A_177] {strides = array<i32>} : memref<16x640xf32, #tpu.memory_space<vmem>>, vector<16xf32>,
        %add3A_179 = arith.addf %add3A_172, %get3A_178 : vector<16xf32>
        %mul3A_180 = arith.constant 16 : i32
        %mul3A_181 = arith.muli %scan3A_96, %mul3A_180 : i32
        %get3A_182 = arith.constant 12 : i32
        %get3A_183 = arith.index_cast %get3A_182 : i32 to index
        %get3A_184 = arith.index_cast %mul3A_181 : i32 to index
        %get3A_185 = tpu.vector_load %arg13[%get3A_183, %get3A_184] {strides = array<i32>} : memref<16x640xf32, #tpu.memory_space<vmem>>, vector<16xf32>,
        %add3A_186 = arith.addf %add3A_179, %get3A_185 : vector<16xf32>
        %mul3A_187 = arith.constant 16 : i32
        %mul3A_188 = arith.muli %scan3A_96, %mul3A_187 : i32
        %get3A_189 = arith.constant 13 : i32
        %get3A_190 = arith.index_cast %get3A_189 : i32 to index
        %get3A_191 = arith.index_cast %mul3A_188 : i32 to index
        %get3A_192 = tpu.vector_load %arg13[%get3A_190, %get3A_191] {strides = array<i32>} : memref<16x640xf32, #tpu.memory_space<vmem>>, vector<16xf32>,
        %add3A_193 = arith.addf %add3A_186, %get3A_192 : vector<16xf32>
        %mul3A_194 = arith.constant 16 : i32
        %mul3A_195 = arith.muli %scan3A_96, %mul3A_194 : i32
        %get3A_196 = arith.constant 14 : i32
        %get3A_197 = arith.index_cast %get3A_196 : i32 to index
        %get3A_198 = arith.index_cast %mul3A_195 : i32 to index
        %get3A_199 = tpu.vector_load %arg13[%get3A_197, %get3A_198] {strides = array<i32>} : memref<16x640xf32, #tpu.memory_space<vmem>>, vector<16xf32>,
        %add3A_200 = arith.addf %add3A_193, %get3A_199 : vector<16xf32>
        %mul3A_201 = arith.constant 16 : i32
        %mul3A_202 = arith.muli %scan3A_96, %mul3A_201 : i32
        %get3A_203 = arith.constant 15 : i32
        %get3A_204 = arith.index_cast %get3A_203 : i32 to index
        %get3A_205 = arith.index_cast %mul3A_202 : i32 to index
        %get3A_206 = tpu.vector_load %arg13[%get3A_204, %get3A_205] {strides = array<i32>} : memref<16x640xf32, #tpu.memory_space<vmem>>, vector<16xf32>,
        %add3A_207 = arith.addf %add3A_200, %get3A_206 : vector<16xf32>
        %mul3A_208 = arith.constant 16 : i32
        %mul3A_209 = arith.muli %scan3A_96, %mul3A_208 : i32
        %get3A_210 = arith.index_cast %mul3A_209 : i32 to index
        %get3A_211 = tpu.vector_load %arg14[%get3A_210] {strides = array<i32>} : memref<640xf32, #tpu.memory_space<vmem>>, vector<16xf32>,
        %max3A = arith.constant 1.000000e+00 : f32
        %max3A_212 = vector.broadcast %max3A : f32 to vector<16xf32>
        %max3A_213 = arith.maximumf %get3A_211, %max3A_212 : vector<16xf32>
        %div3A = arith.divf %add3A_207, %max3A_213 : vector<16xf32>
        %add3A_214 = arith.addf %div3A, %get3A_86 : vector<16xf32>
        %mul3A_215 = arith.constant 16 : i32
        %mul3A_216 = arith.muli %scan3A_96, %mul3A_215 : i32
        %get3A_217 = arith.index_cast %mul3A_216 : i32 to index
        %get3A_218 = tpu.vector_load %arg15[%get3A_217] {strides = array<i32>} : memref<640xf32, #tpu.memory_space<vmem>>, vector<16xf32>,
        %add3A_219 = arith.addf %add3A_214, %get3A_218 : vector<16xf32>
        %mul3A_220 = arith.constant 16 : i32
        %mul3A_221 = arith.muli %scan3A_96, %mul3A_220 : i32
        %swap3A = arith.index_cast %mul3A_221 : i32 to index
        %swap3A_222 = tpu.vector_load %arg17[%swap3A] {strides = array<i32>} : memref<640xf32, #tpu.memory_space<vmem>>, vector<16xf32>,
        tpu.vector_store %arg17[%swap3A], %add3A_219 {strides = array<i32>} : memref<640xf32, #tpu.memory_space<vmem>>, vector<16xf32>,
        %scan3A_223 = arith.constant 0 : i32
        scf.yield %scan3A_223 : i32
      }
      %scan3A_93 = arith.constant 40 : i32
      %mul3A_94 = arith.constant 640 : i32
      %mul3A_95 = arith.muli %arg1, %mul3A_94 : i32
      "tpu.region"() ({
        %run_scoped3A_96 = tpu.sem_alloc : memref<!tpu.dma_semaphore, #tpu.memory_space<semaphore_mem>>
        %dma_start3A = tpu.memref_slice %arg8[%mul3A_95] : memref<10240xf32, #tpu.memory_space<hbm>> -> memref<640xf32, #tpu.memory_space<hbm>>
        %dma_start3A_97 = tpu.memref_slice %arg8[%mul3A_95] : memref<10240xf32, #tpu.memory_space<hbm>> -> memref<640xf32, #tpu.memory_space<hbm>>
        tpu.enqueue_dma source(%arg17 : memref<640xf32, #tpu.memory_space<vmem>>) target(%dma_start3A_97 : memref<640xf32, #tpu.memory_space<hbm>>) target_semaphore(%run_scoped3A_96 : memref<!tpu.dma_semaphore, #tpu.memory_space<semaphore_mem>>)
        %dma_wait3A = tpu.memref_slice %arg8[%mul3A_95] : memref<10240xf32, #tpu.memory_space<hbm>> -> memref<640xf32, #tpu.memory_space<hbm>>
        %dma_wait3A_98 = tpu.memref_slice %arg8[%mul3A_95] : memref<10240xf32, #tpu.memory_space<hbm>> -> memref<640xf32, #tpu.memory_space<hbm>>
        tpu.wait_dma2 semaphore(%run_scoped3A_96 : memref<!tpu.dma_semaphore, #tpu.memory_space<semaphore_mem>>) src(%arg17 : memref<640xf32, #tpu.memory_space<vmem>>) dst(%dma_wait3A_98 : memref<640xf32, #tpu.memory_space<hbm>>)
        tpu.yield
      }) : () -> ()
    } else {
    }
    return
  }
}

module attributes {stable_mosaic.version = 14 : i64} {
  func.func @_tc_body(%arg0: i32, %arg1: memref<512x1xf32, #tpu.memory_space<vmem>>, %arg2: memref<512x256xf32, #tpu.memory_space<vmem>>, %arg3: memref<512x128xf32, #tpu.memory_space<vmem>>, %arg4: memref<512x128xf32, #tpu.memory_space<vmem>>, %arg5: memref<256x256xf32, #tpu.memory_space<vmem>>, %arg6: memref<1x256xf32, #tpu.memory_space<vmem>>, %arg7: memref<256x256xf32, #tpu.memory_space<vmem>>, %arg8: memref<2x256xf32, #tpu.memory_space<vmem>>, %arg9: memref<512x2xf32, #tpu.memory_space<vmem>>) attributes {dimension_semantics = [#tpu.dimension_semantics<arbitrary>], iteration_bounds = array<i64: 20>, scalar_prefetch = 0 : i64, scratch_operands = 0 : i64, tpu.core_type = #tpu.core_type<tc>, window_params = [{transform_indices = @transform_0, window_bounds = array<i64: 512, 1>}, {transform_indices = @transform_1, window_bounds = array<i64: 512, 256>}, {transform_indices = @transform_2, window_bounds = array<i64: 512, 128>}, {transform_indices = @transform_3, window_bounds = array<i64: 512, 128>}, {pipeline_mode = #tpu.pipeline_mode<synchronous>, transform_indices = @transform_4, window_bounds = array<i64: 256, 256>}, {pipeline_mode = #tpu.pipeline_mode<synchronous>, transform_indices = @transform_5, window_bounds = array<i64: 1, 256>}, {pipeline_mode = #tpu.pipeline_mode<synchronous>, transform_indices = @transform_6, window_bounds = array<i64: 256, 256>}, {pipeline_mode = #tpu.pipeline_mode<synchronous>, transform_indices = @transform_7, window_bounds = array<i64: 2, 256>}, {transform_indices = @transform_8, window_bounds = array<i64: 512, 2>}]} {
    %get3A = arith.constant 0 : index
    %get3A_0 = arith.constant 0 : index
    %get3A_1 = vector.load %arg1[%get3A, %get3A_0] : memref<512x1xf32, #tpu.memory_space<vmem>>, vector<512x1xf32>
    %max3A = arith.constant 1.000000e+00 : f32
    %max3A_2 = vector.broadcast %max3A : f32 to vector<512x1xf32>
    %max3A_3 = arith.maximumf %get3A_1, %max3A_2 : vector<512x1xf32>
    %div3A = arith.constant 1.000000e+00 : f32
    %div3A_4 = vector.broadcast %div3A : f32 to vector<512x1xf32>
    %div3A_5 = arith.divf %div3A_4, %max3A_3 : vector<512x1xf32>
    %get3A_6 = arith.constant 0 : index
    %get3A_7 = arith.constant 0 : index
    %get3A_8 = vector.load %arg3[%get3A_6, %get3A_7] : memref<512x128xf32, #tpu.memory_space<vmem>>, vector<512x128xf32>
    %mul3A = vector.broadcast %div3A_5 : vector<512x1xf32> to vector<512x128xf32>
    %mul3A_9 = arith.mulf %get3A_8, %mul3A : vector<512x128xf32>
    %get3A_10 = arith.constant 0 : index
    %get3A_11 = arith.constant 0 : index
    %get3A_12 = vector.load %arg4[%get3A_10, %get3A_11] : memref<512x128xf32, #tpu.memory_space<vmem>>, vector<512x128xf32>
    %mul3A_13 = vector.broadcast %div3A_5 : vector<512x1xf32> to vector<512x128xf32>
    %mul3A_14 = arith.mulf %get3A_12, %mul3A_13 : vector<512x128xf32>
    %get3A_15 = arith.constant 0 : index
    %get3A_16 = arith.constant 0 : index
    %get3A_17 = vector.load %arg5[%get3A_15, %get3A_16] : memref<256x256xf32, #tpu.memory_space<vmem>>, vector<256x256xf32>
    %slice3A = vector.extract_strided_slice %get3A_17 {offsets = [0, 0], sizes = [256, 128], strides = [1, 1]} : vector<256x256xf32> to vector<256x128xf32>
    %dot_general3A = arith.constant dense<0.000000e+00> : vector<512x256xf32>
    %dot_general3A_18 = tpu.matmul %mul3A_9, %slice3A, %dot_general3A {dimension_numbers = #tpu.dot_dimension_numbers<[1], [1], [0], [0], [0, 0, 1, 0], [], []>, transpose_lhs_hint = false} : vector<512x128xf32>, vector<256x128xf32>, vector<512x256xf32> -> vector<512x256xf32>
    %slice3A_19 = vector.extract_strided_slice %get3A_17 {offsets = [0, 128], sizes = [256, 128], strides = [1, 1]} : vector<256x256xf32> to vector<256x128xf32>
    %dot_general3A_20 = arith.constant dense<0.000000e+00> : vector<512x256xf32>
    %dot_general3A_21 = tpu.matmul %mul3A_14, %slice3A_19, %dot_general3A_20 {dimension_numbers = #tpu.dot_dimension_numbers<[1], [1], [0], [0], [0, 0, 1, 0], [], []>, transpose_lhs_hint = false} : vector<512x128xf32>, vector<256x128xf32>, vector<512x256xf32> -> vector<512x256xf32>
    %add3A = arith.addf %dot_general3A_18, %dot_general3A_21 : vector<512x256xf32>
    %get3A_22 = arith.constant 0 : index
    %get3A_23 = arith.constant 0 : index
    %get3A_24 = vector.load %arg2[%get3A_22, %get3A_23] : memref<512x256xf32, #tpu.memory_space<vmem>>, vector<512x256xf32>
    %get3A_25 = arith.constant 0 : index
    %get3A_26 = arith.constant 0 : index
    %get3A_27 = vector.load %arg7[%get3A_25, %get3A_26] : memref<256x256xf32, #tpu.memory_space<vmem>>, vector<256x256xf32>
    %dot_general3A_28 = arith.constant dense<0.000000e+00> : vector<512x256xf32>
    %dot_general3A_29 = tpu.matmul %get3A_24, %get3A_27, %dot_general3A_28 {dimension_numbers = #tpu.dot_dimension_numbers<[1], [1], [0], [0], [0, 0, 1, 0], [], []>, transpose_lhs_hint = false} : vector<512x256xf32>, vector<256x256xf32>, vector<512x256xf32> -> vector<512x256xf32>
    %add3A_30 = arith.addf %add3A, %dot_general3A_29 : vector<512x256xf32>
    %get3A_31 = arith.constant 0 : index
    %get3A_32 = arith.constant 0 : index
    %get3A_33 = vector.load %arg6[%get3A_31, %get3A_32] : memref<1x256xf32, #tpu.memory_space<vmem>>, vector<1x256xf32>
    %add3A_34 = vector.broadcast %get3A_33 : vector<1x256xf32> to vector<512x256xf32>
    %add3A_35 = arith.addf %add3A_30, %add3A_34 : vector<512x256xf32>
    %max3A_36 = arith.constant 0.000000e+00 : f32
    %max3A_37 = vector.broadcast %max3A_36 : f32 to vector<512x256xf32>
    %max3A_38 = arith.maximumf %add3A_35, %max3A_37 : vector<512x256xf32>
    %get3A_39 = arith.constant 0 : index
    %get3A_40 = arith.constant 0 : index
    %get3A_41 = vector.load %arg8[%get3A_39, %get3A_40] : memref<2x256xf32, #tpu.memory_space<vmem>>, vector<2x256xf32>
    %dot_general3A_42 = arith.constant dense<0.000000e+00> : vector<512x2xf32>
    %dot_general3A_43 = tpu.matmul %max3A_38, %get3A_41, %dot_general3A_42 {dimension_numbers = #tpu.dot_dimension_numbers<[1], [1], [0], [0], [0, 0, 1, 0], [], []>, transpose_lhs_hint = false} : vector<512x256xf32>, vector<2x256xf32>, vector<512x2xf32> -> vector<512x2xf32>
    %swap3A = arith.constant 0 : index
    %swap3A_44 = arith.constant 0 : index
    %swap3A_45 = vector.load %arg9[%swap3A, %swap3A_44] : memref<512x2xf32, #tpu.memory_space<vmem>>, vector<512x2xf32>
    tpu.vector_store %arg9[%swap3A, %swap3A_44], %dot_general3A_43 {strides = array<i32>} : memref<512x2xf32, #tpu.memory_space<vmem>>, vector<512x2xf32>,
    return
  }
  func.func @transform_0(%arg0: i32) -> (i32, i32) {
    %c0_i32 = arith.constant 0 : i32
    %c0_i32_0 = arith.constant 0 : i32
    return %arg0, %c0_i32 : i32, i32
  }
  func.func @transform_1(%arg0: i32) -> (i32, i32) {
    %c0_i32 = arith.constant 0 : i32
    %c0_i32_0 = arith.constant 0 : i32
    return %arg0, %c0_i32 : i32, i32
  }
  func.func @transform_2(%arg0: i32) -> (i32, i32) {
    %c0_i32 = arith.constant 0 : i32
    %c0_i32_0 = arith.constant 0 : i32
    return %arg0, %c0_i32 : i32, i32
  }
  func.func @transform_3(%arg0: i32) -> (i32, i32) {
    %c0_i32 = arith.constant 0 : i32
    %c0_i32_0 = arith.constant 0 : i32
    return %arg0, %c0_i32 : i32, i32
  }
  func.func @transform_4(%arg0: i32) -> (i32, i32) {
    %c0_i32 = arith.constant 0 : i32
    %c0_i32_0 = arith.constant 0 : i32
    %c0_i32_1 = arith.constant 0 : i32
    return %c0_i32, %c0_i32_0 : i32, i32
  }
  func.func @transform_5(%arg0: i32) -> (i32, i32) {
    %c0_i32 = arith.constant 0 : i32
    %c0_i32_0 = arith.constant 0 : i32
    %c0_i32_1 = arith.constant 0 : i32
    return %c0_i32, %c0_i32_0 : i32, i32
  }
  func.func @transform_6(%arg0: i32) -> (i32, i32) {
    %c0_i32 = arith.constant 0 : i32
    %c0_i32_0 = arith.constant 0 : i32
    %c0_i32_1 = arith.constant 0 : i32
    return %c0_i32, %c0_i32_0 : i32, i32
  }
  func.func @transform_7(%arg0: i32) -> (i32, i32) {
    %c0_i32 = arith.constant 0 : i32
    %c0_i32_0 = arith.constant 0 : i32
    %c0_i32_1 = arith.constant 0 : i32
    return %c0_i32, %c0_i32_0 : i32, i32
  }
  func.func @transform_8(%arg0: i32) -> (i32, i32) {
    %c0_i32 = arith.constant 0 : i32
    %c0_i32_0 = arith.constant 0 : i32
    return %arg0, %c0_i32 : i32, i32
  }
}

</mosaic_0001>

<sc_bundles>
// kernel: kernel.5.cloned.1.call-start
scs
__scs_entry_jumppad:
0x0: {  	(pc) =	sbr.rel $0x88, $3  }
0x1: {  	(tag) =	ssettag $0x0;
	lr =	simm.s32 $0x1  }
0x2: {  	[smem:$0x3F99] =	sst lr;
	_ =	strace $0xD0000000  }
0x3: {  	_ = 	snop  }
0x4: {  	_ = 	snop  }
0x5: {  	_ = 	snop  }
0x6: {  	_ = 	snop  }
0x7: {  	_ = 	snop  }
__scs_overlays_trampoline_lowered:
0x8: {  	[smem:$0x3FA8] =	sst s0  }
0x9: {  	[smem:$0x3FA9] =	sst s1  }
0xa: {  	[smem:$0x3FAA] =	sst s2  }
0xb: {  	[smem:$0x3FAB] =	sst s3  }
0xc: {  	[smem:$0x3FAC] =	sst s4  }
0xd: {  	[smem:$0x3FAD] =	sst s5  }
0xe: {  	[smem:$0x3FAE] =	sst s6  }
0xf: {  	[smem:$0x3FAF] =	sst s7  }
0x10: {  	[smem:$0x3FB0] =	sst s8  }
0x11: {  	[smem:$0x3FB1] =	sst s9;
	s0 =	simm.s32 @!p0 $0x0  }
0x12: {  	s1 =	sld [smem:$0x3F97];
	s0 =	simm.s32 @p0 $0x1  }
0x13: {  	[smem:$0x3FB2] =	sst s0;
	s0 =	simm.s32 @!p1 $0x0  }
0x14: {  	s2 =	sld [smem:$0x3F96];
	s0 =	simm.s32 @p1 $0x1  }
0x15: {  	[smem:$0x3FB3] =	sst s0;
	s0 =	simm.s32 @!p2 $0x0  }
0x16: {  	s3 =	sld [smem:$0x3FDB];
	s0 =	simm.s32 @p2 $0x1  }
0x17: {  	s4 =	simm.s32 $0x1BF5;
	[smem:$0x3FB5] =	sst s0  }
0x18: {  	s0 =	sld [smem:$0x3F98];
	_ =	swait.ge [sflag:s4], $0x0  }
0x19: {  	s7 =	sld [smem:$0x3F99]  }
0x1a: {  	s8 =	sadd.s32 $0xFFFFE003, lr  }
0x1b: {  	s9 =	sadd.s32 $0xFFFFFEF7, lr;
	s5 =	simm.s32 $0xFFFFFFFF;
	p2 =	slt.u32 s8, $0xFFFFF086  }
0x1c: {  	p1 =	slt.u32 s9, $0xF7A;
	s5 =	simm.s32 @!p2 $0x0  }
0x1d: {  	s5 =	simm.s32 @p1 $0x1;
	p0 =	seq.s32 s7, s2  }
0x1e: {  	s7 =	smul.u32 @!p0 $0xF7A, s2;
	p2 =	seq.s32 @!p0 s5, $0x0  }
0x1f: {  	s9 =	smul.u32 $0xF7A, s1;
	s8 =	simm.s32 @!p0 $0x1BF5;
	p2 =	por !p2, p0  }
0x20: {  	[sflag:s8] =	ssyncset.s32 @!p0 $0xFFFFF086;
	s6 =	sadd.s32 @!p0 s3, s7;
	s7 =	simm.s32 @!p0 $0x108  }
0x21: {  	s3 =	sadd.s32 s3, s9;
	s6 =	sadd.s32 @!p0 $0x88, s6;
	s7 =	simm.s32 @p2 $0x1082  }
0x22: {  	[simem:s7], [sflag:s8] =	dma.local @!p0 [hbm:s6], $0xF7A  }
0x23: {  	s9 =	sor.u32 $0xD0000000, s2;
	s6 =	simm.s32 $0x108;
	_ =	swait.ge @!p0 [sflag:s8], $0x0  }
0x24: {  	s3 =	sadd.s32 $0x88, s3;
	s6 =	simm.s32 @!p1 $0x1082;
	[sflag:s4] =	ssyncset.s32 $0xFFFFF086  }
0x25: {  	[simem:s6], [sflag:s4] =	dma.local [hbm:s3], $0xF7A  }
0x26: {  	[smem:$0x3F99] =	sst s1;
	(tag) =	ssettag s2;
	_ =	strace s9  }
0x27: {  	s1 =	sld [smem:$0x3FA9]  }
0x28: {  	s2 =	sld [smem:$0x3FAA]  }
0x29: {  	s4 =	sld [smem:$0x3FAC]  }
0x2a: {  	p0 =	seq.s32 s5, $0x0;
	s5 =	sld [smem:$0x3FAD]  }
0x2b: {  	s6 =	sld [smem:$0x3FAE]  }
0x2c: {  	s7 =	sld [smem:$0x3FAF]  }
0x2d: {  	s3 =	simm.s32 $0x108;
	s8 =	sld [smem:$0x3FB0]  }
0x2e: {  	s3 =	simm.s32 @!p0 $0x1082;
	s9 =	sld [smem:$0x3FB1]  }
0x2f: {  	lr =	sadd.s32 s0, s3;
	s0 =	sld [smem:$0x3FA8]  }
0x30: {  	s3 =	sld [smem:$0x3FAB]  }
0x31: {  	[smem:$0x3FB4] =	sst s10  }
0x32: {  	s10 =	sld [smem:$0x3FB2];
	_ =	sdelay $0x3  }
0x33: {  	p0 =	seq.s32 s10, $0x1;
	s10 =	sld [smem:$0x3FB4];
	_ =	sdelay $0x3  }
0x34: {  	[smem:$0x3FB4] =	sst s10  }
0x35: {  	s10 =	sld [smem:$0x3FB3];
	_ =	sdelay $0x3  }
0x36: {  	p1 =	seq.s32 s10, $0x1;
	s10 =	sld [smem:$0x3FB4];
	_ =	sdelay $0x3  }
0x37: {  	[smem:$0x3FB4] =	sst s10  }
0x38: {  	s10 =	sld [smem:$0x3FB5]  }
0x39: {  	_ = 	snop;
	(pc) =	sbr.ind lr, $3  }
0x3a: {  	_ = 	snop  }
0x3b: {  	_ = 	snop  }
0x3c: {  	p2 =	seq.s32 s10, $0x1;
	s10 =	sld [smem:$0x3FB4]  }
0x3d: {  	_ =	shalt  }
0x3e: {  	_ =	shalt  }
0x3f: {  	_ =	shalt  }
0x40: {  	_ =	shalt  }
0x41: {  	_ =	shalt  }
0x42: {  	_ =	shalt  }
0x43: {  	_ =	shalt  }
0x44: {  	_ =	shalt  }
0x45: {  	_ =	shalt  }
0x46: {  	_ =	shalt  }
0x47: {  	_ =	shalt  }
0x48: {  	_ =	shalt  }
0x49: {  	_ =	shalt  }
0x4a: {  	_ =	shalt  }
0x4b: {  	_ =	shalt  }
0x4c: {  	_ =	shalt  }
0x4d: {  	_ =	shalt  }
0x4e: {  	_ =	shalt  }
0x4f: {  	_ =	shalt  }
0x50: {  	_ =	shalt  }
0x51: {  	_ =	shalt  }
0x52: {  	_ =	shalt  }
0x53: {  	_ =	shalt  }
0x54: {  	_ =	shalt  }
0x55: {  	_ =	shalt  }
0x56: {  	_ =	shalt  }
0x57: {  	_ =	shalt  }
0x58: {  	_ =	shalt  }
0x59: {  	_ =	shalt  }
0x5a: {  	_ =	shalt  }
0x5b: {  	_ =	shalt  }
0x5c: {  	_ =	shalt  }
0x5d: {  	_ =	shalt  }
0x5e: {  	_ =	shalt  }
0x5f: {  	_ =	shalt  }
0x60: {  	_ =	shalt  }
0x61: {  	_ =	shalt  }
0x62: {  	_ =	shalt  }
0x63: {  	_ =	shalt  }
0x64: {  	_ =	shalt  }
0x65: {  	_ =	shalt  }
0x66: {  	_ =	shalt  }
0x67: {  	_ =	shalt  }
0x68: {  	_ =	shalt  }
0x69: {  	_ =	shalt  }
0x6a: {  	_ =	shalt  }
0x6b: {  	_ =	shalt  }
0x6c: {  	_ =	shalt  }
0x6d: {  	_ =	shalt  }
0x6e: {  	_ =	shalt  }
0x6f: {  	_ =	shalt  }
0x70: {  	_ =	shalt  }
0x71: {  	_ =	shalt  }
0x72: {  	_ =	shalt  }
0x73: {  	_ =	shalt  }
0x74: {  	_ =	shalt  }
0x75: {  	_ =	shalt  }
0x76: {  	_ =	shalt  }
0x77: {  	_ =	shalt  }
0x78: {  	_ =	shalt  }
0x79: {  	_ =	shalt  }
0x7a: {  	_ =	shalt  }
0x7b: {  	_ =	shalt  }
0x7c: {  	_ =	shalt  }
0x7d: {  	_ =	shalt  }
0x7e: {  	_ =	shalt  }
0x7f: {  	_ =	shalt  }
0x80: {  	_ =	shalt  }
0x81: {  	_ =	shalt  }
0x82: {  	_ =	shalt  }
0x83: {  	_ =	shalt  }
0x84: {  	_ =	shalt  }
0x85: {  	_ =	shalt  }
0x86: {  	_ =	shalt  }
0x87: {  	_ =	shalt  }
.Lfunc_end0:
.L_simem_size_0:
called_computation_lowered:
.L_overlay_start_0:
0x88: {  	s2 =	sld [smem:$0x3FD9]  }
0x89: {  	s3 =	sld [smem:$0x3FFE];
	_ =	sdelay $0x1  }
0x8a: {  	s1 =	srdreg.scid  }
0x8b: {  	s0 =	sand.u32 $0x1, s1  }
0x8c: {  	s16 =	sshll.u32 s0, $0xA;
	s2 =	sadd.s32 s3, s2  }
0x8d: {  	s2 =	sadd.s32 s2, s16  }
0x8e: {  	[smem:$0x3FC0] =	sst s2  }
0x8f: {  	_ = 	snop  }
0x90: {  	(tm) =	ssettm $0x1  }
0x91: {  	s17 =	sld [smem:$0x3FFB];
	_ =	sdelay $0x3  }
0x92: {  	_ =	strace s17  }
0x93: {  	s2 =	sld [smem:$0x3FFC];
	_ =	sdelay $0x3  }
0x94: {  	_ =	strace s2  }
0x95: {  	s2 =	sld [smem:$0x3FFD];
	_ =	sdelay $0x3  }
0x96: {  	_ =	strace s2  }
0x97: {  	_ =	strace $0x8FFFFFFF  }
0x98: {  	s18 =	sld [smem:$0x3FDB];
	_ =	sdelay $0x1  }
0x99: {  	s19 =	simm.s32 $_scs_section_size  }
0x9a: {  	s4 =	simm.s32 $_size__tile_overlayer_lowered;
	s5 =	simm.s32 $_tile_overlayer_lowered  }
0x9b: {  	s22 =	simm.s32 $0x1BFF;
	s21 =	sshll.u32 s5, $0x1;
	s2 =	sadd.s32 s19, s18  }
0x9c: {  	s6 =	simm.s32 $0x0;
	s20 =	sshll.u32 s4, $0x1;
	s4 =	sadd.s32 s21, s2  }
0x9d: {  	[timem:s6], [sflag:s22] =	dma.local [hbm:s4], s20  }
0x9e: {  	_ =	swait.ge [sflag:s22], s20  }
0x9f: {  	s3 =	ssub.s32 $0x0, s20;
	[sflag:s22] =	ssyncset.done $0x0  }
0xa0: {  	[sflag:s22] =	ssyncadd.s32 s3;
	_ =	sdelay $0x1  }
0xa1: {  	s23 =	simm.s32 $0x1B8B  }
0xa2: {  	_ =	swait.ge [sflag:s23], $0x1  }
0xa3: {  	[sflag:s23] =	ssyncset.done $0x0  }
0xa4: {  	s25 =	simm.s32 $0x1B8E;
	s24 =	sld [smem:$0x3FFE];
	[sflag:s23] =	ssyncadd.s32 $0xFFFFFFFF  }
0xa5: {  	s26 =	simm.s32 $execute0_lowered;
	[smem:$0x3FD2] =	sst s25  }
0xa6: {  	s4 =	sshll.u32 s26, $0x1;
	_ =	strace $0x80000046;
	[dreg:$0x1] =	wrdreg $0xFFFFFFFF  }
0xa7: {  	s28 =	simm.s32 $_size_execute0_lowered;
	s2 =	sadd.s32 s2, s4;
	[dreg:$0x0] =	wrdreg $0x0  }
0xa8: {  	s4 =	sshll.u32 s28, $0x1;
	[dreg:$0x2] =	wrdreg s2  }
0xa9: {  	[dreg:$0x3] =	wrdreg s4  }
0xaa: {  	[dreg:$0x4] =	wrdreg $0xC0  }
0xab: {  	_ =	task [dreg:s6], $0x5FFFF  }
0xac: {  	[dreg:$0x1] =	wrdreg $0xFFFFFFFF  }
0xad: {  	[dreg:$0x0] =	wrdreg $0x60  }
0xae: {  	[dreg:$0x2] =	wrdreg s24  }
0xaf: {  	[dreg:$0x3] =	wrdreg $0x83800  }
0xb0: {  	[dreg:$0x4] =	wrdreg $0x1C3800  }
0xb1: {  	[dreg:$0x5] =	wrdreg $0x9  }
0xb2: {  	_ =	task.clear_ibuf [dreg:s6], $0x6FFFF;
	_ =	strace $0x90000046  }
0xb3: {  	s29 =	simm.s32 $0x9;
	_ =	strace $0x80000048  }
0xb4: {  	_ =	swait.ge [sflag:s29], $0x1  }
0xb5: {  	[sflag:s29] =	ssyncadd.s32 $0xFFFFFFFF  }
0xb6: {  	_ =	strace $0x90000048  }
0xb7: {  	_ =	sfence  }
0xb8: {  	s30 =	sld [smem:$0x0];
	_ =	sdelay $0x2  }
0xb9: {  	s31 =	sshll.u32 s1, $0xD;
	s1 =	sshrl.u32 s1, $0x2  }
0xba: {  	s3 =	sand.u32 $0x4000, s31;
	s1 =	sadd.s32 s1, s30  }
0xbb: {  	s0 =	sor.u32 s3, s0;
	s1 =	sshll.u32 s1, $0x11  }
0xbc: {  	s0 =	sor.u32 s1, s0  }
0xbd: {  	s0 =	sadd.s32 $0x8F2B, s0  }
0xbe: {  	[sflag:s0] =	ssyncadd.remote.s32 $0x1  }
0xbf: {  	_ =	sfence.sel $0xFFFF  }
0xc0: {  	[dreg:$0x0] =	wrdreg $0xFFFFFFFF;
	(pc) =	sbr.abs _section_cstart, $3  }
0xc1: {  	[dreg:$0x1] =	wrdreg $0xFFFFFFFF  }
0xc2: {  	_ =	task.clear_ibuf [dreg:s6], $0x2FFFF;
	_ =	strace $0x9FFFFFFF  }
0xc3: {  	(tm) =	ssettm $0x7FFFFFFF  }
tec
execute0_lowered:
.L_overlay_start_1:
0x0: {  	(tag) =	ssettag $0x1  }
0x1: {  	s0 =	rddreg [dreg:$0x0]  }
0x2: {  	s2 =	rddreg [dreg:$0x1];
	s10 =	stileid.u32  }
0x3: {  	s3 =	rddreg [dreg:$0x2];
	s4 =	simm.s32 $0x0;
	s1 =	smul.u32 $0x4F0, s10  }
0x4: {  	[smem:$0x7FF] =	sst s4;
	s7 =	smul.u32 $0x2800, s10  }
0x5: {  	s5 =	sadd.s32 $0x27C00, s0;
	s6 =	sadd.s32 $0xA00, s0;
	s9 =	smul.u32 $0x50000, s10  }
0x6: {  	s10 =	smul.u32 $0x280, s10;
	_ =	strace $0x80000047;
	s1 =	sadd.s32 s1, s0  }
0x7: {  	s11 =	sadd.s32 s7, s0;
	s19 =	sshrl.u32 s9, $0x2;
	s17 =	sadd.s32 $0x4EE00, s1  }
0x8: {  	s20 =	sshrl.u32 s10, $0x3;
	s1 =	sadd.s32 $0x53E00, s1;
	[dreg:$0xf] =	wrdreg s17  }
0x9: {  	s7 =	sadd.s32 s19, s2;
	s18 =	sadd.s32 $0x80E00, s11;
	[dreg:$0x10] =	wrdreg s1  }
0xa: {  	s0 =	sadd.s32 s20, s0;
	s20 =	sadd.s32 $0x58E00, s11;
	[dreg:$0x11] =	wrdreg s18  }
0xb: {  	s21 =	sadd.s32 $0x800, s7;
	[dreg:$0x12] =	wrdreg s20  }
0xc: {  	s22 =	sadd.s32 $0x1000, s7;
	[dreg:$0x4] =	wrdreg s21  }
0xd: {  	s23 =	sadd.s32 $0x1800, s7;
	[dreg:$0x5] =	wrdreg s22  }
0xe: {  	s8 =	srdreg.scid;
	s24 =	sadd.s32 $0x2000, s7;
	[dreg:$0x6] =	wrdreg s23  }
0xf: {  	s8 =	sand.u32 $0x1, s8;
	s25 =	sadd.s32 $0x2800, s7;
	[dreg:$0x7] =	wrdreg s24  }
0x10: {  	s12 =	ssub.s32 $0x2, s8;
	s26 =	sadd.s32 $0x3000, s7;
	[dreg:$0x8] =	wrdreg s25  }
0x11: {  	s13 =	sshrl.u32 s12, $0x1;
	s28 =	sadd.s32 $0x3800, s7;
	[dreg:$0x9] =	wrdreg s26  }
0x12: {  	s9 =	ssub.s32 s12, s13;
	s13 =	sadd.s32 $0x4000, s7;
	[dreg:$0xa] =	wrdreg s28  }
0x13: {  	s14 =	sadd.s32 $0x4800, s7;
	[dreg:$0xb] =	wrdreg s13  }
0x14: {  	s15 =	sadd.s32 $0x5000, s7;
	[dreg:$0xc] =	wrdreg s14  }
0x15: {  	s16 =	sadd.s32 $0x5800, s7;
	[dreg:$0xd] =	wrdreg s15  }
0x16: {  	s0 =	sadd.s32 $0xA8E00, s0;
	[dreg:$0xe] =	wrdreg s16  }
0x17: {  	s1 =	sadd.s32 $0x9000, s7;
	[dreg:$0x13] =	wrdreg s0  }
0x18: {  	p0 =	sne.s32 s8, $0x0;
	s8 =	sadd.s32 $0x9800, s7;
	[dreg:$0x1b] =	wrdreg s1  }
0x19: {  	s19 =	sadd.s32 s10, s3;
	s10 =	sadd.s32 $0xA800, s7;
	[dreg:$0x1c] =	wrdreg s8  }
0x1a: {  	s11 =	sadd.s32 $0xB000, s7;
	[dreg:$0x1e] =	wrdreg s10  }
0x1b: {  	s12 =	sadd.s32 $0xB800, s7;
	[dreg:$0x1f] =	wrdreg s11  }
0x1c: {  	s17 =	sadd.s32 $0xE000, s7;
	[smem:$0x7EF] =	sst s12  }
0x1d: {  	s18 =	sadd.s32 $0xE800, s7;
	[smem:$0x7F4] =	sst s17  }
0x1e: {  	s20 =	sadd.s32 $0xF000, s7;
	[smem:$0x7F5] =	sst s18  }
0x1f: {  	s21 =	smax.u32 s9, $0x1;
	[smem:$0x7F6] =	sst s20  }
0x20: {  	s22 =	sadd.s32 $0x6000, s7;
	[dreg:$0x14] =	wrdreg s21  }
0x21: {  	s23 =	sadd.s32 $0x6800, s7;
	[dreg:$0x15] =	wrdreg s22  }
0x22: {  	s24 =	sadd.s32 $0x7000, s7;
	[dreg:$0x16] =	wrdreg s23  }
0x23: {  	s31 =	simm.s32 $0x4F00;
	s25 =	sadd.s32 $0x7800, s7;
	[dreg:$0x17] =	wrdreg s24  }
0x24: {  	s29 =	sadd.s32 $0x13000, s7;
	s26 =	sadd.s32 $0x8000, s7;
	[dreg:$0x18] =	wrdreg s25  }
0x25: {  	s30 =	sadd.s32 $0x13800, s7;
	s28 =	sadd.s32 $0x8800, s7;
	[dreg:$0x19] =	wrdreg s26  }
0x26: {  	s9 =	sadd.s32 $0xA000, s7;
	s13 =	sadd.s32 $0xC000, s7;
	[dreg:$0x1a] =	wrdreg s28  }
0x27: {  	s14 =	sadd.s32 $0xC800, s7;
	s15 =	sadd.s32 $0xD000, s7;
	[dreg:$0x1d] =	wrdreg s9  }
0x28: {  	s16 =	sadd.s32 $0xD800, s7;
	s0 =	simm.s32 $0x7;
	[smem:$0x7F0] =	sst s13  }
0x29: {  	s1 =	simm.s32 $0x6700;
	s8 =	simm.s32 $0x6F00;
	[smem:$0x7F1] =	sst s14  }
0x2a: {  	s10 =	simm.s32 $0x1;
	s11 =	simm.s32 $0x2;
	[smem:$0x7F2] =	sst s15  }
0x2b: {  	s12 =	simm.s32 $0x3;
	[smem:$0x7F3] =	sst s16;
	s21 =	sadd.s32 $0xF800, s7  }
0x2c: {  	s17 =	simm.s32 $0x7F00;
	s22 =	sadd.s32 $0x10000, s7;
	[smem:$0x7F7] =	sst s21  }
0x2d: {  	s18 =	simm.s32 $0x0;
	s23 =	sadd.s32 $0x10800, s7;
	[smem:$0x7F8] =	sst s22  }
0x2e: {  	s24 =	sadd.s32 $0x11000, s7;
	s25 =	sadd.s32 $0x11800, s7;
	[smem:$0x7F9] =	sst s23  }
.Ltmp0:
0x2f: {  	s26 =	sadd.s32 $0x12000, s7;
	[smem:$0x7FA] =	sst s24;
	(pc) =	sbr.rel .LBB2_1-.Ltmp0, $4  }
0x30: {  	s28 =	sadd.s32 $0x12800, s7;
	s9 =	simm.s32 $0x7700;
	[smem:$0x7FB] =	sst s25  }
0x31: {  	s13 =	simm.s32 $0x4;
	s14 =	simm.s32 $0x5;
	[smem:$0x7FC] =	sst s26  }
0x32: {  	s15 =	simm.s32 $0x6;
	s16 =	simm.s32 $0x200;
	[smem:$0x7FD] =	sst s28  }
0x33: {  	v0 =	vimm.f32 $0.0e+00;
	v1 =	vimm.f32 $1.000000000e+00;
	s22 =	simm.s32 $0x10;
	s23 =	simm.s32 $0x5700;
	s24 =	simm.s32 $0x5F00  }
.LBB2_9:
0x34: {  	[tilespmem:s9], [sflag:$0x6] =	stream.indirect.gather [hbm4b:s6+s22], $0x80, s21, s22, $0xb8;
	[tilespmem:$0x1C600] =	vst v63  }
0x35: {  	_ =	swait.ge [sflag:s10], $0x800  }
0x36: {  	[sflag:s10] =	ssyncset.done $0x0  }
0x37: {  	s20 =	simm.s32 $0x4E80;
	[sflag:s10] =	ssyncadd.s32 $0xFFFFF800  }
0x38: {  	[spmem:s2] =	stream.indirect.scatter.add.f32 [tilespmem:s31], [sflag:$0x7], $0x80, s20, s22, $0xb8;
	[tilespmem:$0x1C600] =	vst v63  }
0x39: {  	_ =	swait.ge [sflag:s0], $0x800  }
0x3a: {  	[sflag:s0] =	ssyncset.done $0x0  }
0x3b: {  	s25 =	simm.s32 $0x2760;
	[sflag:s0] =	ssyncadd.s32 $0xFFFFF800  }
0x3c: {  	[tilespmem:s31], [sflag:$0x1] =	stream.indirect.gather [hbm4b:s6+s22], $0x80, s25, s22, $0xb8;
	[tilespmem:$0x1C600] =	vst v63  }
0x3d: {  	_ =	swait.ge [sflag:s11], $0x800  }
0x3e: {  	[sflag:s11] =	ssyncset.done $0x0  }
0x3f: {  	s26 =	simm.s32 $0x4E90;
	[sflag:s11] =	ssyncadd.s32 $0xFFFFF800  }
0x40: {  	[spmem:s2] =	stream.indirect.scatter.add.f32 [tilespmem:s23], [sflag:$0x7], $0x80, s26, s22, $0xb8;
	[tilespmem:$0x1C600] =	vst v63  }
0x41: {  	_ =	swait.ge [sflag:s0], $0x800  }
0x42: {  	[sflag:s0] =	ssyncset.done $0x0  }
0x43: {  	s28 =	simm.s32 $0x2770;
	[sflag:s0] =	ssyncadd.s32 $0xFFFFF800  }
0x44: {  	[tilespmem:s23], [sflag:$0x2] =	stream.indirect.gather [hbm4b:s6+s22], $0x80, s28, s22, $0xb8;
	[tilespmem:$0x1C600] =	vst v63  }
0x45: {  	_ =	swait.ge [sflag:s12], $0x800  }
0x46: {  	[sflag:s12] =	ssyncset.done $0x0  }
0x47: {  	s21 =	simm.s32 $0x4EA0;
	[sflag:s12] =	ssyncadd.s32 $0xFFFFF800  }
0x48: {  	[spmem:s2] =	stream.indirect.scatter.add.f32 [tilespmem:s24], [sflag:$0x7], $0x80, s21, s22, $0xb8;
	[tilespmem:$0x1C600] =	vst v63  }
0x49: {  	_ =	swait.ge [sflag:s0], $0x800  }
0x4a: {  	[sflag:s0] =	ssyncset.done $0x0  }
0x4b: {  	[sflag:s0] =	ssyncadd.s32 $0xFFFFF800  }
0x4c: {  	_ =	swait.ge [sflag:s13], $0x800  }
0x4d: {  	[sflag:s13] =	ssyncset.done $0x0  }
0x4e: {  	s25 =	simm.s32 $0x4EB0;
	[sflag:s13] =	ssyncadd.s32 $0xFFFFF800  }
0x4f: {  	[spmem:s2] =	stream.indirect.scatter.add.f32 [tilespmem:s1], [sflag:$0x7], $0x80, s25, s22, $0xb8;
	[tilespmem:$0x1C600] =	vst v63  }
0x50: {  	_ =	swait.ge [sflag:s0], $0x800  }
0x51: {  	[sflag:s0] =	ssyncset.done $0x0  }
0x52: {  	[sflag:s0] =	ssyncadd.s32 $0xFFFFF800  }
0x53: {  	_ =	swait.ge [sflag:s14], $0x800  }
0x54: {  	[sflag:s14] =	ssyncset.done $0x0  }
0x55: {  	s26 =	simm.s32 $0x4EC0;
	[sflag:s14] =	ssyncadd.s32 $0xFFFFF800  }
0x56: {  	[spmem:s2] =	stream.indirect.scatter.add.f32 [tilespmem:s8], [sflag:$0x7], $0x80, s26, s22, $0xb8;
	[tilespmem:$0x1C600] =	vst v63  }
0x57: {  	_ =	swait.ge [sflag:s0], $0x800  }
0x58: {  	[sflag:s0] =	ssyncset.done $0x0  }
0x59: {  	[sflag:s0] =	ssyncadd.s32 $0xFFFFF800  }
0x5a: {  	_ =	swait.ge [sflag:s15], $0x800  }
0x5b: {  	[sflag:s15] =	ssyncset.done $0x0  }
0x5c: {  	s28 =	simm.s32 $0x4ED0;
	[sflag:s15] =	ssyncadd.s32 $0xFFFFF800  }
0x5d: {  	[spmem:s2] =	stream.indirect.scatter.add.f32 [tilespmem:s9], [sflag:$0x7], $0x80, s28, s22, $0xb8;
	[tilespmem:$0x1C600] =	vst v63  }
0x5e: {  	_ =	swait.ge [sflag:s0], $0x800  }
0x5f: {  	[sflag:s0] =	ssyncset.done $0x0  }
0x60: {  	[sflag:s0] =	ssyncadd.s32 $0xFFFFF800  }
0x61: {  	_ =	swait.ge [sflag:s10], $0x800  }
0x62: {  	[sflag:s10] =	ssyncset.done $0x0  }
0x63: {  	s21 =	simm.s32 $0x4EE0;
	[sflag:s10] =	ssyncadd.s32 $0xFFFFF800  }
0x64: {  	[spmem:s2] =	stream.indirect.scatter.add.f32 [tilespmem:s31], [sflag:$0x7], $0x80, s21, s22, $0xb8;
	[tilespmem:$0x1C600] =	vst v63  }
0x65: {  	_ =	swait.ge [sflag:s0], $0x800  }
0x66: {  	[sflag:s0] =	ssyncset.done $0x0  }
0x67: {  	[sflag:s0] =	ssyncadd.s32 $0xFFFFF800  }
0x68: {  	_ =	swait.ge [sflag:s11], $0x800  }
0x69: {  	[sflag:s11] =	ssyncset.done $0x0  }
0x6a: {  	s25 =	simm.s32 $0x4EF0;
	[sflag:s11] =	ssyncadd.s32 $0xFFFFF800  }
0x6b: {  	[spmem:s2] =	stream.indirect.scatter.add.f32 [tilespmem:s23], [sflag:$0x7], $0x80, s25, s22, $0xb8;
	[tilespmem:$0x1C600] =	vst v63  }
0x6c: {  	_ =	swait.ge [sflag:s0], $0x800  }
0x6d: {  	[sflag:s0] =	ssyncset.done $0x0  }
0x6e: {  	s26 =	stileid.u32;
	[sflag:s0] =	ssyncadd.s32 $0xFFFFF800  }
0x6f: {  	s20 =	sshll.u32 s26, $0x6;
	[bflag:$0x0] =	sbarrier.arrive $0xFFFF  }
0x70: {  	s20 =	sor.u32 $0x1C07, s20;
	s28 =	sshrl.u32 s7, $0x3;
	s25 =	rddreg [dreg:$0x11]  }
0x71: {  	[hbm:s25], [sflag:s20] =	dma.local [spmem:s28], $0x2800  }
0x72: {  	_ =	swait.ge [sflag:s0], $0x2800  }
0x73: {  	[sflag:s0] =	ssyncset.done $0x0  }
0x74: {  	[sflag:s0] =	ssyncadd.s32 $0xFFFFD800  }
.LBB2_10:
0x75: {  	s18 =	sadd.s32 $0x1, s18;
	s20 =	rddreg [dreg:$0x14]  }
0x76: {  	p1 =	sne.s32 s18, s20  }
.Ltmp1:
0x77: {  	_ = 	snop;
	(pc) =	sbr.rel @!p1 .LBB2_11-.Ltmp1, $1  }
0x78: {  	_ =	sdelay $0x3  }
.LBB2_1:
0x79: {  	s20 =	simm.s32 $0x0  }
0x7a: {  	s21 =	sand.u32 $0xFFFFFF80, s20  }
0x7b: {  	s21 =	ssub.s32 $0x0, s21  }
0x7c: {  	s20 =	sand.u32 $0x3FFFFF80, s20;
	s21 =	sand.u32 $0xFFFFFF80, s21  }
0x7d: {  	s25 =	sand.u32 $0x70, s4;
	s21 =	sadd.s32 s21, s20  }
0x7e: {  	s20 =	simm.s32 $0x1;
	s25 =	sor.u32 s25, s21;
	s21 =	simm.s32 $0x0  }
.LBB2_2:
0x7f: {  	s26 =	sshll.u32 s20, $0x4;
	p1 =	sne.s32 s20, $0x7F;
	s20 =	sadd.s32 $0x1, s20;
	[tilespmem:s25+$0x4F00] =	vst v0  }
.Ltmp2:
0x80: {  	s21 =	sadd.s32 $0x10, s21;
	s25 =	sand.u32 $0xFFFFFF80, s26;
	(pc) =	sbr.rel @p1 .LBB2_2-.Ltmp2, $4  }
0x81: {  	s25 =	ssub.s32 s21, s25  }
0x82: {  	s26 =	sand.u32 $0x3FFFFF80, s26;
	s25 =	sand.u32 $0xFFFFFF80, s25  }
0x83: {  	s28 =	sand.u32 $0x70, s21;
	s25 =	sadd.s32 s25, s26  }
0x84: {  	s25 =	sor.u32 s28, s25  }
0x85: {  	[tilespmem:s25+$0x4F00] =	vst v0  }
0x86: {  	[spmem:s7] =	stream.linear.scatter [tilespmem:s31], [sflag:$0x7], $0x800, $0x38;
	[tilespmem:$0x1C600] =	vst v63  }
0x87: {  	_ =	swait.ge [sflag:s0], $0x800  }
0x88: {  	[sflag:s0] =	ssyncset.done $0x0  }
0x89: {  	s20 =	rddreg [dreg:$0x4];
	[sflag:s0] =	ssyncadd.s32 $0xFFFFF800  }
0x8a: {  	[spmem:s20] =	stream.linear.scatter [tilespmem:s31], [sflag:$0x7], $0x800, $0x38;
	[tilespmem:$0x1C600] =	vst v63  }
0x8b: {  	_ =	swait.ge [sflag:s0], $0x800  }
0x8c: {  	[sflag:s0] =	ssyncset.done $0x0  }
0x8d: {  	s25 =	rddreg [dreg:$0x5];
	[sflag:s0] =	ssyncadd.s32 $0xFFFFF800  }
0x8e: {  	[spmem:s25] =	stream.linear.scatter [tilespmem:s31], [sflag:$0x7], $0x800, $0x38;
	[tilespmem:$0x1C600] =	vst v63  }
0x8f: {  	_ =	swait.ge [sflag:s0], $0x800  }
0x90: {  	[sflag:s0] =	ssyncset.done $0x0  }
0x91: {  	s26 =	rddreg [dreg:$0x6];
	[sflag:s0] =	ssyncadd.s32 $0xFFFFF800  }
0x92: {  	[spmem:s26] =	stream.linear.scatter [tilespmem:s31], [sflag:$0x7], $0x800, $0x38;
	[tilespmem:$0x1C600] =	vst v63  }
0x93: {  	_ =	swait.ge [sflag:s0], $0x800  }
0x94: {  	[sflag:s0] =	ssyncset.done $0x0  }
0x95: {  	s28 =	rddreg [dreg:$0x7];
	[sflag:s0] =	ssyncadd.s32 $0xFFFFF800  }
0x96: {  	[spmem:s28] =	stream.linear.scatter [tilespmem:s31], [sflag:$0x7], $0x800, $0x38;
	[tilespmem:$0x1C600] =	vst v63  }
0x97: {  	_ =	swait.ge [sflag:s0], $0x800  }
0x98: {  	[sflag:s0] =	ssyncset.done $0x0  }
0x99: {  	s21 =	rddreg [dreg:$0x8];
	[sflag:s0] =	ssyncadd.s32 $0xFFFFF800  }
0x9a: {  	[spmem:s21] =	stream.linear.scatter [tilespmem:s31], [sflag:$0x7], $0x800, $0x38;
	[tilespmem:$0x1C600] =	vst v63  }
0x9b: {  	_ =	swait.ge [sflag:s0], $0x800  }
0x9c: {  	[sflag:s0] =	ssyncset.done $0x0  }
0x9d: {  	s25 =	rddreg [dreg:$0x9];
	[sflag:s0] =	ssyncadd.s32 $0xFFFFF800  }
0x9e: {  	[spmem:s25] =	stream.linear.scatter [tilespmem:s31], [sflag:$0x7], $0x800, $0x38;
	[tilespmem:$0x1C600] =	vst v63  }
0x9f: {  	_ =	swait.ge [sflag:s0], $0x800  }
0xa0: {  	[sflag:s0] =	ssyncset.done $0x0  }
0xa1: {  	s26 =	rddreg [dreg:$0xa];
	[sflag:s0] =	ssyncadd.s32 $0xFFFFF800  }
0xa2: {  	[spmem:s26] =	stream.linear.scatter [tilespmem:s31], [sflag:$0x7], $0x800, $0x38;
	[tilespmem:$0x1C600] =	vst v63  }
0xa3: {  	_ =	swait.ge [sflag:s0], $0x800  }
0xa4: {  	[sflag:s0] =	ssyncset.done $0x0  }
0xa5: {  	s28 =	rddreg [dreg:$0xb];
	[sflag:s0] =	ssyncadd.s32 $0xFFFFF800  }
0xa6: {  	[spmem:s28] =	stream.linear.scatter [tilespmem:s31], [sflag:$0x7], $0x800, $0x38;
	[tilespmem:$0x1C600] =	vst v63  }
0xa7: {  	_ =	swait.ge [sflag:s0], $0x800  }
0xa8: {  	[sflag:s0] =	ssyncset.done $0x0  }
0xa9: {  	s21 =	rddreg [dreg:$0xc];
	[sflag:s0] =	ssyncadd.s32 $0xFFFFF800  }
0xaa: {  	[spmem:s21] =	stream.linear.scatter [tilespmem:s31], [sflag:$0x7], $0x800, $0x38;
	[tilespmem:$0x1C600] =	vst v63  }
0xab: {  	_ =	swait.ge [sflag:s0], $0x800  }
0xac: {  	[sflag:s0] =	ssyncset.done $0x0  }
0xad: {  	s25 =	rddreg [dreg:$0xd];
	[sflag:s0] =	ssyncadd.s32 $0xFFFFF800  }
0xae: {  	[spmem:s25] =	stream.linear.scatter [tilespmem:s31], [sflag:$0x7], $0x800, $0x38;
	[tilespmem:$0x1C600] =	vst v63  }
0xaf: {  	_ =	swait.ge [sflag:s0], $0x800  }
0xb0: {  	[sflag:s0] =	ssyncset.done $0x0  }
0xb1: {  	s26 =	rddreg [dreg:$0xe];
	[sflag:s0] =	ssyncadd.s32 $0xFFFFF800  }
0xb2: {  	[spmem:s26] =	stream.linear.scatter [tilespmem:s31], [sflag:$0x7], $0x800, $0x38;
	[tilespmem:$0x1C600] =	vst v63  }
0xb3: {  	_ =	swait.ge [sflag:s0], $0x800  }
0xb4: {  	[sflag:s0] =	ssyncset.done $0x0  }
0xb5: {  	s28 =	rddreg [dreg:$0x15];
	[sflag:s0] =	ssyncadd.s32 $0xFFFFF800  }
0xb6: {  	[spmem:s28] =	stream.linear.scatter [tilespmem:s31], [sflag:$0x7], $0x800, $0x38;
	[tilespmem:$0x1C600] =	vst v63  }
0xb7: {  	_ =	swait.ge [sflag:s0], $0x800  }
0xb8: {  	[sflag:s0] =	ssyncset.done $0x0  }
0xb9: {  	s21 =	rddreg [dreg:$0x16];
	[sflag:s0] =	ssyncadd.s32 $0xFFFFF800  }
0xba: {  	[spmem:s21] =	stream.linear.scatter [tilespmem:s31], [sflag:$0x7], $0x800, $0x38;
	[tilespmem:$0x1C600] =	vst v63  }
0xbb: {  	_ =	swait.ge [sflag:s0], $0x800  }
0xbc: {  	[sflag:s0] =	ssyncset.done $0x0  }
0xbd: {  	s25 =	rddreg [dreg:$0x17];
	[sflag:s0] =	ssyncadd.s32 $0xFFFFF800  }
0xbe: {  	[spmem:s25] =	stream.linear.scatter [tilespmem:s31], [sflag:$0x7], $0x800, $0x38;
	[tilespmem:$0x1C600] =	vst v63  }
0xbf: {  	_ =	swait.ge [sflag:s0], $0x800  }
0xc0: {  	[sflag:s0] =	ssyncset.done $0x0  }
0xc1: {  	s26 =	rddreg [dreg:$0x18];
	[sflag:s0] =	ssyncadd.s32 $0xFFFFF800  }
0xc2: {  	[spmem:s26] =	stream.linear.scatter [tilespmem:s31], [sflag:$0x7], $0x800, $0x38;
	[tilespmem:$0x1C600] =	vst v63  }
0xc3: {  	_ =	swait.ge [sflag:s0], $0x800  }
0xc4: {  	[sflag:s0] =	ssyncset.done $0x0  }
0xc5: {  	s28 =	rddreg [dreg:$0x19];
	[sflag:s0] =	ssyncadd.s32 $0xFFFFF800  }
0xc6: {  	[spmem:s28] =	stream.linear.scatter [tilespmem:s31], [sflag:$0x7], $0x800, $0x38;
	[tilespmem:$0x1C600] =	vst v63  }
0xc7: {  	_ =	swait.ge [sflag:s0], $0x800  }
0xc8: {  	[sflag:s0] =	ssyncset.done $0x0  }
0xc9: {  	s21 =	rddreg [dreg:$0x1a];
	[sflag:s0] =	ssyncadd.s32 $0xFFFFF800  }
0xca: {  	[spmem:s21] =	stream.linear.scatter [tilespmem:s31], [sflag:$0x7], $0x800, $0x38;
	[tilespmem:$0x1C600] =	vst v63  }
0xcb: {  	_ =	swait.ge [sflag:s0], $0x800  }
0xcc: {  	[sflag:s0] =	ssyncset.done $0x0  }
0xcd: {  	s25 =	rddreg [dreg:$0x1b];
	[sflag:s0] =	ssyncadd.s32 $0xFFFFF800  }
0xce: {  	[spmem:s25] =	stream.linear.scatter [tilespmem:s31], [sflag:$0x7], $0x800, $0x38;
	[tilespmem:$0x1C600] =	vst v63  }
0xcf: {  	_ =	swait.ge [sflag:s0], $0x800  }
0xd0: {  	[sflag:s0] =	ssyncset.done $0x0  }
0xd1: {  	s26 =	rddreg [dreg:$0x1c];
	[sflag:s0] =	ssyncadd.s32 $0xFFFFF800  }
0xd2: {  	[spmem:s26] =	stream.linear.scatter [tilespmem:s31], [sflag:$0x7], $0x800, $0x38;
	[tilespmem:$0x1C600] =	vst v63  }
0xd3: {  	_ =	swait.ge [sflag:s0], $0x800  }
0xd4: {  	[sflag:s0] =	ssyncset.done $0x0  }
0xd5: {  	s28 =	rddreg [dreg:$0x1d];
	[sflag:s0] =	ssyncadd.s32 $0xFFFFF800  }
0xd6: {  	[spmem:s28] =	stream.linear.scatter [tilespmem:s31], [sflag:$0x7], $0x800, $0x38;
	[tilespmem:$0x1C600] =	vst v63  }
0xd7: {  	_ =	swait.ge [sflag:s0], $0x800  }
0xd8: {  	[sflag:s0] =	ssyncset.done $0x0  }
0xd9: {  	s21 =	rddreg [dreg:$0x1e];
	[sflag:s0] =	ssyncadd.s32 $0xFFFFF800  }
0xda: {  	[spmem:s21] =	stream.linear.scatter [tilespmem:s31], [sflag:$0x7], $0x800, $0x38;
	[tilespmem:$0x1C600] =	vst v63  }
0xdb: {  	_ =	swait.ge [sflag:s0], $0x800  }
0xdc: {  	[sflag:s0] =	ssyncset.done $0x0  }
0xdd: {  	s25 =	rddreg [dreg:$0x1f];
	[sflag:s0] =	ssyncadd.s32 $0xFFFFF800  }
0xde: {  	[spmem:s25] =	stream.linear.scatter [tilespmem:s31], [sflag:$0x7], $0x800, $0x38;
	[tilespmem:$0x1C600] =	vst v63  }
0xdf: {  	_ =	swait.ge [sflag:s0], $0x800  }
0xe0: {  	s26 =	sld [smem:$0x7EF]  }
0xe1: {  	[sflag:s0] =	ssyncset.done $0x0  }
0xe2: {  	[sflag:s0] =	ssyncadd.s32 $0xFFFFF800  }
0xe3: {  	[spmem:s26] =	stream.linear.scatter [tilespmem:s31], [sflag:$0x7], $0x800, $0x38;
	[tilespmem:$0x1C600] =	vst v63  }
0xe4: {  	_ =	swait.ge [sflag:s0], $0x800  }
0xe5: {  	s28 =	sld [smem:$0x7F0]  }
0xe6: {  	[sflag:s0] =	ssyncset.done $0x0  }
0xe7: {  	[sflag:s0] =	ssyncadd.s32 $0xFFFFF800  }
0xe8: {  	[spmem:s28] =	stream.linear.scatter [tilespmem:s31], [sflag:$0x7], $0x800, $0x38;
	[tilespmem:$0x1C600] =	vst v63  }
0xe9: {  	_ =	swait.ge [sflag:s0], $0x800  }
0xea: {  	s21 =	sld [smem:$0x7F1]  }
0xeb: {  	[sflag:s0] =	ssyncset.done $0x0  }
0xec: {  	[sflag:s0] =	ssyncadd.s32 $0xFFFFF800  }
0xed: {  	[spmem:s21] =	stream.linear.scatter [tilespmem:s31], [sflag:$0x7], $0x800, $0x38;
	[tilespmem:$0x1C600] =	vst v63  }
0xee: {  	_ =	swait.ge [sflag:s0], $0x800  }
0xef: {  	s25 =	sld [smem:$0x7F2]  }
0xf0: {  	[sflag:s0] =	ssyncset.done $0x0  }
0xf1: {  	[sflag:s0] =	ssyncadd.s32 $0xFFFFF800  }
0xf2: {  	[spmem:s25] =	stream.linear.scatter [tilespmem:s31], [sflag:$0x7], $0x800, $0x38;
	[tilespmem:$0x1C600] =	vst v63  }
0xf3: {  	_ =	swait.ge [sflag:s0], $0x800  }
0xf4: {  	s26 =	sld [smem:$0x7F3]  }
0xf5: {  	[sflag:s0] =	ssyncset.done $0x0  }
0xf6: {  	[sflag:s0] =	ssyncadd.s32 $0xFFFFF800  }
0xf7: {  	[spmem:s26] =	stream.linear.scatter [tilespmem:s31], [sflag:$0x7], $0x800, $0x38;
	[tilespmem:$0x1C600] =	vst v63  }
0xf8: {  	_ =	swait.ge [sflag:s0], $0x800  }
0xf9: {  	s28 =	sld [smem:$0x7F4]  }
0xfa: {  	[sflag:s0] =	ssyncset.done $0x0  }
0xfb: {  	[sflag:s0] =	ssyncadd.s32 $0xFFFFF800  }
0xfc: {  	[spmem:s28] =	stream.linear.scatter [tilespmem:s31], [sflag:$0x7], $0x800, $0x38;
	[tilespmem:$0x1C600] =	vst v63  }
0xfd: {  	_ =	swait.ge [sflag:s0], $0x800  }
0xfe: {  	s21 =	sld [smem:$0x7F5]  }
0xff: {  	[sflag:s0] =	ssyncset.done $0x0  }
0x100: {  	[sflag:s0] =	ssyncadd.s32 $0xFFFFF800  }
0x101: {  	[spmem:s21] =	stream.linear.scatter [tilespmem:s31], [sflag:$0x7], $0x800, $0x38;
	[tilespmem:$0x1C600] =	vst v63  }
0x102: {  	_ =	swait.ge [sflag:s0], $0x800  }
0x103: {  	s25 =	sld [smem:$0x7F6]  }
0x104: {  	[sflag:s0] =	ssyncset.done $0x0  }
0x105: {  	[sflag:s0] =	ssyncadd.s32 $0xFFFFF800  }
0x106: {  	[spmem:s25] =	stream.linear.scatter [tilespmem:s31], [sflag:$0x7], $0x800, $0x38;
	[tilespmem:$0x1C600] =	vst v63  }
0x107: {  	_ =	swait.ge [sflag:s0], $0x800  }
0x108: {  	s26 =	sld [smem:$0x7F7]  }
0x109: {  	[sflag:s0] =	ssyncset.done $0x0  }
0x10a: {  	[sflag:s0] =	ssyncadd.s32 $0xFFFFF800  }
0x10b: {  	[spmem:s26] =	stream.linear.scatter [tilespmem:s31], [sflag:$0x7], $0x800, $0x38;
	[tilespmem:$0x1C600] =	vst v63  }
0x10c: {  	_ =	swait.ge [sflag:s0], $0x800  }
0x10d: {  	s28 =	sld [smem:$0x7F8]  }
0x10e: {  	[sflag:s0] =	ssyncset.done $0x0  }
0x10f: {  	[sflag:s0] =	ssyncadd.s32 $0xFFFFF800  }
0x110: {  	[spmem:s28] =	stream.linear.scatter [tilespmem:s31], [sflag:$0x7], $0x800, $0x38;
	[tilespmem:$0x1C600] =	vst v63  }
0x111: {  	_ =	swait.ge [sflag:s0], $0x800  }
0x112: {  	s21 =	sld [smem:$0x7F9]  }
0x113: {  	[sflag:s0] =	ssyncset.done $0x0  }
0x114: {  	[sflag:s0] =	ssyncadd.s32 $0xFFFFF800  }
0x115: {  	[spmem:s21] =	stream.linear.scatter [tilespmem:s31], [sflag:$0x7], $0x800, $0x38;
	[tilespmem:$0x1C600] =	vst v63  }
0x116: {  	_ =	swait.ge [sflag:s0], $0x800  }
0x117: {  	s25 =	sld [smem:$0x7FA]  }
0x118: {  	[sflag:s0] =	ssyncset.done $0x0  }
0x119: {  	[sflag:s0] =	ssyncadd.s32 $0xFFFFF800  }
0x11a: {  	[spmem:s25] =	stream.linear.scatter [tilespmem:s31], [sflag:$0x7], $0x800, $0x38;
	[tilespmem:$0x1C600] =	vst v63  }
0x11b: {  	_ =	swait.ge [sflag:s0], $0x800  }
0x11c: {  	s26 =	sld [smem:$0x7FB]  }
0x11d: {  	[sflag:s0] =	ssyncset.done $0x0  }
0x11e: {  	[sflag:s0] =	ssyncadd.s32 $0xFFFFF800  }
0x11f: {  	[spmem:s26] =	stream.linear.scatter [tilespmem:s31], [sflag:$0x7], $0x800, $0x38;
	[tilespmem:$0x1C600] =	vst v63  }
0x120: {  	_ =	swait.ge [sflag:s0], $0x800  }
0x121: {  	s28 =	sld [smem:$0x7FC]  }
0x122: {  	[sflag:s0] =	ssyncset.done $0x0  }
0x123: {  	[sflag:s0] =	ssyncadd.s32 $0xFFFFF800  }
0x124: {  	[spmem:s28] =	stream.linear.scatter [tilespmem:s31], [sflag:$0x7], $0x800, $0x38;
	[tilespmem:$0x1C600] =	vst v63  }
0x125: {  	_ =	swait.ge [sflag:s0], $0x800  }
0x126: {  	s21 =	sld [smem:$0x7FD]  }
0x127: {  	[sflag:s0] =	ssyncset.done $0x0  }
0x128: {  	[sflag:s0] =	ssyncadd.s32 $0xFFFFF800  }
0x129: {  	[spmem:s21] =	stream.linear.scatter [tilespmem:s31], [sflag:$0x7], $0x800, $0x38;
	[tilespmem:$0x1C600] =	vst v63  }
0x12a: {  	_ =	swait.ge [sflag:s0], $0x800  }
0x12b: {  	[sflag:s0] =	ssyncset.done $0x0  }
0x12c: {  	[sflag:s0] =	ssyncadd.s32 $0xFFFFF800  }
0x12d: {  	[spmem:s29] =	stream.linear.scatter [tilespmem:s31], [sflag:$0x7], $0x800, $0x38;
	[tilespmem:$0x1C600] =	vst v63  }
0x12e: {  	_ =	swait.ge [sflag:s0], $0x800  }
0x12f: {  	[sflag:s0] =	ssyncset.done $0x0  }
0x130: {  	[sflag:s0] =	ssyncadd.s32 $0xFFFFF800  }
0x131: {  	[spmem:s30] =	stream.linear.scatter [tilespmem:s31], [sflag:$0x7], $0x800, $0x38;
	[tilespmem:$0x1C600] =	vst v63  }
0x132: {  	_ =	swait.ge [sflag:s0], $0x800  }
0x133: {  	[sflag:s0] =	ssyncset.done $0x0  }
0x134: {  	[sflag:s0] =	ssyncadd.s32 $0xFFFFF800  }
0x135: {  	[tilespmem:$0x8100] =	vst v0  }
0x136: {  	[tilespmem:$0x8110] =	vst v0  }
0x137: {  	[tilespmem:$0x8120] =	vst v0  }
0x138: {  	[tilespmem:$0x8130] =	vst v0  }
0x139: {  	[tilespmem:$0x8140] =	vst v0  }
0x13a: {  	[tilespmem:$0x8150] =	vst v0  }
0x13b: {  	[tilespmem:$0x8160] =	vst v0  }
0x13c: {  	[tilespmem:$0x8170] =	vst v0  }
0x13d: {  	[tilespmem:$0x8180] =	vst v0  }
0x13e: {  	[tilespmem:$0x8190] =	vst v0  }
0x13f: {  	[tilespmem:$0x81A0] =	vst v0  }
0x140: {  	[tilespmem:$0x81B0] =	vst v0  }
0x141: {  	[tilespmem:$0x81C0] =	vst v0  }
0x142: {  	[tilespmem:$0x81D0] =	vst v0  }
0x143: {  	[tilespmem:$0x81E0] =	vst v0  }
0x144: {  	[tilespmem:$0x81F0] =	vst v0  }
0x145: {  	[tilespmem:$0x8200] =	vst v0  }
0x146: {  	[tilespmem:$0x8210] =	vst v0  }
0x147: {  	[tilespmem:$0x8220] =	vst v0  }
0x148: {  	[tilespmem:$0x8230] =	vst v0  }
0x149: {  	[tilespmem:$0x8240] =	vst v0  }
0x14a: {  	[tilespmem:$0x8250] =	vst v0  }
0x14b: {  	[tilespmem:$0x8260] =	vst v0  }
0x14c: {  	[tilespmem:$0x8270] =	vst v0  }
0x14d: {  	[tilespmem:$0x8280] =	vst v0  }
0x14e: {  	[tilespmem:$0x8290] =	vst v0  }
0x14f: {  	[tilespmem:$0x82A0] =	vst v0  }
0x150: {  	[tilespmem:$0x82B0] =	vst v0  }
0x151: {  	[tilespmem:$0x82C0] =	vst v0  }
0x152: {  	[tilespmem:$0x82D0] =	vst v0  }
0x153: {  	[tilespmem:$0x82E0] =	vst v0  }
0x154: {  	[tilespmem:$0x82F0] =	vst v0  }
0x155: {  	[tilespmem:$0x8300] =	vst v0  }
0x156: {  	[tilespmem:$0x8310] =	vst v0  }
0x157: {  	[tilespmem:$0x8320] =	vst v0  }
0x158: {  	[tilespmem:$0x8330] =	vst v0  }
0x159: {  	[tilespmem:$0x8340] =	vst v0  }
0x15a: {  	[tilespmem:$0x8350] =	vst v0  }
0x15b: {  	[tilespmem:$0x8360] =	vst v0  }
0x15c: {  	s25 =	simm.s32 $0x8100;
	[tilespmem:$0x8370] =	vst v0  }
0x15d: {  	[spmem:s19] =	stream.linear.scatter [tilespmem:s25], [sflag:$0x7], $0x280, $0x38;
	[tilespmem:$0x1C600] =	vst v63  }
0x15e: {  	_ =	swait.ge [sflag:s0], $0x280  }
0x15f: {  	[sflag:s0] =	ssyncset.done $0x0  }
0x160: {  	[sflag:s0] =	ssyncadd.s32 $0xFFFFFD80  }
0x161: {  	[tilespmem:$0x7F00] =	vst v1  }
0x162: {  	[tilespmem:$0x7F10] =	vst v1  }
0x163: {  	[tilespmem:$0x7F20] =	vst v1  }
0x164: {  	[tilespmem:$0x7F30] =	vst v1  }
0x165: {  	[tilespmem:$0x7F40] =	vst v1  }
0x166: {  	[tilespmem:$0x7F50] =	vst v1  }
0x167: {  	[tilespmem:$0x7F60] =	vst v1  }
0x168: {  	[tilespmem:$0x7F70] =	vst v1  }
0x169: {  	[tilespmem:$0x7F80] =	vst v1  }
0x16a: {  	[tilespmem:$0x7F90] =	vst v1  }
0x16b: {  	[tilespmem:$0x7FA0] =	vst v1  }
0x16c: {  	[tilespmem:$0x7FB0] =	vst v1  }
0x16d: {  	[tilespmem:$0x7FC0] =	vst v1  }
0x16e: {  	[tilespmem:$0x7FD0] =	vst v1  }
0x16f: {  	[tilespmem:$0x7FE0] =	vst v1  }
0x170: {  	[tilespmem:$0x7FF0] =	vst v1  }
0x171: {  	[tilespmem:$0x8000] =	vst v1  }
0x172: {  	[tilespmem:$0x8010] =	vst v1  }
0x173: {  	[tilespmem:$0x8020] =	vst v1  }
0x174: {  	[tilespmem:$0x8030] =	vst v1  }
0x175: {  	[tilespmem:$0x8040] =	vst v1  }
0x176: {  	[tilespmem:$0x8050] =	vst v1  }
0x177: {  	[tilespmem:$0x8060] =	vst v1  }
0x178: {  	[tilespmem:$0x8070] =	vst v1  }
0x179: {  	[tilespmem:$0x8080] =	vst v1  }
0x17a: {  	[tilespmem:$0x8090] =	vst v1  }
0x17b: {  	[tilespmem:$0x80A0] =	vst v1  }
0x17c: {  	[tilespmem:$0x80B0] =	vst v1  }
0x17d: {  	[tilespmem:$0x80C0] =	vst v1  }
0x17e: {  	[tilespmem:$0x80D0] =	vst v1  }
0x17f: {  	[tilespmem:$0x80E0] =	vst v1  }
0x180: {  	s26 =	rddreg [dreg:$0xf];
	[tilespmem:$0x80F0] =	vst v1  }
0x181: {  	[tilespmem:s4], [sflag:$0x7] =	stream.linear.gather [hbm4b:s26+s4], $0x2780, $0x38;
	[tilespmem:$0x1C600] =	vst v63  }
0x182: {  	_ =	swait.ge [sflag:s0], $0x2780  }
0x183: {  	[sflag:s0] =	ssyncset.done $0x0  }
0x184: {  	s21 =	simm.s32 $0x2780;
	s28 =	rddreg [dreg:$0x10];
	[sflag:s0] =	ssyncadd.s32 $0xFFFFD880  }
0x185: {  	[tilespmem:s21], [sflag:$0x7] =	stream.linear.gather [hbm4b:s28+s4], $0x2780, $0x38;
	[tilespmem:$0x1C600] =	vst v63  }
.Ltmp3:
0x186: {  	_ =	swait.ge [sflag:s0], $0x2780;
	(pc) =	sbr.rel @p0 .LBB2_7-.Ltmp3, $4  }
0x187: {  	[sflag:s0] =	ssyncset.done $0x0  }
0x188: {  	[sflag:s0] =	ssyncadd.s32 $0xFFFFD880  }
0x189: {  	[bflag:$0x0] =	sbarrier.arrive $0xFFFF  }
0x18a: {  	s20 =	simm.s32 $0x0  }
0x18b: {  	[tilespmem:s31], [sflag:$0x1] =	stream.indirect.gather [hbm4b:s5+s22], $0x80, s20, s22, $0xb8;
	[tilespmem:$0x1C600] =	vst v63  }
0x18c: {  	_ = 	snop  }
0x18d: {  	[tilespmem:s23], [sflag:$0x2] =	stream.indirect.gather [hbm4b:s5+s22], $0x80, s22, s22, $0xb8;
	[tilespmem:$0x1C600] =	vst v63  }
0x18e: {  	s25 =	simm.s32 $0x20  }
0x18f: {  	[tilespmem:s24], [sflag:$0x3] =	stream.indirect.gather [hbm4b:s5+s22], $0x80, s25, s22, $0xb8;
	[tilespmem:$0x1C600] =	vst v63  }
0x190: {  	s26 =	simm.s32 $0x30  }
0x191: {  	[tilespmem:s1], [sflag:$0x4] =	stream.indirect.gather [hbm4b:s5+s22], $0x80, s26, s22, $0xb8;
	[tilespmem:$0x1C600] =	vst v63  }
0x192: {  	s28 =	simm.s32 $0x40  }
0x193: {  	[tilespmem:s8], [sflag:$0x5] =	stream.indirect.gather [hbm4b:s5+s22], $0x80, s28, s22, $0xb8;
	[tilespmem:$0x1C600] =	vst v63  }
0x194: {  	s21 =	simm.s32 $0x50  }
0x195: {  	[tilespmem:s9], [sflag:$0x6] =	stream.indirect.gather [hbm4b:s5+s22], $0x80, s21, s22, $0xb8;
	[tilespmem:$0x1C600] =	vst v63  }
0x196: {  	_ =	swait.ge [sflag:s10], $0x800  }
0x197: {  	[sflag:s10] =	ssyncset.done $0x0  }
0x198: {  	s25 =	simm.s32 $0x2780;
	[sflag:s10] =	ssyncadd.s32 $0xFFFFF800  }
0x199: {  	[spmem:s2] =	stream.indirect.scatter.add.f32 [tilespmem:s31], [sflag:$0x7], $0x80, s25, s22, $0xb8;
	[tilespmem:$0x1C600] =	vst v63  }
0x19a: {  	_ =	swait.ge [sflag:s0], $0x800  }
0x19b: {  	[sflag:s0] =	ssyncset.done $0x0  }
0x19c: {  	s26 =	simm.s32 $0x60;
	[sflag:s0] =	ssyncadd.s32 $0xFFFFF800  }
0x19d: {  	[tilespmem:s31], [sflag:$0x1] =	stream.indirect.gather [hbm4b:s5+s22], $0x80, s26, s22, $0xb8;
	[tilespmem:$0x1C600] =	vst v63  }
0x19e: {  	_ =	swait.ge [sflag:s11], $0x800  }
0x19f: {  	[sflag:s11] =	ssyncset.done $0x0  }
0x1a0: {  	s28 =	simm.s32 $0x2790;
	[sflag:s11] =	ssyncadd.s32 $0xFFFFF800  }
0x1a1: {  	[spmem:s2] =	stream.indirect.scatter.add.f32 [tilespmem:s23], [sflag:$0x7], $0x80, s28, s22, $0xb8;
	[tilespmem:$0x1C600] =	vst v63  }
0x1a2: {  	_ =	swait.ge [sflag:s0], $0x800  }
0x1a3: {  	[sflag:s0] =	ssyncset.done $0x0  }
0x1a4: {  	s21 =	simm.s32 $0x70;
	[sflag:s0] =	ssyncadd.s32 $0xFFFFF800  }
0x1a5: {  	[tilespmem:s23], [sflag:$0x2] =	stream.indirect.gather [hbm4b:s5+s22], $0x80, s21, s22, $0xb8;
	[tilespmem:$0x1C600] =	vst v63  }
0x1a6: {  	_ =	swait.ge [sflag:s12], $0x800  }
0x1a7: {  	[sflag:s12] =	ssyncset.done $0x0  }
0x1a8: {  	s25 =	simm.s32 $0x27A0;
	[sflag:s12] =	ssyncadd.s32 $0xFFFFF800  }
0x1a9: {  	[spmem:s2] =	stream.indirect.scatter.add.f32 [tilespmem:s24], [sflag:$0x7], $0x80, s25, s22, $0xb8;
	[tilespmem:$0x1C600] =	vst v63  }
0x1aa: {  	_ =	swait.ge [sflag:s0], $0x800  }
0x1ab: {  	[sflag:s0] =	ssyncset.done $0x0  }
0x1ac: {  	s26 =	simm.s32 $0x80;
	[sflag:s0] =	ssyncadd.s32 $0xFFFFF800  }
0x1ad: {  	[tilespmem:s24], [sflag:$0x3] =	stream.indirect.gather [hbm4b:s5+s22], $0x80, s26, s22, $0xb8;
	[tilespmem:$0x1C600] =	vst v63  }
0x1ae: {  	_ =	swait.ge [sflag:s13], $0x800  }
0x1af: {  	[sflag:s13] =	ssyncset.done $0x0  }
0x1b0: {  	s28 =	simm.s32 $0x27B0;
	[sflag:s13] =	ssyncadd.s32 $0xFFFFF800  }
0x1b1: {  	[spmem:s2] =	stream.indirect.scatter.add.f32 [tilespmem:s1], [sflag:$0x7], $0x80, s28, s22, $0xb8;
	[tilespmem:$0x1C600] =	vst v63  }
0x1b2: {  	_ =	swait.ge [sflag:s0], $0x800  }
0x1b3: {  	[sflag:s0] =	ssyncset.done $0x0  }
0x1b4: {  	s21 =	simm.s32 $0x90;
	[sflag:s0] =	ssyncadd.s32 $0xFFFFF800  }
0x1b5: {  	[tilespmem:s1], [sflag:$0x4] =	stream.indirect.gather [hbm4b:s5+s22], $0x80, s21, s22, $0xb8;
	[tilespmem:$0x1C600] =	vst v63  }
0x1b6: {  	_ =	swait.ge [sflag:s14], $0x800  }
0x1b7: {  	[sflag:s14] =	ssyncset.done $0x0  }
0x1b8: {  	s25 =	simm.s32 $0x27C0;
	[sflag:s14] =	ssyncadd.s32 $0xFFFFF800  }
0x1b9: {  	[spmem:s2] =	stream.indirect.scatter.add.f32 [tilespmem:s8], [sflag:$0x7], $0x80, s25, s22, $0xb8;
	[tilespmem:$0x1C600] =	vst v63  }
0x1ba: {  	_ =	swait.ge [sflag:s0], $0x800  }
0x1bb: {  	[sflag:s0] =	ssyncset.done $0x0  }
0x1bc: {  	s26 =	simm.s32 $0xA0;
	[sflag:s0] =	ssyncadd.s32 $0xFFFFF800  }
0x1bd: {  	[tilespmem:s8], [sflag:$0x5] =	stream.indirect.gather [hbm4b:s5+s22], $0x80, s26, s22, $0xb8;
	[tilespmem:$0x1C600] =	vst v63  }
0x1be: {  	_ =	swait.ge [sflag:s15], $0x800  }
0x1bf: {  	[sflag:s15] =	ssyncset.done $0x0  }
0x1c0: {  	s28 =	simm.s32 $0x27D0;
	[sflag:s15] =	ssyncadd.s32 $0xFFFFF800  }
0x1c1: {  	[spmem:s2] =	stream.indirect.scatter.add.f32 [tilespmem:s9], [sflag:$0x7], $0x80, s28, s22, $0xb8;
	[tilespmem:$0x1C600] =	vst v63  }
0x1c2: {  	_ =	swait.ge [sflag:s0], $0x800  }
0x1c3: {  	[sflag:s0] =	ssyncset.done $0x0  }
0x1c4: {  	s20 =	simm.s32 $0x180;
	s21 =	simm.s32 $0xB0;
	[sflag:s0] =	ssyncadd.s32 $0xFFFFF800  }
.LBB2_5:
0x1c5: {  	[tilespmem:s9], [sflag:$0x6] =	stream.indirect.gather [hbm4b:s5+s22], $0x80, s21, s22, $0xb8;
	[tilespmem:$0x1C600] =	vst v63  }
0x1c6: {  	s21 =	smov.u32 s20  }
0x1c7: {  	p1 =	sne.s32 s20, $0x9A80;
	s20 =	sadd.s32 $0x180, s20;
	_ =	swait.ge [sflag:s10], $0x800  }
0x1c8: {  	s21 =	sshra.s32 s21, $0x2;
	[sflag:s10] =	ssyncset.done $0x0  }
0x1c9: {  	s25 =	sadd.s32 $0x2780, s21;
	[sflag:s10] =	ssyncadd.s32 $0xFFFFF800  }
0x1ca: {  	[spmem:s2] =	stream.indirect.scatter.add.f32 [tilespmem:s31], [sflag:$0x7], $0x80, s25, s22, $0xb8;
	[tilespmem:$0x1C600] =	vst v63  }
0x1cb: {  	_ =	swait.ge [sflag:s0], $0x800  }
0x1cc: {  	[sflag:s0] =	ssyncset.done $0x0  }
0x1cd: {  	s25 =	sadd.s32 $0x60, s21;
	[sflag:s0] =	ssyncadd.s32 $0xFFFFF800  }
0x1ce: {  	[tilespmem:s31], [sflag:$0x1] =	stream.indirect.gather [hbm4b:s5+s22], $0x80, s25, s22, $0xb8;
	[tilespmem:$0x1C600] =	vst v63  }
0x1cf: {  	_ =	swait.ge [sflag:s11], $0x800  }
0x1d0: {  	[sflag:s11] =	ssyncset.done $0x0  }
0x1d1: {  	s25 =	sadd.s32 $0x2790, s21;
	[sflag:s11] =	ssyncadd.s32 $0xFFFFF800  }
0x1d2: {  	[spmem:s2] =	stream.indirect.scatter.add.f32 [tilespmem:s23], [sflag:$0x7], $0x80, s25, s22, $0xb8;
	[tilespmem:$0x1C600] =	vst v63  }
0x1d3: {  	_ =	swait.ge [sflag:s0], $0x800  }
0x1d4: {  	[sflag:s0] =	ssyncset.done $0x0  }
0x1d5: {  	s25 =	sadd.s32 $0x70, s21;
	[sflag:s0] =	ssyncadd.s32 $0xFFFFF800  }
0x1d6: {  	[tilespmem:s23], [sflag:$0x2] =	stream.indirect.gather [hbm4b:s5+s22], $0x80, s25, s22, $0xb8;
	[tilespmem:$0x1C600] =	vst v63  }
0x1d7: {  	_ =	swait.ge [sflag:s12], $0x800  }
0x1d8: {  	[sflag:s12] =	ssyncset.done $0x0  }
0x1d9: {  	s25 =	sadd.s32 $0x27A0, s21;
	[sflag:s12] =	ssyncadd.s32 $0xFFFFF800  }
0x1da: {  	[spmem:s2] =	stream.indirect.scatter.add.f32 [tilespmem:s24], [sflag:$0x7], $0x80, s25, s22, $0xb8;
	[tilespmem:$0x1C600] =	vst v63  }
0x1db: {  	_ =	swait.ge [sflag:s0], $0x800  }
0x1dc: {  	[sflag:s0] =	ssyncset.done $0x0  }
0x1dd: {  	s25 =	sadd.s32 $0x80, s21;
	[sflag:s0] =	ssyncadd.s32 $0xFFFFF800  }
0x1de: {  	[tilespmem:s24], [sflag:$0x3] =	stream.indirect.gather [hbm4b:s5+s22], $0x80, s25, s22, $0xb8;
	[tilespmem:$0x1C600] =	vst v63  }
0x1df: {  	_ =	swait.ge [sflag:s13], $0x800  }
0x1e0: {  	[sflag:s13] =	ssyncset.done $0x0  }
0x1e1: {  	s25 =	sadd.s32 $0x27B0, s21;
	[sflag:s13] =	ssyncadd.s32 $0xFFFFF800  }
0x1e2: {  	[spmem:s2] =	stream.indirect.scatter.add.f32 [tilespmem:s1], [sflag:$0x7], $0x80, s25, s22, $0xb8;
	[tilespmem:$0x1C600] =	vst v63  }
0x1e3: {  	_ =	swait.ge [sflag:s0], $0x800  }
0x1e4: {  	[sflag:s0] =	ssyncset.done $0x0  }
0x1e5: {  	s25 =	sadd.s32 $0x90, s21;
	[sflag:s0] =	ssyncadd.s32 $0xFFFFF800  }
0x1e6: {  	[tilespmem:s1], [sflag:$0x4] =	stream.indirect.gather [hbm4b:s5+s22], $0x80, s25, s22, $0xb8;
	[tilespmem:$0x1C600] =	vst v63  }
0x1e7: {  	_ =	swait.ge [sflag:s14], $0x800  }
0x1e8: {  	[sflag:s14] =	ssyncset.done $0x0  }
0x1e9: {  	s25 =	sadd.s32 $0x27C0, s21;
	[sflag:s14] =	ssyncadd.s32 $0xFFFFF800  }
0x1ea: {  	[spmem:s2] =	stream.indirect.scatter.add.f32 [tilespmem:s8], [sflag:$0x7], $0x80, s25, s22, $0xb8;
	[tilespmem:$0x1C600] =	vst v63  }
0x1eb: {  	_ =	swait.ge [sflag:s0], $0x800  }
0x1ec: {  	[sflag:s0] =	ssyncset.done $0x0  }
0x1ed: {  	s25 =	sadd.s32 $0xA0, s21;
	[sflag:s0] =	ssyncadd.s32 $0xFFFFF800  }
0x1ee: {  	[tilespmem:s8], [sflag:$0x5] =	stream.indirect.gather [hbm4b:s5+s22], $0x80, s25, s22, $0xb8;
	[tilespmem:$0x1C600] =	vst v63  }
0x1ef: {  	_ =	swait.ge [sflag:s15], $0x800  }
0x1f0: {  	[sflag:s15] =	ssyncset.done $0x0  }
.Ltmp4:
0x1f1: {  	s25 =	sadd.s32 $0x27D0, s21;
	[sflag:s15] =	ssyncadd.s32 $0xFFFFF800;
	(pc) =	sbr.rel @p1 .LBB2_5-.Ltmp4, $4  }
0x1f2: {  	[spmem:s2] =	stream.indirect.scatter.add.f32 [tilespmem:s9], [sflag:$0x7], $0x80, s25, s22, $0xb8;
	[tilespmem:$0x1C600] =	vst v63  }
0x1f3: {  	_ =	swait.ge [sflag:s0], $0x800  }
0x1f4: {  	[sflag:s0] =	ssyncset.done $0x0  }
0x1f5: {  	s21 =	sadd.s32 $0xB0, s21;
	[sflag:s0] =	ssyncadd.s32 $0xFFFFF800  }
0x1f6: {  	[tilespmem:s9], [sflag:$0x6] =	stream.indirect.gather [hbm4b:s5+s22], $0x80, s21, s22, $0xb8;
	[tilespmem:$0x1C600] =	vst v63  }
0x1f7: {  	_ =	swait.ge [sflag:s10], $0x800  }
0x1f8: {  	[sflag:s10] =	ssyncset.done $0x0  }
0x1f9: {  	s20 =	simm.s32 $0x4E80;
	[sflag:s10] =	ssyncadd.s32 $0xFFFFF800  }
0x1fa: {  	[spmem:s2] =	stream.indirect.scatter.add.f32 [tilespmem:s31], [sflag:$0x7], $0x80, s20, s22, $0xb8;
	[tilespmem:$0x1C600] =	vst v63  }
0x1fb: {  	_ =	swait.ge [sflag:s0], $0x800  }
0x1fc: {  	[sflag:s0] =	ssyncset.done $0x0  }
0x1fd: {  	s21 =	simm.s32 $0x2760;
	[sflag:s0] =	ssyncadd.s32 $0xFFFFF800  }
0x1fe: {  	[tilespmem:s31], [sflag:$0x1] =	stream.indirect.gather [hbm4b:s5+s22], $0x80, s21, s22, $0xb8;
	[tilespmem:$0x1C600] =	vst v63  }
0x1ff: {  	_ =	swait.ge [sflag:s11], $0x800  }
0x200: {  	[sflag:s11] =	ssyncset.done $0x0  }
0x201: {  	s25 =	simm.s32 $0x4E90;
	[sflag:s11] =	ssyncadd.s32 $0xFFFFF800  }
0x202: {  	[spmem:s2] =	stream.indirect.scatter.add.f32 [tilespmem:s23], [sflag:$0x7], $0x80, s25, s22, $0xb8;
	[tilespmem:$0x1C600] =	vst v63  }
0x203: {  	_ =	swait.ge [sflag:s0], $0x800  }
0x204: {  	[sflag:s0] =	ssyncset.done $0x0  }
0x205: {  	s26 =	simm.s32 $0x2770;
	[sflag:s0] =	ssyncadd.s32 $0xFFFFF800  }
0x206: {  	[tilespmem:s23], [sflag:$0x2] =	stream.indirect.gather [hbm4b:s5+s22], $0x80, s26, s22, $0xb8;
	[tilespmem:$0x1C600] =	vst v63  }
0x207: {  	_ =	swait.ge [sflag:s12], $0x800  }
0x208: {  	[sflag:s12] =	ssyncset.done $0x0  }
0x209: {  	s28 =	simm.s32 $0x4EA0;
	[sflag:s12] =	ssyncadd.s32 $0xFFFFF800  }
0x20a: {  	[spmem:s2] =	stream.indirect.scatter.add.f32 [tilespmem:s24], [sflag:$0x7], $0x80, s28, s22, $0xb8;
	[tilespmem:$0x1C600] =	vst v63  }
0x20b: {  	_ =	swait.ge [sflag:s0], $0x800  }
0x20c: {  	[sflag:s0] =	ssyncset.done $0x0  }
0x20d: {  	[sflag:s0] =	ssyncadd.s32 $0xFFFFF800  }
0x20e: {  	_ =	swait.ge [sflag:s13], $0x800  }
0x20f: {  	[sflag:s13] =	ssyncset.done $0x0  }
0x210: {  	s21 =	simm.s32 $0x4EB0;
	[sflag:s13] =	ssyncadd.s32 $0xFFFFF800  }
0x211: {  	[spmem:s2] =	stream.indirect.scatter.add.f32 [tilespmem:s1], [sflag:$0x7], $0x80, s21, s22, $0xb8;
	[tilespmem:$0x1C600] =	vst v63  }
0x212: {  	_ =	swait.ge [sflag:s0], $0x800  }
0x213: {  	[sflag:s0] =	ssyncset.done $0x0  }
0x214: {  	[sflag:s0] =	ssyncadd.s32 $0xFFFFF800  }
0x215: {  	_ =	swait.ge [sflag:s14], $0x800  }
0x216: {  	[sflag:s14] =	ssyncset.done $0x0  }
0x217: {  	s25 =	simm.s32 $0x4EC0;
	[sflag:s14] =	ssyncadd.s32 $0xFFFFF800  }
0x218: {  	[spmem:s2] =	stream.indirect.scatter.add.f32 [tilespmem:s8], [sflag:$0x7], $0x80, s25, s22, $0xb8;
	[tilespmem:$0x1C600] =	vst v63  }
0x219: {  	_ =	swait.ge [sflag:s0], $0x800  }
0x21a: {  	[sflag:s0] =	ssyncset.done $0x0  }
0x21b: {  	[sflag:s0] =	ssyncadd.s32 $0xFFFFF800  }
0x21c: {  	_ =	swait.ge [sflag:s15], $0x800  }
0x21d: {  	[sflag:s15] =	ssyncset.done $0x0  }
0x21e: {  	s26 =	simm.s32 $0x4ED0;
	[sflag:s15] =	ssyncadd.s32 $0xFFFFF800  }
0x21f: {  	[spmem:s2] =	stream.indirect.scatter.add.f32 [tilespmem:s9], [sflag:$0x7], $0x80, s26, s22, $0xb8;
	[tilespmem:$0x1C600] =	vst v63  }
0x220: {  	_ =	swait.ge [sflag:s0], $0x800  }
0x221: {  	[sflag:s0] =	ssyncset.done $0x0  }
0x222: {  	[sflag:s0] =	ssyncadd.s32 $0xFFFFF800  }
0x223: {  	_ =	swait.ge [sflag:s10], $0x800  }
0x224: {  	[sflag:s10] =	ssyncset.done $0x0  }
0x225: {  	s28 =	simm.s32 $0x4EE0;
	[sflag:s10] =	ssyncadd.s32 $0xFFFFF800  }
0x226: {  	[spmem:s2] =	stream.indirect.scatter.add.f32 [tilespmem:s31], [sflag:$0x7], $0x80, s28, s22, $0xb8;
	[tilespmem:$0x1C600] =	vst v63  }
0x227: {  	_ =	swait.ge [sflag:s0], $0x800  }
0x228: {  	[sflag:s0] =	ssyncset.done $0x0  }
0x229: {  	[sflag:s0] =	ssyncadd.s32 $0xFFFFF800  }
0x22a: {  	_ =	swait.ge [sflag:s11], $0x800  }
0x22b: {  	[sflag:s11] =	ssyncset.done $0x0  }
0x22c: {  	s21 =	simm.s32 $0x4EF0;
	[sflag:s11] =	ssyncadd.s32 $0xFFFFF800  }
0x22d: {  	[spmem:s2] =	stream.indirect.scatter.add.f32 [tilespmem:s23], [sflag:$0x7], $0x80, s21, s22, $0xb8;
	[tilespmem:$0x1C600] =	vst v63  }
0x22e: {  	_ =	swait.ge [sflag:s0], $0x800  }
0x22f: {  	[sflag:s0] =	ssyncset.done $0x0  }
0x230: {  	s25 =	simm.s32 $0x2780;
	[sflag:s0] =	ssyncadd.s32 $0xFFFFF800  }
0x231: {  	[spmem:s3] =	stream.indirect.scatter.add.f32 [tilespmem:s17], [sflag:$0x7], $0x1, s25, s16, $0xb8;
	[tilespmem:$0x1C600] =	vst v63  }
0x232: {  	_ =	swait.ge [sflag:s0], $0x200  }
0x233: {  	[sflag:s0] =	ssyncset.done $0x0  }
0x234: {  	s26 =	simm.s32 $0x2980;
	[sflag:s0] =	ssyncadd.s32 $0xFFFFFE00  }
0x235: {  	[spmem:s3] =	stream.indirect.scatter.add.f32 [tilespmem:s17], [sflag:$0x7], $0x1, s26, s16, $0xb8;
	[tilespmem:$0x1C600] =	vst v63  }
0x236: {  	_ =	swait.ge [sflag:s0], $0x200  }
0x237: {  	[sflag:s0] =	ssyncset.done $0x0  }
0x238: {  	s28 =	simm.s32 $0x2B80;
	[sflag:s0] =	ssyncadd.s32 $0xFFFFFE00  }
0x239: {  	[spmem:s3] =	stream.indirect.scatter.add.f32 [tilespmem:s17], [sflag:$0x7], $0x1, s28, s16, $0xb8;
	[tilespmem:$0x1C600] =	vst v63  }
0x23a: {  	_ =	swait.ge [sflag:s0], $0x200  }
0x23b: {  	[sflag:s0] =	ssyncset.done $0x0  }
0x23c: {  	s21 =	simm.s32 $0x2D80;
	[sflag:s0] =	ssyncadd.s32 $0xFFFFFE00  }
0x23d: {  	[spmem:s3] =	stream.indirect.scatter.add.f32 [tilespmem:s17], [sflag:$0x7], $0x1, s21, s16, $0xb8;
	[tilespmem:$0x1C600] =	vst v63  }
0x23e: {  	_ =	swait.ge [sflag:s0], $0x200  }
0x23f: {  	[sflag:s0] =	ssyncset.done $0x0  }
0x240: {  	s25 =	simm.s32 $0x2F80;
	[sflag:s0] =	ssyncadd.s32 $0xFFFFFE00  }
0x241: {  	[spmem:s3] =	stream.indirect.scatter.add.f32 [tilespmem:s17], [sflag:$0x7], $0x1, s25, s16, $0xb8;
	[tilespmem:$0x1C600] =	vst v63  }
0x242: {  	_ =	swait.ge [sflag:s0], $0x200  }
0x243: {  	[sflag:s0] =	ssyncset.done $0x0  }
0x244: {  	s26 =	simm.s32 $0x3180;
	[sflag:s0] =	ssyncadd.s32 $0xFFFFFE00  }
0x245: {  	[spmem:s3] =	stream.indirect.scatter.add.f32 [tilespmem:s17], [sflag:$0x7], $0x1, s26, s16, $0xb8;
	[tilespmem:$0x1C600] =	vst v63  }
0x246: {  	_ =	swait.ge [sflag:s0], $0x200  }
0x247: {  	[sflag:s0] =	ssyncset.done $0x0  }
0x248: {  	s28 =	simm.s32 $0x3380;
	[sflag:s0] =	ssyncadd.s32 $0xFFFFFE00  }
0x249: {  	[spmem:s3] =	stream.indirect.scatter.add.f32 [tilespmem:s17], [sflag:$0x7], $0x1, s28, s16, $0xb8;
	[tilespmem:$0x1C600] =	vst v63  }
0x24a: {  	_ =	swait.ge [sflag:s0], $0x200  }
0x24b: {  	[sflag:s0] =	ssyncset.done $0x0  }
0x24c: {  	s21 =	simm.s32 $0x3580;
	[sflag:s0] =	ssyncadd.s32 $0xFFFFFE00  }
0x24d: {  	[spmem:s3] =	stream.indirect.scatter.add.f32 [tilespmem:s17], [sflag:$0x7], $0x1, s21, s16, $0xb8;
	[tilespmem:$0x1C600] =	vst v63  }
0x24e: {  	_ =	swait.ge [sflag:s0], $0x200  }
0x24f: {  	[sflag:s0] =	ssyncset.done $0x0  }
0x250: {  	s25 =	simm.s32 $0x3780;
	[sflag:s0] =	ssyncadd.s32 $0xFFFFFE00  }
0x251: {  	[spmem:s3] =	stream.indirect.scatter.add.f32 [tilespmem:s17], [sflag:$0x7], $0x1, s25, s16, $0xb8;
	[tilespmem:$0x1C600] =	vst v63  }
0x252: {  	_ =	swait.ge [sflag:s0], $0x200  }
0x253: {  	[sflag:s0] =	ssyncset.done $0x0  }
0x254: {  	s26 =	simm.s32 $0x3980;
	[sflag:s0] =	ssyncadd.s32 $0xFFFFFE00  }
0x255: {  	[spmem:s3] =	stream.indirect.scatter.add.f32 [tilespmem:s17], [sflag:$0x7], $0x1, s26, s16, $0xb8;
	[tilespmem:$0x1C600] =	vst v63  }
0x256: {  	_ =	swait.ge [sflag:s0], $0x200  }
0x257: {  	[sflag:s0] =	ssyncset.done $0x0  }
0x258: {  	s28 =	simm.s32 $0x3B80;
	[sflag:s0] =	ssyncadd.s32 $0xFFFFFE00  }
0x259: {  	[spmem:s3] =	stream.indirect.scatter.add.f32 [tilespmem:s17], [sflag:$0x7], $0x1, s28, s16, $0xb8;
	[tilespmem:$0x1C600] =	vst v63  }
0x25a: {  	_ =	swait.ge [sflag:s0], $0x200  }
0x25b: {  	[sflag:s0] =	ssyncset.done $0x0  }
0x25c: {  	s21 =	simm.s32 $0x3D80;
	[sflag:s0] =	ssyncadd.s32 $0xFFFFFE00  }
0x25d: {  	[spmem:s3] =	stream.indirect.scatter.add.f32 [tilespmem:s17], [sflag:$0x7], $0x1, s21, s16, $0xb8;
	[tilespmem:$0x1C600] =	vst v63  }
0x25e: {  	_ =	swait.ge [sflag:s0], $0x200  }
0x25f: {  	[sflag:s0] =	ssyncset.done $0x0  }
0x260: {  	s25 =	simm.s32 $0x3F80;
	[sflag:s0] =	ssyncadd.s32 $0xFFFFFE00  }
0x261: {  	[spmem:s3] =	stream.indirect.scatter.add.f32 [tilespmem:s17], [sflag:$0x7], $0x1, s25, s16, $0xb8;
	[tilespmem:$0x1C600] =	vst v63  }
0x262: {  	_ =	swait.ge [sflag:s0], $0x200  }
0x263: {  	[sflag:s0] =	ssyncset.done $0x0  }
0x264: {  	s26 =	simm.s32 $0x4180;
	[sflag:s0] =	ssyncadd.s32 $0xFFFFFE00  }
0x265: {  	[spmem:s3] =	stream.indirect.scatter.add.f32 [tilespmem:s17], [sflag:$0x7], $0x1, s26, s16, $0xb8;
	[tilespmem:$0x1C600] =	vst v63  }
0x266: {  	_ =	swait.ge [sflag:s0], $0x200  }
0x267: {  	[sflag:s0] =	ssyncset.done $0x0  }
0x268: {  	s28 =	simm.s32 $0x4380;
	[sflag:s0] =	ssyncadd.s32 $0xFFFFFE00  }
0x269: {  	[spmem:s3] =	stream.indirect.scatter.add.f32 [tilespmem:s17], [sflag:$0x7], $0x1, s28, s16, $0xb8;
	[tilespmem:$0x1C600] =	vst v63  }
0x26a: {  	_ =	swait.ge [sflag:s0], $0x200  }
0x26b: {  	[sflag:s0] =	ssyncset.done $0x0  }
0x26c: {  	s21 =	simm.s32 $0x4580;
	[sflag:s0] =	ssyncadd.s32 $0xFFFFFE00  }
0x26d: {  	[spmem:s3] =	stream.indirect.scatter.add.f32 [tilespmem:s17], [sflag:$0x7], $0x1, s21, s16, $0xb8;
	[tilespmem:$0x1C600] =	vst v63  }
0x26e: {  	_ =	swait.ge [sflag:s0], $0x200  }
0x26f: {  	[sflag:s0] =	ssyncset.done $0x0  }
0x270: {  	s25 =	simm.s32 $0x4780;
	[sflag:s0] =	ssyncadd.s32 $0xFFFFFE00  }
0x271: {  	[spmem:s3] =	stream.indirect.scatter.add.f32 [tilespmem:s17], [sflag:$0x7], $0x1, s25, s16, $0xb8;
	[tilespmem:$0x1C600] =	vst v63  }
0x272: {  	_ =	swait.ge [sflag:s0], $0x200  }
0x273: {  	[sflag:s0] =	ssyncset.done $0x0  }
0x274: {  	s26 =	simm.s32 $0x4980;
	[sflag:s0] =	ssyncadd.s32 $0xFFFFFE00  }
0x275: {  	[spmem:s3] =	stream.indirect.scatter.add.f32 [tilespmem:s17], [sflag:$0x7], $0x1, s26, s16, $0xb8;
	[tilespmem:$0x1C600] =	vst v63  }
0x276: {  	_ =	swait.ge [sflag:s0], $0x200  }
0x277: {  	[sflag:s0] =	ssyncset.done $0x0  }
0x278: {  	s28 =	simm.s32 $0x4B80;
	[sflag:s0] =	ssyncadd.s32 $0xFFFFFE00  }
0x279: {  	[spmem:s3] =	stream.indirect.scatter.add.f32 [tilespmem:s17], [sflag:$0x7], $0x1, s28, s16, $0xb8;
	[tilespmem:$0x1C600] =	vst v63  }
0x27a: {  	_ =	swait.ge [sflag:s0], $0x200  }
0x27b: {  	[sflag:s0] =	ssyncset.done $0x0  }
0x27c: {  	s21 =	simm.s32 $0x180;
	s25 =	simm.s32 $0x4D80;
	[sflag:s0] =	ssyncadd.s32 $0xFFFFFE00  }
0x27d: {  	[spmem:s3] =	stream.indirect.scatter.add.f32 [tilespmem:s17], [sflag:$0x7], $0x1, s25, s21, $0xb8;
	[tilespmem:$0x1C600] =	vst v63  }
0x27e: {  	_ =	swait.ge [sflag:s0], $0x180  }
0x27f: {  	[sflag:s0] =	ssyncset.done $0x0  }
0x280: {  	s26 =	stileid.u32;
	[sflag:s0] =	ssyncadd.s32 $0xFFFFFE80  }
0x281: {  	s20 =	sshll.u32 s26, $0x6;
	[bflag:$0x0] =	sbarrier.arrive $0xFFFF  }
0x282: {  	s20 =	sor.u32 $0x1C07, s20;
	s28 =	sshrl.u32 s7, $0x3;
	s25 =	rddreg [dreg:$0x12]  }
0x283: {  	[hbm:s25], [sflag:s20] =	dma.local [spmem:s28], $0x2800  }
0x284: {  	_ =	swait.ge [sflag:s0], $0x2800  }
0x285: {  	s26 =	sshrl.u32 s19, $0x3;
	[sflag:s0] =	ssyncset.done $0x0  }
.Ltmp5:
0x286: {  	s28 =	rddreg [dreg:$0x13];
	[sflag:s0] =	ssyncadd.s32 $0xFFFFD800;
	(pc) =	sbr.rel .LBB2_10-.Ltmp5, $4  }
0x287: {  	[hbm:s28], [sflag:s20] =	dma.local [spmem:s26], $0x50  }
0x288: {  	_ =	swait.ge [sflag:s0], $0x50  }
0x289: {  	[sflag:s0] =	ssyncset.done $0x0  }
0x28a: {  	[sflag:s0] =	ssyncadd.s32 $0xFFFFFFB0  }
.LBB2_7:
0x28b: {  	[tilespmem:s31], [sflag:$0x1] =	stream.indirect.gather [hbm4b:s6+s22], $0x80, s20, s22, $0xb8;
	[tilespmem:$0x1C600] =	vst v63  }
0x28c: {  	_ = 	snop  }
0x28d: {  	[tilespmem:s23], [sflag:$0x2] =	stream.indirect.gather [hbm4b:s6+s22], $0x80, s22, s22, $0xb8;
	[tilespmem:$0x1C600] =	vst v63  }
0x28e: {  	s25 =	simm.s32 $0x20  }
0x28f: {  	[tilespmem:s24], [sflag:$0x3] =	stream.indirect.gather [hbm4b:s6+s22], $0x80, s25, s22, $0xb8;
	[tilespmem:$0x1C600] =	vst v63  }
0x290: {  	s26 =	simm.s32 $0x30  }
0x291: {  	[tilespmem:s1], [sflag:$0x4] =	stream.indirect.gather [hbm4b:s6+s22], $0x80, s26, s22, $0xb8;
	[tilespmem:$0x1C600] =	vst v63  }
0x292: {  	s28 =	simm.s32 $0x40  }
0x293: {  	[tilespmem:s8], [sflag:$0x5] =	stream.indirect.gather [hbm4b:s6+s22], $0x80, s28, s22, $0xb8;
	[tilespmem:$0x1C600] =	vst v63  }
0x294: {  	s21 =	simm.s32 $0x50  }
0x295: {  	[tilespmem:s9], [sflag:$0x6] =	stream.indirect.gather [hbm4b:s6+s22], $0x80, s21, s22, $0xb8;
	[tilespmem:$0x1C600] =	vst v63  }
0x296: {  	_ =	swait.ge [sflag:s10], $0x800  }
0x297: {  	[sflag:s10] =	ssyncset.done $0x0  }
0x298: {  	s25 =	simm.s32 $0x2780;
	[sflag:s10] =	ssyncadd.s32 $0xFFFFF800  }
0x299: {  	[spmem:s2] =	stream.indirect.scatter.add.f32 [tilespmem:s31], [sflag:$0x7], $0x80, s25, s22, $0xb8;
	[tilespmem:$0x1C600] =	vst v63  }
0x29a: {  	_ =	swait.ge [sflag:s0], $0x800  }
0x29b: {  	[sflag:s0] =	ssyncset.done $0x0  }
0x29c: {  	s26 =	simm.s32 $0x60;
	[sflag:s0] =	ssyncadd.s32 $0xFFFFF800  }
0x29d: {  	[tilespmem:s31], [sflag:$0x1] =	stream.indirect.gather [hbm4b:s6+s22], $0x80, s26, s22, $0xb8;
	[tilespmem:$0x1C600] =	vst v63  }
0x29e: {  	_ =	swait.ge [sflag:s11], $0x800  }
0x29f: {  	[sflag:s11] =	ssyncset.done $0x0  }
0x2a0: {  	s28 =	simm.s32 $0x2790;
	[sflag:s11] =	ssyncadd.s32 $0xFFFFF800  }
0x2a1: {  	[spmem:s2] =	stream.indirect.scatter.add.f32 [tilespmem:s23], [sflag:$0x7], $0x80, s28, s22, $0xb8;
	[tilespmem:$0x1C600] =	vst v63  }
0x2a2: {  	_ =	swait.ge [sflag:s0], $0x800  }
0x2a3: {  	[sflag:s0] =	ssyncset.done $0x0  }
0x2a4: {  	s21 =	simm.s32 $0x70;
	[sflag:s0] =	ssyncadd.s32 $0xFFFFF800  }
0x2a5: {  	[tilespmem:s23], [sflag:$0x2] =	stream.indirect.gather [hbm4b:s6+s22], $0x80, s21, s22, $0xb8;
	[tilespmem:$0x1C600] =	vst v63  }
0x2a6: {  	_ =	swait.ge [sflag:s12], $0x800  }
0x2a7: {  	[sflag:s12] =	ssyncset.done $0x0  }
0x2a8: {  	s25 =	simm.s32 $0x27A0;
	[sflag:s12] =	ssyncadd.s32 $0xFFFFF800  }
0x2a9: {  	[spmem:s2] =	stream.indirect.scatter.add.f32 [tilespmem:s24], [sflag:$0x7], $0x80, s25, s22, $0xb8;
	[tilespmem:$0x1C600] =	vst v63  }
0x2aa: {  	_ =	swait.ge [sflag:s0], $0x800  }
0x2ab: {  	[sflag:s0] =	ssyncset.done $0x0  }
0x2ac: {  	s26 =	simm.s32 $0x80;
	[sflag:s0] =	ssyncadd.s32 $0xFFFFF800  }
0x2ad: {  	[tilespmem:s24], [sflag:$0x3] =	stream.indirect.gather [hbm4b:s6+s22], $0x80, s26, s22, $0xb8;
	[tilespmem:$0x1C600] =	vst v63  }
0x2ae: {  	_ =	swait.ge [sflag:s13], $0x800  }
0x2af: {  	[sflag:s13] =	ssyncset.done $0x0  }
0x2b0: {  	s28 =	simm.s32 $0x27B0;
	[sflag:s13] =	ssyncadd.s32 $0xFFFFF800  }
0x2b1: {  	[spmem:s2] =	stream.indirect.scatter.add.f32 [tilespmem:s1], [sflag:$0x7], $0x80, s28, s22, $0xb8;
	[tilespmem:$0x1C600] =	vst v63  }
0x2b2: {  	_ =	swait.ge [sflag:s0], $0x800  }
0x2b3: {  	[sflag:s0] =	ssyncset.done $0x0  }
0x2b4: {  	s21 =	simm.s32 $0x90;
	[sflag:s0] =	ssyncadd.s32 $0xFFFFF800  }
0x2b5: {  	[tilespmem:s1], [sflag:$0x4] =	stream.indirect.gather [hbm4b:s6+s22], $0x80, s21, s22, $0xb8;
	[tilespmem:$0x1C600] =	vst v63  }
0x2b6: {  	_ =	swait.ge [sflag:s14], $0x800  }
0x2b7: {  	[sflag:s14] =	ssyncset.done $0x0  }
0x2b8: {  	s25 =	simm.s32 $0x27C0;
	[sflag:s14] =	ssyncadd.s32 $0xFFFFF800  }
0x2b9: {  	[spmem:s2] =	stream.indirect.scatter.add.f32 [tilespmem:s8], [sflag:$0x7], $0x80, s25, s22, $0xb8;
	[tilespmem:$0x1C600] =	vst v63  }
0x2ba: {  	_ =	swait.ge [sflag:s0], $0x800  }
0x2bb: {  	[sflag:s0] =	ssyncset.done $0x0  }
0x2bc: {  	s26 =	simm.s32 $0xA0;
	[sflag:s0] =	ssyncadd.s32 $0xFFFFF800  }
0x2bd: {  	[tilespmem:s8], [sflag:$0x5] =	stream.indirect.gather [hbm4b:s6+s22], $0x80, s26, s22, $0xb8;
	[tilespmem:$0x1C600] =	vst v63  }
0x2be: {  	_ =	swait.ge [sflag:s15], $0x800  }
0x2bf: {  	[sflag:s15] =	ssyncset.done $0x0  }
0x2c0: {  	s28 =	simm.s32 $0x27D0;
	[sflag:s15] =	ssyncadd.s32 $0xFFFFF800  }
0x2c1: {  	[spmem:s2] =	stream.indirect.scatter.add.f32 [tilespmem:s9], [sflag:$0x7], $0x80, s28, s22, $0xb8;
	[tilespmem:$0x1C600] =	vst v63  }
0x2c2: {  	_ =	swait.ge [sflag:s0], $0x800  }
0x2c3: {  	[sflag:s0] =	ssyncset.done $0x0  }
0x2c4: {  	s20 =	simm.s32 $0x180;
	s21 =	simm.s32 $0xB0;
	[sflag:s0] =	ssyncadd.s32 $0xFFFFF800  }
.LBB2_8:
0x2c5: {  	[tilespmem:s9], [sflag:$0x6] =	stream.indirect.gather [hbm4b:s6+s22], $0x80, s21, s22, $0xb8;
	[tilespmem:$0x1C600] =	vst v63  }
0x2c6: {  	s21 =	smov.u32 s20  }
0x2c7: {  	p1 =	sne.s32 s20, $0x9A80;
	s20 =	sadd.s32 $0x180, s20;
	_ =	swait.ge [sflag:s10], $0x800  }
0x2c8: {  	s21 =	sshra.s32 s21, $0x2;
	[sflag:s10] =	ssyncset.done $0x0  }
0x2c9: {  	s25 =	sadd.s32 $0x2780, s21;
	[sflag:s10] =	ssyncadd.s32 $0xFFFFF800  }
0x2ca: {  	[spmem:s2] =	stream.indirect.scatter.add.f32 [tilespmem:s31], [sflag:$0x7], $0x80, s25, s22, $0xb8;
	[tilespmem:$0x1C600] =	vst v63  }
0x2cb: {  	_ =	swait.ge [sflag:s0], $0x800  }
0x2cc: {  	[sflag:s0] =	ssyncset.done $0x0  }
0x2cd: {  	s25 =	sadd.s32 $0x60, s21;
	[sflag:s0] =	ssyncadd.s32 $0xFFFFF800  }
0x2ce: {  	[tilespmem:s31], [sflag:$0x1] =	stream.indirect.gather [hbm4b:s6+s22], $0x80, s25, s22, $0xb8;
	[tilespmem:$0x1C600] =	vst v63  }
0x2cf: {  	_ =	swait.ge [sflag:s11], $0x800  }
0x2d0: {  	[sflag:s11] =	ssyncset.done $0x0  }
0x2d1: {  	s25 =	sadd.s32 $0x2790, s21;
	[sflag:s11] =	ssyncadd.s32 $0xFFFFF800  }
0x2d2: {  	[spmem:s2] =	stream.indirect.scatter.add.f32 [tilespmem:s23], [sflag:$0x7], $0x80, s25, s22, $0xb8;
	[tilespmem:$0x1C600] =	vst v63  }
0x2d3: {  	_ =	swait.ge [sflag:s0], $0x800  }
0x2d4: {  	[sflag:s0] =	ssyncset.done $0x0  }
0x2d5: {  	s25 =	sadd.s32 $0x70, s21;
	[sflag:s0] =	ssyncadd.s32 $0xFFFFF800  }
0x2d6: {  	[tilespmem:s23], [sflag:$0x2] =	stream.indirect.gather [hbm4b:s6+s22], $0x80, s25, s22, $0xb8;
	[tilespmem:$0x1C600] =	vst v63  }
0x2d7: {  	_ =	swait.ge [sflag:s12], $0x800  }
0x2d8: {  	[sflag:s12] =	ssyncset.done $0x0  }
0x2d9: {  	s25 =	sadd.s32 $0x27A0, s21;
	[sflag:s12] =	ssyncadd.s32 $0xFFFFF800  }
0x2da: {  	[spmem:s2] =	stream.indirect.scatter.add.f32 [tilespmem:s24], [sflag:$0x7], $0x80, s25, s22, $0xb8;
	[tilespmem:$0x1C600] =	vst v63  }
0x2db: {  	_ =	swait.ge [sflag:s0], $0x800  }
0x2dc: {  	[sflag:s0] =	ssyncset.done $0x0  }
0x2dd: {  	s25 =	sadd.s32 $0x80, s21;
	[sflag:s0] =	ssyncadd.s32 $0xFFFFF800  }
0x2de: {  	[tilespmem:s24], [sflag:$0x3] =	stream.indirect.gather [hbm4b:s6+s22], $0x80, s25, s22, $0xb8;
	[tilespmem:$0x1C600] =	vst v63  }
0x2df: {  	_ =	swait.ge [sflag:s13], $0x800  }
0x2e0: {  	[sflag:s13] =	ssyncset.done $0x0  }
0x2e1: {  	s25 =	sadd.s32 $0x27B0, s21;
	[sflag:s13] =	ssyncadd.s32 $0xFFFFF800  }
0x2e2: {  	[spmem:s2] =	stream.indirect.scatter.add.f32 [tilespmem:s1], [sflag:$0x7], $0x80, s25, s22, $0xb8;
	[tilespmem:$0x1C600] =	vst v63  }
0x2e3: {  	_ =	swait.ge [sflag:s0], $0x800  }
0x2e4: {  	[sflag:s0] =	ssyncset.done $0x0  }
0x2e5: {  	s25 =	sadd.s32 $0x90, s21;
	[sflag:s0] =	ssyncadd.s32 $0xFFFFF800  }
0x2e6: {  	[tilespmem:s1], [sflag:$0x4] =	stream.indirect.gather [hbm4b:s6+s22], $0x80, s25, s22, $0xb8;
	[tilespmem:$0x1C600] =	vst v63  }
0x2e7: {  	_ =	swait.ge [sflag:s14], $0x800  }
0x2e8: {  	[sflag:s14] =	ssyncset.done $0x0  }
0x2e9: {  	s25 =	sadd.s32 $0x27C0, s21;
	[sflag:s14] =	ssyncadd.s32 $0xFFFFF800  }
0x2ea: {  	[spmem:s2] =	stream.indirect.scatter.add.f32 [tilespmem:s8], [sflag:$0x7], $0x80, s25, s22, $0xb8;
	[tilespmem:$0x1C600] =	vst v63  }
0x2eb: {  	_ =	swait.ge [sflag:s0], $0x800  }
0x2ec: {  	[sflag:s0] =	ssyncset.done $0x0  }
0x2ed: {  	s25 =	sadd.s32 $0xA0, s21;
	[sflag:s0] =	ssyncadd.s32 $0xFFFFF800  }
0x2ee: {  	[tilespmem:s8], [sflag:$0x5] =	stream.indirect.gather [hbm4b:s6+s22], $0x80, s25, s22, $0xb8;
	[tilespmem:$0x1C600] =	vst v63  }
0x2ef: {  	_ =	swait.ge [sflag:s15], $0x800  }
0x2f0: {  	[sflag:s15] =	ssyncset.done $0x0  }
.Ltmp6:
0x2f1: {  	s25 =	sadd.s32 $0x27D0, s21;
	[sflag:s15] =	ssyncadd.s32 $0xFFFFF800;
	(pc) =	sbr.rel @p1 .LBB2_8-.Ltmp6, $4  }
0x2f2: {  	[spmem:s2] =	stream.indirect.scatter.add.f32 [tilespmem:s9], [sflag:$0x7], $0x80, s25, s22, $0xb8;
	[tilespmem:$0x1C600] =	vst v63  }
0x2f3: {  	_ =	swait.ge [sflag:s0], $0x800  }
0x2f4: {  	[sflag:s0] =	ssyncset.done $0x0  }
0x2f5: {  	s21 =	sadd.s32 $0xB0, s21;
	[sflag:s0] =	ssyncadd.s32 $0xFFFFF800  }
.Ltmp7:
0x2f6: {  	_ = 	snop;
	(pc) =	sbr.rel .LBB2_9-.Ltmp7, $1  }
0x2f7: {  	_ =	sdelay $0x3  }
.LBB2_11:
0x2f8: {  	_ =	sfence.sel $0x180000  }
0x2f9: {  	[bflag:$0x0] =	sbarrier.arrive $0xFFFF  }
0x2fa: {  	_ =	strace $0x90000047  }
0x2fb: {  	s0 =	stileid.u32;
	[bflag:$0x2] =	sbarrier.arrive $0xFFFF  }
0x2fc: {  	p0 =	sne.s32 s0, $0x0;
	s0 =	rddreg [dreg:$0x3]  }
0x2fd: {  	s0 =	sadd.s32 @!p0 $0x100000, s0  }
0x2fe: {  	[sflag:s0] =	ssyncadd.tile.s32 @!p0 $0x1;
	_ =	shalt  }
.Lfunc_end2:
_tile_overlayer_lowered:
.L_overlay_start_2:
0x2ff: {  	(tag) =	ssettag $0x2  }
0x300: {  	s0 =	rddreg [dreg:$0x0];
	s2 =	stileid.u32  }
0x301: {  	s1 =	rddreg [dreg:$0x1];
	p0 =	sne.s32 s2, $0x0  }
0x302: {  	s3 =	rddreg [dreg:$0x2];
	[bflag:$0x3] =	sbarrier.arrive $0xFFFF;
	s2 =	simm.s32 @!p0 $0x1C07  }
0x303: {  	[timem:s3], [sflag:s2] =	dma.local @!p0 [hbm:s0], s1  }
0x304: {  	s0 =	simm.s32 @!p0 $0x7  }
0x305: {  	_ =	swait.ge @!p0 [sflag:s0], s1  }
0x306: {  	s1 =	ssub.s32 @!p0 $0x0, s1;
	[sflag:s0] =	ssyncset.done @!p0 $0x0  }
0x307: {  	[sflag:s0] =	ssyncadd.s32 @!p0 s1  }
0x308: {  	[bflag:$0x3] =	sbarrier.arrive $0xFFFF  }
0x309: {  	_ =	shalt  }

// kernel: kernel.8.cloned.1.call-start
scs
__scs_entry_jumppad:
0x0: {  	(pc) =	sbr.rel $0x88, $3  }
0x1: {  	(tag) =	ssettag $0x0;
	lr =	simm.s32 $0x1  }
0x2: {  	[smem:$0x3F99] =	sst lr;
	_ =	strace $0xD0000000  }
0x3: {  	_ = 	snop  }
0x4: {  	_ = 	snop  }
0x5: {  	_ = 	snop  }
0x6: {  	_ = 	snop  }
0x7: {  	_ = 	snop  }
__scs_overlays_trampoline_lowered:
0x8: {  	[smem:$0x3FA8] =	sst s0  }
0x9: {  	[smem:$0x3FA9] =	sst s1  }
0xa: {  	[smem:$0x3FAA] =	sst s2  }
0xb: {  	[smem:$0x3FAB] =	sst s3  }
0xc: {  	[smem:$0x3FAC] =	sst s4  }
0xd: {  	[smem:$0x3FAD] =	sst s5  }
0xe: {  	[smem:$0x3FAE] =	sst s6  }
0xf: {  	[smem:$0x3FAF] =	sst s7  }
0x10: {  	[smem:$0x3FB0] =	sst s8  }
0x11: {  	[smem:$0x3FB1] =	sst s9;
	s0 =	simm.s32 @!p0 $0x0  }
0x12: {  	s1 =	sld [smem:$0x3F97];
	s0 =	simm.s32 @p0 $0x1  }
0x13: {  	[smem:$0x3FB2] =	sst s0;
	s0 =	simm.s32 @!p1 $0x0  }
0x14: {  	s2 =	sld [smem:$0x3F96];
	s0 =	simm.s32 @p1 $0x1  }
0x15: {  	[smem:$0x3FB3] =	sst s0;
	s0 =	simm.s32 @!p2 $0x0  }
0x16: {  	s3 =	sld [smem:$0x3FDB];
	s0 =	simm.s32 @p2 $0x1  }
0x17: {  	s4 =	simm.s32 $0x1BF5;
	[smem:$0x3FB5] =	sst s0  }
0x18: {  	s0 =	sld [smem:$0x3F98];
	_ =	swait.ge [sflag:s4], $0x0  }
0x19: {  	s7 =	sld [smem:$0x3F99]  }
0x1a: {  	s8 =	sadd.s32 $0xFFFFE003, lr  }
0x1b: {  	s9 =	sadd.s32 $0xFFFFFEF7, lr;
	s5 =	simm.s32 $0xFFFFFFFF;
	p2 =	slt.u32 s8, $0xFFFFF086  }
0x1c: {  	p1 =	slt.u32 s9, $0xF7A;
	s5 =	simm.s32 @!p2 $0x0  }
0x1d: {  	s5 =	simm.s32 @p1 $0x1;
	p0 =	seq.s32 s7, s2  }
0x1e: {  	s7 =	smul.u32 @!p0 $0xF7A, s2;
	p2 =	seq.s32 @!p0 s5, $0x0  }
0x1f: {  	s9 =	smul.u32 $0xF7A, s1;
	s8 =	simm.s32 @!p0 $0x1BF5;
	p2 =	por !p2, p0  }
0x20: {  	[sflag:s8] =	ssyncset.s32 @!p0 $0xFFFFF086;
	s6 =	sadd.s32 @!p0 s3, s7;
	s7 =	simm.s32 @!p0 $0x108  }
0x21: {  	s3 =	sadd.s32 s3, s9;
	s6 =	sadd.s32 @!p0 $0x88, s6;
	s7 =	simm.s32 @p2 $0x1082  }
0x22: {  	[simem:s7], [sflag:s8] =	dma.local @!p0 [hbm:s6], $0xF7A  }
0x23: {  	s9 =	sor.u32 $0xD0000000, s2;
	s6 =	simm.s32 $0x108;
	_ =	swait.ge @!p0 [sflag:s8], $0x0  }
0x24: {  	s3 =	sadd.s32 $0x88, s3;
	s6 =	simm.s32 @!p1 $0x1082;
	[sflag:s4] =	ssyncset.s32 $0xFFFFF086  }
0x25: {  	[simem:s6], [sflag:s4] =	dma.local [hbm:s3], $0xF7A  }
0x26: {  	[smem:$0x3F99] =	sst s1;
	(tag) =	ssettag s2;
	_ =	strace s9  }
0x27: {  	s1 =	sld [smem:$0x3FA9]  }
0x28: {  	s2 =	sld [smem:$0x3FAA]  }
0x29: {  	s4 =	sld [smem:$0x3FAC]  }
0x2a: {  	p0 =	seq.s32 s5, $0x0;
	s5 =	sld [smem:$0x3FAD]  }
0x2b: {  	s6 =	sld [smem:$0x3FAE]  }
0x2c: {  	s7 =	sld [smem:$0x3FAF]  }
0x2d: {  	s3 =	simm.s32 $0x108;
	s8 =	sld [smem:$0x3FB0]  }
0x2e: {  	s3 =	simm.s32 @!p0 $0x1082;
	s9 =	sld [smem:$0x3FB1]  }
0x2f: {  	lr =	sadd.s32 s0, s3;
	s0 =	sld [smem:$0x3FA8]  }
0x30: {  	s3 =	sld [smem:$0x3FAB]  }
0x31: {  	[smem:$0x3FB4] =	sst s10  }
0x32: {  	s10 =	sld [smem:$0x3FB2];
	_ =	sdelay $0x3  }
0x33: {  	p0 =	seq.s32 s10, $0x1;
	s10 =	sld [smem:$0x3FB4];
	_ =	sdelay $0x3  }
0x34: {  	[smem:$0x3FB4] =	sst s10  }
0x35: {  	s10 =	sld [smem:$0x3FB3];
	_ =	sdelay $0x3  }
0x36: {  	p1 =	seq.s32 s10, $0x1;
	s10 =	sld [smem:$0x3FB4];
	_ =	sdelay $0x3  }
0x37: {  	[smem:$0x3FB4] =	sst s10  }
0x38: {  	s10 =	sld [smem:$0x3FB5]  }
0x39: {  	_ = 	snop;
	(pc) =	sbr.ind lr, $3  }
0x3a: {  	_ = 	snop  }
0x3b: {  	_ = 	snop  }
0x3c: {  	p2 =	seq.s32 s10, $0x1;
	s10 =	sld [smem:$0x3FB4]  }
0x3d: {  	_ =	shalt  }
0x3e: {  	_ =	shalt  }
0x3f: {  	_ =	shalt  }
0x40: {  	_ =	shalt  }
0x41: {  	_ =	shalt  }
0x42: {  	_ =	shalt  }
0x43: {  	_ =	shalt  }
0x44: {  	_ =	shalt  }
0x45: {  	_ =	shalt  }
0x46: {  	_ =	shalt  }
0x47: {  	_ =	shalt  }
0x48: {  	_ =	shalt  }
0x49: {  	_ =	shalt  }
0x4a: {  	_ =	shalt  }
0x4b: {  	_ =	shalt  }
0x4c: {  	_ =	shalt  }
0x4d: {  	_ =	shalt  }
0x4e: {  	_ =	shalt  }
0x4f: {  	_ =	shalt  }
0x50: {  	_ =	shalt  }
0x51: {  	_ =	shalt  }
0x52: {  	_ =	shalt  }
0x53: {  	_ =	shalt  }
0x54: {  	_ =	shalt  }
0x55: {  	_ =	shalt  }
0x56: {  	_ =	shalt  }
0x57: {  	_ =	shalt  }
0x58: {  	_ =	shalt  }
0x59: {  	_ =	shalt  }
0x5a: {  	_ =	shalt  }
0x5b: {  	_ =	shalt  }
0x5c: {  	_ =	shalt  }
0x5d: {  	_ =	shalt  }
0x5e: {  	_ =	shalt  }
0x5f: {  	_ =	shalt  }
0x60: {  	_ =	shalt  }
0x61: {  	_ =	shalt  }
0x62: {  	_ =	shalt  }
0x63: {  	_ =	shalt  }
0x64: {  	_ =	shalt  }
0x65: {  	_ =	shalt  }
0x66: {  	_ =	shalt  }
0x67: {  	_ =	shalt  }
0x68: {  	_ =	shalt  }
0x69: {  	_ =	shalt  }
0x6a: {  	_ =	shalt  }
0x6b: {  	_ =	shalt  }
0x6c: {  	_ =	shalt  }
0x6d: {  	_ =	shalt  }
0x6e: {  	_ =	shalt  }
0x6f: {  	_ =	shalt  }
0x70: {  	_ =	shalt  }
0x71: {  	_ =	shalt  }
0x72: {  	_ =	shalt  }
0x73: {  	_ =	shalt  }
0x74: {  	_ =	shalt  }
0x75: {  	_ =	shalt  }
0x76: {  	_ =	shalt  }
0x77: {  	_ =	shalt  }
0x78: {  	_ =	shalt  }
0x79: {  	_ =	shalt  }
0x7a: {  	_ =	shalt  }
0x7b: {  	_ =	shalt  }
0x7c: {  	_ =	shalt  }
0x7d: {  	_ =	shalt  }
0x7e: {  	_ =	shalt  }
0x7f: {  	_ =	shalt  }
0x80: {  	_ =	shalt  }
0x81: {  	_ =	shalt  }
0x82: {  	_ =	shalt  }
0x83: {  	_ =	shalt  }
0x84: {  	_ =	shalt  }
0x85: {  	_ =	shalt  }
0x86: {  	_ =	shalt  }
0x87: {  	_ =	shalt  }
.Lfunc_end0:
.L_simem_size_0:
called_computation.1_lowered:
.L_overlay_start_0:
0x88: {  	s2 =	sld [smem:$0x3FD9]  }
0x89: {  	s3 =	sld [smem:$0x3FFE];
	_ =	sdelay $0x1  }
0x8a: {  	s1 =	srdreg.scid  }
0x8b: {  	s0 =	sand.u32 $0x1, s1  }
0x8c: {  	s17 =	sshll.u32 s0, $0xA;
	s2 =	sadd.s32 s3, s2  }
0x8d: {  	s2 =	sadd.s32 s2, s17  }
0x8e: {  	[smem:$0x3FC0] =	sst s2  }
0x8f: {  	_ = 	snop  }
0x90: {  	s2 =	sld [smem:$0x3FD0];
	(tm) =	ssettm $0x1  }
0x91: {  	s18 =	sld [smem:$0x3FFB];
	_ =	sdelay $0x3  }
0x92: {  	_ =	strace s18  }
0x93: {  	s3 =	sld [smem:$0x3FFC];
	_ =	sdelay $0x3  }
0x94: {  	_ =	strace s3  }
0x95: {  	s3 =	sld [smem:$0x3FFD];
	_ =	sdelay $0x3  }
0x96: {  	_ =	strace s3  }
0x97: {  	_ =	strace $0x8FFFFFFF  }
0x98: {  	s19 =	sld [smem:$0x3FDB];
	_ =	sdelay $0x1  }
0x99: {  	s4 =	simm.s32 $_scs_section_size  }
0x9a: {  	s5 =	simm.s32 $_size__tile_overlayer_lowered;
	s6 =	simm.s32 $_tile_overlayer_lowered  }
0x9b: {  	s22 =	simm.s32 $0x1BFF;
	s21 =	sshll.u32 s6, $0x1;
	s3 =	sadd.s32 s4, s19  }
0x9c: {  	s7 =	simm.s32 $0x0;
	s20 =	sshll.u32 s5, $0x1;
	s5 =	sadd.s32 s21, s3  }
0x9d: {  	[timem:s7], [sflag:s22] =	dma.local [hbm:s5], s20  }
0x9e: {  	_ =	swait.ge [sflag:s22], s20  }
0x9f: {  	s4 =	ssub.s32 $0x0, s20;
	[sflag:s22] =	ssyncset.done $0x0  }
0xa0: {  	[sflag:s22] =	ssyncadd.s32 s4;
	_ =	sdelay $0x1  }
0xa1: {  	s23 =	simm.s32 $0x1B8B  }
0xa2: {  	_ =	swait.ge [sflag:s23], $0x1  }
0xa3: {  	[sflag:s23] =	ssyncset.done $0x0  }
0xa4: {  	s25 =	simm.s32 $0x1B8E;
	s24 =	sld [smem:$0x3FFE];
	[sflag:s23] =	ssyncadd.s32 $0xFFFFFFFF  }
0xa5: {  	s26 =	simm.s32 $execute0_lowered;
	[smem:$0x3FD2] =	sst s25  }
0xa6: {  	s5 =	sshll.u32 s26, $0x1;
	_ =	strace $0x80000049;
	[dreg:$0x1] =	wrdreg $0xFFFFFFFF  }
0xa7: {  	s28 =	simm.s32 $_size_execute0_lowered;
	s3 =	sadd.s32 s3, s5;
	[dreg:$0x0] =	wrdreg $0x0  }
0xa8: {  	s5 =	sshll.u32 s28, $0x1;
	[dreg:$0x2] =	wrdreg s3  }
0xa9: {  	[dreg:$0x3] =	wrdreg s5  }
0xaa: {  	[dreg:$0x4] =	wrdreg $0xC0  }
0xab: {  	_ =	task [dreg:s7], $0x5FFFF  }
0xac: {  	[dreg:$0x1] =	wrdreg $0xFFFFFFFF  }
0xad: {  	[dreg:$0x0] =	wrdreg $0x60  }
0xae: {  	[dreg:$0x2] =	wrdreg s24  }
0xaf: {  	[dreg:$0x3] =	wrdreg s2  }
0xb0: {  	[dreg:$0x4] =	wrdreg $0xCF000  }
0xb1: {  	[dreg:$0x5] =	wrdreg $0x9  }
0xb2: {  	_ =	task.clear_ibuf [dreg:s7], $0x6FFFF;
	_ =	strace $0x90000049  }
0xb3: {  	s29 =	simm.s32 $0x9;
	_ =	strace $0x8000004B  }
0xb4: {  	_ =	swait.ge [sflag:s29], $0x1  }
0xb5: {  	[sflag:s29] =	ssyncadd.s32 $0xFFFFFFFF  }
0xb6: {  	_ =	strace $0x9000004B  }
0xb7: {  	_ =	sfence  }
0xb8: {  	s30 =	sld [smem:$0x0];
	_ =	sdelay $0x2  }
0xb9: {  	s31 =	sshll.u32 s1, $0xD;
	s1 =	sshrl.u32 s1, $0x2  }
0xba: {  	s3 =	sand.u32 $0x4000, s31;
	s1 =	sadd.s32 s1, s30  }
0xbb: {  	s0 =	sor.u32 s3, s0;
	s1 =	sshll.u32 s1, $0x11  }
0xbc: {  	s0 =	sor.u32 s1, s0  }
0xbd: {  	s0 =	sadd.s32 $0x8F2B, s0  }
0xbe: {  	[sflag:s0] =	ssyncadd.remote.s32 $0x1  }
0xbf: {  	_ =	sfence.sel $0xFFFF  }
0xc0: {  	[dreg:$0x0] =	wrdreg $0xFFFFFFFF;
	(pc) =	sbr.abs _section_cstart, $3  }
0xc1: {  	[dreg:$0x1] =	wrdreg $0xFFFFFFFF  }
0xc2: {  	_ =	task.clear_ibuf [dreg:s7], $0x2FFFF;
	_ =	strace $0x9FFFFFFF  }
0xc3: {  	(tm) =	ssettm $0x7FFFFFFF  }
tec
execute0_lowered:
.L_overlay_start_1:
0x0: {  	(tag) =	ssettag $0x1  }
0x1: {  	s3 =	srdreg.scid  }
0x2: {  	s3 =	sand.u32 $0x1, s3  }
0x3: {  	p0 =	seq.s32 s3, $0x1  }
.Ltmp0:
0x4: {  	s1 =	rddreg [dreg:$0x0];
	(pc) =	sbr.rel @p0 .LBB2_8-.Ltmp0, $4  }
0x5: {  	s0 =	rddreg [dreg:$0x1]  }
0x6: {  	s2 =	rddreg [dreg:$0x2];
	s18 =	simm.s32 $0x0  }
0x7: {  	[smem:$0x7FF] =	sst s18  }
0x8: {  	s4 =	rddreg [dreg:$0x3];
	s12 =	stileid.u32;
	_ =	strace $0x8000004A  }
0x9: {  	s3 =	smul.u32 $0x50, s12  }
0xa: {  	s5 =	sadd.s32 $0x1000, s1;
	s6 =	smul.u32 $0x5000, s12  }
0xb: {  	[tilespmem:s18], [sflag:$0x1] =	stream.linear.gather [hbm4b:s5+s18], $0x2800, $0x38;
	[tilespmem:$0xF700] =	vst v63  }
0xc: {  	s4 =	sshrl.u32 s12, $0x3;
	s8 =	sshll.u32 s12, $0x7;
	s6 =	sshrl.u32 s6, $0x2  }
0xd: {  	s26 =	sadd.s32 $0x1600, s1;
	s11 =	sand.u32 $0x380, s8;
	s8 =	sadd.s32 s6, s2  }
0xe: {  	s9 =	sadd.s32 $0x4EE00, s1;
	[dreg:$0x5] =	wrdreg s26;
	s29 =	sadd.s32 $0x100, s8  }
0xf: {  	s10 =	sadd.s32 $0x53E00, s1;
	s30 =	sadd.s32 $0x180, s8;
	[smem:$0x7E0] =	sst s29  }
0x10: {  	s15 =	simm.s32 $0x1;
	s31 =	sadd.s32 $0x200, s8;
	[smem:$0x7E1] =	sst s30  }
0x11: {  	s4 =	smul.u32 $0x50000, s4;
	s6 =	sadd.s32 $0x300, s8;
	[smem:$0x7E2] =	sst s31  }
0x12: {  	s17 =	smul.u32 $0x4F0, s12;
	s13 =	sadd.s32 $0x14000, s8;
	[smem:$0x7E4] =	sst s6  }
0x13: {  	s4 =	sshrl.u32 s4, $0x2;
	s14 =	sadd.s32 $0x14080, s8;
	[dreg:$0x13] =	wrdreg s13  }
0x14: {  	s4 =	sadd.s32 s4, s2;
	s16 =	sadd.s32 $0x14100, s8;
	[dreg:$0xe] =	wrdreg s14  }
0x15: {  	s28 =	sadd.s32 s11, s4;
	s4 =	sadd.s32 $0x280, s8;
	[dreg:$0xd] =	wrdreg s16  }
0x16: {  	s22 =	simm.s32 $0x5000;
	s11 =	sadd.s32 $0x380, s8;
	[smem:$0x7E3] =	sst s4  }
0x17: {  	s7 =	sadd.s32 s3, s1;
	s19 =	sadd.s32 $0x14180, s8;
	[dreg:$0x19] =	wrdreg s11  }
0x18: {  	s20 =	sadd.s32 $0x14200, s8;
	_ =	swait.ge [sflag:s15], $0x2800;
	[dreg:$0xc] =	wrdreg s19  }
0x19: {  	s21 =	sadd.s32 s9, s17;
	s23 =	sadd.s32 $0x14280, s8;
	[dreg:$0xb] =	wrdreg s20  }
0x1a: {  	s24 =	sadd.s32 $0x14300, s8;
	[dreg:$0xa] =	wrdreg s23;
	[sflag:s15] =	ssyncset.done $0x0  }
0x1b: {  	s25 =	sadd.s32 $0x14380, s8;
	[dreg:$0x9] =	wrdreg s24;
	[sflag:s15] =	ssyncadd.s32 $0xFFFFD800  }
0x1c: {  	[tilespmem:s22], [sflag:$0x1] =	stream.linear.gather [hbm4b:s21+s18], $0x2780, $0x38;
	[tilespmem:$0xF700] =	vst v63  }
0x1d: {  	s26 =	sadd.s32 $0xA8E00, s7;
	_ =	swait.ge [sflag:s15], $0x2780;
	[dreg:$0x8] =	wrdreg s25  }
0x1e: {  	s0 =	sadd.s32 s0, s3;
	s30 =	sadd.s32 $0xA00, s7;
	[dreg:$0x6] =	wrdreg s26  }
0x1f: {  	s29 =	simm.s32 $0x7780;
	[dreg:$0x7] =	wrdreg s30;
	[sflag:s15] =	ssyncset.done $0x0  }
0x20: {  	s4 =	sadd.s32 s10, s17;
	[dreg:$0x4] =	wrdreg s0;
	[sflag:s15] =	ssyncadd.s32 $0xFFFFD880  }
0x21: {  	[tilespmem:s29], [sflag:$0x1] =	stream.linear.gather [hbm4b:s4+s18], $0x2780, $0x38;
	[tilespmem:$0xF700] =	vst v63  }
0x22: {  	s29 =	sadd.s32 $0x700, s8;
	_ =	swait.ge [sflag:s15], $0x2780  }
0x23: {  	s31 =	sadd.s32 $0xB00, s8;
	[smem:$0x7E5] =	sst s29  }
0x24: {  	s30 =	sadd.s32 $0xF00, s8;
	[smem:$0x7E6] =	sst s31  }
0x25: {  	[smem:$0x7E7] =	sst s30;
	s31 =	sadd.s32 $0x1300, s8  }
0x26: {  	s30 =	sadd.s32 $0x780, s8;
	[smem:$0x7E8] =	sst s31  }
0x27: {  	[smem:$0x7E9] =	sst s30;
	s31 =	sadd.s32 $0xB80, s8  }
0x28: {  	s30 =	sadd.s32 $0xF80, s8;
	[smem:$0x7EA] =	sst s31  }
0x29: {  	[smem:$0x7EB] =	sst s30;
	s31 =	sadd.s32 $0x1380, s8  }
0x2a: {  	s30 =	sadd.s32 $0x14400, s8;
	[smem:$0x7EC] =	sst s31  }
0x2b: {  	[smem:$0x7ED] =	sst s30;
	s31 =	sadd.s32 $0x14800, s8  }
0x2c: {  	s30 =	sadd.s32 $0x14C00, s8;
	[smem:$0x7EE] =	sst s31  }
0x2d: {  	[smem:$0x7EF] =	sst s30;
	s31 =	sadd.s32 $0x15000, s8  }
0x2e: {  	s30 =	sadd.s32 $0x14480, s8;
	[smem:$0x7F0] =	sst s31  }
0x2f: {  	[smem:$0x7F1] =	sst s30;
	s31 =	sadd.s32 $0x14880, s8  }
0x30: {  	s30 =	sadd.s32 $0x14C80, s8;
	[smem:$0x7F2] =	sst s31  }
0x31: {  	s2 =	sadd.s32 $0x80, s8;
	[smem:$0x7F3] =	sst s30;
	s31 =	sadd.s32 $0x15080, s8  }
0x32: {  	s1 =	sadd.s32 $0x900, s8;
	s30 =	sadd.s32 $0x14500, s8;
	[smem:$0x7F4] =	sst s31  }
0x33: {  	s12 =	sadd.s32 $0xD80, s8;
	[smem:$0x7F5] =	sst s30;
	s31 =	sadd.s32 $0x14900, s8  }
0x34: {  	s9 =	sadd.s32 $0xA00, s8;
	s30 =	sadd.s32 $0x14D00, s8;
	[smem:$0x7F6] =	sst s31  }
0x35: {  	s5 =	sadd.s32 $0x680, s8;
	[smem:$0x7F7] =	sst s30;
	s31 =	sadd.s32 $0x15100, s8  }
0x36: {  	s3 =	sadd.s32 $0xE80, s8;
	s30 =	sadd.s32 $0x14580, s8;
	[smem:$0x7F8] =	sst s31  }
0x37: {  	s16 =	sadd.s32 $0xD00, s8;
	[smem:$0x7F9] =	sst s30;
	s31 =	sadd.s32 $0x14980, s8  }
0x38: {  	s14 =	sadd.s32 $0x580, s8;
	s30 =	sadd.s32 $0x14D80, s8;
	[smem:$0x7FA] =	sst s31  }
0x39: {  	s13 =	sadd.s32 $0x980, s8;
	[smem:$0x7FB] =	sst s30;
	s31 =	sadd.s32 $0x15180, s8  }
0x3a: {  	s7 =	sadd.s32 $0xE00, s8;
	s30 =	sadd.s32 $0x14600, s8;
	[smem:$0x7FC] =	sst s31  }
0x3b: {  	s6 =	sadd.s32 $0x1200, s8;
	[smem:$0x7FD] =	sst s30;
	s31 =	sadd.s32 $0x14A00, s8  }
0x3c: {  	s17 =	sadd.s32 $0x500, s8;
	s30 =	sadd.s32 $0x14E00, s8;
	[dreg:$0x1f] =	wrdreg s31  }
0x3d: {  	s11 =	sadd.s32 $0x1180, s8;
	[dreg:$0x1e] =	wrdreg s30;
	s31 =	sadd.s32 $0x15200, s8  }
0x3e: {  	s10 =	sadd.s32 $0x600, s8;
	s30 =	sadd.s32 $0x14680, s8;
	[dreg:$0x1d] =	wrdreg s31  }
0x3f: {  	s24 =	sadd.s32 $0x800, s8;
	[dreg:$0x1c] =	wrdreg s30;
	s31 =	sadd.s32 $0x14A80, s8  }
0x40: {  	s23 =	sadd.s32 $0x1000, s8;
	s30 =	sadd.s32 $0x14E80, s8;
	[dreg:$0x1b] =	wrdreg s31  }
0x41: {  	s20 =	sadd.s32 $0xC80, s8;
	[dreg:$0x1a] =	wrdreg s30;
	s31 =	sadd.s32 $0x15280, s8  }
0x42: {  	s19 =	sadd.s32 $0x1080, s8;
	s30 =	sadd.s32 $0x14700, s8;
	[dreg:$0x18] =	wrdreg s31  }
0x43: {  	s22 =	sadd.s32 $0x480, s8;
	[dreg:$0x17] =	wrdreg s30;
	s31 =	sadd.s32 $0x14B00, s8  }
0x44: {  	s21 =	sadd.s32 $0x880, s8;
	s30 =	sadd.s32 $0x14F00, s8;
	[dreg:$0x16] =	wrdreg s31  }
0x45: {  	s26 =	sadd.s32 $0x400, s8;
	[dreg:$0x15] =	wrdreg s30;
	s31 =	sadd.s32 $0x15300, s8  }
0x46: {  	s25 =	sadd.s32 $0xC00, s8;
	s30 =	sadd.s32 $0x14780, s8;
	[dreg:$0x14] =	wrdreg s31  }
0x47: {  	s0 =	sadd.s32 $0x1280, s8;
	[dreg:$0x11] =	wrdreg s30;
	s31 =	sadd.s32 $0x14B80, s8  }
0x48: {  	s4 =	sadd.s32 $0xA80, s8;
	s30 =	sadd.s32 $0x14F80, s8;
	[dreg:$0x12] =	wrdreg s31  }
0x49: {  	[sflag:s15] =	ssyncset.done $0x0;
	[dreg:$0x10] =	wrdreg s30;
	s31 =	sadd.s32 $0x15380, s8  }
0x4a: {  	v0 =	vimm.f32 $0.0e+00;
	[sflag:s15] =	ssyncadd.s32 $0xFFFFD880;
	s15 =	sadd.s32 $0x1100, s8;
	[dreg:$0xf] =	wrdreg s31  }
.LBB2_2:
0x4b: {  	p0 =	sne.s32 s18, $0x9FC0  }
.Ltmp1:
0x4c: {  	_ = 	snop;
	(pc) =	sbr.rel @p0 .LBB2_2-.Ltmp1, $3  }
0x4d: {  	_ =	sdelay $0x1  }
0x4e: {  	s29 =	sshra.s32 s18, $0x2  }
0x4f: {  	s18 =	sadd.s32 $0x40, s18;
	[tilespmem:s29+$0x2800] =	vst v0  }
0x50: {  	s18 =	simm.s32 $0x0  }
0x51: {  	s29 =	simm.s32 $0x2800;
	s31 =	simm.s32 $0x0;
	s30 =	simm.s32 $0x40  }
.LBB2_4:
0x52: {  	p0 =	sne.s32 s30, $0x9DC0;
	v0 =	vld [tilespmem:s31+$0x5000];
	_ =	sdelay $0x5  }
0x53: {  	v1 =	vld [tilespmem:s31+$0x7780];
	_ =	sdelay $0x1  }
0x54: {  	v0 =	vld.idx.msk [tilespmem:v0+s18+$0x0], $0xffff;
	_ =	sdelay $0x1  }
.Ltmp2:
0x55: {  	(pc) =	sbr.rel @p0 .LBB2_4-.Ltmp2, $2  }
0x56: {  	_ =	sdelay $0x2  }
0x57: {  	s31 =	sshra.s32 s30, $0x2;
	s30 =	sadd.s32 $0x40, s30;
	[tilespmem:v1+s29+$0x0] =	vst.idx.add.f32.msk $0xffff, v0  }
0x58: {  	v0 =	vld [tilespmem:s31+$0x5000];
	_ =	sdelay $0x4  }
0x59: {  	v1 =	vld [tilespmem:s31+$0x7780];
	_ =	sdelay $0x2  }
0x5a: {  	v0 =	vld.idx.msk [tilespmem:v0+s18+$0x0], $0xffff;
	_ =	sdelay $0x4  }
0x5b: {  	s31 =	simm.s32 $0x400;
	s30 =	simm.s32 $0x2800;
	s18 =	simm.s32 $0x80;
	[tilespmem:v1+s29+$0x0] =	vst.idx.add.f32.msk $0xffff, v0  }
0x5c: {  	[spmem:s28] =	stream.strided.scatter [tilespmem:s30], [sflag:$0x1], $0x2800, s31, s18, $0x38;
	[tilespmem:$0xF700] =	vst v63  }
0x5d: {  	s28 =	simm.s32 $0x1  }
0x5e: {  	_ =	swait.ge [sflag:s28], $0x2800  }
0x5f: {  	[sflag:s28] =	ssyncset.done $0x0  }
0x60: {  	[sflag:s28] =	ssyncadd.s32 $0xFFFFD800  }
0x61: {  	s31 =	simm.s32 $0x9F00;
	[bflag:$0x0] =	sbarrier.arrive $0xFFFF  }
0x62: {  	[tilespmem:s31], [sflag:$0x1] =	stream.linear.gather [spmem:s8], $0x80, $0x38;
	[tilespmem:$0xF700] =	vst v63  }
0x63: {  	s18 =	simm.s32 $0xA300  }
0x64: {  	[tilespmem:s18], [sflag:$0x1] =	stream.linear.gather [spmem:s26], $0x80, $0x38;
	[tilespmem:$0xF700] =	vst v63  }
0x65: {  	s26 =	simm.s32 $0xA700  }
0x66: {  	[tilespmem:s26], [sflag:$0x1] =	stream.linear.gather [spmem:s24], $0x80, $0x38;
	[tilespmem:$0xF700] =	vst v63  }
0x67: {  	s29 =	simm.s32 $0xAB00  }
0x68: {  	[tilespmem:s29], [sflag:$0x1] =	stream.linear.gather [spmem:s25], $0x80, $0x38;
	[tilespmem:$0xF700] =	vst v63  }
0x69: {  	s30 =	simm.s32 $0xAF00  }
0x6a: {  	[tilespmem:s30], [sflag:$0x1] =	stream.linear.gather [spmem:s23], $0x80, $0x38;
	[tilespmem:$0xF700] =	vst v63  }
0x6b: {  	_ =	swait.ge [sflag:s28], $0x280  }
0x6c: {  	[sflag:s28] =	ssyncset.done $0x0  }
0x6d: {  	s31 =	simm.s32 $0x9F80;
	[sflag:s28] =	ssyncadd.s32 $0xFFFFFD80  }
0x6e: {  	[tilespmem:s31], [sflag:$0x1] =	stream.linear.gather [spmem:s2], $0x80, $0x38;
	[tilespmem:$0xF700] =	vst v63  }
0x6f: {  	s18 =	simm.s32 $0xA380  }
0x70: {  	[tilespmem:s18], [sflag:$0x1] =	stream.linear.gather [spmem:s22], $0x80, $0x38;
	[tilespmem:$0xF700] =	vst v63  }
0x71: {  	s23 =	simm.s32 $0xA780  }
0x72: {  	[tilespmem:s23], [sflag:$0x1] =	stream.linear.gather [spmem:s21], $0x80, $0x38;
	[tilespmem:$0xF700] =	vst v63  }
0x73: {  	s24 =	simm.s32 $0xAB80  }
0x74: {  	[tilespmem:s24], [sflag:$0x1] =	stream.linear.gather [spmem:s20], $0x80, $0x38;
	[tilespmem:$0xF700] =	vst v63  }
0x75: {  	s25 =	simm.s32 $0xAF80  }
0x76: {  	[tilespmem:s25], [sflag:$0x1] =	stream.linear.gather [spmem:s19], $0x80, $0x38;
	[tilespmem:$0xF700] =	vst v63  }
0x77: {  	_ =	swait.ge [sflag:s28], $0x280  }
0x78: {  	s29 =	sld [smem:$0x7E0]  }
0x79: {  	[sflag:s28] =	ssyncset.done $0x0  }
0x7a: {  	s26 =	simm.s32 $0xA000;
	[sflag:s28] =	ssyncadd.s32 $0xFFFFFD80  }
0x7b: {  	[tilespmem:s26], [sflag:$0x1] =	stream.linear.gather [spmem:s29], $0x80, $0x38;
	[tilespmem:$0xF700] =	vst v63  }
0x7c: {  	s30 =	simm.s32 $0xA400  }
0x7d: {  	[tilespmem:s30], [sflag:$0x1] =	stream.linear.gather [spmem:s17], $0x80, $0x38;
	[tilespmem:$0xF700] =	vst v63  }
0x7e: {  	s31 =	simm.s32 $0xA800  }
0x7f: {  	[tilespmem:s31], [sflag:$0x1] =	stream.linear.gather [spmem:s1], $0x80, $0x38;
	[tilespmem:$0xF700] =	vst v63  }
0x80: {  	s2 =	simm.s32 $0xAC00  }
0x81: {  	[tilespmem:s2], [sflag:$0x1] =	stream.linear.gather [spmem:s16], $0x80, $0x38;
	[tilespmem:$0xF700] =	vst v63  }
0x82: {  	s8 =	simm.s32 $0xB000  }
0x83: {  	[tilespmem:s8], [sflag:$0x1] =	stream.linear.gather [spmem:s15], $0x80, $0x38;
	[tilespmem:$0xF700] =	vst v63  }
0x84: {  	_ =	swait.ge [sflag:s28], $0x280  }
0x85: {  	s16 =	sld [smem:$0x7E1]  }
0x86: {  	[sflag:s28] =	ssyncset.done $0x0  }
0x87: {  	s15 =	simm.s32 $0xA080;
	[sflag:s28] =	ssyncadd.s32 $0xFFFFFD80  }
0x88: {  	[tilespmem:s15], [sflag:$0x1] =	stream.linear.gather [spmem:s16], $0x80, $0x38;
	[tilespmem:$0xF700] =	vst v63  }
0x89: {  	s17 =	simm.s32 $0xA480  }
0x8a: {  	[tilespmem:s17], [sflag:$0x1] =	stream.linear.gather [spmem:s14], $0x80, $0x38;
	[tilespmem:$0xF700] =	vst v63  }
0x8b: {  	s18 =	simm.s32 $0xA880  }
0x8c: {  	[tilespmem:s18], [sflag:$0x1] =	stream.linear.gather [spmem:s13], $0x80, $0x38;
	[tilespmem:$0xF700] =	vst v63  }
0x8d: {  	s19 =	simm.s32 $0xAC80  }
0x8e: {  	[tilespmem:s19], [sflag:$0x1] =	stream.linear.gather [spmem:s12], $0x80, $0x38;
	[tilespmem:$0xF700] =	vst v63  }
0x8f: {  	s20 =	simm.s32 $0xB080  }
0x90: {  	[tilespmem:s20], [sflag:$0x1] =	stream.linear.gather [spmem:s11], $0x80, $0x38;
	[tilespmem:$0xF700] =	vst v63  }
0x91: {  	_ =	swait.ge [sflag:s28], $0x280  }
0x92: {  	s22 =	sld [smem:$0x7E2]  }
0x93: {  	[sflag:s28] =	ssyncset.done $0x0  }
0x94: {  	s21 =	simm.s32 $0xA100;
	[sflag:s28] =	ssyncadd.s32 $0xFFFFFD80  }
0x95: {  	[tilespmem:s21], [sflag:$0x1] =	stream.linear.gather [spmem:s22], $0x80, $0x38;
	[tilespmem:$0xF700] =	vst v63  }
0x96: {  	s23 =	simm.s32 $0xA500  }
0x97: {  	[tilespmem:s23], [sflag:$0x1] =	stream.linear.gather [spmem:s10], $0x80, $0x38;
	[tilespmem:$0xF700] =	vst v63  }
0x98: {  	s24 =	simm.s32 $0xA900  }
0x99: {  	[tilespmem:s24], [sflag:$0x1] =	stream.linear.gather [spmem:s9], $0x80, $0x38;
	[tilespmem:$0xF700] =	vst v63  }
0x9a: {  	s25 =	simm.s32 $0xAD00  }
0x9b: {  	[tilespmem:s25], [sflag:$0x1] =	stream.linear.gather [spmem:s7], $0x80, $0x38;
	[tilespmem:$0xF700] =	vst v63  }
0x9c: {  	s26 =	simm.s32 $0xB100  }
0x9d: {  	[tilespmem:s26], [sflag:$0x1] =	stream.linear.gather [spmem:s6], $0x80, $0x38;
	[tilespmem:$0xF700] =	vst v63  }
0x9e: {  	_ =	swait.ge [sflag:s28], $0x280  }
0x9f: {  	s30 =	sld [smem:$0x7E3]  }
0xa0: {  	[sflag:s28] =	ssyncset.done $0x0  }
0xa1: {  	s29 =	simm.s32 $0xA180;
	[sflag:s28] =	ssyncadd.s32 $0xFFFFFD80  }
0xa2: {  	[tilespmem:s29], [sflag:$0x1] =	stream.linear.gather [spmem:s30], $0x80, $0x38;
	[tilespmem:$0xF700] =	vst v63  }
0xa3: {  	s31 =	simm.s32 $0xA580  }
0xa4: {  	[tilespmem:s31], [sflag:$0x1] =	stream.linear.gather [spmem:s5], $0x80, $0x38;
	[tilespmem:$0xF700] =	vst v63  }
0xa5: {  	s2 =	simm.s32 $0xA980  }
0xa6: {  	[tilespmem:s2], [sflag:$0x1] =	stream.linear.gather [spmem:s4], $0x80, $0x38;
	[tilespmem:$0xF700] =	vst v63  }
0xa7: {  	s4 =	simm.s32 $0xAD80  }
0xa8: {  	[tilespmem:s4], [sflag:$0x1] =	stream.linear.gather [spmem:s3], $0x80, $0x38;
	[tilespmem:$0xF700] =	vst v63  }
0xa9: {  	s5 =	simm.s32 $0xB180  }
0xaa: {  	[tilespmem:s5], [sflag:$0x1] =	stream.linear.gather [spmem:s0], $0x80, $0x38;
	[tilespmem:$0xF700] =	vst v63  }
0xab: {  	_ =	swait.ge [sflag:s28], $0x280  }
0xac: {  	s7 =	sld [smem:$0x7E4]  }
0xad: {  	[sflag:s28] =	ssyncset.done $0x0  }
0xae: {  	s6 =	simm.s32 $0xA200;
	s9 =	sld [smem:$0x7E5];
	[sflag:s28] =	ssyncadd.s32 $0xFFFFFD80  }
0xaf: {  	[tilespmem:s6], [sflag:$0x1] =	stream.linear.gather [spmem:s7], $0x80, $0x38;
	[tilespmem:$0xF700] =	vst v63  }
0xb0: {  	s8 =	simm.s32 $0xA600;
	s11 =	sld [smem:$0x7E6]  }
0xb1: {  	[tilespmem:s8], [sflag:$0x1] =	stream.linear.gather [spmem:s9], $0x80, $0x38;
	[tilespmem:$0xF700] =	vst v63  }
0xb2: {  	s10 =	simm.s32 $0xAA00;
	s13 =	sld [smem:$0x7E7]  }
0xb3: {  	[tilespmem:s10], [sflag:$0x1] =	stream.linear.gather [spmem:s11], $0x80, $0x38;
	[tilespmem:$0xF700] =	vst v63  }
0xb4: {  	s12 =	simm.s32 $0xAE00;
	s15 =	sld [smem:$0x7E8]  }
0xb5: {  	[tilespmem:s12], [sflag:$0x1] =	stream.linear.gather [spmem:s13], $0x80, $0x38;
	[tilespmem:$0xF700] =	vst v63  }
0xb6: {  	s14 =	simm.s32 $0xB200  }
0xb7: {  	[tilespmem:s14], [sflag:$0x1] =	stream.linear.gather [spmem:s15], $0x80, $0x38;
	[tilespmem:$0xF700] =	vst v63  }
0xb8: {  	_ =	swait.ge [sflag:s28], $0x280  }
0xb9: {  	[sflag:s28] =	ssyncset.done $0x0;
	s17 =	rddreg [dreg:$0x19]  }
0xba: {  	s16 =	simm.s32 $0xA280;
	s19 =	sld [smem:$0x7E9];
	[sflag:s28] =	ssyncadd.s32 $0xFFFFFD80  }
0xbb: {  	[tilespmem:s16], [sflag:$0x1] =	stream.linear.gather [spmem:s17], $0x80, $0x38;
	[tilespmem:$0xF700] =	vst v63  }
0xbc: {  	s18 =	simm.s32 $0xA680;
	s21 =	sld [smem:$0x7EA]  }
0xbd: {  	[tilespmem:s18], [sflag:$0x1] =	stream.linear.gather [spmem:s19], $0x80, $0x38;
	[tilespmem:$0xF700] =	vst v63  }
0xbe: {  	s20 =	simm.s32 $0xAA80;
	s23 =	sld [smem:$0x7EB]  }
0xbf: {  	[tilespmem:s20], [sflag:$0x1] =	stream.linear.gather [spmem:s21], $0x80, $0x38;
	[tilespmem:$0xF700] =	vst v63  }
0xc0: {  	s22 =	simm.s32 $0xAE80;
	s25 =	sld [smem:$0x7EC]  }
0xc1: {  	[tilespmem:s22], [sflag:$0x1] =	stream.linear.gather [spmem:s23], $0x80, $0x38;
	[tilespmem:$0xF700] =	vst v63  }
0xc2: {  	s24 =	simm.s32 $0xB280  }
0xc3: {  	[tilespmem:s24], [sflag:$0x1] =	stream.linear.gather [spmem:s25], $0x80, $0x38;
	[tilespmem:$0xF700] =	vst v63  }
0xc4: {  	_ =	swait.ge [sflag:s28], $0x280  }
0xc5: {  	[sflag:s28] =	ssyncset.done $0x0;
	s29 =	rddreg [dreg:$0x13]  }
0xc6: {  	s26 =	simm.s32 $0xB300;
	s31 =	sld [smem:$0x7ED];
	[sflag:s28] =	ssyncadd.s32 $0xFFFFFD80  }
0xc7: {  	[tilespmem:s26], [sflag:$0x1] =	stream.linear.gather [spmem:s29], $0x80, $0x38;
	[tilespmem:$0xF700] =	vst v63  }
0xc8: {  	s30 =	simm.s32 $0xB700;
	s3 =	sld [smem:$0x7EE]  }
0xc9: {  	[tilespmem:s30], [sflag:$0x1] =	stream.linear.gather [spmem:s31], $0x80, $0x38;
	[tilespmem:$0xF700] =	vst v63  }
0xca: {  	s2 =	simm.s32 $0xBB00;
	s5 =	sld [smem:$0x7EF]  }
0xcb: {  	[tilespmem:s2], [sflag:$0x1] =	stream.linear.gather [spmem:s3], $0x80, $0x38;
	[tilespmem:$0xF700] =	vst v63  }
0xcc: {  	s4 =	simm.s32 $0xBF00;
	s7 =	sld [smem:$0x7F0]  }
0xcd: {  	[tilespmem:s4], [sflag:$0x1] =	stream.linear.gather [spmem:s5], $0x80, $0x38;
	[tilespmem:$0xF700] =	vst v63  }
0xce: {  	s6 =	simm.s32 $0xC300  }
0xcf: {  	[tilespmem:s6], [sflag:$0x1] =	stream.linear.gather [spmem:s7], $0x80, $0x38;
	[tilespmem:$0xF700] =	vst v63  }
0xd0: {  	_ =	swait.ge [sflag:s28], $0x280  }
0xd1: {  	[sflag:s28] =	ssyncset.done $0x0;
	s9 =	rddreg [dreg:$0xe]  }
0xd2: {  	s8 =	simm.s32 $0xB380;
	s11 =	sld [smem:$0x7F1];
	[sflag:s28] =	ssyncadd.s32 $0xFFFFFD80  }
0xd3: {  	[tilespmem:s8], [sflag:$0x1] =	stream.linear.gather [spmem:s9], $0x80, $0x38;
	[tilespmem:$0xF700] =	vst v63  }
0xd4: {  	s10 =	simm.s32 $0xB780;
	s13 =	sld [smem:$0x7F2]  }
0xd5: {  	[tilespmem:s10], [sflag:$0x1] =	stream.linear.gather [spmem:s11], $0x80, $0x38;
	[tilespmem:$0xF700] =	vst v63  }
0xd6: {  	s12 =	simm.s32 $0xBB80;
	s15 =	sld [smem:$0x7F3]  }
0xd7: {  	[tilespmem:s12], [sflag:$0x1] =	stream.linear.gather [spmem:s13], $0x80, $0x38;
	[tilespmem:$0xF700] =	vst v63  }
0xd8: {  	s14 =	simm.s32 $0xBF80;
	s17 =	sld [smem:$0x7F4]  }
0xd9: {  	[tilespmem:s14], [sflag:$0x1] =	stream.linear.gather [spmem:s15], $0x80, $0x38;
	[tilespmem:$0xF700] =	vst v63  }
0xda: {  	s16 =	simm.s32 $0xC380  }
0xdb: {  	[tilespmem:s16], [sflag:$0x1] =	stream.linear.gather [spmem:s17], $0x80, $0x38;
	[tilespmem:$0xF700] =	vst v63  }
0xdc: {  	_ =	swait.ge [sflag:s28], $0x280  }
0xdd: {  	[sflag:s28] =	ssyncset.done $0x0;
	s19 =	rddreg [dreg:$0xd]  }
0xde: {  	s18 =	simm.s32 $0xB400;
	s21 =	sld [smem:$0x7F5];
	[sflag:s28] =	ssyncadd.s32 $0xFFFFFD80  }
0xdf: {  	[tilespmem:s18], [sflag:$0x1] =	stream.linear.gather [spmem:s19], $0x80, $0x38;
	[tilespmem:$0xF700] =	vst v63  }
0xe0: {  	s20 =	simm.s32 $0xB800;
	s23 =	sld [smem:$0x7F6]  }
0xe1: {  	[tilespmem:s20], [sflag:$0x1] =	stream.linear.gather [spmem:s21], $0x80, $0x38;
	[tilespmem:$0xF700] =	vst v63  }
0xe2: {  	s22 =	simm.s32 $0xBC00;
	s25 =	sld [smem:$0x7F7]  }
0xe3: {  	[tilespmem:s22], [sflag:$0x1] =	stream.linear.gather [spmem:s23], $0x80, $0x38;
	[tilespmem:$0xF700] =	vst v63  }
0xe4: {  	s24 =	simm.s32 $0xC000;
	s29 =	sld [smem:$0x7F8]  }
0xe5: {  	[tilespmem:s24], [sflag:$0x1] =	stream.linear.gather [spmem:s25], $0x80, $0x38;
	[tilespmem:$0xF700] =	vst v63  }
0xe6: {  	s26 =	simm.s32 $0xC400  }
0xe7: {  	[tilespmem:s26], [sflag:$0x1] =	stream.linear.gather [spmem:s29], $0x80, $0x38;
	[tilespmem:$0xF700] =	vst v63  }
0xe8: {  	_ =	swait.ge [sflag:s28], $0x280  }
0xe9: {  	[sflag:s28] =	ssyncset.done $0x0;
	s31 =	rddreg [dreg:$0xc]  }
0xea: {  	s30 =	simm.s32 $0xB480;
	s3 =	sld [smem:$0x7F9];
	[sflag:s28] =	ssyncadd.s32 $0xFFFFFD80  }
0xeb: {  	[tilespmem:s30], [sflag:$0x1] =	stream.linear.gather [spmem:s31], $0x80, $0x38;
	[tilespmem:$0xF700] =	vst v63  }
0xec: {  	s2 =	simm.s32 $0xB880;
	s5 =	sld [smem:$0x7FA]  }
0xed: {  	[tilespmem:s2], [sflag:$0x1] =	stream.linear.gather [spmem:s3], $0x80, $0x38;
	[tilespmem:$0xF700] =	vst v63  }
0xee: {  	s4 =	simm.s32 $0xBC80;
	s7 =	sld [smem:$0x7FB]  }
0xef: {  	[tilespmem:s4], [sflag:$0x1] =	stream.linear.gather [spmem:s5], $0x80, $0x38;
	[tilespmem:$0xF700] =	vst v63  }
0xf0: {  	s6 =	simm.s32 $0xC080;
	s9 =	sld [smem:$0x7FC]  }
0xf1: {  	[tilespmem:s6], [sflag:$0x1] =	stream.linear.gather [spmem:s7], $0x80, $0x38;
	[tilespmem:$0xF700] =	vst v63  }
0xf2: {  	s8 =	simm.s32 $0xC480  }
0xf3: {  	[tilespmem:s8], [sflag:$0x1] =	stream.linear.gather [spmem:s9], $0x80, $0x38;
	[tilespmem:$0xF700] =	vst v63  }
0xf4: {  	_ =	swait.ge [sflag:s28], $0x280  }
0xf5: {  	[sflag:s28] =	ssyncset.done $0x0;
	s11 =	rddreg [dreg:$0xb]  }
0xf6: {  	s10 =	simm.s32 $0xB500;
	s13 =	sld [smem:$0x7FD];
	[sflag:s28] =	ssyncadd.s32 $0xFFFFFD80  }
0xf7: {  	[tilespmem:s10], [sflag:$0x1] =	stream.linear.gather [spmem:s11], $0x80, $0x38;
	[tilespmem:$0xF700] =	vst v63  }
0xf8: {  	s12 =	simm.s32 $0xB900  }
0xf9: {  	[tilespmem:s12], [sflag:$0x1] =	stream.linear.gather [spmem:s13], $0x80, $0x38;
	[tilespmem:$0xF700] =	vst v63  }
0xfa: {  	s14 =	simm.s32 $0xBD00;
	s15 =	rddreg [dreg:$0x1f]  }
0xfb: {  	[tilespmem:s14], [sflag:$0x1] =	stream.linear.gather [spmem:s15], $0x80, $0x38;
	[tilespmem:$0xF700] =	vst v63  }
0xfc: {  	s16 =	simm.s32 $0xC100;
	s17 =	rddreg [dreg:$0x1e]  }
0xfd: {  	[tilespmem:s16], [sflag:$0x1] =	stream.linear.gather [spmem:s17], $0x80, $0x38;
	[tilespmem:$0xF700] =	vst v63  }
0xfe: {  	s18 =	simm.s32 $0xC500;
	s19 =	rddreg [dreg:$0x1d]  }
0xff: {  	[tilespmem:s18], [sflag:$0x1] =	stream.linear.gather [spmem:s19], $0x80, $0x38;
	[tilespmem:$0xF700] =	vst v63  }
0x100: {  	_ =	swait.ge [sflag:s28], $0x280  }
0x101: {  	[sflag:s28] =	ssyncset.done $0x0  }
0x102: {  	s20 =	simm.s32 $0xB580;
	s21 =	rddreg [dreg:$0xa];
	[sflag:s28] =	ssyncadd.s32 $0xFFFFFD80  }
0x103: {  	[tilespmem:s20], [sflag:$0x1] =	stream.linear.gather [spmem:s21], $0x80, $0x38;
	[tilespmem:$0xF700] =	vst v63  }
0x104: {  	s22 =	simm.s32 $0xB980;
	s23 =	rddreg [dreg:$0x1c]  }
0x105: {  	[tilespmem:s22], [sflag:$0x1] =	stream.linear.gather [spmem:s23], $0x80, $0x38;
	[tilespmem:$0xF700] =	vst v63  }
0x106: {  	s24 =	simm.s32 $0xBD80;
	s25 =	rddreg [dreg:$0x1b]  }
0x107: {  	[tilespmem:s24], [sflag:$0x1] =	stream.linear.gather [spmem:s25], $0x80, $0x38;
	[tilespmem:$0xF700] =	vst v63  }
0x108: {  	s26 =	simm.s32 $0xC180;
	s29 =	rddreg [dreg:$0x1a]  }
0x109: {  	[tilespmem:s26], [sflag:$0x1] =	stream.linear.gather [spmem:s29], $0x80, $0x38;
	[tilespmem:$0xF700] =	vst v63  }
0x10a: {  	s30 =	simm.s32 $0xC580;
	s31 =	rddreg [dreg:$0x18]  }
0x10b: {  	[tilespmem:s30], [sflag:$0x1] =	stream.linear.gather [spmem:s31], $0x80, $0x38;
	[tilespmem:$0xF700] =	vst v63  }
0x10c: {  	_ =	swait.ge [sflag:s28], $0x280  }
0x10d: {  	[sflag:s28] =	ssyncset.done $0x0  }
0x10e: {  	s2 =	simm.s32 $0xB600;
	s3 =	rddreg [dreg:$0x9];
	[sflag:s28] =	ssyncadd.s32 $0xFFFFFD80  }
0x10f: {  	[tilespmem:s2], [sflag:$0x1] =	stream.linear.gather [spmem:s3], $0x80, $0x38;
	[tilespmem:$0xF700] =	vst v63  }
0x110: {  	s4 =	simm.s32 $0xBA00;
	s5 =	rddreg [dreg:$0x17]  }
0x111: {  	[tilespmem:s4], [sflag:$0x1] =	stream.linear.gather [spmem:s5], $0x80, $0x38;
	[tilespmem:$0xF700] =	vst v63  }
0x112: {  	s6 =	simm.s32 $0xBE00;
	s7 =	rddreg [dreg:$0x16]  }
0x113: {  	[tilespmem:s6], [sflag:$0x1] =	stream.linear.gather [spmem:s7], $0x80, $0x38;
	[tilespmem:$0xF700] =	vst v63  }
0x114: {  	s8 =	simm.s32 $0xC200;
	s9 =	rddreg [dreg:$0x15]  }
0x115: {  	[tilespmem:s8], [sflag:$0x1] =	stream.linear.gather [spmem:s9], $0x80, $0x38;
	[tilespmem:$0xF700] =	vst v63  }
0x116: {  	s10 =	simm.s32 $0xC600;
	s11 =	rddreg [dreg:$0x14]  }
0x117: {  	[tilespmem:s10], [sflag:$0x1] =	stream.linear.gather [spmem:s11], $0x80, $0x38;
	[tilespmem:$0xF700] =	vst v63  }
0x118: {  	_ =	swait.ge [sflag:s28], $0x280  }
0x119: {  	[sflag:s28] =	ssyncset.done $0x0  }
0x11a: {  	s12 =	simm.s32 $0xB680;
	s13 =	rddreg [dreg:$0x8];
	[sflag:s28] =	ssyncadd.s32 $0xFFFFFD80  }
0x11b: {  	[tilespmem:s12], [sflag:$0x1] =	stream.linear.gather [spmem:s13], $0x80, $0x38;
	[tilespmem:$0xF700] =	vst v63  }
0x11c: {  	s14 =	simm.s32 $0xBA80;
	s15 =	rddreg [dreg:$0x11]  }
0x11d: {  	[tilespmem:s14], [sflag:$0x1] =	stream.linear.gather [spmem:s15], $0x80, $0x38;
	[tilespmem:$0xF700] =	vst v63  }
0x11e: {  	s16 =	simm.s32 $0xBE80;
	s17 =	rddreg [dreg:$0x12]  }
0x11f: {  	[tilespmem:s16], [sflag:$0x1] =	stream.linear.gather [spmem:s17], $0x80, $0x38;
	[tilespmem:$0xF700] =	vst v63  }
0x120: {  	s18 =	simm.s32 $0xC280;
	s19 =	rddreg [dreg:$0x10]  }
0x121: {  	[tilespmem:s18], [sflag:$0x1] =	stream.linear.gather [spmem:s19], $0x80, $0x38;
	[tilespmem:$0xF700] =	vst v63  }
0x122: {  	s20 =	simm.s32 $0xC680;
	s21 =	rddreg [dreg:$0xf]  }
0x123: {  	[tilespmem:s20], [sflag:$0x1] =	stream.linear.gather [spmem:s21], $0x80, $0x38;
	[tilespmem:$0xF700] =	vst v63  }
0x124: {  	_ =	swait.ge [sflag:s28], $0x280  }
0x125: {  	s1 =	simm.s32 $0xC700;
	[sflag:s28] =	ssyncset.done $0x0  }
0x126: {  	s22 =	simm.s32 $0x0;
	s23 =	rddreg [dreg:$0x6];
	[sflag:s28] =	ssyncadd.s32 $0xFFFFFD80  }
0x127: {  	[tilespmem:s1], [sflag:$0x1] =	stream.linear.gather [hbm4b:s23+s22], $0x280, $0x38;
	[tilespmem:$0xF700] =	vst v63  }
0x128: {  	_ =	swait.ge [sflag:s28], $0x280  }
0x129: {  	[sflag:s28] =	ssyncset.done $0x0  }
0x12a: {  	s0 =	simm.s32 $0xC980;
	s24 =	rddreg [dreg:$0x7];
	[sflag:s28] =	ssyncadd.s32 $0xFFFFFD80  }
0x12b: {  	[tilespmem:s0], [sflag:$0x1] =	stream.linear.gather [hbm4b:s24+s22], $0x280, $0x38;
	[tilespmem:$0xF700] =	vst v63  }
0x12c: {  	_ =	swait.ge [sflag:s28], $0x280  }
0x12d: {  	[sflag:s28] =	ssyncset.done $0x0  }
0x12e: {  	s25 =	simm.s32 $0xCC00;
	s26 =	rddreg [dreg:$0x5];
	[sflag:s28] =	ssyncadd.s32 $0xFFFFFD80  }
0x12f: {  	[tilespmem:s25], [sflag:$0x1] =	stream.linear.gather [hbm4b:s26+s22], $0x80, $0x38;
	[tilespmem:$0xF700] =	vst v63  }
0x130: {  	_ =	swait.ge [sflag:s28], $0x80  }
0x131: {  	s29 =	sand.u32 $0x70, s22;
	s2 =	sand.u32 $0x1C00, s22;
	[sflag:s28] =	ssyncset.done $0x0  }
0x132: {  	s2 =	sor.u32 s29, s2;
	[sflag:s28] =	ssyncadd.s32 $0xFFFFFF80  }
0x133: {  	v0 =	vld [tilespmem:s2+$0x9F80]  }
0x134: {  	v1 =	vld [tilespmem:s2+$0x9F00];
	_ =	sdelay $0x1  }
0x135: {  	v2 =	vld [tilespmem:s2+$0xA000];
	_ =	sdelay $0x1  }
0x136: {  	v3 =	vld [tilespmem:s2+$0xA080]  }
0x137: {  	v0 =	vadd.f32 v0, v1  }
0x138: {  	v1 =	vld [tilespmem:s2+$0xA100]  }
0x139: {  	v0 =	vadd.f32 v2, v0  }
0x13a: {  	v2 =	vld [tilespmem:s2+$0xA180]  }
0x13b: {  	v0 =	vadd.f32 v3, v0  }
0x13c: {  	v3 =	vld [tilespmem:s2+$0xA200]  }
0x13d: {  	v0 =	vadd.f32 v1, v0  }
0x13e: {  	v1 =	vld [tilespmem:s2+$0xA280]  }
0x13f: {  	v0 =	vadd.f32 v2, v0  }
0x140: {  	v2 =	vld [tilespmem:s2+$0xB300]  }
0x141: {  	v0 =	vadd.f32 v3, v0  }
0x142: {  	v3 =	vld [tilespmem:s2+$0xB380]  }
0x143: {  	v0 =	vadd.f32 v1, v0  }
0x144: {  	v1 =	vld [tilespmem:s2+$0xB400]  }
0x145: {  	v0 =	vadd.f32 v2, v0;
	v2 =	vld [tilespmem:s1+$0x0]  }
0x146: {  	v4 =	vld [tilespmem:s2+$0xB480]  }
0x147: {  	v0 =	vadd.f32 v3, v0  }
0x148: {  	v3 =	vld [tilespmem:s2+$0xB500]  }
0x149: {  	v0 =	vadd.f32 v1, v0  }
0x14a: {  	v1 =	vld [tilespmem:s2+$0xB580];
	v2 =	vmax.f32 v2, $1.000000000e+00  }
0x14b: {  	v0 =	vadd.f32 v4, v0;
	(erf) = vrcp.f32 v2  }
0x14c: {  	v2 =	vld [tilespmem:s2+$0xB600]  }
0x14d: {  	v0 =	vadd.f32 v3, v0  }
0x14e: {  	v3 =	vld [tilespmem:s2+$0xB680]  }
0x14f: {  	v0 =	vadd.f32 v1, v0;
	_ =	sdelay $0x1  }
0x150: {  	v1 =	vadd.f32 v2, v0  }
0x151: {  	v0 =	vld [tilespmem:$0xCC00]  }
0x152: {  	v1 =	vadd.f32 v3, v1  }
0x153: {  	v2 =	vld [tilespmem:s0+$0x0];
	v3 =	vpop (erf)  }
0x154: {  	v1 =	vmul.f32 v3, v1;
	_ =	sdelay $0x1  }
0x155: {  	v1 =	vadd.f32 v1, v0;
	_ =	sdelay $0x1  }
0x156: {  	s30 =	simm.s32 $0x10;
	s4 =	simm.s32 $0x80;
	v1 =	vadd.f32 v1, v2  }
0x157: {  	s3 =	sand.u32 $0x70, s30;
	s31 =	sand.u32 $0x1C00, s4;
	s2 =	simm.s32 $0xCC80  }
0x158: {  	s5 =	simm.s32 $0x20;
	s3 =	sor.u32 s3, s31;
	[tilespmem:s2+$0x0] =	vst v1  }
.LBB2_6:
0x159: {  	p0 =	sne.s32 s5, $0x270;
	v1 =	vld [tilespmem:s3+$0x9F80]  }
0x15a: {  	v2 =	vld [tilespmem:s3+$0x9F00];
	_ =	sdelay $0x1  }
0x15b: {  	v3 =	vld [tilespmem:s3+$0xA000];
	_ =	sdelay $0x1  }
0x15c: {  	v4 =	vld [tilespmem:s3+$0xA080]  }
0x15d: {  	v1 =	vadd.f32 v1, v2  }
0x15e: {  	v2 =	vld [tilespmem:s3+$0xA100]  }
0x15f: {  	v1 =	vadd.f32 v3, v1  }
0x160: {  	v3 =	vld [tilespmem:s3+$0xA180]  }
0x161: {  	v1 =	vadd.f32 v4, v1  }
0x162: {  	v4 =	vld [tilespmem:s3+$0xA200]  }
0x163: {  	v1 =	vadd.f32 v2, v1  }
0x164: {  	v2 =	vld [tilespmem:s3+$0xA280]  }
0x165: {  	v1 =	vadd.f32 v3, v1  }
0x166: {  	v3 =	vld [tilespmem:s3+$0xB300]  }
0x167: {  	v1 =	vadd.f32 v4, v1  }
0x168: {  	v4 =	vld [tilespmem:s3+$0xB380]  }
0x169: {  	v1 =	vadd.f32 v2, v1  }
0x16a: {  	s1 =	sadd.s32 $0x10, s1;
	v2 =	vld [tilespmem:s3+$0xB400]  }
0x16b: {  	v1 =	vadd.f32 v3, v1;
	v3 =	vld [tilespmem:s1+$0x0]  }
0x16c: {  	v5 =	vld [tilespmem:s3+$0xB480]  }
0x16d: {  	v1 =	vadd.f32 v4, v1  }
0x16e: {  	v4 =	vld [tilespmem:s3+$0xB500]  }
0x16f: {  	v1 =	vadd.f32 v2, v1  }
0x170: {  	v2 =	vld [tilespmem:s3+$0xB580];
	v3 =	vmax.f32 v3, $1.000000000e+00  }
0x171: {  	v1 =	vadd.f32 v5, v1;
	(erf) = vrcp.f32 v3  }
0x172: {  	v3 =	vld [tilespmem:s3+$0xB600]  }
0x173: {  	v1 =	vadd.f32 v4, v1  }
0x174: {  	v4 =	vld [tilespmem:s3+$0xB680]  }
0x175: {  	v1 =	vadd.f32 v2, v1;
	_ =	sdelay $0x1  }
0x176: {  	v1 =	vadd.f32 v3, v1;
	_ =	sdelay $0x1  }
0x177: {  	s0 =	sadd.s32 $0x10, s0;
	v1 =	vadd.f32 v4, v1  }
0x178: {  	v2 =	vld [tilespmem:s0+$0x0];
	v3 =	vpop (erf)  }
0x179: {  	v1 =	vmul.f32 v3, v1;
	_ =	sdelay $0x1  }
.Ltmp3:
0x17a: {  	v1 =	vadd.f32 v1, v0;
	(pc) =	sbr.rel @p0 .LBB2_6-.Ltmp3, $4  }
0x17b: {  	_ = 	snop  }
0x17c: {  	s4 =	sadd.s32 $0x80, s4;
	v1 =	vadd.f32 v1, v2  }
0x17d: {  	s2 =	sadd.s32 $0x10, s2;
	s6 =	sand.u32 $0x1C00, s4;
	s3 =	sand.u32 $0x70, s5  }
0x17e: {  	s5 =	sadd.s32 $0x10, s5;
	s3 =	sor.u32 s3, s6;
	[tilespmem:s2+$0x0] =	vst v1  }
0x17f: {  	v1 =	vld [tilespmem:s3+$0x9F80]  }
0x180: {  	v2 =	vld [tilespmem:s3+$0x9F00];
	_ =	sdelay $0x1  }
0x181: {  	v3 =	vld [tilespmem:s3+$0xA000];
	_ =	sdelay $0x1  }
0x182: {  	v4 =	vld [tilespmem:s3+$0xA080]  }
0x183: {  	v1 =	vadd.f32 v1, v2  }
0x184: {  	v50 =	vld [tilespmem:s3+$0xA100]  }
0x185: {  	v1 =	vadd.f32 v3, v1  }
0x186: {  	v51 =	vld [tilespmem:s3+$0xA180]  }
0x187: {  	v1 =	vadd.f32 v4, v1  }
0x188: {  	v52 =	vld [tilespmem:s3+$0xA200]  }
0x189: {  	v1 =	vadd.f32 v50, v1  }
0x18a: {  	v53 =	vld [tilespmem:s3+$0xA280]  }
0x18b: {  	v1 =	vadd.f32 v51, v1  }
0x18c: {  	v54 =	vld [tilespmem:s3+$0xB300]  }
0x18d: {  	v1 =	vadd.f32 v52, v1  }
0x18e: {  	v55 =	vld [tilespmem:s3+$0xB380]  }
0x18f: {  	v1 =	vadd.f32 v53, v1  }
0x190: {  	v56 =	vld [tilespmem:s3+$0xB400];
	s1 =	sadd.s32 $0x10, s1  }
0x191: {  	v57 =	vld [tilespmem:s1+$0x0];
	v1 =	vadd.f32 v54, v1  }
0x192: {  	v5 =	vld [tilespmem:s3+$0xB480]  }
0x193: {  	v1 =	vadd.f32 v55, v1  }
0x194: {  	v58 =	vld [tilespmem:s3+$0xB500]  }
0x195: {  	v1 =	vadd.f32 v56, v1  }
0x196: {  	v59 =	vld [tilespmem:s3+$0xB580];
	v3 =	vmax.f32 v57, $1.000000000e+00  }
0x197: {  	(erf) = vrcp.f32 v3;
	v1 =	vadd.f32 v5, v1  }
0x198: {  	v60 =	vld [tilespmem:s3+$0xB600]  }
0x199: {  	v1 =	vadd.f32 v58, v1  }
0x19a: {  	v61 =	vld [tilespmem:s3+$0xB680]  }
0x19b: {  	v1 =	vadd.f32 v59, v1;
	_ =	sdelay $0x1  }
0x19c: {  	v1 =	vadd.f32 v60, v1;
	_ =	sdelay $0x1  }
0x19d: {  	s0 =	sadd.s32 $0x10, s0;
	v1 =	vadd.f32 v61, v1  }
0x19e: {  	v62 =	vld [tilespmem:s0+$0x0];
	v63 =	vpop (erf)  }
0x19f: {  	v1 =	vmul.f32 v63, v1;
	_ =	sdelay $0x1  }
0x1a0: {  	v0 =	vadd.f32 v1, v0;
	_ =	sdelay $0x1  }
0x1a1: {  	v0 =	vadd.f32 v0, v62  }
0x1a2: {  	s26 =	sadd.s32 $0x10, s2;
	s28 =	simm.s32 $0x0  }
0x1a3: {  	s29 =	simm.s32 $0xCC80;
	s30 =	rddreg [dreg:$0x4];
	s31 =	simm.s32 $0x1;
	[tilespmem:s26+$0x0] =	vst v0  }
0x1a4: {  	[hbm4b:s30+s28] =	stream.linear.scatter [tilespmem:s29], [sflag:$0x1], $0x280, $0x38;
	[tilespmem:$0xF700] =	vst v63  }
0x1a5: {  	_ =	swait.ge [sflag:s31], $0x280  }
0x1a6: {  	[sflag:s31] =	ssyncset.done $0x0  }
0x1a7: {  	[sflag:s31] =	ssyncadd.s32 $0xFFFFFD80  }
0x1a8: {  	s12 =	stileid.u32;
	s4 =	rddreg [dreg:$0x3]  }
.LBB2_8:
0x1a9: {  	_ =	sfence.sel $0x180000  }
0x1aa: {  	[bflag:$0x0] =	sbarrier.arrive $0xFFFF  }
0x1ab: {  	p0 =	sne.s32 s12, $0x0;
	_ =	strace $0x9000004A  }
0x1ac: {  	s0 =	sadd.s32 @!p0 $0x100000, s4;
	[bflag:$0x2] =	sbarrier.arrive $0xFFFF  }
0x1ad: {  	[sflag:s0] =	ssyncadd.tile.s32 @!p0 $0x1;
	_ =	shalt  }
.Lfunc_end2:
_tile_overlayer_lowered:
.L_overlay_start_2:
0x1ae: {  	(tag) =	ssettag $0x2  }
0x1af: {  	s0 =	rddreg [dreg:$0x0];
	s2 =	stileid.u32  }
0x1b0: {  	s1 =	rddreg [dreg:$0x1];
	p0 =	sne.s32 s2, $0x0  }
0x1b1: {  	s3 =	rddreg [dreg:$0x2];
	[bflag:$0x3] =	sbarrier.arrive $0xFFFF;
	s2 =	simm.s32 @!p0 $0x1C01  }
0x1b2: {  	[timem:s3], [sflag:s2] =	dma.local @!p0 [hbm:s0], s1  }
0x1b3: {  	s0 =	simm.s32 @!p0 $0x1  }
0x1b4: {  	_ =	swait.ge @!p0 [sflag:s0], s1  }
0x1b5: {  	s1 =	ssub.s32 @!p0 $0x0, s1;
	[sflag:s0] =	ssyncset.done @!p0 $0x0  }
0x1b6: {  	[sflag:s0] =	ssyncadd.s32 @!p0 s1  }
0x1b7: {  	[bflag:$0x3] =	sbarrier.arrive $0xFFFF  }
0x1b8: {  	_ =	shalt  }

</sc_bundles>
